<compile_context>
chip_gen: v7x
topology: tpu7x:2x2x1
jax: 0.10.2.dev20260603
libtpu: 0.0.44.dev20260713+nightly
codegen_flags: <defaults>
</compile_context>

<pallas_src>
import jax
import jax.numpy as jnp
from jax import lax
from jax.experimental import pallas as pl
from jax.experimental.pallas import tpu as pltpu
from jax.experimental.pallas import tpu_sc as plsc

_FEATURE_DIM = 1000000
_EMBED_DIM = 16
_BATCH = 4096
_N_FIELDS = 26

_NC = 2
_NS = 16
_NW = _NC * _NS
_BPW = _BATCH // _NW
_KPW = _BPW * _N_FIELDS
_RPC = 4
_CHUNK = _RPC * _N_FIELDS
_NCHUNK = _BPW // _RPC
_NBUF = 4
_PADF = 2 * _EMBED_DIM

_TGRP = 125440
_TB = 4480
_TG = _TGRP // _TB


def _transpose_body(*refs):
    o_ref = refs[8]
    for q in range(8):
        o_ref[:, q * _EMBED_DIM:(q + 1) * _EMBED_DIM] = jnp.swapaxes(
            refs[q][...], 0, 1
        )


def _transpose_table(table_t):
    in_specs = [
        pl.BlockSpec((_EMBED_DIM, _TB), lambda g, _q=q: (0, _q * _TG + g))
        for q in range(8)
    ]
    return pl.pallas_call(
        _transpose_body,
        grid=(_TG,),
        in_specs=in_specs,
        out_specs=pl.BlockSpec((_TB, 8 * _EMBED_DIM), lambda g: (g, 0)),
        out_shape=jax.ShapeDtypeStruct((_TGRP, 8 * _EMBED_DIM), jnp.float32),
    )(*([table_t] * 8))


def _bcast_lane(vec, lane):
    return lax.gather(
        vec,
        jnp.full((_EMBED_DIM, 1), lane, jnp.int32),
        lax.GatherDimensionNumbers(
            offset_dims=(),
            collapsed_slice_dims=(0,),
            start_index_map=(0,),
        ),
        slice_sizes=(1,),
        mode=lax.GatherScatterMode.PROMISE_IN_BOUNDS,
    )


def _fm_body(table, idxs, vals, boffs, out, idx_v, vals_v, boff_v, out_v,
             *bufs_and_sems):
    bufs = bufs_and_sems[:_NBUF]
    sems = bufs_and_sems[_NBUF:]
    wid = lax.axis_index("s") * _NC + lax.axis_index("c")

    pltpu.sync_copy(idxs.at[wid], idx_v)
    pltpu.sync_copy(vals.at[wid], vals_v)
    pltpu.sync_copy(boffs.at[wid], boff_v)

    iota = lax.iota(jnp.int32, _EMBED_DIM)
    for j in range(_NBUF):
        pltpu.async_copy(table.at[idx_v.at[j]], bufs[j], sems[j])

    @pl.loop(0, _NCHUNK, step=_NBUF)
    def _outer(jbase):
        for slot in range(_NBUF):
            j = jbase + slot
            buf = bufs[slot]
            pltpu.make_async_copy(
                table.at[idx_v.at[0]], buf, sems[slot]
            ).wait()

            def rbody(i, carry, _buf=buf, _j=j):
                b = _j * _RPC + i
                v0 = vals_v[b, pl.ds(0, _EMBED_DIM)]
                v1 = vals_v[b, pl.ds(_EMBED_DIM, _EMBED_DIM)]
                o0 = boff_v[b, pl.ds(0, _EMBED_DIM)]
                o1 = boff_v[b, pl.ds(_EMBED_DIM, _EMBED_DIM)]
                s = jnp.zeros((_EMBED_DIM,), jnp.float32)
                q = jnp.zeros((_EMBED_DIM,), jnp.float32)
                for f in range(_N_FIELDS):
                    lane = f % _EMBED_DIM
                    pos = i * _N_FIELDS + f
                    col = (
                        _bcast_lane(o0 if f < _EMBED_DIM else o1, lane) + iota
                    )
                    row = jnp.full((_EMBED_DIM,), pos, jnp.int32)
                    e = plsc.load_gather(_buf, [row, col])
                    w = _bcast_lane(v0 if f < _EMBED_DIM else v1, lane)
                    t = w * e
                    s = s + t
                    q = q + t * t
                out_v[b, :] = 0.5 * (s * s - q)
                return carry

            lax.fori_loop(0, _RPC, rbody, 0)

            @pl.when(j + _NBUF < _NCHUNK)
            def _refire(_buf=buf, _slot=slot, _j=j):
                pltpu.async_copy(
                    table.at[idx_v.at[_j + _NBUF]], _buf, sems[_slot]
                )

    pltpu.sync_copy(out_v, out.at[pl.ds(wid * _BPW, _BPW), :])


@jax.jit
def kernel(feature_embedding, feature_idx, feature_vals):
    table2 = _transpose_table(feature_embedding.T)
    blk = (feature_idx % _TGRP).reshape(_NW, _NCHUNK, _CHUNK)
    boff = jnp.pad(
        (feature_idx // _TGRP) * _EMBED_DIM,
        ((0, 0), (0, _PADF - _N_FIELDS)),
    ).reshape(_NW, _BPW, _PADF)
    vals_r = jnp.pad(
        feature_vals, ((0, 0), (0, _PADF - _N_FIELDS))
    ).reshape(_NW, _BPW, _PADF)

    mesh = plsc.VectorSubcoreMesh(
        core_axis_name="c", subcore_axis_name="s",
        num_cores=_NC, num_subcores=_NS,
    )
    run = pl.kernel(
        _fm_body,
        out_type=jax.ShapeDtypeStruct((_BATCH, _EMBED_DIM), jnp.float32),
        mesh=mesh,
        scratch_types=[
            pltpu.VMEM((_NCHUNK, _CHUNK), jnp.int32),
            pltpu.VMEM((_BPW, _PADF), jnp.float32),
            pltpu.VMEM((_BPW, _PADF), jnp.int32),
            pltpu.VMEM((_BPW, _EMBED_DIM), jnp.float32),
        ]
        + [pltpu.VMEM((_CHUNK, 8 * _EMBED_DIM), jnp.float32)] * _NBUF
        + [pltpu.SemaphoreType.DMA] * _NBUF,
        compiler_params=pltpu.CompilerParams(needs_layout_passes=False),
    )
    return run(table2, blk, vals_r, boff)

# --- scband reference (transcript-rebuilt; emitter-appended) ---
"""Pipeline reference for scband-fmlayer-77558519431755 (READ-ONLY COPY).

The authoritative reference and input builder live on the scoring server;
editing this copy changes nothing except your own understanding.
"""

import jax, jax.numpy as jnp
import numpy as np

FEATURE_DIM = 1000000
EMBED_DIM = 16
BATCH = 4096
N_FIELDS = 26

def setup_inputs(seed: int = 0) -> dict:
    key = jax.random.key(seed)
    k1, k2, k3 = jax.random.split(key, 3)
    feature_embedding = jax.random.normal(k1, (FEATURE_DIM, EMBED_DIM), dtype=jnp.float32) * 0.01
    feature_idx = jax.random.randint(k2, (BATCH, N_FIELDS), 0, FEATURE_DIM, dtype=jnp.int32)
    feature_vals = jax.random.uniform(k3, (BATCH, N_FIELDS), dtype=jnp.float32)
    return {"feature_embedding": feature_embedding, "feature_idx": feature_idx, "feature_vals": feature_vals}

def reference(feature_embedding, feature_idx, feature_vals):
    # FM second-order term. In the original TF code, per-sample sparse rows of
    # the [batch, feature_dim] matrix hold feature_vals at columns feature_idx.
    # sparse_dense_matmul(feature, E)         == sum_f vals[b,f] * E[idx[b,f]]
    # sparse_dense_matmul(feature^2, E^2)     == sum_f vals[b,f]^2 * E[idx[b,f]]^2
    emb = jnp.take(feature_embedding, feature_idx, axis=0)  # [B, F, D] gather
    v = feature_vals[..., None]                              # [B, F, 1]
    sum_emb = jnp.sum(v * emb, axis=1)                       # [B, D]
    sum_square = jnp.power(sum_emb, 2)                       # [B, D]
    square_sum = jnp.sum(jnp.power(v, 2) * jnp.power(emb, 2), axis=1)  # [B, D]
    fm_output = 0.5 * (sum_square - square_sum)
    return fm_output

if __name__ == "__main__":
    import jax
    _d = setup_inputs()
    print(jax.jit(kernel)(*tuple(_d.values())))

</pallas_src>

<mosaic_0001>
#map = affine_map<(d0, d1) -> (0, 0)>
#map1 = affine_map<(d0, d1) -> (0, 0, 0)>
module attributes {stable_mosaic.version = 14 : i64} {
  func.func @_fm_body(%arg0: i32, %arg1: i32, %arg2: memref<125440x128xf32, #tpu.memory_space<hbm>>, %arg3: memref<32x32x104xi32, #tpu.memory_space<hbm>>, %arg4: memref<32x128x32xf32, #tpu.memory_space<hbm>>, %arg5: memref<32x128x32xi32, #tpu.memory_space<hbm>>, %arg6: memref<4096x16xf32, #tpu.memory_space<hbm>>, %arg7: memref<32x104xi32, #tpu.memory_space<vmem>>, %arg8: memref<128x32xf32, #tpu.memory_space<vmem>>, %arg9: memref<128x32xi32, #tpu.memory_space<vmem>>, %arg10: memref<128x16xf32, #tpu.memory_space<vmem>>, %arg11: memref<104x128xf32, #tpu.memory_space<vmem>>, %arg12: memref<104x128xf32, #tpu.memory_space<vmem>>, %arg13: memref<104x128xf32, #tpu.memory_space<vmem>>, %arg14: memref<104x128xf32, #tpu.memory_space<vmem>>, %arg15: memref<!tpu.dma_semaphore, #tpu.memory_space<semaphore_mem>>, %arg16: memref<!tpu.dma_semaphore, #tpu.memory_space<semaphore_mem>>, %arg17: memref<!tpu.dma_semaphore, #tpu.memory_space<semaphore_mem>>, %arg18: memref<!tpu.dma_semaphore, #tpu.memory_space<semaphore_mem>>) attributes {dimension_semantics = [#tpu.dimension_semantics<core_parallel>, #tpu.dimension_semantics<subcore_parallel>], iteration_bounds = array<i64: 2, 16>, scalar_prefetch = 0 : i64, scratch_operands = 12 : i64, tpu.core_type = #tpu.core_type<sc_vector_subcore>, window_params = [{transform_indices = #map}, {transform_indices = #map1}, {transform_indices = #map1}, {transform_indices = #map1}, {transform_indices = #map}]} {
    %mul3A = arith.constant 2 : i32
    %mul3A_0 = arith.muli %arg1, %mul3A : i32
    %add3A = arith.addi %mul3A_0, %arg0 : i32
    "tpu.region"() ({
      %run_scoped3A = tpu.sem_alloc : memref<!tpu.dma_semaphore, #tpu.memory_space<semaphore_mem>>
      %dma_start3A_34 = arith.constant 0 : i32
      %dma_start3A_35 = arith.constant 0 : i32
      %dma_start3A_36 = tpu.memref_slice %arg3[%add3A, %dma_start3A_34, %dma_start3A_35] : memref<32x32x104xi32, #tpu.memory_space<hbm>> -> memref<1x32x104xi32, #tpu.memory_space<hbm>>
      %dma_start3A_37 = tpu.memref_squeeze %dma_start3A_36 : memref<1x32x104xi32, #tpu.memory_space<hbm>> -> memref<32x104xi32, #tpu.memory_space<hbm>>
      %dma_start3A_38 = arith.constant 0 : i32
      %dma_start3A_39 = arith.constant 0 : i32
      %dma_start3A_40 = tpu.memref_slice %arg3[%add3A, %dma_start3A_38, %dma_start3A_39] : memref<32x32x104xi32, #tpu.memory_space<hbm>> -> memref<1x32x104xi32, #tpu.memory_space<hbm>>
      %dma_start3A_41 = tpu.memref_squeeze %dma_start3A_40 : memref<1x32x104xi32, #tpu.memory_space<hbm>> -> memref<32x104xi32, #tpu.memory_space<hbm>>
      tpu.enqueue_dma source(%dma_start3A_41 : memref<32x104xi32, #tpu.memory_space<hbm>>) target(%arg7 : memref<32x104xi32, #tpu.memory_space<vmem>>) target_semaphore(%run_scoped3A : memref<!tpu.dma_semaphore, #tpu.memory_space<semaphore_mem>>)
      %dma_wait3A = arith.constant 0 : i32
      %dma_wait3A_42 = arith.constant 0 : i32
      %dma_wait3A_43 = tpu.memref_slice %arg3[%add3A, %dma_wait3A, %dma_wait3A_42] : memref<32x32x104xi32, #tpu.memory_space<hbm>> -> memref<1x32x104xi32, #tpu.memory_space<hbm>>
      %dma_wait3A_44 = tpu.memref_squeeze %dma_wait3A_43 : memref<1x32x104xi32, #tpu.memory_space<hbm>> -> memref<32x104xi32, #tpu.memory_space<hbm>>
      %dma_wait3A_45 = arith.constant 0 : i32
      %dma_wait3A_46 = arith.constant 0 : i32
      %dma_wait3A_47 = tpu.memref_slice %arg3[%add3A, %dma_wait3A_45, %dma_wait3A_46] : memref<32x32x104xi32, #tpu.memory_space<hbm>> -> memref<1x32x104xi32, #tpu.memory_space<hbm>>
      %dma_wait3A_48 = tpu.memref_squeeze %dma_wait3A_47 : memref<1x32x104xi32, #tpu.memory_space<hbm>> -> memref<32x104xi32, #tpu.memory_space<hbm>>
      tpu.wait_dma2 semaphore(%run_scoped3A : memref<!tpu.dma_semaphore, #tpu.memory_space<semaphore_mem>>) src(%dma_wait3A_48 : memref<32x104xi32, #tpu.memory_space<hbm>>) dst(%arg7 : memref<32x104xi32, #tpu.memory_space<vmem>>)
      tpu.yield
    }) : () -> ()
    "tpu.region"() ({
      %run_scoped3A = tpu.sem_alloc : memref<!tpu.dma_semaphore, #tpu.memory_space<semaphore_mem>>
      %dma_start3A_34 = arith.constant 0 : i32
      %dma_start3A_35 = arith.constant 0 : i32
      %dma_start3A_36 = tpu.memref_slice %arg4[%add3A, %dma_start3A_34, %dma_start3A_35] : memref<32x128x32xf32, #tpu.memory_space<hbm>> -> memref<1x128x32xf32, #tpu.memory_space<hbm>>
      %dma_start3A_37 = tpu.memref_squeeze %dma_start3A_36 : memref<1x128x32xf32, #tpu.memory_space<hbm>> -> memref<128x32xf32, #tpu.memory_space<hbm>>
      %dma_start3A_38 = arith.constant 0 : i32
      %dma_start3A_39 = arith.constant 0 : i32
      %dma_start3A_40 = tpu.memref_slice %arg4[%add3A, %dma_start3A_38, %dma_start3A_39] : memref<32x128x32xf32, #tpu.memory_space<hbm>> -> memref<1x128x32xf32, #tpu.memory_space<hbm>>
      %dma_start3A_41 = tpu.memref_squeeze %dma_start3A_40 : memref<1x128x32xf32, #tpu.memory_space<hbm>> -> memref<128x32xf32, #tpu.memory_space<hbm>>
      tpu.enqueue_dma source(%dma_start3A_41 : memref<128x32xf32, #tpu.memory_space<hbm>>) target(%arg8 : memref<128x32xf32, #tpu.memory_space<vmem>>) target_semaphore(%run_scoped3A : memref<!tpu.dma_semaphore, #tpu.memory_space<semaphore_mem>>)
      %dma_wait3A = arith.constant 0 : i32
      %dma_wait3A_42 = arith.constant 0 : i32
      %dma_wait3A_43 = tpu.memref_slice %arg4[%add3A, %dma_wait3A, %dma_wait3A_42] : memref<32x128x32xf32, #tpu.memory_space<hbm>> -> memref<1x128x32xf32, #tpu.memory_space<hbm>>
      %dma_wait3A_44 = tpu.memref_squeeze %dma_wait3A_43 : memref<1x128x32xf32, #tpu.memory_space<hbm>> -> memref<128x32xf32, #tpu.memory_space<hbm>>
      %dma_wait3A_45 = arith.constant 0 : i32
      %dma_wait3A_46 = arith.constant 0 : i32
      %dma_wait3A_47 = tpu.memref_slice %arg4[%add3A, %dma_wait3A_45, %dma_wait3A_46] : memref<32x128x32xf32, #tpu.memory_space<hbm>> -> memref<1x128x32xf32, #tpu.memory_space<hbm>>
      %dma_wait3A_48 = tpu.memref_squeeze %dma_wait3A_47 : memref<1x128x32xf32, #tpu.memory_space<hbm>> -> memref<128x32xf32, #tpu.memory_space<hbm>>
      tpu.wait_dma2 semaphore(%run_scoped3A : memref<!tpu.dma_semaphore, #tpu.memory_space<semaphore_mem>>) src(%dma_wait3A_48 : memref<128x32xf32, #tpu.memory_space<hbm>>) dst(%arg8 : memref<128x32xf32, #tpu.memory_space<vmem>>)
      tpu.yield
    }) : () -> ()
    "tpu.region"() ({
      %run_scoped3A = tpu.sem_alloc : memref<!tpu.dma_semaphore, #tpu.memory_space<semaphore_mem>>
      %dma_start3A_34 = arith.constant 0 : i32
      %dma_start3A_35 = arith.constant 0 : i32
      %dma_start3A_36 = tpu.memref_slice %arg5[%add3A, %dma_start3A_34, %dma_start3A_35] : memref<32x128x32xi32, #tpu.memory_space<hbm>> -> memref<1x128x32xi32, #tpu.memory_space<hbm>>
      %dma_start3A_37 = tpu.memref_squeeze %dma_start3A_36 : memref<1x128x32xi32, #tpu.memory_space<hbm>> -> memref<128x32xi32, #tpu.memory_space<hbm>>
      %dma_start3A_38 = arith.constant 0 : i32
      %dma_start3A_39 = arith.constant 0 : i32
      %dma_start3A_40 = tpu.memref_slice %arg5[%add3A, %dma_start3A_38, %dma_start3A_39] : memref<32x128x32xi32, #tpu.memory_space<hbm>> -> memref<1x128x32xi32, #tpu.memory_space<hbm>>
      %dma_start3A_41 = tpu.memref_squeeze %dma_start3A_40 : memref<1x128x32xi32, #tpu.memory_space<hbm>> -> memref<128x32xi32, #tpu.memory_space<hbm>>
      tpu.enqueue_dma source(%dma_start3A_41 : memref<128x32xi32, #tpu.memory_space<hbm>>) target(%arg9 : memref<128x32xi32, #tpu.memory_space<vmem>>) target_semaphore(%run_scoped3A : memref<!tpu.dma_semaphore, #tpu.memory_space<semaphore_mem>>)
      %dma_wait3A = arith.constant 0 : i32
      %dma_wait3A_42 = arith.constant 0 : i32
      %dma_wait3A_43 = tpu.memref_slice %arg5[%add3A, %dma_wait3A, %dma_wait3A_42] : memref<32x128x32xi32, #tpu.memory_space<hbm>> -> memref<1x128x32xi32, #tpu.memory_space<hbm>>
      %dma_wait3A_44 = tpu.memref_squeeze %dma_wait3A_43 : memref<1x128x32xi32, #tpu.memory_space<hbm>> -> memref<128x32xi32, #tpu.memory_space<hbm>>
      %dma_wait3A_45 = arith.constant 0 : i32
      %dma_wait3A_46 = arith.constant 0 : i32
      %dma_wait3A_47 = tpu.memref_slice %arg5[%add3A, %dma_wait3A_45, %dma_wait3A_46] : memref<32x128x32xi32, #tpu.memory_space<hbm>> -> memref<1x128x32xi32, #tpu.memory_space<hbm>>
      %dma_wait3A_48 = tpu.memref_squeeze %dma_wait3A_47 : memref<1x128x32xi32, #tpu.memory_space<hbm>> -> memref<128x32xi32, #tpu.memory_space<hbm>>
      tpu.wait_dma2 semaphore(%run_scoped3A : memref<!tpu.dma_semaphore, #tpu.memory_space<semaphore_mem>>) src(%dma_wait3A_48 : memref<128x32xi32, #tpu.memory_space<hbm>>) dst(%arg9 : memref<128x32xi32, #tpu.memory_space<vmem>>)
      tpu.yield
    }) : () -> ()
    %iota3A = tpu.iota {dimensions = array<i32: 0>} : vector<16xi32>
    %dma_start3A = arith.constant 0 : i32
    %dma_start3A_1 = arith.constant 0 : i32
    %dma_start3A_2 = tpu.memref_slice %arg7[%dma_start3A, %dma_start3A_1] : memref<32x104xi32, #tpu.memory_space<vmem>> -> memref<1x104xi32, #tpu.memory_space<vmem>>
    %dma_start3A_3 = tpu.memref_squeeze %dma_start3A_2 : memref<1x104xi32, #tpu.memory_space<vmem>> -> memref<104xi32, #tpu.memory_space<vmem>>
    %dma_start3A_4 = arith.constant 0 : i32
    %dma_start3A_5 = arith.constant 0 : i32
    %dma_start3A_6 = tpu.memref_slice %arg2[%dma_start3A_4, %dma_start3A_5] : memref<125440x128xf32, #tpu.memory_space<hbm>> -> memref<125440x128xf32, #tpu.memory_space<hbm>>
    tpu.enqueue_indirect_dma source(%dma_start3A_6 : memref<125440x128xf32, #tpu.memory_space<hbm>>) target(%arg11 : memref<104x128xf32, #tpu.memory_space<vmem>>) offsets(%dma_start3A_3 : memref<104xi32, #tpu.memory_space<vmem>>) semaphore(%arg15 : memref<!tpu.dma_semaphore, #tpu.memory_space<semaphore_mem>>)
    %dma_start3A_7 = arith.constant 1 : i32
    %dma_start3A_8 = arith.constant 0 : i32
    %dma_start3A_9 = tpu.memref_slice %arg7[%dma_start3A_7, %dma_start3A_8] : memref<32x104xi32, #tpu.memory_space<vmem>> -> memref<1x104xi32, #tpu.memory_space<vmem>>
    %dma_start3A_10 = tpu.memref_squeeze %dma_start3A_9 : memref<1x104xi32, #tpu.memory_space<vmem>> -> memref<104xi32, #tpu.memory_space<vmem>>
    %dma_start3A_11 = arith.constant 0 : i32
    %dma_start3A_12 = arith.constant 0 : i32
    %dma_start3A_13 = tpu.memref_slice %arg2[%dma_start3A_11, %dma_start3A_12] : memref<125440x128xf32, #tpu.memory_space<hbm>> -> memref<125440x128xf32, #tpu.memory_space<hbm>>
    tpu.enqueue_indirect_dma source(%dma_start3A_13 : memref<125440x128xf32, #tpu.memory_space<hbm>>) target(%arg12 : memref<104x128xf32, #tpu.memory_space<vmem>>) offsets(%dma_start3A_10 : memref<104xi32, #tpu.memory_space<vmem>>) semaphore(%arg16 : memref<!tpu.dma_semaphore, #tpu.memory_space<semaphore_mem>>)
    %dma_start3A_14 = arith.constant 2 : i32
    %dma_start3A_15 = arith.constant 0 : i32
    %dma_start3A_16 = tpu.memref_slice %arg7[%dma_start3A_14, %dma_start3A_15] : memref<32x104xi32, #tpu.memory_space<vmem>> -> memref<1x104xi32, #tpu.memory_space<vmem>>
    %dma_start3A_17 = tpu.memref_squeeze %dma_start3A_16 : memref<1x104xi32, #tpu.memory_space<vmem>> -> memref<104xi32, #tpu.memory_space<vmem>>
    %dma_start3A_18 = arith.constant 0 : i32
    %dma_start3A_19 = arith.constant 0 : i32
    %dma_start3A_20 = tpu.memref_slice %arg2[%dma_start3A_18, %dma_start3A_19] : memref<125440x128xf32, #tpu.memory_space<hbm>> -> memref<125440x128xf32, #tpu.memory_space<hbm>>
    tpu.enqueue_indirect_dma source(%dma_start3A_20 : memref<125440x128xf32, #tpu.memory_space<hbm>>) target(%arg13 : memref<104x128xf32, #tpu.memory_space<vmem>>) offsets(%dma_start3A_17 : memref<104xi32, #tpu.memory_space<vmem>>) semaphore(%arg17 : memref<!tpu.dma_semaphore, #tpu.memory_space<semaphore_mem>>)
    %dma_start3A_21 = arith.constant 3 : i32
    %dma_start3A_22 = arith.constant 0 : i32
    %dma_start3A_23 = tpu.memref_slice %arg7[%dma_start3A_21, %dma_start3A_22] : memref<32x104xi32, #tpu.memory_space<vmem>> -> memref<1x104xi32, #tpu.memory_space<vmem>>
    %dma_start3A_24 = tpu.memref_squeeze %dma_start3A_23 : memref<1x104xi32, #tpu.memory_space<vmem>> -> memref<104xi32, #tpu.memory_space<vmem>>
    %dma_start3A_25 = arith.constant 0 : i32
    %dma_start3A_26 = arith.constant 0 : i32
    %dma_start3A_27 = tpu.memref_slice %arg2[%dma_start3A_25, %dma_start3A_26] : memref<125440x128xf32, #tpu.memory_space<hbm>> -> memref<125440x128xf32, #tpu.memory_space<hbm>>
    tpu.enqueue_indirect_dma source(%dma_start3A_27 : memref<125440x128xf32, #tpu.memory_space<hbm>>) target(%arg14 : memref<104x128xf32, #tpu.memory_space<vmem>>) offsets(%dma_start3A_24 : memref<104xi32, #tpu.memory_space<vmem>>) semaphore(%arg18 : memref<!tpu.dma_semaphore, #tpu.memory_space<semaphore_mem>>)
    %scan3A = arith.constant 0 : i32
    %scan3A_28 = arith.constant 8 : i32
    %scan3A_29 = arith.addi %scan3A, %scan3A_28 : i32
    %scan3A_30 = arith.constant 1 : i32
    scf.for %scan3A_34 = %scan3A to %scan3A_29 step %scan3A_30  : i32 {
      %mul3A_35 = arith.constant 4 : i32
      %mul3A_36 = arith.muli %scan3A_34, %mul3A_35 : i32
      %add3A_37 = arith.constant 0 : i32
      %add3A_38 = arith.addi %add3A_37, %mul3A_36 : i32
      %add3A_39 = arith.constant 0 : i32
      %add3A_40 = arith.addi %add3A_38, %add3A_39 : i32
      %dma_wait3A = arith.constant 0 : i32
      %dma_wait3A_41 = arith.constant 0 : i32
      %dma_wait3A_42 = tpu.memref_slice %arg7[%dma_wait3A, %dma_wait3A_41] : memref<32x104xi32, #tpu.memory_space<vmem>> -> memref<1x104xi32, #tpu.memory_space<vmem>>
      %dma_wait3A_43 = tpu.memref_squeeze %dma_wait3A_42 : memref<1x104xi32, #tpu.memory_space<vmem>> -> memref<104xi32, #tpu.memory_space<vmem>>
      %dma_wait3A_44 = arith.constant 0 : i32
      %dma_wait3A_45 = arith.constant 0 : i32
      %dma_wait3A_46 = tpu.memref_slice %arg2[%dma_wait3A_44, %dma_wait3A_45] : memref<125440x128xf32, #tpu.memory_space<hbm>> -> memref<125440x128xf32, #tpu.memory_space<hbm>>
      tpu.wait_indirect_dma semaphore(%arg15 : memref<!tpu.dma_semaphore, #tpu.memory_space<semaphore_mem>>) src(%dma_wait3A_46 : memref<125440x128xf32, #tpu.memory_space<hbm>>) dst(%arg11 : memref<104x128xf32, #tpu.memory_space<vmem>>)
      %scan3A_47 = arith.constant 0 : i32
      %scan3A_48 = arith.constant 0 : i32
      %scan3A_49 = arith.constant 4 : i32
      %scan3A_50 = arith.addi %scan3A_48, %scan3A_49 : i32
      %scan3A_51 = arith.constant 1 : i32
      scf.for %scan3A_123 = %scan3A_48 to %scan3A_50 step %scan3A_51  : i32 {
        %mul3A_124 = arith.constant 4 : i32
        %mul3A_125 = arith.muli %add3A_40, %mul3A_124 : i32
        %add3A_126 = arith.addi %mul3A_125, %scan3A_123 : i32
        %get3A = arith.index_cast %add3A_126 : i32 to index
        %get3A_127 = arith.constant 0 : index
        %get3A_128 = tpu.vector_load %arg8[%get3A, %get3A_127] {strides = array<i32>} : memref<128x32xf32, #tpu.memory_space<vmem>>, vector<16xf32>,
        %get3A_129 = arith.index_cast %add3A_126 : i32 to index
        %get3A_130 = arith.constant 16 : index
        %get3A_131 = tpu.vector_load %arg8[%get3A_129, %get3A_130] {strides = array<i32>} : memref<128x32xf32, #tpu.memory_space<vmem>>, vector<16xf32>,
        %get3A_132 = arith.index_cast %add3A_126 : i32 to index
        %get3A_133 = arith.constant 0 : index
        %get3A_134 = tpu.vector_load %arg9[%get3A_132, %get3A_133] {strides = array<i32>} : memref<128x32xi32, #tpu.memory_space<vmem>>, vector<16xi32>,
        %get3A_135 = arith.index_cast %add3A_126 : i32 to index
        %get3A_136 = arith.constant 16 : index
        %get3A_137 = tpu.vector_load %arg9[%get3A_135, %get3A_136] {strides = array<i32>} : memref<128x32xi32, #tpu.memory_space<vmem>>, vector<16xi32>,
        %broadcast_in_dim3A = arith.constant 0.000000e+00 : f32
        %broadcast_in_dim3A_138 = vector.broadcast %broadcast_in_dim3A : f32 to vector<16xf32>
        %broadcast_in_dim3A_139 = arith.constant 0.000000e+00 : f32
        %broadcast_in_dim3A_140 = vector.broadcast %broadcast_in_dim3A_139 : f32 to vector<16xf32>
        %mul3A_141 = arith.constant 26 : i32
        %mul3A_142 = arith.muli %scan3A_123, %mul3A_141 : i32
        %add3A_143 = arith.constant 0 : i32
        %add3A_144 = arith.addi %mul3A_142, %add3A_143 : i32
        %broadcast_in_dim3A_145 = arith.constant 0 : i32
        %broadcast_in_dim3A_146 = vector.broadcast %broadcast_in_dim3A_145 : i32 to vector<16x1xi32>
        %gather3A = vector.shape_cast %broadcast_in_dim3A_146 : vector<16x1xi32> to vector<16xi32>
        %gather3A_147 = tpu.dynamic_gather %get3A_134[%gather3A] in [0] : vector<16xi32>, vector<16xi32> -> vector<16xi32>
        %add3A_148 = arith.addi %gather3A_147, %iota3A : vector<16xi32>
        %broadcast_in_dim3A_149 = vector.broadcast %add3A_144 : i32 to vector<16xi32>
        %gather3A_150 = tpu.vector_load_idx %arg11[%broadcast_in_dim3A_149, %add3A_148] : memref<104x128xf32, #tpu.memory_space<vmem>>[vector<16xi32>, vector<16xi32>], vector<16xf32>,
        %broadcast_in_dim3A_151 = arith.constant 0 : i32
        %broadcast_in_dim3A_152 = vector.broadcast %broadcast_in_dim3A_151 : i32 to vector<16x1xi32>
        %gather3A_153 = vector.shape_cast %broadcast_in_dim3A_152 : vector<16x1xi32> to vector<16xi32>
        %gather3A_154 = tpu.dynamic_gather %get3A_128[%gather3A_153] in [0] : vector<16xf32>, vector<16xi32> -> vector<16xf32>
        %mul3A_155 = arith.mulf %gather3A_154, %gather3A_150 : vector<16xf32>
        %add3A_156 = arith.addf %broadcast_in_dim3A_138, %mul3A_155 : vector<16xf32>
        %mul3A_157 = arith.mulf %mul3A_155, %mul3A_155 : vector<16xf32>
        %add3A_158 = arith.addf %broadcast_in_dim3A_140, %mul3A_157 : vector<16xf32>
        %mul3A_159 = arith.constant 26 : i32
        %mul3A_160 = arith.muli %scan3A_123, %mul3A_159 : i32
        %add3A_161 = arith.constant 1 : i32
        %add3A_162 = arith.addi %mul3A_160, %add3A_161 : i32
        %broadcast_in_dim3A_163 = arith.constant 1 : i32
        %broadcast_in_dim3A_164 = vector.broadcast %broadcast_in_dim3A_163 : i32 to vector<16x1xi32>
        %gather3A_165 = vector.shape_cast %broadcast_in_dim3A_164 : vector<16x1xi32> to vector<16xi32>
        %gather3A_166 = tpu.dynamic_gather %get3A_134[%gather3A_165] in [0] : vector<16xi32>, vector<16xi32> -> vector<16xi32>
        %add3A_167 = arith.addi %gather3A_166, %iota3A : vector<16xi32>
        %broadcast_in_dim3A_168 = vector.broadcast %add3A_162 : i32 to vector<16xi32>
        %gather3A_169 = tpu.vector_load_idx %arg11[%broadcast_in_dim3A_168, %add3A_167] : memref<104x128xf32, #tpu.memory_space<vmem>>[vector<16xi32>, vector<16xi32>], vector<16xf32>,
        %broadcast_in_dim3A_170 = arith.constant 1 : i32
        %broadcast_in_dim3A_171 = vector.broadcast %broadcast_in_dim3A_170 : i32 to vector<16x1xi32>
        %gather3A_172 = vector.shape_cast %broadcast_in_dim3A_171 : vector<16x1xi32> to vector<16xi32>
        %gather3A_173 = tpu.dynamic_gather %get3A_128[%gather3A_172] in [0] : vector<16xf32>, vector<16xi32> -> vector<16xf32>
        %mul3A_174 = arith.mulf %gather3A_173, %gather3A_169 : vector<16xf32>
        %add3A_175 = arith.addf %add3A_156, %mul3A_174 : vector<16xf32>
        %mul3A_176 = arith.mulf %mul3A_174, %mul3A_174 : vector<16xf32>
        %add3A_177 = arith.addf %add3A_158, %mul3A_176 : vector<16xf32>
        %mul3A_178 = arith.constant 26 : i32
        %mul3A_179 = arith.muli %scan3A_123, %mul3A_178 : i32
        %add3A_180 = arith.constant 2 : i32
        %add3A_181 = arith.addi %mul3A_179, %add3A_180 : i32
        %broadcast_in_dim3A_182 = arith.constant 2 : i32
        %broadcast_in_dim3A_183 = vector.broadcast %broadcast_in_dim3A_182 : i32 to vector<16x1xi32>
        %gather3A_184 = vector.shape_cast %broadcast_in_dim3A_183 : vector<16x1xi32> to vector<16xi32>
        %gather3A_185 = tpu.dynamic_gather %get3A_134[%gather3A_184] in [0] : vector<16xi32>, vector<16xi32> -> vector<16xi32>
        %add3A_186 = arith.addi %gather3A_185, %iota3A : vector<16xi32>
        %broadcast_in_dim3A_187 = vector.broadcast %add3A_181 : i32 to vector<16xi32>
        %gather3A_188 = tpu.vector_load_idx %arg11[%broadcast_in_dim3A_187, %add3A_186] : memref<104x128xf32, #tpu.memory_space<vmem>>[vector<16xi32>, vector<16xi32>], vector<16xf32>,
        %broadcast_in_dim3A_189 = arith.constant 2 : i32
        %broadcast_in_dim3A_190 = vector.broadcast %broadcast_in_dim3A_189 : i32 to vector<16x1xi32>
        %gather3A_191 = vector.shape_cast %broadcast_in_dim3A_190 : vector<16x1xi32> to vector<16xi32>
        %gather3A_192 = tpu.dynamic_gather %get3A_128[%gather3A_191] in [0] : vector<16xf32>, vector<16xi32> -> vector<16xf32>
        %mul3A_193 = arith.mulf %gather3A_192, %gather3A_188 : vector<16xf32>
        %add3A_194 = arith.addf %add3A_175, %mul3A_193 : vector<16xf32>
        %mul3A_195 = arith.mulf %mul3A_193, %mul3A_193 : vector<16xf32>
        %add3A_196 = arith.addf %add3A_177, %mul3A_195 : vector<16xf32>
        %mul3A_197 = arith.constant 26 : i32
        %mul3A_198 = arith.muli %scan3A_123, %mul3A_197 : i32
        %add3A_199 = arith.constant 3 : i32
        %add3A_200 = arith.addi %mul3A_198, %add3A_199 : i32
        %broadcast_in_dim3A_201 = arith.constant 3 : i32
        %broadcast_in_dim3A_202 = vector.broadcast %broadcast_in_dim3A_201 : i32 to vector<16x1xi32>
        %gather3A_203 = vector.shape_cast %broadcast_in_dim3A_202 : vector<16x1xi32> to vector<16xi32>
        %gather3A_204 = tpu.dynamic_gather %get3A_134[%gather3A_203] in [0] : vector<16xi32>, vector<16xi32> -> vector<16xi32>
        %add3A_205 = arith.addi %gather3A_204, %iota3A : vector<16xi32>
        %broadcast_in_dim3A_206 = vector.broadcast %add3A_200 : i32 to vector<16xi32>
        %gather3A_207 = tpu.vector_load_idx %arg11[%broadcast_in_dim3A_206, %add3A_205] : memref<104x128xf32, #tpu.memory_space<vmem>>[vector<16xi32>, vector<16xi32>], vector<16xf32>,
        %broadcast_in_dim3A_208 = arith.constant 3 : i32
        %broadcast_in_dim3A_209 = vector.broadcast %broadcast_in_dim3A_208 : i32 to vector<16x1xi32>
        %gather3A_210 = vector.shape_cast %broadcast_in_dim3A_209 : vector<16x1xi32> to vector<16xi32>
        %gather3A_211 = tpu.dynamic_gather %get3A_128[%gather3A_210] in [0] : vector<16xf32>, vector<16xi32> -> vector<16xf32>
        %mul3A_212 = arith.mulf %gather3A_211, %gather3A_207 : vector<16xf32>
        %add3A_213 = arith.addf %add3A_194, %mul3A_212 : vector<16xf32>
        %mul3A_214 = arith.mulf %mul3A_212, %mul3A_212 : vector<16xf32>
        %add3A_215 = arith.addf %add3A_196, %mul3A_214 : vector<16xf32>
        %mul3A_216 = arith.constant 26 : i32
        %mul3A_217 = arith.muli %scan3A_123, %mul3A_216 : i32
        %add3A_218 = arith.constant 4 : i32
        %add3A_219 = arith.addi %mul3A_217, %add3A_218 : i32
        %broadcast_in_dim3A_220 = arith.constant 4 : i32
        %broadcast_in_dim3A_221 = vector.broadcast %broadcast_in_dim3A_220 : i32 to vector<16x1xi32>
        %gather3A_222 = vector.shape_cast %broadcast_in_dim3A_221 : vector<16x1xi32> to vector<16xi32>
        %gather3A_223 = tpu.dynamic_gather %get3A_134[%gather3A_222] in [0] : vector<16xi32>, vector<16xi32> -> vector<16xi32>
        %add3A_224 = arith.addi %gather3A_223, %iota3A : vector<16xi32>
        %broadcast_in_dim3A_225 = vector.broadcast %add3A_219 : i32 to vector<16xi32>
        %gather3A_226 = tpu.vector_load_idx %arg11[%broadcast_in_dim3A_225, %add3A_224] : memref<104x128xf32, #tpu.memory_space<vmem>>[vector<16xi32>, vector<16xi32>], vector<16xf32>,
        %broadcast_in_dim3A_227 = arith.constant 4 : i32
        %broadcast_in_dim3A_228 = vector.broadcast %broadcast_in_dim3A_227 : i32 to vector<16x1xi32>
        %gather3A_229 = vector.shape_cast %broadcast_in_dim3A_228 : vector<16x1xi32> to vector<16xi32>
        %gather3A_230 = tpu.dynamic_gather %get3A_128[%gather3A_229] in [0] : vector<16xf32>, vector<16xi32> -> vector<16xf32>
        %mul3A_231 = arith.mulf %gather3A_230, %gather3A_226 : vector<16xf32>
        %add3A_232 = arith.addf %add3A_213, %mul3A_231 : vector<16xf32>
        %mul3A_233 = arith.mulf %mul3A_231, %mul3A_231 : vector<16xf32>
        %add3A_234 = arith.addf %add3A_215, %mul3A_233 : vector<16xf32>
        %mul3A_235 = arith.constant 26 : i32
        %mul3A_236 = arith.muli %scan3A_123, %mul3A_235 : i32
        %add3A_237 = arith.constant 5 : i32
        %add3A_238 = arith.addi %mul3A_236, %add3A_237 : i32
        %broadcast_in_dim3A_239 = arith.constant 5 : i32
        %broadcast_in_dim3A_240 = vector.broadcast %broadcast_in_dim3A_239 : i32 to vector<16x1xi32>
        %gather3A_241 = vector.shape_cast %broadcast_in_dim3A_240 : vector<16x1xi32> to vector<16xi32>
        %gather3A_242 = tpu.dynamic_gather %get3A_134[%gather3A_241] in [0] : vector<16xi32>, vector<16xi32> -> vector<16xi32>
        %add3A_243 = arith.addi %gather3A_242, %iota3A : vector<16xi32>
        %broadcast_in_dim3A_244 = vector.broadcast %add3A_238 : i32 to vector<16xi32>
        %gather3A_245 = tpu.vector_load_idx %arg11[%broadcast_in_dim3A_244, %add3A_243] : memref<104x128xf32, #tpu.memory_space<vmem>>[vector<16xi32>, vector<16xi32>], vector<16xf32>,
        %broadcast_in_dim3A_246 = arith.constant 5 : i32
        %broadcast_in_dim3A_247 = vector.broadcast %broadcast_in_dim3A_246 : i32 to vector<16x1xi32>
        %gather3A_248 = vector.shape_cast %broadcast_in_dim3A_247 : vector<16x1xi32> to vector<16xi32>
        %gather3A_249 = tpu.dynamic_gather %get3A_128[%gather3A_248] in [0] : vector<16xf32>, vector<16xi32> -> vector<16xf32>
        %mul3A_250 = arith.mulf %gather3A_249, %gather3A_245 : vector<16xf32>
        %add3A_251 = arith.addf %add3A_232, %mul3A_250 : vector<16xf32>
        %mul3A_252 = arith.mulf %mul3A_250, %mul3A_250 : vector<16xf32>
        %add3A_253 = arith.addf %add3A_234, %mul3A_252 : vector<16xf32>
        %mul3A_254 = arith.constant 26 : i32
        %mul3A_255 = arith.muli %scan3A_123, %mul3A_254 : i32
        %add3A_256 = arith.constant 6 : i32
        %add3A_257 = arith.addi %mul3A_255, %add3A_256 : i32
        %broadcast_in_dim3A_258 = arith.constant 6 : i32
        %broadcast_in_dim3A_259 = vector.broadcast %broadcast_in_dim3A_258 : i32 to vector<16x1xi32>
        %gather3A_260 = vector.shape_cast %broadcast_in_dim3A_259 : vector<16x1xi32> to vector<16xi32>
        %gather3A_261 = tpu.dynamic_gather %get3A_134[%gather3A_260] in [0] : vector<16xi32>, vector<16xi32> -> vector<16xi32>
        %add3A_262 = arith.addi %gather3A_261, %iota3A : vector<16xi32>
        %broadcast_in_dim3A_263 = vector.broadcast %add3A_257 : i32 to vector<16xi32>
        %gather3A_264 = tpu.vector_load_idx %arg11[%broadcast_in_dim3A_263, %add3A_262] : memref<104x128xf32, #tpu.memory_space<vmem>>[vector<16xi32>, vector<16xi32>], vector<16xf32>,
        %broadcast_in_dim3A_265 = arith.constant 6 : i32
        %broadcast_in_dim3A_266 = vector.broadcast %broadcast_in_dim3A_265 : i32 to vector<16x1xi32>
        %gather3A_267 = vector.shape_cast %broadcast_in_dim3A_266 : vector<16x1xi32> to vector<16xi32>
        %gather3A_268 = tpu.dynamic_gather %get3A_128[%gather3A_267] in [0] : vector<16xf32>, vector<16xi32> -> vector<16xf32>
        %mul3A_269 = arith.mulf %gather3A_268, %gather3A_264 : vector<16xf32>
        %add3A_270 = arith.addf %add3A_251, %mul3A_269 : vector<16xf32>
        %mul3A_271 = arith.mulf %mul3A_269, %mul3A_269 : vector<16xf32>
        %add3A_272 = arith.addf %add3A_253, %mul3A_271 : vector<16xf32>
        %mul3A_273 = arith.constant 26 : i32
        %mul3A_274 = arith.muli %scan3A_123, %mul3A_273 : i32
        %add3A_275 = arith.constant 7 : i32
        %add3A_276 = arith.addi %mul3A_274, %add3A_275 : i32
        %broadcast_in_dim3A_277 = arith.constant 7 : i32
        %broadcast_in_dim3A_278 = vector.broadcast %broadcast_in_dim3A_277 : i32 to vector<16x1xi32>
        %gather3A_279 = vector.shape_cast %broadcast_in_dim3A_278 : vector<16x1xi32> to vector<16xi32>
        %gather3A_280 = tpu.dynamic_gather %get3A_134[%gather3A_279] in [0] : vector<16xi32>, vector<16xi32> -> vector<16xi32>
        %add3A_281 = arith.addi %gather3A_280, %iota3A : vector<16xi32>
        %broadcast_in_dim3A_282 = vector.broadcast %add3A_276 : i32 to vector<16xi32>
        %gather3A_283 = tpu.vector_load_idx %arg11[%broadcast_in_dim3A_282, %add3A_281] : memref<104x128xf32, #tpu.memory_space<vmem>>[vector<16xi32>, vector<16xi32>], vector<16xf32>,
        %broadcast_in_dim3A_284 = arith.constant 7 : i32
        %broadcast_in_dim3A_285 = vector.broadcast %broadcast_in_dim3A_284 : i32 to vector<16x1xi32>
        %gather3A_286 = vector.shape_cast %broadcast_in_dim3A_285 : vector<16x1xi32> to vector<16xi32>
        %gather3A_287 = tpu.dynamic_gather %get3A_128[%gather3A_286] in [0] : vector<16xf32>, vector<16xi32> -> vector<16xf32>
        %mul3A_288 = arith.mulf %gather3A_287, %gather3A_283 : vector<16xf32>
        %add3A_289 = arith.addf %add3A_270, %mul3A_288 : vector<16xf32>
        %mul3A_290 = arith.mulf %mul3A_288, %mul3A_288 : vector<16xf32>
        %add3A_291 = arith.addf %add3A_272, %mul3A_290 : vector<16xf32>
        %mul3A_292 = arith.constant 26 : i32
        %mul3A_293 = arith.muli %scan3A_123, %mul3A_292 : i32
        %add3A_294 = arith.constant 8 : i32
        %add3A_295 = arith.addi %mul3A_293, %add3A_294 : i32
        %broadcast_in_dim3A_296 = arith.constant 8 : i32
        %broadcast_in_dim3A_297 = vector.broadcast %broadcast_in_dim3A_296 : i32 to vector<16x1xi32>
        %gather3A_298 = vector.shape_cast %broadcast_in_dim3A_297 : vector<16x1xi32> to vector<16xi32>
        %gather3A_299 = tpu.dynamic_gather %get3A_134[%gather3A_298] in [0] : vector<16xi32>, vector<16xi32> -> vector<16xi32>
        %add3A_300 = arith.addi %gather3A_299, %iota3A : vector<16xi32>
        %broadcast_in_dim3A_301 = vector.broadcast %add3A_295 : i32 to vector<16xi32>
        %gather3A_302 = tpu.vector_load_idx %arg11[%broadcast_in_dim3A_301, %add3A_300] : memref<104x128xf32, #tpu.memory_space<vmem>>[vector<16xi32>, vector<16xi32>], vector<16xf32>,
        %broadcast_in_dim3A_303 = arith.constant 8 : i32
        %broadcast_in_dim3A_304 = vector.broadcast %broadcast_in_dim3A_303 : i32 to vector<16x1xi32>
        %gather3A_305 = vector.shape_cast %broadcast_in_dim3A_304 : vector<16x1xi32> to vector<16xi32>
        %gather3A_306 = tpu.dynamic_gather %get3A_128[%gather3A_305] in [0] : vector<16xf32>, vector<16xi32> -> vector<16xf32>
        %mul3A_307 = arith.mulf %gather3A_306, %gather3A_302 : vector<16xf32>
        %add3A_308 = arith.addf %add3A_289, %mul3A_307 : vector<16xf32>
        %mul3A_309 = arith.mulf %mul3A_307, %mul3A_307 : vector<16xf32>
        %add3A_310 = arith.addf %add3A_291, %mul3A_309 : vector<16xf32>
        %mul3A_311 = arith.constant 26 : i32
        %mul3A_312 = arith.muli %scan3A_123, %mul3A_311 : i32
        %add3A_313 = arith.constant 9 : i32
        %add3A_314 = arith.addi %mul3A_312, %add3A_313 : i32
        %broadcast_in_dim3A_315 = arith.constant 9 : i32
        %broadcast_in_dim3A_316 = vector.broadcast %broadcast_in_dim3A_315 : i32 to vector<16x1xi32>
        %gather3A_317 = vector.shape_cast %broadcast_in_dim3A_316 : vector<16x1xi32> to vector<16xi32>
        %gather3A_318 = tpu.dynamic_gather %get3A_134[%gather3A_317] in [0] : vector<16xi32>, vector<16xi32> -> vector<16xi32>
        %add3A_319 = arith.addi %gather3A_318, %iota3A : vector<16xi32>
        %broadcast_in_dim3A_320 = vector.broadcast %add3A_314 : i32 to vector<16xi32>
        %gather3A_321 = tpu.vector_load_idx %arg11[%broadcast_in_dim3A_320, %add3A_319] : memref<104x128xf32, #tpu.memory_space<vmem>>[vector<16xi32>, vector<16xi32>], vector<16xf32>,
        %broadcast_in_dim3A_322 = arith.constant 9 : i32
        %broadcast_in_dim3A_323 = vector.broadcast %broadcast_in_dim3A_322 : i32 to vector<16x1xi32>
        %gather3A_324 = vector.shape_cast %broadcast_in_dim3A_323 : vector<16x1xi32> to vector<16xi32>
        %gather3A_325 = tpu.dynamic_gather %get3A_128[%gather3A_324] in [0] : vector<16xf32>, vector<16xi32> -> vector<16xf32>
        %mul3A_326 = arith.mulf %gather3A_325, %gather3A_321 : vector<16xf32>
        %add3A_327 = arith.addf %add3A_308, %mul3A_326 : vector<16xf32>
        %mul3A_328 = arith.mulf %mul3A_326, %mul3A_326 : vector<16xf32>
        %add3A_329 = arith.addf %add3A_310, %mul3A_328 : vector<16xf32>
        %mul3A_330 = arith.constant 26 : i32
        %mul3A_331 = arith.muli %scan3A_123, %mul3A_330 : i32
        %add3A_332 = arith.constant 10 : i32
        %add3A_333 = arith.addi %mul3A_331, %add3A_332 : i32
        %broadcast_in_dim3A_334 = arith.constant 10 : i32
        %broadcast_in_dim3A_335 = vector.broadcast %broadcast_in_dim3A_334 : i32 to vector<16x1xi32>
        %gather3A_336 = vector.shape_cast %broadcast_in_dim3A_335 : vector<16x1xi32> to vector<16xi32>
        %gather3A_337 = tpu.dynamic_gather %get3A_134[%gather3A_336] in [0] : vector<16xi32>, vector<16xi32> -> vector<16xi32>
        %add3A_338 = arith.addi %gather3A_337, %iota3A : vector<16xi32>
        %broadcast_in_dim3A_339 = vector.broadcast %add3A_333 : i32 to vector<16xi32>
        %gather3A_340 = tpu.vector_load_idx %arg11[%broadcast_in_dim3A_339, %add3A_338] : memref<104x128xf32, #tpu.memory_space<vmem>>[vector<16xi32>, vector<16xi32>], vector<16xf32>,
        %broadcast_in_dim3A_341 = arith.constant 10 : i32
        %broadcast_in_dim3A_342 = vector.broadcast %broadcast_in_dim3A_341 : i32 to vector<16x1xi32>
        %gather3A_343 = vector.shape_cast %broadcast_in_dim3A_342 : vector<16x1xi32> to vector<16xi32>
        %gather3A_344 = tpu.dynamic_gather %get3A_128[%gather3A_343] in [0] : vector<16xf32>, vector<16xi32> -> vector<16xf32>
        %mul3A_345 = arith.mulf %gather3A_344, %gather3A_340 : vector<16xf32>
        %add3A_346 = arith.addf %add3A_327, %mul3A_345 : vector<16xf32>
        %mul3A_347 = arith.mulf %mul3A_345, %mul3A_345 : vector<16xf32>
        %add3A_348 = arith.addf %add3A_329, %mul3A_347 : vector<16xf32>
        %mul3A_349 = arith.constant 26 : i32
        %mul3A_350 = arith.muli %scan3A_123, %mul3A_349 : i32
        %add3A_351 = arith.constant 11 : i32
        %add3A_352 = arith.addi %mul3A_350, %add3A_351 : i32
        %broadcast_in_dim3A_353 = arith.constant 11 : i32
        %broadcast_in_dim3A_354 = vector.broadcast %broadcast_in_dim3A_353 : i32 to vector<16x1xi32>
        %gather3A_355 = vector.shape_cast %broadcast_in_dim3A_354 : vector<16x1xi32> to vector<16xi32>
        %gather3A_356 = tpu.dynamic_gather %get3A_134[%gather3A_355] in [0] : vector<16xi32>, vector<16xi32> -> vector<16xi32>
        %add3A_357 = arith.addi %gather3A_356, %iota3A : vector<16xi32>
        %broadcast_in_dim3A_358 = vector.broadcast %add3A_352 : i32 to vector<16xi32>
        %gather3A_359 = tpu.vector_load_idx %arg11[%broadcast_in_dim3A_358, %add3A_357] : memref<104x128xf32, #tpu.memory_space<vmem>>[vector<16xi32>, vector<16xi32>], vector<16xf32>,
        %broadcast_in_dim3A_360 = arith.constant 11 : i32
        %broadcast_in_dim3A_361 = vector.broadcast %broadcast_in_dim3A_360 : i32 to vector<16x1xi32>
        %gather3A_362 = vector.shape_cast %broadcast_in_dim3A_361 : vector<16x1xi32> to vector<16xi32>
        %gather3A_363 = tpu.dynamic_gather %get3A_128[%gather3A_362] in [0] : vector<16xf32>, vector<16xi32> -> vector<16xf32>
        %mul3A_364 = arith.mulf %gather3A_363, %gather3A_359 : vector<16xf32>
        %add3A_365 = arith.addf %add3A_346, %mul3A_364 : vector<16xf32>
        %mul3A_366 = arith.mulf %mul3A_364, %mul3A_364 : vector<16xf32>
        %add3A_367 = arith.addf %add3A_348, %mul3A_366 : vector<16xf32>
        %mul3A_368 = arith.constant 26 : i32
        %mul3A_369 = arith.muli %scan3A_123, %mul3A_368 : i32
        %add3A_370 = arith.constant 12 : i32
        %add3A_371 = arith.addi %mul3A_369, %add3A_370 : i32
        %broadcast_in_dim3A_372 = arith.constant 12 : i32
        %broadcast_in_dim3A_373 = vector.broadcast %broadcast_in_dim3A_372 : i32 to vector<16x1xi32>
        %gather3A_374 = vector.shape_cast %broadcast_in_dim3A_373 : vector<16x1xi32> to vector<16xi32>
        %gather3A_375 = tpu.dynamic_gather %get3A_134[%gather3A_374] in [0] : vector<16xi32>, vector<16xi32> -> vector<16xi32>
        %add3A_376 = arith.addi %gather3A_375, %iota3A : vector<16xi32>
        %broadcast_in_dim3A_377 = vector.broadcast %add3A_371 : i32 to vector<16xi32>
        %gather3A_378 = tpu.vector_load_idx %arg11[%broadcast_in_dim3A_377, %add3A_376] : memref<104x128xf32, #tpu.memory_space<vmem>>[vector<16xi32>, vector<16xi32>], vector<16xf32>,
        %broadcast_in_dim3A_379 = arith.constant 12 : i32
        %broadcast_in_dim3A_380 = vector.broadcast %broadcast_in_dim3A_379 : i32 to vector<16x1xi32>
        %gather3A_381 = vector.shape_cast %broadcast_in_dim3A_380 : vector<16x1xi32> to vector<16xi32>
        %gather3A_382 = tpu.dynamic_gather %get3A_128[%gather3A_381] in [0] : vector<16xf32>, vector<16xi32> -> vector<16xf32>
        %mul3A_383 = arith.mulf %gather3A_382, %gather3A_378 : vector<16xf32>
        %add3A_384 = arith.addf %add3A_365, %mul3A_383 : vector<16xf32>
        %mul3A_385 = arith.mulf %mul3A_383, %mul3A_383 : vector<16xf32>
        %add3A_386 = arith.addf %add3A_367, %mul3A_385 : vector<16xf32>
        %mul3A_387 = arith.constant 26 : i32
        %mul3A_388 = arith.muli %scan3A_123, %mul3A_387 : i32
        %add3A_389 = arith.constant 13 : i32
        %add3A_390 = arith.addi %mul3A_388, %add3A_389 : i32
        %broadcast_in_dim3A_391 = arith.constant 13 : i32
        %broadcast_in_dim3A_392 = vector.broadcast %broadcast_in_dim3A_391 : i32 to vector<16x1xi32>
        %gather3A_393 = vector.shape_cast %broadcast_in_dim3A_392 : vector<16x1xi32> to vector<16xi32>
        %gather3A_394 = tpu.dynamic_gather %get3A_134[%gather3A_393] in [0] : vector<16xi32>, vector<16xi32> -> vector<16xi32>
        %add3A_395 = arith.addi %gather3A_394, %iota3A : vector<16xi32>
        %broadcast_in_dim3A_396 = vector.broadcast %add3A_390 : i32 to vector<16xi32>
        %gather3A_397 = tpu.vector_load_idx %arg11[%broadcast_in_dim3A_396, %add3A_395] : memref<104x128xf32, #tpu.memory_space<vmem>>[vector<16xi32>, vector<16xi32>], vector<16xf32>,
        %broadcast_in_dim3A_398 = arith.constant 13 : i32
        %broadcast_in_dim3A_399 = vector.broadcast %broadcast_in_dim3A_398 : i32 to vector<16x1xi32>
        %gather3A_400 = vector.shape_cast %broadcast_in_dim3A_399 : vector<16x1xi32> to vector<16xi32>
        %gather3A_401 = tpu.dynamic_gather %get3A_128[%gather3A_400] in [0] : vector<16xf32>, vector<16xi32> -> vector<16xf32>
        %mul3A_402 = arith.mulf %gather3A_401, %gather3A_397 : vector<16xf32>
        %add3A_403 = arith.addf %add3A_384, %mul3A_402 : vector<16xf32>
        %mul3A_404 = arith.mulf %mul3A_402, %mul3A_402 : vector<16xf32>
        %add3A_405 = arith.addf %add3A_386, %mul3A_404 : vector<16xf32>
        %mul3A_406 = arith.constant 26 : i32
        %mul3A_407 = arith.muli %scan3A_123, %mul3A_406 : i32
        %add3A_408 = arith.constant 14 : i32
        %add3A_409 = arith.addi %mul3A_407, %add3A_408 : i32
        %broadcast_in_dim3A_410 = arith.constant 14 : i32
        %broadcast_in_dim3A_411 = vector.broadcast %broadcast_in_dim3A_410 : i32 to vector<16x1xi32>
        %gather3A_412 = vector.shape_cast %broadcast_in_dim3A_411 : vector<16x1xi32> to vector<16xi32>
        %gather3A_413 = tpu.dynamic_gather %get3A_134[%gather3A_412] in [0] : vector<16xi32>, vector<16xi32> -> vector<16xi32>
        %add3A_414 = arith.addi %gather3A_413, %iota3A : vector<16xi32>
        %broadcast_in_dim3A_415 = vector.broadcast %add3A_409 : i32 to vector<16xi32>
        %gather3A_416 = tpu.vector_load_idx %arg11[%broadcast_in_dim3A_415, %add3A_414] : memref<104x128xf32, #tpu.memory_space<vmem>>[vector<16xi32>, vector<16xi32>], vector<16xf32>,
        %broadcast_in_dim3A_417 = arith.constant 14 : i32
        %broadcast_in_dim3A_418 = vector.broadcast %broadcast_in_dim3A_417 : i32 to vector<16x1xi32>
        %gather3A_419 = vector.shape_cast %broadcast_in_dim3A_418 : vector<16x1xi32> to vector<16xi32>
        %gather3A_420 = tpu.dynamic_gather %get3A_128[%gather3A_419] in [0] : vector<16xf32>, vector<16xi32> -> vector<16xf32>
        %mul3A_421 = arith.mulf %gather3A_420, %gather3A_416 : vector<16xf32>
        %add3A_422 = arith.addf %add3A_403, %mul3A_421 : vector<16xf32>
        %mul3A_423 = arith.mulf %mul3A_421, %mul3A_421 : vector<16xf32>
        %add3A_424 = arith.addf %add3A_405, %mul3A_423 : vector<16xf32>
        %mul3A_425 = arith.constant 26 : i32
        %mul3A_426 = arith.muli %scan3A_123, %mul3A_425 : i32
        %add3A_427 = arith.constant 15 : i32
        %add3A_428 = arith.addi %mul3A_426, %add3A_427 : i32
        %broadcast_in_dim3A_429 = arith.constant 15 : i32
        %broadcast_in_dim3A_430 = vector.broadcast %broadcast_in_dim3A_429 : i32 to vector<16x1xi32>
        %gather3A_431 = vector.shape_cast %broadcast_in_dim3A_430 : vector<16x1xi32> to vector<16xi32>
        %gather3A_432 = tpu.dynamic_gather %get3A_134[%gather3A_431] in [0] : vector<16xi32>, vector<16xi32> -> vector<16xi32>
        %add3A_433 = arith.addi %gather3A_432, %iota3A : vector<16xi32>
        %broadcast_in_dim3A_434 = vector.broadcast %add3A_428 : i32 to vector<16xi32>
        %gather3A_435 = tpu.vector_load_idx %arg11[%broadcast_in_dim3A_434, %add3A_433] : memref<104x128xf32, #tpu.memory_space<vmem>>[vector<16xi32>, vector<16xi32>], vector<16xf32>,
        %broadcast_in_dim3A_436 = arith.constant 15 : i32
        %broadcast_in_dim3A_437 = vector.broadcast %broadcast_in_dim3A_436 : i32 to vector<16x1xi32>
        %gather3A_438 = vector.shape_cast %broadcast_in_dim3A_437 : vector<16x1xi32> to vector<16xi32>
        %gather3A_439 = tpu.dynamic_gather %get3A_128[%gather3A_438] in [0] : vector<16xf32>, vector<16xi32> -> vector<16xf32>
        %mul3A_440 = arith.mulf %gather3A_439, %gather3A_435 : vector<16xf32>
        %add3A_441 = arith.addf %add3A_422, %mul3A_440 : vector<16xf32>
        %mul3A_442 = arith.mulf %mul3A_440, %mul3A_440 : vector<16xf32>
        %add3A_443 = arith.addf %add3A_424, %mul3A_442 : vector<16xf32>
        %mul3A_444 = arith.constant 26 : i32
        %mul3A_445 = arith.muli %scan3A_123, %mul3A_444 : i32
        %add3A_446 = arith.constant 16 : i32
        %add3A_447 = arith.addi %mul3A_445, %add3A_446 : i32
        %broadcast_in_dim3A_448 = arith.constant 0 : i32
        %broadcast_in_dim3A_449 = vector.broadcast %broadcast_in_dim3A_448 : i32 to vector<16x1xi32>
        %gather3A_450 = vector.shape_cast %broadcast_in_dim3A_449 : vector<16x1xi32> to vector<16xi32>
        %gather3A_451 = tpu.dynamic_gather %get3A_137[%gather3A_450] in [0] : vector<16xi32>, vector<16xi32> -> vector<16xi32>
        %add3A_452 = arith.addi %gather3A_451, %iota3A : vector<16xi32>
        %broadcast_in_dim3A_453 = vector.broadcast %add3A_447 : i32 to vector<16xi32>
        %gather3A_454 = tpu.vector_load_idx %arg11[%broadcast_in_dim3A_453, %add3A_452] : memref<104x128xf32, #tpu.memory_space<vmem>>[vector<16xi32>, vector<16xi32>], vector<16xf32>,
        %broadcast_in_dim3A_455 = arith.constant 0 : i32
        %broadcast_in_dim3A_456 = vector.broadcast %broadcast_in_dim3A_455 : i32 to vector<16x1xi32>
        %gather3A_457 = vector.shape_cast %broadcast_in_dim3A_456 : vector<16x1xi32> to vector<16xi32>
        %gather3A_458 = tpu.dynamic_gather %get3A_131[%gather3A_457] in [0] : vector<16xf32>, vector<16xi32> -> vector<16xf32>
        %mul3A_459 = arith.mulf %gather3A_458, %gather3A_454 : vector<16xf32>
        %add3A_460 = arith.addf %add3A_441, %mul3A_459 : vector<16xf32>
        %mul3A_461 = arith.mulf %mul3A_459, %mul3A_459 : vector<16xf32>
        %add3A_462 = arith.addf %add3A_443, %mul3A_461 : vector<16xf32>
        %mul3A_463 = arith.constant 26 : i32
        %mul3A_464 = arith.muli %scan3A_123, %mul3A_463 : i32
        %add3A_465 = arith.constant 17 : i32
        %add3A_466 = arith.addi %mul3A_464, %add3A_465 : i32
        %broadcast_in_dim3A_467 = arith.constant 1 : i32
        %broadcast_in_dim3A_468 = vector.broadcast %broadcast_in_dim3A_467 : i32 to vector<16x1xi32>
        %gather3A_469 = vector.shape_cast %broadcast_in_dim3A_468 : vector<16x1xi32> to vector<16xi32>
        %gather3A_470 = tpu.dynamic_gather %get3A_137[%gather3A_469] in [0] : vector<16xi32>, vector<16xi32> -> vector<16xi32>
        %add3A_471 = arith.addi %gather3A_470, %iota3A : vector<16xi32>
        %broadcast_in_dim3A_472 = vector.broadcast %add3A_466 : i32 to vector<16xi32>
        %gather3A_473 = tpu.vector_load_idx %arg11[%broadcast_in_dim3A_472, %add3A_471] : memref<104x128xf32, #tpu.memory_space<vmem>>[vector<16xi32>, vector<16xi32>], vector<16xf32>,
        %broadcast_in_dim3A_474 = arith.constant 1 : i32
        %broadcast_in_dim3A_475 = vector.broadcast %broadcast_in_dim3A_474 : i32 to vector<16x1xi32>
        %gather3A_476 = vector.shape_cast %broadcast_in_dim3A_475 : vector<16x1xi32> to vector<16xi32>
        %gather3A_477 = tpu.dynamic_gather %get3A_131[%gather3A_476] in [0] : vector<16xf32>, vector<16xi32> -> vector<16xf32>
        %mul3A_478 = arith.mulf %gather3A_477, %gather3A_473 : vector<16xf32>
        %add3A_479 = arith.addf %add3A_460, %mul3A_478 : vector<16xf32>
        %mul3A_480 = arith.mulf %mul3A_478, %mul3A_478 : vector<16xf32>
        %add3A_481 = arith.addf %add3A_462, %mul3A_480 : vector<16xf32>
        %mul3A_482 = arith.constant 26 : i32
        %mul3A_483 = arith.muli %scan3A_123, %mul3A_482 : i32
        %add3A_484 = arith.constant 18 : i32
        %add3A_485 = arith.addi %mul3A_483, %add3A_484 : i32
        %broadcast_in_dim3A_486 = arith.constant 2 : i32
        %broadcast_in_dim3A_487 = vector.broadcast %broadcast_in_dim3A_486 : i32 to vector<16x1xi32>
        %gather3A_488 = vector.shape_cast %broadcast_in_dim3A_487 : vector<16x1xi32> to vector<16xi32>
        %gather3A_489 = tpu.dynamic_gather %get3A_137[%gather3A_488] in [0] : vector<16xi32>, vector<16xi32> -> vector<16xi32>
        %add3A_490 = arith.addi %gather3A_489, %iota3A : vector<16xi32>
        %broadcast_in_dim3A_491 = vector.broadcast %add3A_485 : i32 to vector<16xi32>
        %gather3A_492 = tpu.vector_load_idx %arg11[%broadcast_in_dim3A_491, %add3A_490] : memref<104x128xf32, #tpu.memory_space<vmem>>[vector<16xi32>, vector<16xi32>], vector<16xf32>,
        %broadcast_in_dim3A_493 = arith.constant 2 : i32
        %broadcast_in_dim3A_494 = vector.broadcast %broadcast_in_dim3A_493 : i32 to vector<16x1xi32>
        %gather3A_495 = vector.shape_cast %broadcast_in_dim3A_494 : vector<16x1xi32> to vector<16xi32>
        %gather3A_496 = tpu.dynamic_gather %get3A_131[%gather3A_495] in [0] : vector<16xf32>, vector<16xi32> -> vector<16xf32>
        %mul3A_497 = arith.mulf %gather3A_496, %gather3A_492 : vector<16xf32>
        %add3A_498 = arith.addf %add3A_479, %mul3A_497 : vector<16xf32>
        %mul3A_499 = arith.mulf %mul3A_497, %mul3A_497 : vector<16xf32>
        %add3A_500 = arith.addf %add3A_481, %mul3A_499 : vector<16xf32>
        %mul3A_501 = arith.constant 26 : i32
        %mul3A_502 = arith.muli %scan3A_123, %mul3A_501 : i32
        %add3A_503 = arith.constant 19 : i32
        %add3A_504 = arith.addi %mul3A_502, %add3A_503 : i32
        %broadcast_in_dim3A_505 = arith.constant 3 : i32
        %broadcast_in_dim3A_506 = vector.broadcast %broadcast_in_dim3A_505 : i32 to vector<16x1xi32>
        %gather3A_507 = vector.shape_cast %broadcast_in_dim3A_506 : vector<16x1xi32> to vector<16xi32>
        %gather3A_508 = tpu.dynamic_gather %get3A_137[%gather3A_507] in [0] : vector<16xi32>, vector<16xi32> -> vector<16xi32>
        %add3A_509 = arith.addi %gather3A_508, %iota3A : vector<16xi32>
        %broadcast_in_dim3A_510 = vector.broadcast %add3A_504 : i32 to vector<16xi32>
        %gather3A_511 = tpu.vector_load_idx %arg11[%broadcast_in_dim3A_510, %add3A_509] : memref<104x128xf32, #tpu.memory_space<vmem>>[vector<16xi32>, vector<16xi32>], vector<16xf32>,
        %broadcast_in_dim3A_512 = arith.constant 3 : i32
        %broadcast_in_dim3A_513 = vector.broadcast %broadcast_in_dim3A_512 : i32 to vector<16x1xi32>
        %gather3A_514 = vector.shape_cast %broadcast_in_dim3A_513 : vector<16x1xi32> to vector<16xi32>
        %gather3A_515 = tpu.dynamic_gather %get3A_131[%gather3A_514] in [0] : vector<16xf32>, vector<16xi32> -> vector<16xf32>
        %mul3A_516 = arith.mulf %gather3A_515, %gather3A_511 : vector<16xf32>
        %add3A_517 = arith.addf %add3A_498, %mul3A_516 : vector<16xf32>
        %mul3A_518 = arith.mulf %mul3A_516, %mul3A_516 : vector<16xf32>
        %add3A_519 = arith.addf %add3A_500, %mul3A_518 : vector<16xf32>
        %mul3A_520 = arith.constant 26 : i32
        %mul3A_521 = arith.muli %scan3A_123, %mul3A_520 : i32
        %add3A_522 = arith.constant 20 : i32
        %add3A_523 = arith.addi %mul3A_521, %add3A_522 : i32
        %broadcast_in_dim3A_524 = arith.constant 4 : i32
        %broadcast_in_dim3A_525 = vector.broadcast %broadcast_in_dim3A_524 : i32 to vector<16x1xi32>
        %gather3A_526 = vector.shape_cast %broadcast_in_dim3A_525 : vector<16x1xi32> to vector<16xi32>
        %gather3A_527 = tpu.dynamic_gather %get3A_137[%gather3A_526] in [0] : vector<16xi32>, vector<16xi32> -> vector<16xi32>
        %add3A_528 = arith.addi %gather3A_527, %iota3A : vector<16xi32>
        %broadcast_in_dim3A_529 = vector.broadcast %add3A_523 : i32 to vector<16xi32>
        %gather3A_530 = tpu.vector_load_idx %arg11[%broadcast_in_dim3A_529, %add3A_528] : memref<104x128xf32, #tpu.memory_space<vmem>>[vector<16xi32>, vector<16xi32>], vector<16xf32>,
        %broadcast_in_dim3A_531 = arith.constant 4 : i32
        %broadcast_in_dim3A_532 = vector.broadcast %broadcast_in_dim3A_531 : i32 to vector<16x1xi32>
        %gather3A_533 = vector.shape_cast %broadcast_in_dim3A_532 : vector<16x1xi32> to vector<16xi32>
        %gather3A_534 = tpu.dynamic_gather %get3A_131[%gather3A_533] in [0] : vector<16xf32>, vector<16xi32> -> vector<16xf32>
        %mul3A_535 = arith.mulf %gather3A_534, %gather3A_530 : vector<16xf32>
        %add3A_536 = arith.addf %add3A_517, %mul3A_535 : vector<16xf32>
        %mul3A_537 = arith.mulf %mul3A_535, %mul3A_535 : vector<16xf32>
        %add3A_538 = arith.addf %add3A_519, %mul3A_537 : vector<16xf32>
        %mul3A_539 = arith.constant 26 : i32
        %mul3A_540 = arith.muli %scan3A_123, %mul3A_539 : i32
        %add3A_541 = arith.constant 21 : i32
        %add3A_542 = arith.addi %mul3A_540, %add3A_541 : i32
        %broadcast_in_dim3A_543 = arith.constant 5 : i32
        %broadcast_in_dim3A_544 = vector.broadcast %broadcast_in_dim3A_543 : i32 to vector<16x1xi32>
        %gather3A_545 = vector.shape_cast %broadcast_in_dim3A_544 : vector<16x1xi32> to vector<16xi32>
        %gather3A_546 = tpu.dynamic_gather %get3A_137[%gather3A_545] in [0] : vector<16xi32>, vector<16xi32> -> vector<16xi32>
        %add3A_547 = arith.addi %gather3A_546, %iota3A : vector<16xi32>
        %broadcast_in_dim3A_548 = vector.broadcast %add3A_542 : i32 to vector<16xi32>
        %gather3A_549 = tpu.vector_load_idx %arg11[%broadcast_in_dim3A_548, %add3A_547] : memref<104x128xf32, #tpu.memory_space<vmem>>[vector<16xi32>, vector<16xi32>], vector<16xf32>,
        %broadcast_in_dim3A_550 = arith.constant 5 : i32
        %broadcast_in_dim3A_551 = vector.broadcast %broadcast_in_dim3A_550 : i32 to vector<16x1xi32>
        %gather3A_552 = vector.shape_cast %broadcast_in_dim3A_551 : vector<16x1xi32> to vector<16xi32>
        %gather3A_553 = tpu.dynamic_gather %get3A_131[%gather3A_552] in [0] : vector<16xf32>, vector<16xi32> -> vector<16xf32>
        %mul3A_554 = arith.mulf %gather3A_553, %gather3A_549 : vector<16xf32>
        %add3A_555 = arith.addf %add3A_536, %mul3A_554 : vector<16xf32>
        %mul3A_556 = arith.mulf %mul3A_554, %mul3A_554 : vector<16xf32>
        %add3A_557 = arith.addf %add3A_538, %mul3A_556 : vector<16xf32>
        %mul3A_558 = arith.constant 26 : i32
        %mul3A_559 = arith.muli %scan3A_123, %mul3A_558 : i32
        %add3A_560 = arith.constant 22 : i32
        %add3A_561 = arith.addi %mul3A_559, %add3A_560 : i32
        %broadcast_in_dim3A_562 = arith.constant 6 : i32
        %broadcast_in_dim3A_563 = vector.broadcast %broadcast_in_dim3A_562 : i32 to vector<16x1xi32>
        %gather3A_564 = vector.shape_cast %broadcast_in_dim3A_563 : vector<16x1xi32> to vector<16xi32>
        %gather3A_565 = tpu.dynamic_gather %get3A_137[%gather3A_564] in [0] : vector<16xi32>, vector<16xi32> -> vector<16xi32>
        %add3A_566 = arith.addi %gather3A_565, %iota3A : vector<16xi32>
        %broadcast_in_dim3A_567 = vector.broadcast %add3A_561 : i32 to vector<16xi32>
        %gather3A_568 = tpu.vector_load_idx %arg11[%broadcast_in_dim3A_567, %add3A_566] : memref<104x128xf32, #tpu.memory_space<vmem>>[vector<16xi32>, vector<16xi32>], vector<16xf32>,
        %broadcast_in_dim3A_569 = arith.constant 6 : i32
        %broadcast_in_dim3A_570 = vector.broadcast %broadcast_in_dim3A_569 : i32 to vector<16x1xi32>
        %gather3A_571 = vector.shape_cast %broadcast_in_dim3A_570 : vector<16x1xi32> to vector<16xi32>
        %gather3A_572 = tpu.dynamic_gather %get3A_131[%gather3A_571] in [0] : vector<16xf32>, vector<16xi32> -> vector<16xf32>
        %mul3A_573 = arith.mulf %gather3A_572, %gather3A_568 : vector<16xf32>
        %add3A_574 = arith.addf %add3A_555, %mul3A_573 : vector<16xf32>
        %mul3A_575 = arith.mulf %mul3A_573, %mul3A_573 : vector<16xf32>
        %add3A_576 = arith.addf %add3A_557, %mul3A_575 : vector<16xf32>
        %mul3A_577 = arith.constant 26 : i32
        %mul3A_578 = arith.muli %scan3A_123, %mul3A_577 : i32
        %add3A_579 = arith.constant 23 : i32
        %add3A_580 = arith.addi %mul3A_578, %add3A_579 : i32
        %broadcast_in_dim3A_581 = arith.constant 7 : i32
        %broadcast_in_dim3A_582 = vector.broadcast %broadcast_in_dim3A_581 : i32 to vector<16x1xi32>
        %gather3A_583 = vector.shape_cast %broadcast_in_dim3A_582 : vector<16x1xi32> to vector<16xi32>
        %gather3A_584 = tpu.dynamic_gather %get3A_137[%gather3A_583] in [0] : vector<16xi32>, vector<16xi32> -> vector<16xi32>
        %add3A_585 = arith.addi %gather3A_584, %iota3A : vector<16xi32>
        %broadcast_in_dim3A_586 = vector.broadcast %add3A_580 : i32 to vector<16xi32>
        %gather3A_587 = tpu.vector_load_idx %arg11[%broadcast_in_dim3A_586, %add3A_585] : memref<104x128xf32, #tpu.memory_space<vmem>>[vector<16xi32>, vector<16xi32>], vector<16xf32>,
        %broadcast_in_dim3A_588 = arith.constant 7 : i32
        %broadcast_in_dim3A_589 = vector.broadcast %broadcast_in_dim3A_588 : i32 to vector<16x1xi32>
        %gather3A_590 = vector.shape_cast %broadcast_in_dim3A_589 : vector<16x1xi32> to vector<16xi32>
        %gather3A_591 = tpu.dynamic_gather %get3A_131[%gather3A_590] in [0] : vector<16xf32>, vector<16xi32> -> vector<16xf32>
        %mul3A_592 = arith.mulf %gather3A_591, %gather3A_587 : vector<16xf32>
        %add3A_593 = arith.addf %add3A_574, %mul3A_592 : vector<16xf32>
        %mul3A_594 = arith.mulf %mul3A_592, %mul3A_592 : vector<16xf32>
        %add3A_595 = arith.addf %add3A_576, %mul3A_594 : vector<16xf32>
        %mul3A_596 = arith.constant 26 : i32
        %mul3A_597 = arith.muli %scan3A_123, %mul3A_596 : i32
        %add3A_598 = arith.constant 24 : i32
        %add3A_599 = arith.addi %mul3A_597, %add3A_598 : i32
        %broadcast_in_dim3A_600 = arith.constant 8 : i32
        %broadcast_in_dim3A_601 = vector.broadcast %broadcast_in_dim3A_600 : i32 to vector<16x1xi32>
        %gather3A_602 = vector.shape_cast %broadcast_in_dim3A_601 : vector<16x1xi32> to vector<16xi32>
        %gather3A_603 = tpu.dynamic_gather %get3A_137[%gather3A_602] in [0] : vector<16xi32>, vector<16xi32> -> vector<16xi32>
        %add3A_604 = arith.addi %gather3A_603, %iota3A : vector<16xi32>
        %broadcast_in_dim3A_605 = vector.broadcast %add3A_599 : i32 to vector<16xi32>
        %gather3A_606 = tpu.vector_load_idx %arg11[%broadcast_in_dim3A_605, %add3A_604] : memref<104x128xf32, #tpu.memory_space<vmem>>[vector<16xi32>, vector<16xi32>], vector<16xf32>,
        %broadcast_in_dim3A_607 = arith.constant 8 : i32
        %broadcast_in_dim3A_608 = vector.broadcast %broadcast_in_dim3A_607 : i32 to vector<16x1xi32>
        %gather3A_609 = vector.shape_cast %broadcast_in_dim3A_608 : vector<16x1xi32> to vector<16xi32>
        %gather3A_610 = tpu.dynamic_gather %get3A_131[%gather3A_609] in [0] : vector<16xf32>, vector<16xi32> -> vector<16xf32>
        %mul3A_611 = arith.mulf %gather3A_610, %gather3A_606 : vector<16xf32>
        %add3A_612 = arith.addf %add3A_593, %mul3A_611 : vector<16xf32>
        %mul3A_613 = arith.mulf %mul3A_611, %mul3A_611 : vector<16xf32>
        %add3A_614 = arith.addf %add3A_595, %mul3A_613 : vector<16xf32>
        %mul3A_615 = arith.constant 26 : i32
        %mul3A_616 = arith.muli %scan3A_123, %mul3A_615 : i32
        %add3A_617 = arith.constant 25 : i32
        %add3A_618 = arith.addi %mul3A_616, %add3A_617 : i32
        %broadcast_in_dim3A_619 = arith.constant 9 : i32
        %broadcast_in_dim3A_620 = vector.broadcast %broadcast_in_dim3A_619 : i32 to vector<16x1xi32>
        %gather3A_621 = vector.shape_cast %broadcast_in_dim3A_620 : vector<16x1xi32> to vector<16xi32>
        %gather3A_622 = tpu.dynamic_gather %get3A_137[%gather3A_621] in [0] : vector<16xi32>, vector<16xi32> -> vector<16xi32>
        %add3A_623 = arith.addi %gather3A_622, %iota3A : vector<16xi32>
        %broadcast_in_dim3A_624 = vector.broadcast %add3A_618 : i32 to vector<16xi32>
        %gather3A_625 = tpu.vector_load_idx %arg11[%broadcast_in_dim3A_624, %add3A_623] : memref<104x128xf32, #tpu.memory_space<vmem>>[vector<16xi32>, vector<16xi32>], vector<16xf32>,
        %broadcast_in_dim3A_626 = arith.constant 9 : i32
        %broadcast_in_dim3A_627 = vector.broadcast %broadcast_in_dim3A_626 : i32 to vector<16x1xi32>
        %gather3A_628 = vector.shape_cast %broadcast_in_dim3A_627 : vector<16x1xi32> to vector<16xi32>
        %gather3A_629 = tpu.dynamic_gather %get3A_131[%gather3A_628] in [0] : vector<16xf32>, vector<16xi32> -> vector<16xf32>
        %mul3A_630 = arith.mulf %gather3A_629, %gather3A_625 : vector<16xf32>
        %add3A_631 = arith.addf %add3A_612, %mul3A_630 : vector<16xf32>
        %mul3A_632 = arith.mulf %mul3A_630, %mul3A_630 : vector<16xf32>
        %add3A_633 = arith.addf %add3A_614, %mul3A_632 : vector<16xf32>
        %mul3A_634 = arith.mulf %add3A_631, %add3A_631 : vector<16xf32>
        %sub3A = arith.subf %mul3A_634, %add3A_633 : vector<16xf32>
        %mul3A_635 = arith.constant 5.000000e-01 : f32
        %mul3A_636 = vector.broadcast %mul3A_635 : f32 to vector<16xf32>
        %mul3A_637 = arith.mulf %mul3A_636, %sub3A : vector<16xf32>
        %swap3A = arith.index_cast %add3A_126 : i32 to index
        %swap3A_638 = arith.constant 0 : index
        %swap3A_639 = tpu.vector_load %arg10[%swap3A, %swap3A_638] {strides = array<i32>} : memref<128x16xf32, #tpu.memory_space<vmem>>, vector<16xf32>,
        tpu.vector_store %arg10[%swap3A, %swap3A_638], %mul3A_637 {strides = array<i32>} : memref<128x16xf32, #tpu.memory_space<vmem>>, vector<16xf32>,
      }
      %scan3A_52 = arith.constant 4 : i32
      %add3A_53 = arith.constant 4 : i32
      %add3A_54 = arith.addi %add3A_40, %add3A_53 : i32
      %lt3A = arith.constant 32 : i32
      %lt3A_55 = arith.cmpi slt, %add3A_54, %lt3A : i32
      %convert_element_type3A = arith.extui %lt3A_55 : i1 to i32
      %cond3A = arith.constant 0 : i32
      %cond3A_56 = arith.cmpi ne, %convert_element_type3A, %cond3A : i32
      scf.if %cond3A_56 {
        %add3A_123 = arith.constant 4 : i32
        %add3A_124 = arith.addi %add3A_40, %add3A_123 : i32
        %dma_start3A_125 = arith.constant 0 : i32
        %dma_start3A_126 = tpu.memref_slice %arg7[%add3A_124, %dma_start3A_125] : memref<32x104xi32, #tpu.memory_space<vmem>> -> memref<1x104xi32, #tpu.memory_space<vmem>>
        %dma_start3A_127 = tpu.memref_squeeze %dma_start3A_126 : memref<1x104xi32, #tpu.memory_space<vmem>> -> memref<104xi32, #tpu.memory_space<vmem>>
        %dma_start3A_128 = arith.constant 0 : i32
        %dma_start3A_129 = arith.constant 0 : i32
        %dma_start3A_130 = tpu.memref_slice %arg2[%dma_start3A_128, %dma_start3A_129] : memref<125440x128xf32, #tpu.memory_space<hbm>> -> memref<125440x128xf32, #tpu.memory_space<hbm>>
        tpu.enqueue_indirect_dma source(%dma_start3A_130 : memref<125440x128xf32, #tpu.memory_space<hbm>>) target(%arg11 : memref<104x128xf32, #tpu.memory_space<vmem>>) offsets(%dma_start3A_127 : memref<104xi32, #tpu.memory_space<vmem>>) semaphore(%arg15 : memref<!tpu.dma_semaphore, #tpu.memory_space<semaphore_mem>>)
      } else {
      }
      %add3A_57 = arith.constant 1 : i32
      %add3A_58 = arith.addi %add3A_38, %add3A_57 : i32
      %dma_wait3A_59 = arith.constant 0 : i32
      %dma_wait3A_60 = arith.constant 0 : i32
      %dma_wait3A_61 = tpu.memref_slice %arg7[%dma_wait3A_59, %dma_wait3A_60] : memref<32x104xi32, #tpu.memory_space<vmem>> -> memref<1x104xi32, #tpu.memory_space<vmem>>
      %dma_wait3A_62 = tpu.memref_squeeze %dma_wait3A_61 : memref<1x104xi32, #tpu.memory_space<vmem>> -> memref<104xi32, #tpu.memory_space<vmem>>
      %dma_wait3A_63 = arith.constant 0 : i32
      %dma_wait3A_64 = arith.constant 0 : i32
      %dma_wait3A_65 = tpu.memref_slice %arg2[%dma_wait3A_63, %dma_wait3A_64] : memref<125440x128xf32, #tpu.memory_space<hbm>> -> memref<125440x128xf32, #tpu.memory_space<hbm>>
      tpu.wait_indirect_dma semaphore(%arg16 : memref<!tpu.dma_semaphore, #tpu.memory_space<semaphore_mem>>) src(%dma_wait3A_65 : memref<125440x128xf32, #tpu.memory_space<hbm>>) dst(%arg12 : memref<104x128xf32, #tpu.memory_space<vmem>>)
      %scan3A_66 = arith.constant 0 : i32
      %scan3A_67 = arith.constant 0 : i32
      %scan3A_68 = arith.constant 4 : i32
      %scan3A_69 = arith.addi %scan3A_67, %scan3A_68 : i32
      %scan3A_70 = arith.constant 1 : i32
      scf.for %scan3A_123 = %scan3A_67 to %scan3A_69 step %scan3A_70  : i32 {
        %mul3A_124 = arith.constant 4 : i32
        %mul3A_125 = arith.muli %add3A_58, %mul3A_124 : i32
        %add3A_126 = arith.addi %mul3A_125, %scan3A_123 : i32
        %get3A = arith.index_cast %add3A_126 : i32 to index
        %get3A_127 = arith.constant 0 : index
        %get3A_128 = tpu.vector_load %arg8[%get3A, %get3A_127] {strides = array<i32>} : memref<128x32xf32, #tpu.memory_space<vmem>>, vector<16xf32>,
        %get3A_129 = arith.index_cast %add3A_126 : i32 to index
        %get3A_130 = arith.constant 16 : index
        %get3A_131 = tpu.vector_load %arg8[%get3A_129, %get3A_130] {strides = array<i32>} : memref<128x32xf32, #tpu.memory_space<vmem>>, vector<16xf32>,
        %get3A_132 = arith.index_cast %add3A_126 : i32 to index
        %get3A_133 = arith.constant 0 : index
        %get3A_134 = tpu.vector_load %arg9[%get3A_132, %get3A_133] {strides = array<i32>} : memref<128x32xi32, #tpu.memory_space<vmem>>, vector<16xi32>,
        %get3A_135 = arith.index_cast %add3A_126 : i32 to index
        %get3A_136 = arith.constant 16 : index
        %get3A_137 = tpu.vector_load %arg9[%get3A_135, %get3A_136] {strides = array<i32>} : memref<128x32xi32, #tpu.memory_space<vmem>>, vector<16xi32>,
        %broadcast_in_dim3A = arith.constant 0.000000e+00 : f32
        %broadcast_in_dim3A_138 = vector.broadcast %broadcast_in_dim3A : f32 to vector<16xf32>
        %broadcast_in_dim3A_139 = arith.constant 0.000000e+00 : f32
        %broadcast_in_dim3A_140 = vector.broadcast %broadcast_in_dim3A_139 : f32 to vector<16xf32>
        %mul3A_141 = arith.constant 26 : i32
        %mul3A_142 = arith.muli %scan3A_123, %mul3A_141 : i32
        %add3A_143 = arith.constant 0 : i32
        %add3A_144 = arith.addi %mul3A_142, %add3A_143 : i32
        %broadcast_in_dim3A_145 = arith.constant 0 : i32
        %broadcast_in_dim3A_146 = vector.broadcast %broadcast_in_dim3A_145 : i32 to vector<16x1xi32>
        %gather3A = vector.shape_cast %broadcast_in_dim3A_146 : vector<16x1xi32> to vector<16xi32>
        %gather3A_147 = tpu.dynamic_gather %get3A_134[%gather3A] in [0] : vector<16xi32>, vector<16xi32> -> vector<16xi32>
        %add3A_148 = arith.addi %gather3A_147, %iota3A : vector<16xi32>
        %broadcast_in_dim3A_149 = vector.broadcast %add3A_144 : i32 to vector<16xi32>
        %gather3A_150 = tpu.vector_load_idx %arg12[%broadcast_in_dim3A_149, %add3A_148] : memref<104x128xf32, #tpu.memory_space<vmem>>[vector<16xi32>, vector<16xi32>], vector<16xf32>,
        %broadcast_in_dim3A_151 = arith.constant 0 : i32
        %broadcast_in_dim3A_152 = vector.broadcast %broadcast_in_dim3A_151 : i32 to vector<16x1xi32>
        %gather3A_153 = vector.shape_cast %broadcast_in_dim3A_152 : vector<16x1xi32> to vector<16xi32>
        %gather3A_154 = tpu.dynamic_gather %get3A_128[%gather3A_153] in [0] : vector<16xf32>, vector<16xi32> -> vector<16xf32>
        %mul3A_155 = arith.mulf %gather3A_154, %gather3A_150 : vector<16xf32>
        %add3A_156 = arith.addf %broadcast_in_dim3A_138, %mul3A_155 : vector<16xf32>
        %mul3A_157 = arith.mulf %mul3A_155, %mul3A_155 : vector<16xf32>
        %add3A_158 = arith.addf %broadcast_in_dim3A_140, %mul3A_157 : vector<16xf32>
        %mul3A_159 = arith.constant 26 : i32
        %mul3A_160 = arith.muli %scan3A_123, %mul3A_159 : i32
        %add3A_161 = arith.constant 1 : i32
        %add3A_162 = arith.addi %mul3A_160, %add3A_161 : i32
        %broadcast_in_dim3A_163 = arith.constant 1 : i32
        %broadcast_in_dim3A_164 = vector.broadcast %broadcast_in_dim3A_163 : i32 to vector<16x1xi32>
        %gather3A_165 = vector.shape_cast %broadcast_in_dim3A_164 : vector<16x1xi32> to vector<16xi32>
        %gather3A_166 = tpu.dynamic_gather %get3A_134[%gather3A_165] in [0] : vector<16xi32>, vector<16xi32> -> vector<16xi32>
        %add3A_167 = arith.addi %gather3A_166, %iota3A : vector<16xi32>
        %broadcast_in_dim3A_168 = vector.broadcast %add3A_162 : i32 to vector<16xi32>
        %gather3A_169 = tpu.vector_load_idx %arg12[%broadcast_in_dim3A_168, %add3A_167] : memref<104x128xf32, #tpu.memory_space<vmem>>[vector<16xi32>, vector<16xi32>], vector<16xf32>,
        %broadcast_in_dim3A_170 = arith.constant 1 : i32
        %broadcast_in_dim3A_171 = vector.broadcast %broadcast_in_dim3A_170 : i32 to vector<16x1xi32>
        %gather3A_172 = vector.shape_cast %broadcast_in_dim3A_171 : vector<16x1xi32> to vector<16xi32>
        %gather3A_173 = tpu.dynamic_gather %get3A_128[%gather3A_172] in [0] : vector<16xf32>, vector<16xi32> -> vector<16xf32>
        %mul3A_174 = arith.mulf %gather3A_173, %gather3A_169 : vector<16xf32>
        %add3A_175 = arith.addf %add3A_156, %mul3A_174 : vector<16xf32>
        %mul3A_176 = arith.mulf %mul3A_174, %mul3A_174 : vector<16xf32>
        %add3A_177 = arith.addf %add3A_158, %mul3A_176 : vector<16xf32>
        %mul3A_178 = arith.constant 26 : i32
        %mul3A_179 = arith.muli %scan3A_123, %mul3A_178 : i32
        %add3A_180 = arith.constant 2 : i32
        %add3A_181 = arith.addi %mul3A_179, %add3A_180 : i32
        %broadcast_in_dim3A_182 = arith.constant 2 : i32
        %broadcast_in_dim3A_183 = vector.broadcast %broadcast_in_dim3A_182 : i32 to vector<16x1xi32>
        %gather3A_184 = vector.shape_cast %broadcast_in_dim3A_183 : vector<16x1xi32> to vector<16xi32>
        %gather3A_185 = tpu.dynamic_gather %get3A_134[%gather3A_184] in [0] : vector<16xi32>, vector<16xi32> -> vector<16xi32>
        %add3A_186 = arith.addi %gather3A_185, %iota3A : vector<16xi32>
        %broadcast_in_dim3A_187 = vector.broadcast %add3A_181 : i32 to vector<16xi32>
        %gather3A_188 = tpu.vector_load_idx %arg12[%broadcast_in_dim3A_187, %add3A_186] : memref<104x128xf32, #tpu.memory_space<vmem>>[vector<16xi32>, vector<16xi32>], vector<16xf32>,
        %broadcast_in_dim3A_189 = arith.constant 2 : i32
        %broadcast_in_dim3A_190 = vector.broadcast %broadcast_in_dim3A_189 : i32 to vector<16x1xi32>
        %gather3A_191 = vector.shape_cast %broadcast_in_dim3A_190 : vector<16x1xi32> to vector<16xi32>
        %gather3A_192 = tpu.dynamic_gather %get3A_128[%gather3A_191] in [0] : vector<16xf32>, vector<16xi32> -> vector<16xf32>
        %mul3A_193 = arith.mulf %gather3A_192, %gather3A_188 : vector<16xf32>
        %add3A_194 = arith.addf %add3A_175, %mul3A_193 : vector<16xf32>
        %mul3A_195 = arith.mulf %mul3A_193, %mul3A_193 : vector<16xf32>
        %add3A_196 = arith.addf %add3A_177, %mul3A_195 : vector<16xf32>
        %mul3A_197 = arith.constant 26 : i32
        %mul3A_198 = arith.muli %scan3A_123, %mul3A_197 : i32
        %add3A_199 = arith.constant 3 : i32
        %add3A_200 = arith.addi %mul3A_198, %add3A_199 : i32
        %broadcast_in_dim3A_201 = arith.constant 3 : i32
        %broadcast_in_dim3A_202 = vector.broadcast %broadcast_in_dim3A_201 : i32 to vector<16x1xi32>
        %gather3A_203 = vector.shape_cast %broadcast_in_dim3A_202 : vector<16x1xi32> to vector<16xi32>
        %gather3A_204 = tpu.dynamic_gather %get3A_134[%gather3A_203] in [0] : vector<16xi32>, vector<16xi32> -> vector<16xi32>
        %add3A_205 = arith.addi %gather3A_204, %iota3A : vector<16xi32>
        %broadcast_in_dim3A_206 = vector.broadcast %add3A_200 : i32 to vector<16xi32>
        %gather3A_207 = tpu.vector_load_idx %arg12[%broadcast_in_dim3A_206, %add3A_205] : memref<104x128xf32, #tpu.memory_space<vmem>>[vector<16xi32>, vector<16xi32>], vector<16xf32>,
        %broadcast_in_dim3A_208 = arith.constant 3 : i32
        %broadcast_in_dim3A_209 = vector.broadcast %broadcast_in_dim3A_208 : i32 to vector<16x1xi32>
        %gather3A_210 = vector.shape_cast %broadcast_in_dim3A_209 : vector<16x1xi32> to vector<16xi32>
        %gather3A_211 = tpu.dynamic_gather %get3A_128[%gather3A_210] in [0] : vector<16xf32>, vector<16xi32> -> vector<16xf32>
        %mul3A_212 = arith.mulf %gather3A_211, %gather3A_207 : vector<16xf32>
        %add3A_213 = arith.addf %add3A_194, %mul3A_212 : vector<16xf32>
        %mul3A_214 = arith.mulf %mul3A_212, %mul3A_212 : vector<16xf32>
        %add3A_215 = arith.addf %add3A_196, %mul3A_214 : vector<16xf32>
        %mul3A_216 = arith.constant 26 : i32
        %mul3A_217 = arith.muli %scan3A_123, %mul3A_216 : i32
        %add3A_218 = arith.constant 4 : i32
        %add3A_219 = arith.addi %mul3A_217, %add3A_218 : i32
        %broadcast_in_dim3A_220 = arith.constant 4 : i32
        %broadcast_in_dim3A_221 = vector.broadcast %broadcast_in_dim3A_220 : i32 to vector<16x1xi32>
        %gather3A_222 = vector.shape_cast %broadcast_in_dim3A_221 : vector<16x1xi32> to vector<16xi32>
        %gather3A_223 = tpu.dynamic_gather %get3A_134[%gather3A_222] in [0] : vector<16xi32>, vector<16xi32> -> vector<16xi32>
        %add3A_224 = arith.addi %gather3A_223, %iota3A : vector<16xi32>
        %broadcast_in_dim3A_225 = vector.broadcast %add3A_219 : i32 to vector<16xi32>
        %gather3A_226 = tpu.vector_load_idx %arg12[%broadcast_in_dim3A_225, %add3A_224] : memref<104x128xf32, #tpu.memory_space<vmem>>[vector<16xi32>, vector<16xi32>], vector<16xf32>,
        %broadcast_in_dim3A_227 = arith.constant 4 : i32
        %broadcast_in_dim3A_228 = vector.broadcast %broadcast_in_dim3A_227 : i32 to vector<16x1xi32>
        %gather3A_229 = vector.shape_cast %broadcast_in_dim3A_228 : vector<16x1xi32> to vector<16xi32>
        %gather3A_230 = tpu.dynamic_gather %get3A_128[%gather3A_229] in [0] : vector<16xf32>, vector<16xi32> -> vector<16xf32>
        %mul3A_231 = arith.mulf %gather3A_230, %gather3A_226 : vector<16xf32>
        %add3A_232 = arith.addf %add3A_213, %mul3A_231 : vector<16xf32>
        %mul3A_233 = arith.mulf %mul3A_231, %mul3A_231 : vector<16xf32>
        %add3A_234 = arith.addf %add3A_215, %mul3A_233 : vector<16xf32>
        %mul3A_235 = arith.constant 26 : i32
        %mul3A_236 = arith.muli %scan3A_123, %mul3A_235 : i32
        %add3A_237 = arith.constant 5 : i32
        %add3A_238 = arith.addi %mul3A_236, %add3A_237 : i32
        %broadcast_in_dim3A_239 = arith.constant 5 : i32
        %broadcast_in_dim3A_240 = vector.broadcast %broadcast_in_dim3A_239 : i32 to vector<16x1xi32>
        %gather3A_241 = vector.shape_cast %broadcast_in_dim3A_240 : vector<16x1xi32> to vector<16xi32>
        %gather3A_242 = tpu.dynamic_gather %get3A_134[%gather3A_241] in [0] : vector<16xi32>, vector<16xi32> -> vector<16xi32>
        %add3A_243 = arith.addi %gather3A_242, %iota3A : vector<16xi32>
        %broadcast_in_dim3A_244 = vector.broadcast %add3A_238 : i32 to vector<16xi32>
        %gather3A_245 = tpu.vector_load_idx %arg12[%broadcast_in_dim3A_244, %add3A_243] : memref<104x128xf32, #tpu.memory_space<vmem>>[vector<16xi32>, vector<16xi32>], vector<16xf32>,
        %broadcast_in_dim3A_246 = arith.constant 5 : i32
        %broadcast_in_dim3A_247 = vector.broadcast %broadcast_in_dim3A_246 : i32 to vector<16x1xi32>
        %gather3A_248 = vector.shape_cast %broadcast_in_dim3A_247 : vector<16x1xi32> to vector<16xi32>
        %gather3A_249 = tpu.dynamic_gather %get3A_128[%gather3A_248] in [0] : vector<16xf32>, vector<16xi32> -> vector<16xf32>
        %mul3A_250 = arith.mulf %gather3A_249, %gather3A_245 : vector<16xf32>
        %add3A_251 = arith.addf %add3A_232, %mul3A_250 : vector<16xf32>
        %mul3A_252 = arith.mulf %mul3A_250, %mul3A_250 : vector<16xf32>
        %add3A_253 = arith.addf %add3A_234, %mul3A_252 : vector<16xf32>
        %mul3A_254 = arith.constant 26 : i32
        %mul3A_255 = arith.muli %scan3A_123, %mul3A_254 : i32
        %add3A_256 = arith.constant 6 : i32
        %add3A_257 = arith.addi %mul3A_255, %add3A_256 : i32
        %broadcast_in_dim3A_258 = arith.constant 6 : i32
        %broadcast_in_dim3A_259 = vector.broadcast %broadcast_in_dim3A_258 : i32 to vector<16x1xi32>
        %gather3A_260 = vector.shape_cast %broadcast_in_dim3A_259 : vector<16x1xi32> to vector<16xi32>
        %gather3A_261 = tpu.dynamic_gather %get3A_134[%gather3A_260] in [0] : vector<16xi32>, vector<16xi32> -> vector<16xi32>
        %add3A_262 = arith.addi %gather3A_261, %iota3A : vector<16xi32>
        %broadcast_in_dim3A_263 = vector.broadcast %add3A_257 : i32 to vector<16xi32>
        %gather3A_264 = tpu.vector_load_idx %arg12[%broadcast_in_dim3A_263, %add3A_262] : memref<104x128xf32, #tpu.memory_space<vmem>>[vector<16xi32>, vector<16xi32>], vector<16xf32>,
        %broadcast_in_dim3A_265 = arith.constant 6 : i32
        %broadcast_in_dim3A_266 = vector.broadcast %broadcast_in_dim3A_265 : i32 to vector<16x1xi32>
        %gather3A_267 = vector.shape_cast %broadcast_in_dim3A_266 : vector<16x1xi32> to vector<16xi32>
        %gather3A_268 = tpu.dynamic_gather %get3A_128[%gather3A_267] in [0] : vector<16xf32>, vector<16xi32> -> vector<16xf32>
        %mul3A_269 = arith.mulf %gather3A_268, %gather3A_264 : vector<16xf32>
        %add3A_270 = arith.addf %add3A_251, %mul3A_269 : vector<16xf32>
        %mul3A_271 = arith.mulf %mul3A_269, %mul3A_269 : vector<16xf32>
        %add3A_272 = arith.addf %add3A_253, %mul3A_271 : vector<16xf32>
        %mul3A_273 = arith.constant 26 : i32
        %mul3A_274 = arith.muli %scan3A_123, %mul3A_273 : i32
        %add3A_275 = arith.constant 7 : i32
        %add3A_276 = arith.addi %mul3A_274, %add3A_275 : i32
        %broadcast_in_dim3A_277 = arith.constant 7 : i32
        %broadcast_in_dim3A_278 = vector.broadcast %broadcast_in_dim3A_277 : i32 to vector<16x1xi32>
        %gather3A_279 = vector.shape_cast %broadcast_in_dim3A_278 : vector<16x1xi32> to vector<16xi32>
        %gather3A_280 = tpu.dynamic_gather %get3A_134[%gather3A_279] in [0] : vector<16xi32>, vector<16xi32> -> vector<16xi32>
        %add3A_281 = arith.addi %gather3A_280, %iota3A : vector<16xi32>
        %broadcast_in_dim3A_282 = vector.broadcast %add3A_276 : i32 to vector<16xi32>
        %gather3A_283 = tpu.vector_load_idx %arg12[%broadcast_in_dim3A_282, %add3A_281] : memref<104x128xf32, #tpu.memory_space<vmem>>[vector<16xi32>, vector<16xi32>], vector<16xf32>,
        %broadcast_in_dim3A_284 = arith.constant 7 : i32
        %broadcast_in_dim3A_285 = vector.broadcast %broadcast_in_dim3A_284 : i32 to vector<16x1xi32>
        %gather3A_286 = vector.shape_cast %broadcast_in_dim3A_285 : vector<16x1xi32> to vector<16xi32>
        %gather3A_287 = tpu.dynamic_gather %get3A_128[%gather3A_286] in [0] : vector<16xf32>, vector<16xi32> -> vector<16xf32>
        %mul3A_288 = arith.mulf %gather3A_287, %gather3A_283 : vector<16xf32>
        %add3A_289 = arith.addf %add3A_270, %mul3A_288 : vector<16xf32>
        %mul3A_290 = arith.mulf %mul3A_288, %mul3A_288 : vector<16xf32>
        %add3A_291 = arith.addf %add3A_272, %mul3A_290 : vector<16xf32>
        %mul3A_292 = arith.constant 26 : i32
        %mul3A_293 = arith.muli %scan3A_123, %mul3A_292 : i32
        %add3A_294 = arith.constant 8 : i32
        %add3A_295 = arith.addi %mul3A_293, %add3A_294 : i32
        %broadcast_in_dim3A_296 = arith.constant 8 : i32
        %broadcast_in_dim3A_297 = vector.broadcast %broadcast_in_dim3A_296 : i32 to vector<16x1xi32>
        %gather3A_298 = vector.shape_cast %broadcast_in_dim3A_297 : vector<16x1xi32> to vector<16xi32>
        %gather3A_299 = tpu.dynamic_gather %get3A_134[%gather3A_298] in [0] : vector<16xi32>, vector<16xi32> -> vector<16xi32>
        %add3A_300 = arith.addi %gather3A_299, %iota3A : vector<16xi32>
        %broadcast_in_dim3A_301 = vector.broadcast %add3A_295 : i32 to vector<16xi32>
        %gather3A_302 = tpu.vector_load_idx %arg12[%broadcast_in_dim3A_301, %add3A_300] : memref<104x128xf32, #tpu.memory_space<vmem>>[vector<16xi32>, vector<16xi32>], vector<16xf32>,
        %broadcast_in_dim3A_303 = arith.constant 8 : i32
        %broadcast_in_dim3A_304 = vector.broadcast %broadcast_in_dim3A_303 : i32 to vector<16x1xi32>
        %gather3A_305 = vector.shape_cast %broadcast_in_dim3A_304 : vector<16x1xi32> to vector<16xi32>
        %gather3A_306 = tpu.dynamic_gather %get3A_128[%gather3A_305] in [0] : vector<16xf32>, vector<16xi32> -> vector<16xf32>
        %mul3A_307 = arith.mulf %gather3A_306, %gather3A_302 : vector<16xf32>
        %add3A_308 = arith.addf %add3A_289, %mul3A_307 : vector<16xf32>
        %mul3A_309 = arith.mulf %mul3A_307, %mul3A_307 : vector<16xf32>
        %add3A_310 = arith.addf %add3A_291, %mul3A_309 : vector<16xf32>
        %mul3A_311 = arith.constant 26 : i32
        %mul3A_312 = arith.muli %scan3A_123, %mul3A_311 : i32
        %add3A_313 = arith.constant 9 : i32
        %add3A_314 = arith.addi %mul3A_312, %add3A_313 : i32
        %broadcast_in_dim3A_315 = arith.constant 9 : i32
        %broadcast_in_dim3A_316 = vector.broadcast %broadcast_in_dim3A_315 : i32 to vector<16x1xi32>
        %gather3A_317 = vector.shape_cast %broadcast_in_dim3A_316 : vector<16x1xi32> to vector<16xi32>
        %gather3A_318 = tpu.dynamic_gather %get3A_134[%gather3A_317] in [0] : vector<16xi32>, vector<16xi32> -> vector<16xi32>
        %add3A_319 = arith.addi %gather3A_318, %iota3A : vector<16xi32>
        %broadcast_in_dim3A_320 = vector.broadcast %add3A_314 : i32 to vector<16xi32>
        %gather3A_321 = tpu.vector_load_idx %arg12[%broadcast_in_dim3A_320, %add3A_319] : memref<104x128xf32, #tpu.memory_space<vmem>>[vector<16xi32>, vector<16xi32>], vector<16xf32>,
        %broadcast_in_dim3A_322 = arith.constant 9 : i32
        %broadcast_in_dim3A_323 = vector.broadcast %broadcast_in_dim3A_322 : i32 to vector<16x1xi32>
        %gather3A_324 = vector.shape_cast %broadcast_in_dim3A_323 : vector<16x1xi32> to vector<16xi32>
        %gather3A_325 = tpu.dynamic_gather %get3A_128[%gather3A_324] in [0] : vector<16xf32>, vector<16xi32> -> vector<16xf32>
        %mul3A_326 = arith.mulf %gather3A_325, %gather3A_321 : vector<16xf32>
        %add3A_327 = arith.addf %add3A_308, %mul3A_326 : vector<16xf32>
        %mul3A_328 = arith.mulf %mul3A_326, %mul3A_326 : vector<16xf32>
        %add3A_329 = arith.addf %add3A_310, %mul3A_328 : vector<16xf32>
        %mul3A_330 = arith.constant 26 : i32
        %mul3A_331 = arith.muli %scan3A_123, %mul3A_330 : i32
        %add3A_332 = arith.constant 10 : i32
        %add3A_333 = arith.addi %mul3A_331, %add3A_332 : i32
        %broadcast_in_dim3A_334 = arith.constant 10 : i32
        %broadcast_in_dim3A_335 = vector.broadcast %broadcast_in_dim3A_334 : i32 to vector<16x1xi32>
        %gather3A_336 = vector.shape_cast %broadcast_in_dim3A_335 : vector<16x1xi32> to vector<16xi32>
        %gather3A_337 = tpu.dynamic_gather %get3A_134[%gather3A_336] in [0] : vector<16xi32>, vector<16xi32> -> vector<16xi32>
        %add3A_338 = arith.addi %gather3A_337, %iota3A : vector<16xi32>
        %broadcast_in_dim3A_339 = vector.broadcast %add3A_333 : i32 to vector<16xi32>
        %gather3A_340 = tpu.vector_load_idx %arg12[%broadcast_in_dim3A_339, %add3A_338] : memref<104x128xf32, #tpu.memory_space<vmem>>[vector<16xi32>, vector<16xi32>], vector<16xf32>,
        %broadcast_in_dim3A_341 = arith.constant 10 : i32
        %broadcast_in_dim3A_342 = vector.broadcast %broadcast_in_dim3A_341 : i32 to vector<16x1xi32>
        %gather3A_343 = vector.shape_cast %broadcast_in_dim3A_342 : vector<16x1xi32> to vector<16xi32>
        %gather3A_344 = tpu.dynamic_gather %get3A_128[%gather3A_343] in [0] : vector<16xf32>, vector<16xi32> -> vector<16xf32>
        %mul3A_345 = arith.mulf %gather3A_344, %gather3A_340 : vector<16xf32>
        %add3A_346 = arith.addf %add3A_327, %mul3A_345 : vector<16xf32>
        %mul3A_347 = arith.mulf %mul3A_345, %mul3A_345 : vector<16xf32>
        %add3A_348 = arith.addf %add3A_329, %mul3A_347 : vector<16xf32>
        %mul3A_349 = arith.constant 26 : i32
        %mul3A_350 = arith.muli %scan3A_123, %mul3A_349 : i32
        %add3A_351 = arith.constant 11 : i32
        %add3A_352 = arith.addi %mul3A_350, %add3A_351 : i32
        %broadcast_in_dim3A_353 = arith.constant 11 : i32
        %broadcast_in_dim3A_354 = vector.broadcast %broadcast_in_dim3A_353 : i32 to vector<16x1xi32>
        %gather3A_355 = vector.shape_cast %broadcast_in_dim3A_354 : vector<16x1xi32> to vector<16xi32>
        %gather3A_356 = tpu.dynamic_gather %get3A_134[%gather3A_355] in [0] : vector<16xi32>, vector<16xi32> -> vector<16xi32>
        %add3A_357 = arith.addi %gather3A_356, %iota3A : vector<16xi32>
        %broadcast_in_dim3A_358 = vector.broadcast %add3A_352 : i32 to vector<16xi32>
        %gather3A_359 = tpu.vector_load_idx %arg12[%broadcast_in_dim3A_358, %add3A_357] : memref<104x128xf32, #tpu.memory_space<vmem>>[vector<16xi32>, vector<16xi32>], vector<16xf32>,
        %broadcast_in_dim3A_360 = arith.constant 11 : i32
        %broadcast_in_dim3A_361 = vector.broadcast %broadcast_in_dim3A_360 : i32 to vector<16x1xi32>
        %gather3A_362 = vector.shape_cast %broadcast_in_dim3A_361 : vector<16x1xi32> to vector<16xi32>
        %gather3A_363 = tpu.dynamic_gather %get3A_128[%gather3A_362] in [0] : vector<16xf32>, vector<16xi32> -> vector<16xf32>
        %mul3A_364 = arith.mulf %gather3A_363, %gather3A_359 : vector<16xf32>
        %add3A_365 = arith.addf %add3A_346, %mul3A_364 : vector<16xf32>
        %mul3A_366 = arith.mulf %mul3A_364, %mul3A_364 : vector<16xf32>
        %add3A_367 = arith.addf %add3A_348, %mul3A_366 : vector<16xf32>
        %mul3A_368 = arith.constant 26 : i32
        %mul3A_369 = arith.muli %scan3A_123, %mul3A_368 : i32
        %add3A_370 = arith.constant 12 : i32
        %add3A_371 = arith.addi %mul3A_369, %add3A_370 : i32
        %broadcast_in_dim3A_372 = arith.constant 12 : i32
        %broadcast_in_dim3A_373 = vector.broadcast %broadcast_in_dim3A_372 : i32 to vector<16x1xi32>
        %gather3A_374 = vector.shape_cast %broadcast_in_dim3A_373 : vector<16x1xi32> to vector<16xi32>
        %gather3A_375 = tpu.dynamic_gather %get3A_134[%gather3A_374] in [0] : vector<16xi32>, vector<16xi32> -> vector<16xi32>
        %add3A_376 = arith.addi %gather3A_375, %iota3A : vector<16xi32>
        %broadcast_in_dim3A_377 = vector.broadcast %add3A_371 : i32 to vector<16xi32>
        %gather3A_378 = tpu.vector_load_idx %arg12[%broadcast_in_dim3A_377, %add3A_376] : memref<104x128xf32, #tpu.memory_space<vmem>>[vector<16xi32>, vector<16xi32>], vector<16xf32>,
        %broadcast_in_dim3A_379 = arith.constant 12 : i32
        %broadcast_in_dim3A_380 = vector.broadcast %broadcast_in_dim3A_379 : i32 to vector<16x1xi32>
        %gather3A_381 = vector.shape_cast %broadcast_in_dim3A_380 : vector<16x1xi32> to vector<16xi32>
        %gather3A_382 = tpu.dynamic_gather %get3A_128[%gather3A_381] in [0] : vector<16xf32>, vector<16xi32> -> vector<16xf32>
        %mul3A_383 = arith.mulf %gather3A_382, %gather3A_378 : vector<16xf32>
        %add3A_384 = arith.addf %add3A_365, %mul3A_383 : vector<16xf32>
        %mul3A_385 = arith.mulf %mul3A_383, %mul3A_383 : vector<16xf32>
        %add3A_386 = arith.addf %add3A_367, %mul3A_385 : vector<16xf32>
        %mul3A_387 = arith.constant 26 : i32
        %mul3A_388 = arith.muli %scan3A_123, %mul3A_387 : i32
        %add3A_389 = arith.constant 13 : i32
        %add3A_390 = arith.addi %mul3A_388, %add3A_389 : i32
        %broadcast_in_dim3A_391 = arith.constant 13 : i32
        %broadcast_in_dim3A_392 = vector.broadcast %broadcast_in_dim3A_391 : i32 to vector<16x1xi32>
        %gather3A_393 = vector.shape_cast %broadcast_in_dim3A_392 : vector<16x1xi32> to vector<16xi32>
        %gather3A_394 = tpu.dynamic_gather %get3A_134[%gather3A_393] in [0] : vector<16xi32>, vector<16xi32> -> vector<16xi32>
        %add3A_395 = arith.addi %gather3A_394, %iota3A : vector<16xi32>
        %broadcast_in_dim3A_396 = vector.broadcast %add3A_390 : i32 to vector<16xi32>
        %gather3A_397 = tpu.vector_load_idx %arg12[%broadcast_in_dim3A_396, %add3A_395] : memref<104x128xf32, #tpu.memory_space<vmem>>[vector<16xi32>, vector<16xi32>], vector<16xf32>,
        %broadcast_in_dim3A_398 = arith.constant 13 : i32
        %broadcast_in_dim3A_399 = vector.broadcast %broadcast_in_dim3A_398 : i32 to vector<16x1xi32>
        %gather3A_400 = vector.shape_cast %broadcast_in_dim3A_399 : vector<16x1xi32> to vector<16xi32>
        %gather3A_401 = tpu.dynamic_gather %get3A_128[%gather3A_400] in [0] : vector<16xf32>, vector<16xi32> -> vector<16xf32>
        %mul3A_402 = arith.mulf %gather3A_401, %gather3A_397 : vector<16xf32>
        %add3A_403 = arith.addf %add3A_384, %mul3A_402 : vector<16xf32>
        %mul3A_404 = arith.mulf %mul3A_402, %mul3A_402 : vector<16xf32>
        %add3A_405 = arith.addf %add3A_386, %mul3A_404 : vector<16xf32>
        %mul3A_406 = arith.constant 26 : i32
        %mul3A_407 = arith.muli %scan3A_123, %mul3A_406 : i32
        %add3A_408 = arith.constant 14 : i32
        %add3A_409 = arith.addi %mul3A_407, %add3A_408 : i32
        %broadcast_in_dim3A_410 = arith.constant 14 : i32
        %broadcast_in_dim3A_411 = vector.broadcast %broadcast_in_dim3A_410 : i32 to vector<16x1xi32>
        %gather3A_412 = vector.shape_cast %broadcast_in_dim3A_411 : vector<16x1xi32> to vector<16xi32>
        %gather3A_413 = tpu.dynamic_gather %get3A_134[%gather3A_412] in [0] : vector<16xi32>, vector<16xi32> -> vector<16xi32>
        %add3A_414 = arith.addi %gather3A_413, %iota3A : vector<16xi32>
        %broadcast_in_dim3A_415 = vector.broadcast %add3A_409 : i32 to vector<16xi32>
        %gather3A_416 = tpu.vector_load_idx %arg12[%broadcast_in_dim3A_415, %add3A_414] : memref<104x128xf32, #tpu.memory_space<vmem>>[vector<16xi32>, vector<16xi32>], vector<16xf32>,
        %broadcast_in_dim3A_417 = arith.constant 14 : i32
        %broadcast_in_dim3A_418 = vector.broadcast %broadcast_in_dim3A_417 : i32 to vector<16x1xi32>
        %gather3A_419 = vector.shape_cast %broadcast_in_dim3A_418 : vector<16x1xi32> to vector<16xi32>
        %gather3A_420 = tpu.dynamic_gather %get3A_128[%gather3A_419] in [0] : vector<16xf32>, vector<16xi32> -> vector<16xf32>
        %mul3A_421 = arith.mulf %gather3A_420, %gather3A_416 : vector<16xf32>
        %add3A_422 = arith.addf %add3A_403, %mul3A_421 : vector<16xf32>
        %mul3A_423 = arith.mulf %mul3A_421, %mul3A_421 : vector<16xf32>
        %add3A_424 = arith.addf %add3A_405, %mul3A_423 : vector<16xf32>
        %mul3A_425 = arith.constant 26 : i32
        %mul3A_426 = arith.muli %scan3A_123, %mul3A_425 : i32
        %add3A_427 = arith.constant 15 : i32
        %add3A_428 = arith.addi %mul3A_426, %add3A_427 : i32
        %broadcast_in_dim3A_429 = arith.constant 15 : i32
        %broadcast_in_dim3A_430 = vector.broadcast %broadcast_in_dim3A_429 : i32 to vector<16x1xi32>
        %gather3A_431 = vector.shape_cast %broadcast_in_dim3A_430 : vector<16x1xi32> to vector<16xi32>
        %gather3A_432 = tpu.dynamic_gather %get3A_134[%gather3A_431] in [0] : vector<16xi32>, vector<16xi32> -> vector<16xi32>
        %add3A_433 = arith.addi %gather3A_432, %iota3A : vector<16xi32>
        %broadcast_in_dim3A_434 = vector.broadcast %add3A_428 : i32 to vector<16xi32>
        %gather3A_435 = tpu.vector_load_idx %arg12[%broadcast_in_dim3A_434, %add3A_433] : memref<104x128xf32, #tpu.memory_space<vmem>>[vector<16xi32>, vector<16xi32>], vector<16xf32>,
        %broadcast_in_dim3A_436 = arith.constant 15 : i32
        %broadcast_in_dim3A_437 = vector.broadcast %broadcast_in_dim3A_436 : i32 to vector<16x1xi32>
        %gather3A_438 = vector.shape_cast %broadcast_in_dim3A_437 : vector<16x1xi32> to vector<16xi32>
        %gather3A_439 = tpu.dynamic_gather %get3A_128[%gather3A_438] in [0] : vector<16xf32>, vector<16xi32> -> vector<16xf32>
        %mul3A_440 = arith.mulf %gather3A_439, %gather3A_435 : vector<16xf32>
        %add3A_441 = arith.addf %add3A_422, %mul3A_440 : vector<16xf32>
        %mul3A_442 = arith.mulf %mul3A_440, %mul3A_440 : vector<16xf32>
        %add3A_443 = arith.addf %add3A_424, %mul3A_442 : vector<16xf32>
        %mul3A_444 = arith.constant 26 : i32
        %mul3A_445 = arith.muli %scan3A_123, %mul3A_444 : i32
        %add3A_446 = arith.constant 16 : i32
        %add3A_447 = arith.addi %mul3A_445, %add3A_446 : i32
        %broadcast_in_dim3A_448 = arith.constant 0 : i32
        %broadcast_in_dim3A_449 = vector.broadcast %broadcast_in_dim3A_448 : i32 to vector<16x1xi32>
        %gather3A_450 = vector.shape_cast %broadcast_in_dim3A_449 : vector<16x1xi32> to vector<16xi32>
        %gather3A_451 = tpu.dynamic_gather %get3A_137[%gather3A_450] in [0] : vector<16xi32>, vector<16xi32> -> vector<16xi32>
        %add3A_452 = arith.addi %gather3A_451, %iota3A : vector<16xi32>
        %broadcast_in_dim3A_453 = vector.broadcast %add3A_447 : i32 to vector<16xi32>
        %gather3A_454 = tpu.vector_load_idx %arg12[%broadcast_in_dim3A_453, %add3A_452] : memref<104x128xf32, #tpu.memory_space<vmem>>[vector<16xi32>, vector<16xi32>], vector<16xf32>,
        %broadcast_in_dim3A_455 = arith.constant 0 : i32
        %broadcast_in_dim3A_456 = vector.broadcast %broadcast_in_dim3A_455 : i32 to vector<16x1xi32>
        %gather3A_457 = vector.shape_cast %broadcast_in_dim3A_456 : vector<16x1xi32> to vector<16xi32>
        %gather3A_458 = tpu.dynamic_gather %get3A_131[%gather3A_457] in [0] : vector<16xf32>, vector<16xi32> -> vector<16xf32>
        %mul3A_459 = arith.mulf %gather3A_458, %gather3A_454 : vector<16xf32>
        %add3A_460 = arith.addf %add3A_441, %mul3A_459 : vector<16xf32>
        %mul3A_461 = arith.mulf %mul3A_459, %mul3A_459 : vector<16xf32>
        %add3A_462 = arith.addf %add3A_443, %mul3A_461 : vector<16xf32>
        %mul3A_463 = arith.constant 26 : i32
        %mul3A_464 = arith.muli %scan3A_123, %mul3A_463 : i32
        %add3A_465 = arith.constant 17 : i32
        %add3A_466 = arith.addi %mul3A_464, %add3A_465 : i32
        %broadcast_in_dim3A_467 = arith.constant 1 : i32
        %broadcast_in_dim3A_468 = vector.broadcast %broadcast_in_dim3A_467 : i32 to vector<16x1xi32>
        %gather3A_469 = vector.shape_cast %broadcast_in_dim3A_468 : vector<16x1xi32> to vector<16xi32>
        %gather3A_470 = tpu.dynamic_gather %get3A_137[%gather3A_469] in [0] : vector<16xi32>, vector<16xi32> -> vector<16xi32>
        %add3A_471 = arith.addi %gather3A_470, %iota3A : vector<16xi32>
        %broadcast_in_dim3A_472 = vector.broadcast %add3A_466 : i32 to vector<16xi32>
        %gather3A_473 = tpu.vector_load_idx %arg12[%broadcast_in_dim3A_472, %add3A_471] : memref<104x128xf32, #tpu.memory_space<vmem>>[vector<16xi32>, vector<16xi32>], vector<16xf32>,
        %broadcast_in_dim3A_474 = arith.constant 1 : i32
        %broadcast_in_dim3A_475 = vector.broadcast %broadcast_in_dim3A_474 : i32 to vector<16x1xi32>
        %gather3A_476 = vector.shape_cast %broadcast_in_dim3A_475 : vector<16x1xi32> to vector<16xi32>
        %gather3A_477 = tpu.dynamic_gather %get3A_131[%gather3A_476] in [0] : vector<16xf32>, vector<16xi32> -> vector<16xf32>
        %mul3A_478 = arith.mulf %gather3A_477, %gather3A_473 : vector<16xf32>
        %add3A_479 = arith.addf %add3A_460, %mul3A_478 : vector<16xf32>
        %mul3A_480 = arith.mulf %mul3A_478, %mul3A_478 : vector<16xf32>
        %add3A_481 = arith.addf %add3A_462, %mul3A_480 : vector<16xf32>
        %mul3A_482 = arith.constant 26 : i32
        %mul3A_483 = arith.muli %scan3A_123, %mul3A_482 : i32
        %add3A_484 = arith.constant 18 : i32
        %add3A_485 = arith.addi %mul3A_483, %add3A_484 : i32
        %broadcast_in_dim3A_486 = arith.constant 2 : i32
        %broadcast_in_dim3A_487 = vector.broadcast %broadcast_in_dim3A_486 : i32 to vector<16x1xi32>
        %gather3A_488 = vector.shape_cast %broadcast_in_dim3A_487 : vector<16x1xi32> to vector<16xi32>
        %gather3A_489 = tpu.dynamic_gather %get3A_137[%gather3A_488] in [0] : vector<16xi32>, vector<16xi32> -> vector<16xi32>
        %add3A_490 = arith.addi %gather3A_489, %iota3A : vector<16xi32>
        %broadcast_in_dim3A_491 = vector.broadcast %add3A_485 : i32 to vector<16xi32>
        %gather3A_492 = tpu.vector_load_idx %arg12[%broadcast_in_dim3A_491, %add3A_490] : memref<104x128xf32, #tpu.memory_space<vmem>>[vector<16xi32>, vector<16xi32>], vector<16xf32>,
        %broadcast_in_dim3A_493 = arith.constant 2 : i32
        %broadcast_in_dim3A_494 = vector.broadcast %broadcast_in_dim3A_493 : i32 to vector<16x1xi32>
        %gather3A_495 = vector.shape_cast %broadcast_in_dim3A_494 : vector<16x1xi32> to vector<16xi32>
        %gather3A_496 = tpu.dynamic_gather %get3A_131[%gather3A_495] in [0] : vector<16xf32>, vector<16xi32> -> vector<16xf32>
        %mul3A_497 = arith.mulf %gather3A_496, %gather3A_492 : vector<16xf32>
        %add3A_498 = arith.addf %add3A_479, %mul3A_497 : vector<16xf32>
        %mul3A_499 = arith.mulf %mul3A_497, %mul3A_497 : vector<16xf32>
        %add3A_500 = arith.addf %add3A_481, %mul3A_499 : vector<16xf32>
        %mul3A_501 = arith.constant 26 : i32
        %mul3A_502 = arith.muli %scan3A_123, %mul3A_501 : i32
        %add3A_503 = arith.constant 19 : i32
        %add3A_504 = arith.addi %mul3A_502, %add3A_503 : i32
        %broadcast_in_dim3A_505 = arith.constant 3 : i32
        %broadcast_in_dim3A_506 = vector.broadcast %broadcast_in_dim3A_505 : i32 to vector<16x1xi32>
        %gather3A_507 = vector.shape_cast %broadcast_in_dim3A_506 : vector<16x1xi32> to vector<16xi32>
        %gather3A_508 = tpu.dynamic_gather %get3A_137[%gather3A_507] in [0] : vector<16xi32>, vector<16xi32> -> vector<16xi32>
        %add3A_509 = arith.addi %gather3A_508, %iota3A : vector<16xi32>
        %broadcast_in_dim3A_510 = vector.broadcast %add3A_504 : i32 to vector<16xi32>
        %gather3A_511 = tpu.vector_load_idx %arg12[%broadcast_in_dim3A_510, %add3A_509] : memref<104x128xf32, #tpu.memory_space<vmem>>[vector<16xi32>, vector<16xi32>], vector<16xf32>,
        %broadcast_in_dim3A_512 = arith.constant 3 : i32
        %broadcast_in_dim3A_513 = vector.broadcast %broadcast_in_dim3A_512 : i32 to vector<16x1xi32>
        %gather3A_514 = vector.shape_cast %broadcast_in_dim3A_513 : vector<16x1xi32> to vector<16xi32>
        %gather3A_515 = tpu.dynamic_gather %get3A_131[%gather3A_514] in [0] : vector<16xf32>, vector<16xi32> -> vector<16xf32>
        %mul3A_516 = arith.mulf %gather3A_515, %gather3A_511 : vector<16xf32>
        %add3A_517 = arith.addf %add3A_498, %mul3A_516 : vector<16xf32>
        %mul3A_518 = arith.mulf %mul3A_516, %mul3A_516 : vector<16xf32>
        %add3A_519 = arith.addf %add3A_500, %mul3A_518 : vector<16xf32>
        %mul3A_520 = arith.constant 26 : i32
        %mul3A_521 = arith.muli %scan3A_123, %mul3A_520 : i32
        %add3A_522 = arith.constant 20 : i32
        %add3A_523 = arith.addi %mul3A_521, %add3A_522 : i32
        %broadcast_in_dim3A_524 = arith.constant 4 : i32
        %broadcast_in_dim3A_525 = vector.broadcast %broadcast_in_dim3A_524 : i32 to vector<16x1xi32>
        %gather3A_526 = vector.shape_cast %broadcast_in_dim3A_525 : vector<16x1xi32> to vector<16xi32>
        %gather3A_527 = tpu.dynamic_gather %get3A_137[%gather3A_526] in [0] : vector<16xi32>, vector<16xi32> -> vector<16xi32>
        %add3A_528 = arith.addi %gather3A_527, %iota3A : vector<16xi32>
        %broadcast_in_dim3A_529 = vector.broadcast %add3A_523 : i32 to vector<16xi32>
        %gather3A_530 = tpu.vector_load_idx %arg12[%broadcast_in_dim3A_529, %add3A_528] : memref<104x128xf32, #tpu.memory_space<vmem>>[vector<16xi32>, vector<16xi32>], vector<16xf32>,
        %broadcast_in_dim3A_531 = arith.constant 4 : i32
        %broadcast_in_dim3A_532 = vector.broadcast %broadcast_in_dim3A_531 : i32 to vector<16x1xi32>
        %gather3A_533 = vector.shape_cast %broadcast_in_dim3A_532 : vector<16x1xi32> to vector<16xi32>
        %gather3A_534 = tpu.dynamic_gather %get3A_131[%gather3A_533] in [0] : vector<16xf32>, vector<16xi32> -> vector<16xf32>
        %mul3A_535 = arith.mulf %gather3A_534, %gather3A_530 : vector<16xf32>
        %add3A_536 = arith.addf %add3A_517, %mul3A_535 : vector<16xf32>
        %mul3A_537 = arith.mulf %mul3A_535, %mul3A_535 : vector<16xf32>
        %add3A_538 = arith.addf %add3A_519, %mul3A_537 : vector<16xf32>
        %mul3A_539 = arith.constant 26 : i32
        %mul3A_540 = arith.muli %scan3A_123, %mul3A_539 : i32
        %add3A_541 = arith.constant 21 : i32
        %add3A_542 = arith.addi %mul3A_540, %add3A_541 : i32
        %broadcast_in_dim3A_543 = arith.constant 5 : i32
        %broadcast_in_dim3A_544 = vector.broadcast %broadcast_in_dim3A_543 : i32 to vector<16x1xi32>
        %gather3A_545 = vector.shape_cast %broadcast_in_dim3A_544 : vector<16x1xi32> to vector<16xi32>
        %gather3A_546 = tpu.dynamic_gather %get3A_137[%gather3A_545] in [0] : vector<16xi32>, vector<16xi32> -> vector<16xi32>
        %add3A_547 = arith.addi %gather3A_546, %iota3A : vector<16xi32>
        %broadcast_in_dim3A_548 = vector.broadcast %add3A_542 : i32 to vector<16xi32>
        %gather3A_549 = tpu.vector_load_idx %arg12[%broadcast_in_dim3A_548, %add3A_547] : memref<104x128xf32, #tpu.memory_space<vmem>>[vector<16xi32>, vector<16xi32>], vector<16xf32>,
        %broadcast_in_dim3A_550 = arith.constant 5 : i32
        %broadcast_in_dim3A_551 = vector.broadcast %broadcast_in_dim3A_550 : i32 to vector<16x1xi32>
        %gather3A_552 = vector.shape_cast %broadcast_in_dim3A_551 : vector<16x1xi32> to vector<16xi32>
        %gather3A_553 = tpu.dynamic_gather %get3A_131[%gather3A_552] in [0] : vector<16xf32>, vector<16xi32> -> vector<16xf32>
        %mul3A_554 = arith.mulf %gather3A_553, %gather3A_549 : vector<16xf32>
        %add3A_555 = arith.addf %add3A_536, %mul3A_554 : vector<16xf32>
        %mul3A_556 = arith.mulf %mul3A_554, %mul3A_554 : vector<16xf32>
        %add3A_557 = arith.addf %add3A_538, %mul3A_556 : vector<16xf32>
        %mul3A_558 = arith.constant 26 : i32
        %mul3A_559 = arith.muli %scan3A_123, %mul3A_558 : i32
        %add3A_560 = arith.constant 22 : i32
        %add3A_561 = arith.addi %mul3A_559, %add3A_560 : i32
        %broadcast_in_dim3A_562 = arith.constant 6 : i32
        %broadcast_in_dim3A_563 = vector.broadcast %broadcast_in_dim3A_562 : i32 to vector<16x1xi32>
        %gather3A_564 = vector.shape_cast %broadcast_in_dim3A_563 : vector<16x1xi32> to vector<16xi32>
        %gather3A_565 = tpu.dynamic_gather %get3A_137[%gather3A_564] in [0] : vector<16xi32>, vector<16xi32> -> vector<16xi32>
        %add3A_566 = arith.addi %gather3A_565, %iota3A : vector<16xi32>
        %broadcast_in_dim3A_567 = vector.broadcast %add3A_561 : i32 to vector<16xi32>
        %gather3A_568 = tpu.vector_load_idx %arg12[%broadcast_in_dim3A_567, %add3A_566] : memref<104x128xf32, #tpu.memory_space<vmem>>[vector<16xi32>, vector<16xi32>], vector<16xf32>,
        %broadcast_in_dim3A_569 = arith.constant 6 : i32
        %broadcast_in_dim3A_570 = vector.broadcast %broadcast_in_dim3A_569 : i32 to vector<16x1xi32>
        %gather3A_571 = vector.shape_cast %broadcast_in_dim3A_570 : vector<16x1xi32> to vector<16xi32>
        %gather3A_572 = tpu.dynamic_gather %get3A_131[%gather3A_571] in [0] : vector<16xf32>, vector<16xi32> -> vector<16xf32>
        %mul3A_573 = arith.mulf %gather3A_572, %gather3A_568 : vector<16xf32>
        %add3A_574 = arith.addf %add3A_555, %mul3A_573 : vector<16xf32>
        %mul3A_575 = arith.mulf %mul3A_573, %mul3A_573 : vector<16xf32>
        %add3A_576 = arith.addf %add3A_557, %mul3A_575 : vector<16xf32>
        %mul3A_577 = arith.constant 26 : i32
        %mul3A_578 = arith.muli %scan3A_123, %mul3A_577 : i32
        %add3A_579 = arith.constant 23 : i32
        %add3A_580 = arith.addi %mul3A_578, %add3A_579 : i32
        %broadcast_in_dim3A_581 = arith.constant 7 : i32
        %broadcast_in_dim3A_582 = vector.broadcast %broadcast_in_dim3A_581 : i32 to vector<16x1xi32>
        %gather3A_583 = vector.shape_cast %broadcast_in_dim3A_582 : vector<16x1xi32> to vector<16xi32>
        %gather3A_584 = tpu.dynamic_gather %get3A_137[%gather3A_583] in [0] : vector<16xi32>, vector<16xi32> -> vector<16xi32>
        %add3A_585 = arith.addi %gather3A_584, %iota3A : vector<16xi32>
        %broadcast_in_dim3A_586 = vector.broadcast %add3A_580 : i32 to vector<16xi32>
        %gather3A_587 = tpu.vector_load_idx %arg12[%broadcast_in_dim3A_586, %add3A_585] : memref<104x128xf32, #tpu.memory_space<vmem>>[vector<16xi32>, vector<16xi32>], vector<16xf32>,
        %broadcast_in_dim3A_588 = arith.constant 7 : i32
        %broadcast_in_dim3A_589 = vector.broadcast %broadcast_in_dim3A_588 : i32 to vector<16x1xi32>
        %gather3A_590 = vector.shape_cast %broadcast_in_dim3A_589 : vector<16x1xi32> to vector<16xi32>
        %gather3A_591 = tpu.dynamic_gather %get3A_131[%gather3A_590] in [0] : vector<16xf32>, vector<16xi32> -> vector<16xf32>
        %mul3A_592 = arith.mulf %gather3A_591, %gather3A_587 : vector<16xf32>
        %add3A_593 = arith.addf %add3A_574, %mul3A_592 : vector<16xf32>
        %mul3A_594 = arith.mulf %mul3A_592, %mul3A_592 : vector<16xf32>
        %add3A_595 = arith.addf %add3A_576, %mul3A_594 : vector<16xf32>
        %mul3A_596 = arith.constant 26 : i32
        %mul3A_597 = arith.muli %scan3A_123, %mul3A_596 : i32
        %add3A_598 = arith.constant 24 : i32
        %add3A_599 = arith.addi %mul3A_597, %add3A_598 : i32
        %broadcast_in_dim3A_600 = arith.constant 8 : i32
        %broadcast_in_dim3A_601 = vector.broadcast %broadcast_in_dim3A_600 : i32 to vector<16x1xi32>
        %gather3A_602 = vector.shape_cast %broadcast_in_dim3A_601 : vector<16x1xi32> to vector<16xi32>
        %gather3A_603 = tpu.dynamic_gather %get3A_137[%gather3A_602] in [0] : vector<16xi32>, vector<16xi32> -> vector<16xi32>
        %add3A_604 = arith.addi %gather3A_603, %iota3A : vector<16xi32>
        %broadcast_in_dim3A_605 = vector.broadcast %add3A_599 : i32 to vector<16xi32>
        %gather3A_606 = tpu.vector_load_idx %arg12[%broadcast_in_dim3A_605, %add3A_604] : memref<104x128xf32, #tpu.memory_space<vmem>>[vector<16xi32>, vector<16xi32>], vector<16xf32>,
        %broadcast_in_dim3A_607 = arith.constant 8 : i32
        %broadcast_in_dim3A_608 = vector.broadcast %broadcast_in_dim3A_607 : i32 to vector<16x1xi32>
        %gather3A_609 = vector.shape_cast %broadcast_in_dim3A_608 : vector<16x1xi32> to vector<16xi32>
        %gather3A_610 = tpu.dynamic_gather %get3A_131[%gather3A_609] in [0] : vector<16xf32>, vector<16xi32> -> vector<16xf32>
        %mul3A_611 = arith.mulf %gather3A_610, %gather3A_606 : vector<16xf32>
        %add3A_612 = arith.addf %add3A_593, %mul3A_611 : vector<16xf32>
        %mul3A_613 = arith.mulf %mul3A_611, %mul3A_611 : vector<16xf32>
        %add3A_614 = arith.addf %add3A_595, %mul3A_613 : vector<16xf32>
        %mul3A_615 = arith.constant 26 : i32
        %mul3A_616 = arith.muli %scan3A_123, %mul3A_615 : i32
        %add3A_617 = arith.constant 25 : i32
        %add3A_618 = arith.addi %mul3A_616, %add3A_617 : i32
        %broadcast_in_dim3A_619 = arith.constant 9 : i32
        %broadcast_in_dim3A_620 = vector.broadcast %broadcast_in_dim3A_619 : i32 to vector<16x1xi32>
        %gather3A_621 = vector.shape_cast %broadcast_in_dim3A_620 : vector<16x1xi32> to vector<16xi32>
        %gather3A_622 = tpu.dynamic_gather %get3A_137[%gather3A_621] in [0] : vector<16xi32>, vector<16xi32> -> vector<16xi32>
        %add3A_623 = arith.addi %gather3A_622, %iota3A : vector<16xi32>
        %broadcast_in_dim3A_624 = vector.broadcast %add3A_618 : i32 to vector<16xi32>
        %gather3A_625 = tpu.vector_load_idx %arg12[%broadcast_in_dim3A_624, %add3A_623] : memref<104x128xf32, #tpu.memory_space<vmem>>[vector<16xi32>, vector<16xi32>], vector<16xf32>,
        %broadcast_in_dim3A_626 = arith.constant 9 : i32
        %broadcast_in_dim3A_627 = vector.broadcast %broadcast_in_dim3A_626 : i32 to vector<16x1xi32>
        %gather3A_628 = vector.shape_cast %broadcast_in_dim3A_627 : vector<16x1xi32> to vector<16xi32>
        %gather3A_629 = tpu.dynamic_gather %get3A_131[%gather3A_628] in [0] : vector<16xf32>, vector<16xi32> -> vector<16xf32>
        %mul3A_630 = arith.mulf %gather3A_629, %gather3A_625 : vector<16xf32>
        %add3A_631 = arith.addf %add3A_612, %mul3A_630 : vector<16xf32>
        %mul3A_632 = arith.mulf %mul3A_630, %mul3A_630 : vector<16xf32>
        %add3A_633 = arith.addf %add3A_614, %mul3A_632 : vector<16xf32>
        %mul3A_634 = arith.mulf %add3A_631, %add3A_631 : vector<16xf32>
        %sub3A = arith.subf %mul3A_634, %add3A_633 : vector<16xf32>
        %mul3A_635 = arith.constant 5.000000e-01 : f32
        %mul3A_636 = vector.broadcast %mul3A_635 : f32 to vector<16xf32>
        %mul3A_637 = arith.mulf %mul3A_636, %sub3A : vector<16xf32>
        %swap3A = arith.index_cast %add3A_126 : i32 to index
        %swap3A_638 = arith.constant 0 : index
        %swap3A_639 = tpu.vector_load %arg10[%swap3A, %swap3A_638] {strides = array<i32>} : memref<128x16xf32, #tpu.memory_space<vmem>>, vector<16xf32>,
        tpu.vector_store %arg10[%swap3A, %swap3A_638], %mul3A_637 {strides = array<i32>} : memref<128x16xf32, #tpu.memory_space<vmem>>, vector<16xf32>,
      }
      %scan3A_71 = arith.constant 4 : i32
      %add3A_72 = arith.constant 4 : i32
      %add3A_73 = arith.addi %add3A_58, %add3A_72 : i32
      %lt3A_74 = arith.constant 32 : i32
      %lt3A_75 = arith.cmpi slt, %add3A_73, %lt3A_74 : i32
      %convert_element_type3A_76 = arith.extui %lt3A_75 : i1 to i32
      %cond3A_77 = arith.constant 0 : i32
      %cond3A_78 = arith.cmpi ne, %convert_element_type3A_76, %cond3A_77 : i32
      scf.if %cond3A_78 {
        %add3A_123 = arith.constant 4 : i32
        %add3A_124 = arith.addi %add3A_58, %add3A_123 : i32
        %dma_start3A_125 = arith.constant 0 : i32
        %dma_start3A_126 = tpu.memref_slice %arg7[%add3A_124, %dma_start3A_125] : memref<32x104xi32, #tpu.memory_space<vmem>> -> memref<1x104xi32, #tpu.memory_space<vmem>>
        %dma_start3A_127 = tpu.memref_squeeze %dma_start3A_126 : memref<1x104xi32, #tpu.memory_space<vmem>> -> memref<104xi32, #tpu.memory_space<vmem>>
        %dma_start3A_128 = arith.constant 0 : i32
        %dma_start3A_129 = arith.constant 0 : i32
        %dma_start3A_130 = tpu.memref_slice %arg2[%dma_start3A_128, %dma_start3A_129] : memref<125440x128xf32, #tpu.memory_space<hbm>> -> memref<125440x128xf32, #tpu.memory_space<hbm>>
        tpu.enqueue_indirect_dma source(%dma_start3A_130 : memref<125440x128xf32, #tpu.memory_space<hbm>>) target(%arg12 : memref<104x128xf32, #tpu.memory_space<vmem>>) offsets(%dma_start3A_127 : memref<104xi32, #tpu.memory_space<vmem>>) semaphore(%arg16 : memref<!tpu.dma_semaphore, #tpu.memory_space<semaphore_mem>>)
      } else {
      }
      %add3A_79 = arith.constant 2 : i32
      %add3A_80 = arith.addi %add3A_38, %add3A_79 : i32
      %dma_wait3A_81 = arith.constant 0 : i32
      %dma_wait3A_82 = arith.constant 0 : i32
      %dma_wait3A_83 = tpu.memref_slice %arg7[%dma_wait3A_81, %dma_wait3A_82] : memref<32x104xi32, #tpu.memory_space<vmem>> -> memref<1x104xi32, #tpu.memory_space<vmem>>
      %dma_wait3A_84 = tpu.memref_squeeze %dma_wait3A_83 : memref<1x104xi32, #tpu.memory_space<vmem>> -> memref<104xi32, #tpu.memory_space<vmem>>
      %dma_wait3A_85 = arith.constant 0 : i32
      %dma_wait3A_86 = arith.constant 0 : i32
      %dma_wait3A_87 = tpu.memref_slice %arg2[%dma_wait3A_85, %dma_wait3A_86] : memref<125440x128xf32, #tpu.memory_space<hbm>> -> memref<125440x128xf32, #tpu.memory_space<hbm>>
      tpu.wait_indirect_dma semaphore(%arg17 : memref<!tpu.dma_semaphore, #tpu.memory_space<semaphore_mem>>) src(%dma_wait3A_87 : memref<125440x128xf32, #tpu.memory_space<hbm>>) dst(%arg13 : memref<104x128xf32, #tpu.memory_space<vmem>>)
      %scan3A_88 = arith.constant 0 : i32
      %scan3A_89 = arith.constant 0 : i32
      %scan3A_90 = arith.constant 4 : i32
      %scan3A_91 = arith.addi %scan3A_89, %scan3A_90 : i32
      %scan3A_92 = arith.constant 1 : i32
      scf.for %scan3A_123 = %scan3A_89 to %scan3A_91 step %scan3A_92  : i32 {
        %mul3A_124 = arith.constant 4 : i32
        %mul3A_125 = arith.muli %add3A_80, %mul3A_124 : i32
        %add3A_126 = arith.addi %mul3A_125, %scan3A_123 : i32
        %get3A = arith.index_cast %add3A_126 : i32 to index
        %get3A_127 = arith.constant 0 : index
        %get3A_128 = tpu.vector_load %arg8[%get3A, %get3A_127] {strides = array<i32>} : memref<128x32xf32, #tpu.memory_space<vmem>>, vector<16xf32>,
        %get3A_129 = arith.index_cast %add3A_126 : i32 to index
        %get3A_130 = arith.constant 16 : index
        %get3A_131 = tpu.vector_load %arg8[%get3A_129, %get3A_130] {strides = array<i32>} : memref<128x32xf32, #tpu.memory_space<vmem>>, vector<16xf32>,
        %get3A_132 = arith.index_cast %add3A_126 : i32 to index
        %get3A_133 = arith.constant 0 : index
        %get3A_134 = tpu.vector_load %arg9[%get3A_132, %get3A_133] {strides = array<i32>} : memref<128x32xi32, #tpu.memory_space<vmem>>, vector<16xi32>,
        %get3A_135 = arith.index_cast %add3A_126 : i32 to index
        %get3A_136 = arith.constant 16 : index
        %get3A_137 = tpu.vector_load %arg9[%get3A_135, %get3A_136] {strides = array<i32>} : memref<128x32xi32, #tpu.memory_space<vmem>>, vector<16xi32>,
        %broadcast_in_dim3A = arith.constant 0.000000e+00 : f32
        %broadcast_in_dim3A_138 = vector.broadcast %broadcast_in_dim3A : f32 to vector<16xf32>
        %broadcast_in_dim3A_139 = arith.constant 0.000000e+00 : f32
        %broadcast_in_dim3A_140 = vector.broadcast %broadcast_in_dim3A_139 : f32 to vector<16xf32>
        %mul3A_141 = arith.constant 26 : i32
        %mul3A_142 = arith.muli %scan3A_123, %mul3A_141 : i32
        %add3A_143 = arith.constant 0 : i32
        %add3A_144 = arith.addi %mul3A_142, %add3A_143 : i32
        %broadcast_in_dim3A_145 = arith.constant 0 : i32
        %broadcast_in_dim3A_146 = vector.broadcast %broadcast_in_dim3A_145 : i32 to vector<16x1xi32>
        %gather3A = vector.shape_cast %broadcast_in_dim3A_146 : vector<16x1xi32> to vector<16xi32>
        %gather3A_147 = tpu.dynamic_gather %get3A_134[%gather3A] in [0] : vector<16xi32>, vector<16xi32> -> vector<16xi32>
        %add3A_148 = arith.addi %gather3A_147, %iota3A : vector<16xi32>
        %broadcast_in_dim3A_149 = vector.broadcast %add3A_144 : i32 to vector<16xi32>
        %gather3A_150 = tpu.vector_load_idx %arg13[%broadcast_in_dim3A_149, %add3A_148] : memref<104x128xf32, #tpu.memory_space<vmem>>[vector<16xi32>, vector<16xi32>], vector<16xf32>,
        %broadcast_in_dim3A_151 = arith.constant 0 : i32
        %broadcast_in_dim3A_152 = vector.broadcast %broadcast_in_dim3A_151 : i32 to vector<16x1xi32>
        %gather3A_153 = vector.shape_cast %broadcast_in_dim3A_152 : vector<16x1xi32> to vector<16xi32>
        %gather3A_154 = tpu.dynamic_gather %get3A_128[%gather3A_153] in [0] : vector<16xf32>, vector<16xi32> -> vector<16xf32>
        %mul3A_155 = arith.mulf %gather3A_154, %gather3A_150 : vector<16xf32>
        %add3A_156 = arith.addf %broadcast_in_dim3A_138, %mul3A_155 : vector<16xf32>
        %mul3A_157 = arith.mulf %mul3A_155, %mul3A_155 : vector<16xf32>
        %add3A_158 = arith.addf %broadcast_in_dim3A_140, %mul3A_157 : vector<16xf32>
        %mul3A_159 = arith.constant 26 : i32
        %mul3A_160 = arith.muli %scan3A_123, %mul3A_159 : i32
        %add3A_161 = arith.constant 1 : i32
        %add3A_162 = arith.addi %mul3A_160, %add3A_161 : i32
        %broadcast_in_dim3A_163 = arith.constant 1 : i32
        %broadcast_in_dim3A_164 = vector.broadcast %broadcast_in_dim3A_163 : i32 to vector<16x1xi32>
        %gather3A_165 = vector.shape_cast %broadcast_in_dim3A_164 : vector<16x1xi32> to vector<16xi32>
        %gather3A_166 = tpu.dynamic_gather %get3A_134[%gather3A_165] in [0] : vector<16xi32>, vector<16xi32> -> vector<16xi32>
        %add3A_167 = arith.addi %gather3A_166, %iota3A : vector<16xi32>
        %broadcast_in_dim3A_168 = vector.broadcast %add3A_162 : i32 to vector<16xi32>
        %gather3A_169 = tpu.vector_load_idx %arg13[%broadcast_in_dim3A_168, %add3A_167] : memref<104x128xf32, #tpu.memory_space<vmem>>[vector<16xi32>, vector<16xi32>], vector<16xf32>,
        %broadcast_in_dim3A_170 = arith.constant 1 : i32
        %broadcast_in_dim3A_171 = vector.broadcast %broadcast_in_dim3A_170 : i32 to vector<16x1xi32>
        %gather3A_172 = vector.shape_cast %broadcast_in_dim3A_171 : vector<16x1xi32> to vector<16xi32>
        %gather3A_173 = tpu.dynamic_gather %get3A_128[%gather3A_172] in [0] : vector<16xf32>, vector<16xi32> -> vector<16xf32>
        %mul3A_174 = arith.mulf %gather3A_173, %gather3A_169 : vector<16xf32>
        %add3A_175 = arith.addf %add3A_156, %mul3A_174 : vector<16xf32>
        %mul3A_176 = arith.mulf %mul3A_174, %mul3A_174 : vector<16xf32>
        %add3A_177 = arith.addf %add3A_158, %mul3A_176 : vector<16xf32>
        %mul3A_178 = arith.constant 26 : i32
        %mul3A_179 = arith.muli %scan3A_123, %mul3A_178 : i32
        %add3A_180 = arith.constant 2 : i32
        %add3A_181 = arith.addi %mul3A_179, %add3A_180 : i32
        %broadcast_in_dim3A_182 = arith.constant 2 : i32
        %broadcast_in_dim3A_183 = vector.broadcast %broadcast_in_dim3A_182 : i32 to vector<16x1xi32>
        %gather3A_184 = vector.shape_cast %broadcast_in_dim3A_183 : vector<16x1xi32> to vector<16xi32>
        %gather3A_185 = tpu.dynamic_gather %get3A_134[%gather3A_184] in [0] : vector<16xi32>, vector<16xi32> -> vector<16xi32>
        %add3A_186 = arith.addi %gather3A_185, %iota3A : vector<16xi32>
        %broadcast_in_dim3A_187 = vector.broadcast %add3A_181 : i32 to vector<16xi32>
        %gather3A_188 = tpu.vector_load_idx %arg13[%broadcast_in_dim3A_187, %add3A_186] : memref<104x128xf32, #tpu.memory_space<vmem>>[vector<16xi32>, vector<16xi32>], vector<16xf32>,
        %broadcast_in_dim3A_189 = arith.constant 2 : i32
        %broadcast_in_dim3A_190 = vector.broadcast %broadcast_in_dim3A_189 : i32 to vector<16x1xi32>
        %gather3A_191 = vector.shape_cast %broadcast_in_dim3A_190 : vector<16x1xi32> to vector<16xi32>
        %gather3A_192 = tpu.dynamic_gather %get3A_128[%gather3A_191] in [0] : vector<16xf32>, vector<16xi32> -> vector<16xf32>
        %mul3A_193 = arith.mulf %gather3A_192, %gather3A_188 : vector<16xf32>
        %add3A_194 = arith.addf %add3A_175, %mul3A_193 : vector<16xf32>
        %mul3A_195 = arith.mulf %mul3A_193, %mul3A_193 : vector<16xf32>
        %add3A_196 = arith.addf %add3A_177, %mul3A_195 : vector<16xf32>
        %mul3A_197 = arith.constant 26 : i32
        %mul3A_198 = arith.muli %scan3A_123, %mul3A_197 : i32
        %add3A_199 = arith.constant 3 : i32
        %add3A_200 = arith.addi %mul3A_198, %add3A_199 : i32
        %broadcast_in_dim3A_201 = arith.constant 3 : i32
        %broadcast_in_dim3A_202 = vector.broadcast %broadcast_in_dim3A_201 : i32 to vector<16x1xi32>
        %gather3A_203 = vector.shape_cast %broadcast_in_dim3A_202 : vector<16x1xi32> to vector<16xi32>
        %gather3A_204 = tpu.dynamic_gather %get3A_134[%gather3A_203] in [0] : vector<16xi32>, vector<16xi32> -> vector<16xi32>
        %add3A_205 = arith.addi %gather3A_204, %iota3A : vector<16xi32>
        %broadcast_in_dim3A_206 = vector.broadcast %add3A_200 : i32 to vector<16xi32>
        %gather3A_207 = tpu.vector_load_idx %arg13[%broadcast_in_dim3A_206, %add3A_205] : memref<104x128xf32, #tpu.memory_space<vmem>>[vector<16xi32>, vector<16xi32>], vector<16xf32>,
        %broadcast_in_dim3A_208 = arith.constant 3 : i32
        %broadcast_in_dim3A_209 = vector.broadcast %broadcast_in_dim3A_208 : i32 to vector<16x1xi32>
        %gather3A_210 = vector.shape_cast %broadcast_in_dim3A_209 : vector<16x1xi32> to vector<16xi32>
        %gather3A_211 = tpu.dynamic_gather %get3A_128[%gather3A_210] in [0] : vector<16xf32>, vector<16xi32> -> vector<16xf32>
        %mul3A_212 = arith.mulf %gather3A_211, %gather3A_207 : vector<16xf32>
        %add3A_213 = arith.addf %add3A_194, %mul3A_212 : vector<16xf32>
        %mul3A_214 = arith.mulf %mul3A_212, %mul3A_212 : vector<16xf32>
        %add3A_215 = arith.addf %add3A_196, %mul3A_214 : vector<16xf32>
        %mul3A_216 = arith.constant 26 : i32
        %mul3A_217 = arith.muli %scan3A_123, %mul3A_216 : i32
        %add3A_218 = arith.constant 4 : i32
        %add3A_219 = arith.addi %mul3A_217, %add3A_218 : i32
        %broadcast_in_dim3A_220 = arith.constant 4 : i32
        %broadcast_in_dim3A_221 = vector.broadcast %broadcast_in_dim3A_220 : i32 to vector<16x1xi32>
        %gather3A_222 = vector.shape_cast %broadcast_in_dim3A_221 : vector<16x1xi32> to vector<16xi32>
        %gather3A_223 = tpu.dynamic_gather %get3A_134[%gather3A_222] in [0] : vector<16xi32>, vector<16xi32> -> vector<16xi32>
        %add3A_224 = arith.addi %gather3A_223, %iota3A : vector<16xi32>
        %broadcast_in_dim3A_225 = vector.broadcast %add3A_219 : i32 to vector<16xi32>
        %gather3A_226 = tpu.vector_load_idx %arg13[%broadcast_in_dim3A_225, %add3A_224] : memref<104x128xf32, #tpu.memory_space<vmem>>[vector<16xi32>, vector<16xi32>], vector<16xf32>,
        %broadcast_in_dim3A_227 = arith.constant 4 : i32
        %broadcast_in_dim3A_228 = vector.broadcast %broadcast_in_dim3A_227 : i32 to vector<16x1xi32>
        %gather3A_229 = vector.shape_cast %broadcast_in_dim3A_228 : vector<16x1xi32> to vector<16xi32>
        %gather3A_230 = tpu.dynamic_gather %get3A_128[%gather3A_229] in [0] : vector<16xf32>, vector<16xi32> -> vector<16xf32>
        %mul3A_231 = arith.mulf %gather3A_230, %gather3A_226 : vector<16xf32>
        %add3A_232 = arith.addf %add3A_213, %mul3A_231 : vector<16xf32>
        %mul3A_233 = arith.mulf %mul3A_231, %mul3A_231 : vector<16xf32>
        %add3A_234 = arith.addf %add3A_215, %mul3A_233 : vector<16xf32>
        %mul3A_235 = arith.constant 26 : i32
        %mul3A_236 = arith.muli %scan3A_123, %mul3A_235 : i32
        %add3A_237 = arith.constant 5 : i32
        %add3A_238 = arith.addi %mul3A_236, %add3A_237 : i32
        %broadcast_in_dim3A_239 = arith.constant 5 : i32
        %broadcast_in_dim3A_240 = vector.broadcast %broadcast_in_dim3A_239 : i32 to vector<16x1xi32>
        %gather3A_241 = vector.shape_cast %broadcast_in_dim3A_240 : vector<16x1xi32> to vector<16xi32>
        %gather3A_242 = tpu.dynamic_gather %get3A_134[%gather3A_241] in [0] : vector<16xi32>, vector<16xi32> -> vector<16xi32>
        %add3A_243 = arith.addi %gather3A_242, %iota3A : vector<16xi32>
        %broadcast_in_dim3A_244 = vector.broadcast %add3A_238 : i32 to vector<16xi32>
        %gather3A_245 = tpu.vector_load_idx %arg13[%broadcast_in_dim3A_244, %add3A_243] : memref<104x128xf32, #tpu.memory_space<vmem>>[vector<16xi32>, vector<16xi32>], vector<16xf32>,
        %broadcast_in_dim3A_246 = arith.constant 5 : i32
        %broadcast_in_dim3A_247 = vector.broadcast %broadcast_in_dim3A_246 : i32 to vector<16x1xi32>
        %gather3A_248 = vector.shape_cast %broadcast_in_dim3A_247 : vector<16x1xi32> to vector<16xi32>
        %gather3A_249 = tpu.dynamic_gather %get3A_128[%gather3A_248] in [0] : vector<16xf32>, vector<16xi32> -> vector<16xf32>
        %mul3A_250 = arith.mulf %gather3A_249, %gather3A_245 : vector<16xf32>
        %add3A_251 = arith.addf %add3A_232, %mul3A_250 : vector<16xf32>
        %mul3A_252 = arith.mulf %mul3A_250, %mul3A_250 : vector<16xf32>
        %add3A_253 = arith.addf %add3A_234, %mul3A_252 : vector<16xf32>
        %mul3A_254 = arith.constant 26 : i32
        %mul3A_255 = arith.muli %scan3A_123, %mul3A_254 : i32
        %add3A_256 = arith.constant 6 : i32
        %add3A_257 = arith.addi %mul3A_255, %add3A_256 : i32
        %broadcast_in_dim3A_258 = arith.constant 6 : i32
        %broadcast_in_dim3A_259 = vector.broadcast %broadcast_in_dim3A_258 : i32 to vector<16x1xi32>
        %gather3A_260 = vector.shape_cast %broadcast_in_dim3A_259 : vector<16x1xi32> to vector<16xi32>
        %gather3A_261 = tpu.dynamic_gather %get3A_134[%gather3A_260] in [0] : vector<16xi32>, vector<16xi32> -> vector<16xi32>
        %add3A_262 = arith.addi %gather3A_261, %iota3A : vector<16xi32>
        %broadcast_in_dim3A_263 = vector.broadcast %add3A_257 : i32 to vector<16xi32>
        %gather3A_264 = tpu.vector_load_idx %arg13[%broadcast_in_dim3A_263, %add3A_262] : memref<104x128xf32, #tpu.memory_space<vmem>>[vector<16xi32>, vector<16xi32>], vector<16xf32>,
        %broadcast_in_dim3A_265 = arith.constant 6 : i32
        %broadcast_in_dim3A_266 = vector.broadcast %broadcast_in_dim3A_265 : i32 to vector<16x1xi32>
        %gather3A_267 = vector.shape_cast %broadcast_in_dim3A_266 : vector<16x1xi32> to vector<16xi32>
        %gather3A_268 = tpu.dynamic_gather %get3A_128[%gather3A_267] in [0] : vector<16xf32>, vector<16xi32> -> vector<16xf32>
        %mul3A_269 = arith.mulf %gather3A_268, %gather3A_264 : vector<16xf32>
        %add3A_270 = arith.addf %add3A_251, %mul3A_269 : vector<16xf32>
        %mul3A_271 = arith.mulf %mul3A_269, %mul3A_269 : vector<16xf32>
        %add3A_272 = arith.addf %add3A_253, %mul3A_271 : vector<16xf32>
        %mul3A_273 = arith.constant 26 : i32
        %mul3A_274 = arith.muli %scan3A_123, %mul3A_273 : i32
        %add3A_275 = arith.constant 7 : i32
        %add3A_276 = arith.addi %mul3A_274, %add3A_275 : i32
        %broadcast_in_dim3A_277 = arith.constant 7 : i32
        %broadcast_in_dim3A_278 = vector.broadcast %broadcast_in_dim3A_277 : i32 to vector<16x1xi32>
        %gather3A_279 = vector.shape_cast %broadcast_in_dim3A_278 : vector<16x1xi32> to vector<16xi32>
        %gather3A_280 = tpu.dynamic_gather %get3A_134[%gather3A_279] in [0] : vector<16xi32>, vector<16xi32> -> vector<16xi32>
        %add3A_281 = arith.addi %gather3A_280, %iota3A : vector<16xi32>
        %broadcast_in_dim3A_282 = vector.broadcast %add3A_276 : i32 to vector<16xi32>
        %gather3A_283 = tpu.vector_load_idx %arg13[%broadcast_in_dim3A_282, %add3A_281] : memref<104x128xf32, #tpu.memory_space<vmem>>[vector<16xi32>, vector<16xi32>], vector<16xf32>,
        %broadcast_in_dim3A_284 = arith.constant 7 : i32
        %broadcast_in_dim3A_285 = vector.broadcast %broadcast_in_dim3A_284 : i32 to vector<16x1xi32>
        %gather3A_286 = vector.shape_cast %broadcast_in_dim3A_285 : vector<16x1xi32> to vector<16xi32>
        %gather3A_287 = tpu.dynamic_gather %get3A_128[%gather3A_286] in [0] : vector<16xf32>, vector<16xi32> -> vector<16xf32>
        %mul3A_288 = arith.mulf %gather3A_287, %gather3A_283 : vector<16xf32>
        %add3A_289 = arith.addf %add3A_270, %mul3A_288 : vector<16xf32>
        %mul3A_290 = arith.mulf %mul3A_288, %mul3A_288 : vector<16xf32>
        %add3A_291 = arith.addf %add3A_272, %mul3A_290 : vector<16xf32>
        %mul3A_292 = arith.constant 26 : i32
        %mul3A_293 = arith.muli %scan3A_123, %mul3A_292 : i32
        %add3A_294 = arith.constant 8 : i32
        %add3A_295 = arith.addi %mul3A_293, %add3A_294 : i32
        %broadcast_in_dim3A_296 = arith.constant 8 : i32
        %broadcast_in_dim3A_297 = vector.broadcast %broadcast_in_dim3A_296 : i32 to vector<16x1xi32>
        %gather3A_298 = vector.shape_cast %broadcast_in_dim3A_297 : vector<16x1xi32> to vector<16xi32>
        %gather3A_299 = tpu.dynamic_gather %get3A_134[%gather3A_298] in [0] : vector<16xi32>, vector<16xi32> -> vector<16xi32>
        %add3A_300 = arith.addi %gather3A_299, %iota3A : vector<16xi32>
        %broadcast_in_dim3A_301 = vector.broadcast %add3A_295 : i32 to vector<16xi32>
        %gather3A_302 = tpu.vector_load_idx %arg13[%broadcast_in_dim3A_301, %add3A_300] : memref<104x128xf32, #tpu.memory_space<vmem>>[vector<16xi32>, vector<16xi32>], vector<16xf32>,
        %broadcast_in_dim3A_303 = arith.constant 8 : i32
        %broadcast_in_dim3A_304 = vector.broadcast %broadcast_in_dim3A_303 : i32 to vector<16x1xi32>
        %gather3A_305 = vector.shape_cast %broadcast_in_dim3A_304 : vector<16x1xi32> to vector<16xi32>
        %gather3A_306 = tpu.dynamic_gather %get3A_128[%gather3A_305] in [0] : vector<16xf32>, vector<16xi32> -> vector<16xf32>
        %mul3A_307 = arith.mulf %gather3A_306, %gather3A_302 : vector<16xf32>
        %add3A_308 = arith.addf %add3A_289, %mul3A_307 : vector<16xf32>
        %mul3A_309 = arith.mulf %mul3A_307, %mul3A_307 : vector<16xf32>
        %add3A_310 = arith.addf %add3A_291, %mul3A_309 : vector<16xf32>
        %mul3A_311 = arith.constant 26 : i32
        %mul3A_312 = arith.muli %scan3A_123, %mul3A_311 : i32
        %add3A_313 = arith.constant 9 : i32
        %add3A_314 = arith.addi %mul3A_312, %add3A_313 : i32
        %broadcast_in_dim3A_315 = arith.constant 9 : i32
        %broadcast_in_dim3A_316 = vector.broadcast %broadcast_in_dim3A_315 : i32 to vector<16x1xi32>
        %gather3A_317 = vector.shape_cast %broadcast_in_dim3A_316 : vector<16x1xi32> to vector<16xi32>
        %gather3A_318 = tpu.dynamic_gather %get3A_134[%gather3A_317] in [0] : vector<16xi32>, vector<16xi32> -> vector<16xi32>
        %add3A_319 = arith.addi %gather3A_318, %iota3A : vector<16xi32>
        %broadcast_in_dim3A_320 = vector.broadcast %add3A_314 : i32 to vector<16xi32>
        %gather3A_321 = tpu.vector_load_idx %arg13[%broadcast_in_dim3A_320, %add3A_319] : memref<104x128xf32, #tpu.memory_space<vmem>>[vector<16xi32>, vector<16xi32>], vector<16xf32>,
        %broadcast_in_dim3A_322 = arith.constant 9 : i32
        %broadcast_in_dim3A_323 = vector.broadcast %broadcast_in_dim3A_322 : i32 to vector<16x1xi32>
        %gather3A_324 = vector.shape_cast %broadcast_in_dim3A_323 : vector<16x1xi32> to vector<16xi32>
        %gather3A_325 = tpu.dynamic_gather %get3A_128[%gather3A_324] in [0] : vector<16xf32>, vector<16xi32> -> vector<16xf32>
        %mul3A_326 = arith.mulf %gather3A_325, %gather3A_321 : vector<16xf32>
        %add3A_327 = arith.addf %add3A_308, %mul3A_326 : vector<16xf32>
        %mul3A_328 = arith.mulf %mul3A_326, %mul3A_326 : vector<16xf32>
        %add3A_329 = arith.addf %add3A_310, %mul3A_328 : vector<16xf32>
        %mul3A_330 = arith.constant 26 : i32
        %mul3A_331 = arith.muli %scan3A_123, %mul3A_330 : i32
        %add3A_332 = arith.constant 10 : i32
        %add3A_333 = arith.addi %mul3A_331, %add3A_332 : i32
        %broadcast_in_dim3A_334 = arith.constant 10 : i32
        %broadcast_in_dim3A_335 = vector.broadcast %broadcast_in_dim3A_334 : i32 to vector<16x1xi32>
        %gather3A_336 = vector.shape_cast %broadcast_in_dim3A_335 : vector<16x1xi32> to vector<16xi32>
        %gather3A_337 = tpu.dynamic_gather %get3A_134[%gather3A_336] in [0] : vector<16xi32>, vector<16xi32> -> vector<16xi32>
        %add3A_338 = arith.addi %gather3A_337, %iota3A : vector<16xi32>
        %broadcast_in_dim3A_339 = vector.broadcast %add3A_333 : i32 to vector<16xi32>
        %gather3A_340 = tpu.vector_load_idx %arg13[%broadcast_in_dim3A_339, %add3A_338] : memref<104x128xf32, #tpu.memory_space<vmem>>[vector<16xi32>, vector<16xi32>], vector<16xf32>,
        %broadcast_in_dim3A_341 = arith.constant 10 : i32
        %broadcast_in_dim3A_342 = vector.broadcast %broadcast_in_dim3A_341 : i32 to vector<16x1xi32>
        %gather3A_343 = vector.shape_cast %broadcast_in_dim3A_342 : vector<16x1xi32> to vector<16xi32>
        %gather3A_344 = tpu.dynamic_gather %get3A_128[%gather3A_343] in [0] : vector<16xf32>, vector<16xi32> -> vector<16xf32>
        %mul3A_345 = arith.mulf %gather3A_344, %gather3A_340 : vector<16xf32>
        %add3A_346 = arith.addf %add3A_327, %mul3A_345 : vector<16xf32>
        %mul3A_347 = arith.mulf %mul3A_345, %mul3A_345 : vector<16xf32>
        %add3A_348 = arith.addf %add3A_329, %mul3A_347 : vector<16xf32>
        %mul3A_349 = arith.constant 26 : i32
        %mul3A_350 = arith.muli %scan3A_123, %mul3A_349 : i32
        %add3A_351 = arith.constant 11 : i32
        %add3A_352 = arith.addi %mul3A_350, %add3A_351 : i32
        %broadcast_in_dim3A_353 = arith.constant 11 : i32
        %broadcast_in_dim3A_354 = vector.broadcast %broadcast_in_dim3A_353 : i32 to vector<16x1xi32>
        %gather3A_355 = vector.shape_cast %broadcast_in_dim3A_354 : vector<16x1xi32> to vector<16xi32>
        %gather3A_356 = tpu.dynamic_gather %get3A_134[%gather3A_355] in [0] : vector<16xi32>, vector<16xi32> -> vector<16xi32>
        %add3A_357 = arith.addi %gather3A_356, %iota3A : vector<16xi32>
        %broadcast_in_dim3A_358 = vector.broadcast %add3A_352 : i32 to vector<16xi32>
        %gather3A_359 = tpu.vector_load_idx %arg13[%broadcast_in_dim3A_358, %add3A_357] : memref<104x128xf32, #tpu.memory_space<vmem>>[vector<16xi32>, vector<16xi32>], vector<16xf32>,
        %broadcast_in_dim3A_360 = arith.constant 11 : i32
        %broadcast_in_dim3A_361 = vector.broadcast %broadcast_in_dim3A_360 : i32 to vector<16x1xi32>
        %gather3A_362 = vector.shape_cast %broadcast_in_dim3A_361 : vector<16x1xi32> to vector<16xi32>
        %gather3A_363 = tpu.dynamic_gather %get3A_128[%gather3A_362] in [0] : vector<16xf32>, vector<16xi32> -> vector<16xf32>
        %mul3A_364 = arith.mulf %gather3A_363, %gather3A_359 : vector<16xf32>
        %add3A_365 = arith.addf %add3A_346, %mul3A_364 : vector<16xf32>
        %mul3A_366 = arith.mulf %mul3A_364, %mul3A_364 : vector<16xf32>
        %add3A_367 = arith.addf %add3A_348, %mul3A_366 : vector<16xf32>
        %mul3A_368 = arith.constant 26 : i32
        %mul3A_369 = arith.muli %scan3A_123, %mul3A_368 : i32
        %add3A_370 = arith.constant 12 : i32
        %add3A_371 = arith.addi %mul3A_369, %add3A_370 : i32
        %broadcast_in_dim3A_372 = arith.constant 12 : i32
        %broadcast_in_dim3A_373 = vector.broadcast %broadcast_in_dim3A_372 : i32 to vector<16x1xi32>
        %gather3A_374 = vector.shape_cast %broadcast_in_dim3A_373 : vector<16x1xi32> to vector<16xi32>
        %gather3A_375 = tpu.dynamic_gather %get3A_134[%gather3A_374] in [0] : vector<16xi32>, vector<16xi32> -> vector<16xi32>
        %add3A_376 = arith.addi %gather3A_375, %iota3A : vector<16xi32>
        %broadcast_in_dim3A_377 = vector.broadcast %add3A_371 : i32 to vector<16xi32>
        %gather3A_378 = tpu.vector_load_idx %arg13[%broadcast_in_dim3A_377, %add3A_376] : memref<104x128xf32, #tpu.memory_space<vmem>>[vector<16xi32>, vector<16xi32>], vector<16xf32>,
        %broadcast_in_dim3A_379 = arith.constant 12 : i32
        %broadcast_in_dim3A_380 = vector.broadcast %broadcast_in_dim3A_379 : i32 to vector<16x1xi32>
        %gather3A_381 = vector.shape_cast %broadcast_in_dim3A_380 : vector<16x1xi32> to vector<16xi32>
        %gather3A_382 = tpu.dynamic_gather %get3A_128[%gather3A_381] in [0] : vector<16xf32>, vector<16xi32> -> vector<16xf32>
        %mul3A_383 = arith.mulf %gather3A_382, %gather3A_378 : vector<16xf32>
        %add3A_384 = arith.addf %add3A_365, %mul3A_383 : vector<16xf32>
        %mul3A_385 = arith.mulf %mul3A_383, %mul3A_383 : vector<16xf32>
        %add3A_386 = arith.addf %add3A_367, %mul3A_385 : vector<16xf32>
        %mul3A_387 = arith.constant 26 : i32
        %mul3A_388 = arith.muli %scan3A_123, %mul3A_387 : i32
        %add3A_389 = arith.constant 13 : i32
        %add3A_390 = arith.addi %mul3A_388, %add3A_389 : i32
        %broadcast_in_dim3A_391 = arith.constant 13 : i32
        %broadcast_in_dim3A_392 = vector.broadcast %broadcast_in_dim3A_391 : i32 to vector<16x1xi32>
        %gather3A_393 = vector.shape_cast %broadcast_in_dim3A_392 : vector<16x1xi32> to vector<16xi32>
        %gather3A_394 = tpu.dynamic_gather %get3A_134[%gather3A_393] in [0] : vector<16xi32>, vector<16xi32> -> vector<16xi32>
        %add3A_395 = arith.addi %gather3A_394, %iota3A : vector<16xi32>
        %broadcast_in_dim3A_396 = vector.broadcast %add3A_390 : i32 to vector<16xi32>
        %gather3A_397 = tpu.vector_load_idx %arg13[%broadcast_in_dim3A_396, %add3A_395] : memref<104x128xf32, #tpu.memory_space<vmem>>[vector<16xi32>, vector<16xi32>], vector<16xf32>,
        %broadcast_in_dim3A_398 = arith.constant 13 : i32
        %broadcast_in_dim3A_399 = vector.broadcast %broadcast_in_dim3A_398 : i32 to vector<16x1xi32>
        %gather3A_400 = vector.shape_cast %broadcast_in_dim3A_399 : vector<16x1xi32> to vector<16xi32>
        %gather3A_401 = tpu.dynamic_gather %get3A_128[%gather3A_400] in [0] : vector<16xf32>, vector<16xi32> -> vector<16xf32>
        %mul3A_402 = arith.mulf %gather3A_401, %gather3A_397 : vector<16xf32>
        %add3A_403 = arith.addf %add3A_384, %mul3A_402 : vector<16xf32>
        %mul3A_404 = arith.mulf %mul3A_402, %mul3A_402 : vector<16xf32>
        %add3A_405 = arith.addf %add3A_386, %mul3A_404 : vector<16xf32>
        %mul3A_406 = arith.constant 26 : i32
        %mul3A_407 = arith.muli %scan3A_123, %mul3A_406 : i32
        %add3A_408 = arith.constant 14 : i32
        %add3A_409 = arith.addi %mul3A_407, %add3A_408 : i32
        %broadcast_in_dim3A_410 = arith.constant 14 : i32
        %broadcast_in_dim3A_411 = vector.broadcast %broadcast_in_dim3A_410 : i32 to vector<16x1xi32>
        %gather3A_412 = vector.shape_cast %broadcast_in_dim3A_411 : vector<16x1xi32> to vector<16xi32>
        %gather3A_413 = tpu.dynamic_gather %get3A_134[%gather3A_412] in [0] : vector<16xi32>, vector<16xi32> -> vector<16xi32>
        %add3A_414 = arith.addi %gather3A_413, %iota3A : vector<16xi32>
        %broadcast_in_dim3A_415 = vector.broadcast %add3A_409 : i32 to vector<16xi32>
        %gather3A_416 = tpu.vector_load_idx %arg13[%broadcast_in_dim3A_415, %add3A_414] : memref<104x128xf32, #tpu.memory_space<vmem>>[vector<16xi32>, vector<16xi32>], vector<16xf32>,
        %broadcast_in_dim3A_417 = arith.constant 14 : i32
        %broadcast_in_dim3A_418 = vector.broadcast %broadcast_in_dim3A_417 : i32 to vector<16x1xi32>
        %gather3A_419 = vector.shape_cast %broadcast_in_dim3A_418 : vector<16x1xi32> to vector<16xi32>
        %gather3A_420 = tpu.dynamic_gather %get3A_128[%gather3A_419] in [0] : vector<16xf32>, vector<16xi32> -> vector<16xf32>
        %mul3A_421 = arith.mulf %gather3A_420, %gather3A_416 : vector<16xf32>
        %add3A_422 = arith.addf %add3A_403, %mul3A_421 : vector<16xf32>
        %mul3A_423 = arith.mulf %mul3A_421, %mul3A_421 : vector<16xf32>
        %add3A_424 = arith.addf %add3A_405, %mul3A_423 : vector<16xf32>
        %mul3A_425 = arith.constant 26 : i32
        %mul3A_426 = arith.muli %scan3A_123, %mul3A_425 : i32
        %add3A_427 = arith.constant 15 : i32
        %add3A_428 = arith.addi %mul3A_426, %add3A_427 : i32
        %broadcast_in_dim3A_429 = arith.constant 15 : i32
        %broadcast_in_dim3A_430 = vector.broadcast %broadcast_in_dim3A_429 : i32 to vector<16x1xi32>
        %gather3A_431 = vector.shape_cast %broadcast_in_dim3A_430 : vector<16x1xi32> to vector<16xi32>
        %gather3A_432 = tpu.dynamic_gather %get3A_134[%gather3A_431] in [0] : vector<16xi32>, vector<16xi32> -> vector<16xi32>
        %add3A_433 = arith.addi %gather3A_432, %iota3A : vector<16xi32>
        %broadcast_in_dim3A_434 = vector.broadcast %add3A_428 : i32 to vector<16xi32>
        %gather3A_435 = tpu.vector_load_idx %arg13[%broadcast_in_dim3A_434, %add3A_433] : memref<104x128xf32, #tpu.memory_space<vmem>>[vector<16xi32>, vector<16xi32>], vector<16xf32>,
        %broadcast_in_dim3A_436 = arith.constant 15 : i32
        %broadcast_in_dim3A_437 = vector.broadcast %broadcast_in_dim3A_436 : i32 to vector<16x1xi32>
        %gather3A_438 = vector.shape_cast %broadcast_in_dim3A_437 : vector<16x1xi32> to vector<16xi32>
        %gather3A_439 = tpu.dynamic_gather %get3A_128[%gather3A_438] in [0] : vector<16xf32>, vector<16xi32> -> vector<16xf32>
        %mul3A_440 = arith.mulf %gather3A_439, %gather3A_435 : vector<16xf32>
        %add3A_441 = arith.addf %add3A_422, %mul3A_440 : vector<16xf32>
        %mul3A_442 = arith.mulf %mul3A_440, %mul3A_440 : vector<16xf32>
        %add3A_443 = arith.addf %add3A_424, %mul3A_442 : vector<16xf32>
        %mul3A_444 = arith.constant 26 : i32
        %mul3A_445 = arith.muli %scan3A_123, %mul3A_444 : i32
        %add3A_446 = arith.constant 16 : i32
        %add3A_447 = arith.addi %mul3A_445, %add3A_446 : i32
        %broadcast_in_dim3A_448 = arith.constant 0 : i32
        %broadcast_in_dim3A_449 = vector.broadcast %broadcast_in_dim3A_448 : i32 to vector<16x1xi32>
        %gather3A_450 = vector.shape_cast %broadcast_in_dim3A_449 : vector<16x1xi32> to vector<16xi32>
        %gather3A_451 = tpu.dynamic_gather %get3A_137[%gather3A_450] in [0] : vector<16xi32>, vector<16xi32> -> vector<16xi32>
        %add3A_452 = arith.addi %gather3A_451, %iota3A : vector<16xi32>
        %broadcast_in_dim3A_453 = vector.broadcast %add3A_447 : i32 to vector<16xi32>
        %gather3A_454 = tpu.vector_load_idx %arg13[%broadcast_in_dim3A_453, %add3A_452] : memref<104x128xf32, #tpu.memory_space<vmem>>[vector<16xi32>, vector<16xi32>], vector<16xf32>,
        %broadcast_in_dim3A_455 = arith.constant 0 : i32
        %broadcast_in_dim3A_456 = vector.broadcast %broadcast_in_dim3A_455 : i32 to vector<16x1xi32>
        %gather3A_457 = vector.shape_cast %broadcast_in_dim3A_456 : vector<16x1xi32> to vector<16xi32>
        %gather3A_458 = tpu.dynamic_gather %get3A_131[%gather3A_457] in [0] : vector<16xf32>, vector<16xi32> -> vector<16xf32>
        %mul3A_459 = arith.mulf %gather3A_458, %gather3A_454 : vector<16xf32>
        %add3A_460 = arith.addf %add3A_441, %mul3A_459 : vector<16xf32>
        %mul3A_461 = arith.mulf %mul3A_459, %mul3A_459 : vector<16xf32>
        %add3A_462 = arith.addf %add3A_443, %mul3A_461 : vector<16xf32>
        %mul3A_463 = arith.constant 26 : i32
        %mul3A_464 = arith.muli %scan3A_123, %mul3A_463 : i32
        %add3A_465 = arith.constant 17 : i32
        %add3A_466 = arith.addi %mul3A_464, %add3A_465 : i32
        %broadcast_in_dim3A_467 = arith.constant 1 : i32
        %broadcast_in_dim3A_468 = vector.broadcast %broadcast_in_dim3A_467 : i32 to vector<16x1xi32>
        %gather3A_469 = vector.shape_cast %broadcast_in_dim3A_468 : vector<16x1xi32> to vector<16xi32>
        %gather3A_470 = tpu.dynamic_gather %get3A_137[%gather3A_469] in [0] : vector<16xi32>, vector<16xi32> -> vector<16xi32>
        %add3A_471 = arith.addi %gather3A_470, %iota3A : vector<16xi32>
        %broadcast_in_dim3A_472 = vector.broadcast %add3A_466 : i32 to vector<16xi32>
        %gather3A_473 = tpu.vector_load_idx %arg13[%broadcast_in_dim3A_472, %add3A_471] : memref<104x128xf32, #tpu.memory_space<vmem>>[vector<16xi32>, vector<16xi32>], vector<16xf32>,
        %broadcast_in_dim3A_474 = arith.constant 1 : i32
        %broadcast_in_dim3A_475 = vector.broadcast %broadcast_in_dim3A_474 : i32 to vector<16x1xi32>
        %gather3A_476 = vector.shape_cast %broadcast_in_dim3A_475 : vector<16x1xi32> to vector<16xi32>
        %gather3A_477 = tpu.dynamic_gather %get3A_131[%gather3A_476] in [0] : vector<16xf32>, vector<16xi32> -> vector<16xf32>
        %mul3A_478 = arith.mulf %gather3A_477, %gather3A_473 : vector<16xf32>
        %add3A_479 = arith.addf %add3A_460, %mul3A_478 : vector<16xf32>
        %mul3A_480 = arith.mulf %mul3A_478, %mul3A_478 : vector<16xf32>
        %add3A_481 = arith.addf %add3A_462, %mul3A_480 : vector<16xf32>
        %mul3A_482 = arith.constant 26 : i32
        %mul3A_483 = arith.muli %scan3A_123, %mul3A_482 : i32
        %add3A_484 = arith.constant 18 : i32
        %add3A_485 = arith.addi %mul3A_483, %add3A_484 : i32
        %broadcast_in_dim3A_486 = arith.constant 2 : i32
        %broadcast_in_dim3A_487 = vector.broadcast %broadcast_in_dim3A_486 : i32 to vector<16x1xi32>
        %gather3A_488 = vector.shape_cast %broadcast_in_dim3A_487 : vector<16x1xi32> to vector<16xi32>
        %gather3A_489 = tpu.dynamic_gather %get3A_137[%gather3A_488] in [0] : vector<16xi32>, vector<16xi32> -> vector<16xi32>
        %add3A_490 = arith.addi %gather3A_489, %iota3A : vector<16xi32>
        %broadcast_in_dim3A_491 = vector.broadcast %add3A_485 : i32 to vector<16xi32>
        %gather3A_492 = tpu.vector_load_idx %arg13[%broadcast_in_dim3A_491, %add3A_490] : memref<104x128xf32, #tpu.memory_space<vmem>>[vector<16xi32>, vector<16xi32>], vector<16xf32>,
        %broadcast_in_dim3A_493 = arith.constant 2 : i32
        %broadcast_in_dim3A_494 = vector.broadcast %broadcast_in_dim3A_493 : i32 to vector<16x1xi32>
        %gather3A_495 = vector.shape_cast %broadcast_in_dim3A_494 : vector<16x1xi32> to vector<16xi32>
        %gather3A_496 = tpu.dynamic_gather %get3A_131[%gather3A_495] in [0] : vector<16xf32>, vector<16xi32> -> vector<16xf32>
        %mul3A_497 = arith.mulf %gather3A_496, %gather3A_492 : vector<16xf32>
        %add3A_498 = arith.addf %add3A_479, %mul3A_497 : vector<16xf32>
        %mul3A_499 = arith.mulf %mul3A_497, %mul3A_497 : vector<16xf32>
        %add3A_500 = arith.addf %add3A_481, %mul3A_499 : vector<16xf32>
        %mul3A_501 = arith.constant 26 : i32
        %mul3A_502 = arith.muli %scan3A_123, %mul3A_501 : i32
        %add3A_503 = arith.constant 19 : i32
        %add3A_504 = arith.addi %mul3A_502, %add3A_503 : i32
        %broadcast_in_dim3A_505 = arith.constant 3 : i32
        %broadcast_in_dim3A_506 = vector.broadcast %broadcast_in_dim3A_505 : i32 to vector<16x1xi32>
        %gather3A_507 = vector.shape_cast %broadcast_in_dim3A_506 : vector<16x1xi32> to vector<16xi32>
        %gather3A_508 = tpu.dynamic_gather %get3A_137[%gather3A_507] in [0] : vector<16xi32>, vector<16xi32> -> vector<16xi32>
        %add3A_509 = arith.addi %gather3A_508, %iota3A : vector<16xi32>
        %broadcast_in_dim3A_510 = vector.broadcast %add3A_504 : i32 to vector<16xi32>
        %gather3A_511 = tpu.vector_load_idx %arg13[%broadcast_in_dim3A_510, %add3A_509] : memref<104x128xf32, #tpu.memory_space<vmem>>[vector<16xi32>, vector<16xi32>], vector<16xf32>,
        %broadcast_in_dim3A_512 = arith.constant 3 : i32
        %broadcast_in_dim3A_513 = vector.broadcast %broadcast_in_dim3A_512 : i32 to vector<16x1xi32>
        %gather3A_514 = vector.shape_cast %broadcast_in_dim3A_513 : vector<16x1xi32> to vector<16xi32>
        %gather3A_515 = tpu.dynamic_gather %get3A_131[%gather3A_514] in [0] : vector<16xf32>, vector<16xi32> -> vector<16xf32>
        %mul3A_516 = arith.mulf %gather3A_515, %gather3A_511 : vector<16xf32>
        %add3A_517 = arith.addf %add3A_498, %mul3A_516 : vector<16xf32>
        %mul3A_518 = arith.mulf %mul3A_516, %mul3A_516 : vector<16xf32>
        %add3A_519 = arith.addf %add3A_500, %mul3A_518 : vector<16xf32>
        %mul3A_520 = arith.constant 26 : i32
        %mul3A_521 = arith.muli %scan3A_123, %mul3A_520 : i32
        %add3A_522 = arith.constant 20 : i32
        %add3A_523 = arith.addi %mul3A_521, %add3A_522 : i32
        %broadcast_in_dim3A_524 = arith.constant 4 : i32
        %broadcast_in_dim3A_525 = vector.broadcast %broadcast_in_dim3A_524 : i32 to vector<16x1xi32>
        %gather3A_526 = vector.shape_cast %broadcast_in_dim3A_525 : vector<16x1xi32> to vector<16xi32>
        %gather3A_527 = tpu.dynamic_gather %get3A_137[%gather3A_526] in [0] : vector<16xi32>, vector<16xi32> -> vector<16xi32>
        %add3A_528 = arith.addi %gather3A_527, %iota3A : vector<16xi32>
        %broadcast_in_dim3A_529 = vector.broadcast %add3A_523 : i32 to vector<16xi32>
        %gather3A_530 = tpu.vector_load_idx %arg13[%broadcast_in_dim3A_529, %add3A_528] : memref<104x128xf32, #tpu.memory_space<vmem>>[vector<16xi32>, vector<16xi32>], vector<16xf32>,
        %broadcast_in_dim3A_531 = arith.constant 4 : i32
        %broadcast_in_dim3A_532 = vector.broadcast %broadcast_in_dim3A_531 : i32 to vector<16x1xi32>
        %gather3A_533 = vector.shape_cast %broadcast_in_dim3A_532 : vector<16x1xi32> to vector<16xi32>
        %gather3A_534 = tpu.dynamic_gather %get3A_131[%gather3A_533] in [0] : vector<16xf32>, vector<16xi32> -> vector<16xf32>
        %mul3A_535 = arith.mulf %gather3A_534, %gather3A_530 : vector<16xf32>
        %add3A_536 = arith.addf %add3A_517, %mul3A_535 : vector<16xf32>
        %mul3A_537 = arith.mulf %mul3A_535, %mul3A_535 : vector<16xf32>
        %add3A_538 = arith.addf %add3A_519, %mul3A_537 : vector<16xf32>
        %mul3A_539 = arith.constant 26 : i32
        %mul3A_540 = arith.muli %scan3A_123, %mul3A_539 : i32
        %add3A_541 = arith.constant 21 : i32
        %add3A_542 = arith.addi %mul3A_540, %add3A_541 : i32
        %broadcast_in_dim3A_543 = arith.constant 5 : i32
        %broadcast_in_dim3A_544 = vector.broadcast %broadcast_in_dim3A_543 : i32 to vector<16x1xi32>
        %gather3A_545 = vector.shape_cast %broadcast_in_dim3A_544 : vector<16x1xi32> to vector<16xi32>
        %gather3A_546 = tpu.dynamic_gather %get3A_137[%gather3A_545] in [0] : vector<16xi32>, vector<16xi32> -> vector<16xi32>
        %add3A_547 = arith.addi %gather3A_546, %iota3A : vector<16xi32>
        %broadcast_in_dim3A_548 = vector.broadcast %add3A_542 : i32 to vector<16xi32>
        %gather3A_549 = tpu.vector_load_idx %arg13[%broadcast_in_dim3A_548, %add3A_547] : memref<104x128xf32, #tpu.memory_space<vmem>>[vector<16xi32>, vector<16xi32>], vector<16xf32>,
        %broadcast_in_dim3A_550 = arith.constant 5 : i32
        %broadcast_in_dim3A_551 = vector.broadcast %broadcast_in_dim3A_550 : i32 to vector<16x1xi32>
        %gather3A_552 = vector.shape_cast %broadcast_in_dim3A_551 : vector<16x1xi32> to vector<16xi32>
        %gather3A_553 = tpu.dynamic_gather %get3A_131[%gather3A_552] in [0] : vector<16xf32>, vector<16xi32> -> vector<16xf32>
        %mul3A_554 = arith.mulf %gather3A_553, %gather3A_549 : vector<16xf32>
        %add3A_555 = arith.addf %add3A_536, %mul3A_554 : vector<16xf32>
        %mul3A_556 = arith.mulf %mul3A_554, %mul3A_554 : vector<16xf32>
        %add3A_557 = arith.addf %add3A_538, %mul3A_556 : vector<16xf32>
        %mul3A_558 = arith.constant 26 : i32
        %mul3A_559 = arith.muli %scan3A_123, %mul3A_558 : i32
        %add3A_560 = arith.constant 22 : i32
        %add3A_561 = arith.addi %mul3A_559, %add3A_560 : i32
        %broadcast_in_dim3A_562 = arith.constant 6 : i32
        %broadcast_in_dim3A_563 = vector.broadcast %broadcast_in_dim3A_562 : i32 to vector<16x1xi32>
        %gather3A_564 = vector.shape_cast %broadcast_in_dim3A_563 : vector<16x1xi32> to vector<16xi32>
        %gather3A_565 = tpu.dynamic_gather %get3A_137[%gather3A_564] in [0] : vector<16xi32>, vector<16xi32> -> vector<16xi32>
        %add3A_566 = arith.addi %gather3A_565, %iota3A : vector<16xi32>
        %broadcast_in_dim3A_567 = vector.broadcast %add3A_561 : i32 to vector<16xi32>
        %gather3A_568 = tpu.vector_load_idx %arg13[%broadcast_in_dim3A_567, %add3A_566] : memref<104x128xf32, #tpu.memory_space<vmem>>[vector<16xi32>, vector<16xi32>], vector<16xf32>,
        %broadcast_in_dim3A_569 = arith.constant 6 : i32
        %broadcast_in_dim3A_570 = vector.broadcast %broadcast_in_dim3A_569 : i32 to vector<16x1xi32>
        %gather3A_571 = vector.shape_cast %broadcast_in_dim3A_570 : vector<16x1xi32> to vector<16xi32>
        %gather3A_572 = tpu.dynamic_gather %get3A_131[%gather3A_571] in [0] : vector<16xf32>, vector<16xi32> -> vector<16xf32>
        %mul3A_573 = arith.mulf %gather3A_572, %gather3A_568 : vector<16xf32>
        %add3A_574 = arith.addf %add3A_555, %mul3A_573 : vector<16xf32>
        %mul3A_575 = arith.mulf %mul3A_573, %mul3A_573 : vector<16xf32>
        %add3A_576 = arith.addf %add3A_557, %mul3A_575 : vector<16xf32>
        %mul3A_577 = arith.constant 26 : i32
        %mul3A_578 = arith.muli %scan3A_123, %mul3A_577 : i32
        %add3A_579 = arith.constant 23 : i32
        %add3A_580 = arith.addi %mul3A_578, %add3A_579 : i32
        %broadcast_in_dim3A_581 = arith.constant 7 : i32
        %broadcast_in_dim3A_582 = vector.broadcast %broadcast_in_dim3A_581 : i32 to vector<16x1xi32>
        %gather3A_583 = vector.shape_cast %broadcast_in_dim3A_582 : vector<16x1xi32> to vector<16xi32>
        %gather3A_584 = tpu.dynamic_gather %get3A_137[%gather3A_583] in [0] : vector<16xi32>, vector<16xi32> -> vector<16xi32>
        %add3A_585 = arith.addi %gather3A_584, %iota3A : vector<16xi32>
        %broadcast_in_dim3A_586 = vector.broadcast %add3A_580 : i32 to vector<16xi32>
        %gather3A_587 = tpu.vector_load_idx %arg13[%broadcast_in_dim3A_586, %add3A_585] : memref<104x128xf32, #tpu.memory_space<vmem>>[vector<16xi32>, vector<16xi32>], vector<16xf32>,
        %broadcast_in_dim3A_588 = arith.constant 7 : i32
        %broadcast_in_dim3A_589 = vector.broadcast %broadcast_in_dim3A_588 : i32 to vector<16x1xi32>
        %gather3A_590 = vector.shape_cast %broadcast_in_dim3A_589 : vector<16x1xi32> to vector<16xi32>
        %gather3A_591 = tpu.dynamic_gather %get3A_131[%gather3A_590] in [0] : vector<16xf32>, vector<16xi32> -> vector<16xf32>
        %mul3A_592 = arith.mulf %gather3A_591, %gather3A_587 : vector<16xf32>
        %add3A_593 = arith.addf %add3A_574, %mul3A_592 : vector<16xf32>
        %mul3A_594 = arith.mulf %mul3A_592, %mul3A_592 : vector<16xf32>
        %add3A_595 = arith.addf %add3A_576, %mul3A_594 : vector<16xf32>
        %mul3A_596 = arith.constant 26 : i32
        %mul3A_597 = arith.muli %scan3A_123, %mul3A_596 : i32
        %add3A_598 = arith.constant 24 : i32
        %add3A_599 = arith.addi %mul3A_597, %add3A_598 : i32
        %broadcast_in_dim3A_600 = arith.constant 8 : i32
        %broadcast_in_dim3A_601 = vector.broadcast %broadcast_in_dim3A_600 : i32 to vector<16x1xi32>
        %gather3A_602 = vector.shape_cast %broadcast_in_dim3A_601 : vector<16x1xi32> to vector<16xi32>
        %gather3A_603 = tpu.dynamic_gather %get3A_137[%gather3A_602] in [0] : vector<16xi32>, vector<16xi32> -> vector<16xi32>
        %add3A_604 = arith.addi %gather3A_603, %iota3A : vector<16xi32>
        %broadcast_in_dim3A_605 = vector.broadcast %add3A_599 : i32 to vector<16xi32>
        %gather3A_606 = tpu.vector_load_idx %arg13[%broadcast_in_dim3A_605, %add3A_604] : memref<104x128xf32, #tpu.memory_space<vmem>>[vector<16xi32>, vector<16xi32>], vector<16xf32>,
        %broadcast_in_dim3A_607 = arith.constant 8 : i32
        %broadcast_in_dim3A_608 = vector.broadcast %broadcast_in_dim3A_607 : i32 to vector<16x1xi32>
        %gather3A_609 = vector.shape_cast %broadcast_in_dim3A_608 : vector<16x1xi32> to vector<16xi32>
        %gather3A_610 = tpu.dynamic_gather %get3A_131[%gather3A_609] in [0] : vector<16xf32>, vector<16xi32> -> vector<16xf32>
        %mul3A_611 = arith.mulf %gather3A_610, %gather3A_606 : vector<16xf32>
        %add3A_612 = arith.addf %add3A_593, %mul3A_611 : vector<16xf32>
        %mul3A_613 = arith.mulf %mul3A_611, %mul3A_611 : vector<16xf32>
        %add3A_614 = arith.addf %add3A_595, %mul3A_613 : vector<16xf32>
        %mul3A_615 = arith.constant 26 : i32
        %mul3A_616 = arith.muli %scan3A_123, %mul3A_615 : i32
        %add3A_617 = arith.constant 25 : i32
        %add3A_618 = arith.addi %mul3A_616, %add3A_617 : i32
        %broadcast_in_dim3A_619 = arith.constant 9 : i32
        %broadcast_in_dim3A_620 = vector.broadcast %broadcast_in_dim3A_619 : i32 to vector<16x1xi32>
        %gather3A_621 = vector.shape_cast %broadcast_in_dim3A_620 : vector<16x1xi32> to vector<16xi32>
        %gather3A_622 = tpu.dynamic_gather %get3A_137[%gather3A_621] in [0] : vector<16xi32>, vector<16xi32> -> vector<16xi32>
        %add3A_623 = arith.addi %gather3A_622, %iota3A : vector<16xi32>
        %broadcast_in_dim3A_624 = vector.broadcast %add3A_618 : i32 to vector<16xi32>
        %gather3A_625 = tpu.vector_load_idx %arg13[%broadcast_in_dim3A_624, %add3A_623] : memref<104x128xf32, #tpu.memory_space<vmem>>[vector<16xi32>, vector<16xi32>], vector<16xf32>,
        %broadcast_in_dim3A_626 = arith.constant 9 : i32
        %broadcast_in_dim3A_627 = vector.broadcast %broadcast_in_dim3A_626 : i32 to vector<16x1xi32>
        %gather3A_628 = vector.shape_cast %broadcast_in_dim3A_627 : vector<16x1xi32> to vector<16xi32>
        %gather3A_629 = tpu.dynamic_gather %get3A_131[%gather3A_628] in [0] : vector<16xf32>, vector<16xi32> -> vector<16xf32>
        %mul3A_630 = arith.mulf %gather3A_629, %gather3A_625 : vector<16xf32>
        %add3A_631 = arith.addf %add3A_612, %mul3A_630 : vector<16xf32>
        %mul3A_632 = arith.mulf %mul3A_630, %mul3A_630 : vector<16xf32>
        %add3A_633 = arith.addf %add3A_614, %mul3A_632 : vector<16xf32>
        %mul3A_634 = arith.mulf %add3A_631, %add3A_631 : vector<16xf32>
        %sub3A = arith.subf %mul3A_634, %add3A_633 : vector<16xf32>
        %mul3A_635 = arith.constant 5.000000e-01 : f32
        %mul3A_636 = vector.broadcast %mul3A_635 : f32 to vector<16xf32>
        %mul3A_637 = arith.mulf %mul3A_636, %sub3A : vector<16xf32>
        %swap3A = arith.index_cast %add3A_126 : i32 to index
        %swap3A_638 = arith.constant 0 : index
        %swap3A_639 = tpu.vector_load %arg10[%swap3A, %swap3A_638] {strides = array<i32>} : memref<128x16xf32, #tpu.memory_space<vmem>>, vector<16xf32>,
        tpu.vector_store %arg10[%swap3A, %swap3A_638], %mul3A_637 {strides = array<i32>} : memref<128x16xf32, #tpu.memory_space<vmem>>, vector<16xf32>,
      }
      %scan3A_93 = arith.constant 4 : i32
      %add3A_94 = arith.constant 4 : i32
      %add3A_95 = arith.addi %add3A_80, %add3A_94 : i32
      %lt3A_96 = arith.constant 32 : i32
      %lt3A_97 = arith.cmpi slt, %add3A_95, %lt3A_96 : i32
      %convert_element_type3A_98 = arith.extui %lt3A_97 : i1 to i32
      %cond3A_99 = arith.constant 0 : i32
      %cond3A_100 = arith.cmpi ne, %convert_element_type3A_98, %cond3A_99 : i32
      scf.if %cond3A_100 {
        %add3A_123 = arith.constant 4 : i32
        %add3A_124 = arith.addi %add3A_80, %add3A_123 : i32
        %dma_start3A_125 = arith.constant 0 : i32
        %dma_start3A_126 = tpu.memref_slice %arg7[%add3A_124, %dma_start3A_125] : memref<32x104xi32, #tpu.memory_space<vmem>> -> memref<1x104xi32, #tpu.memory_space<vmem>>
        %dma_start3A_127 = tpu.memref_squeeze %dma_start3A_126 : memref<1x104xi32, #tpu.memory_space<vmem>> -> memref<104xi32, #tpu.memory_space<vmem>>
        %dma_start3A_128 = arith.constant 0 : i32
        %dma_start3A_129 = arith.constant 0 : i32
        %dma_start3A_130 = tpu.memref_slice %arg2[%dma_start3A_128, %dma_start3A_129] : memref<125440x128xf32, #tpu.memory_space<hbm>> -> memref<125440x128xf32, #tpu.memory_space<hbm>>
        tpu.enqueue_indirect_dma source(%dma_start3A_130 : memref<125440x128xf32, #tpu.memory_space<hbm>>) target(%arg13 : memref<104x128xf32, #tpu.memory_space<vmem>>) offsets(%dma_start3A_127 : memref<104xi32, #tpu.memory_space<vmem>>) semaphore(%arg17 : memref<!tpu.dma_semaphore, #tpu.memory_space<semaphore_mem>>)
      } else {
      }
      %add3A_101 = arith.constant 3 : i32
      %add3A_102 = arith.addi %add3A_38, %add3A_101 : i32
      %dma_wait3A_103 = arith.constant 0 : i32
      %dma_wait3A_104 = arith.constant 0 : i32
      %dma_wait3A_105 = tpu.memref_slice %arg7[%dma_wait3A_103, %dma_wait3A_104] : memref<32x104xi32, #tpu.memory_space<vmem>> -> memref<1x104xi32, #tpu.memory_space<vmem>>
      %dma_wait3A_106 = tpu.memref_squeeze %dma_wait3A_105 : memref<1x104xi32, #tpu.memory_space<vmem>> -> memref<104xi32, #tpu.memory_space<vmem>>
      %dma_wait3A_107 = arith.constant 0 : i32
      %dma_wait3A_108 = arith.constant 0 : i32
      %dma_wait3A_109 = tpu.memref_slice %arg2[%dma_wait3A_107, %dma_wait3A_108] : memref<125440x128xf32, #tpu.memory_space<hbm>> -> memref<125440x128xf32, #tpu.memory_space<hbm>>
      tpu.wait_indirect_dma semaphore(%arg18 : memref<!tpu.dma_semaphore, #tpu.memory_space<semaphore_mem>>) src(%dma_wait3A_109 : memref<125440x128xf32, #tpu.memory_space<hbm>>) dst(%arg14 : memref<104x128xf32, #tpu.memory_space<vmem>>)
      %scan3A_110 = arith.constant 0 : i32
      %scan3A_111 = arith.constant 0 : i32
      %scan3A_112 = arith.constant 4 : i32
      %scan3A_113 = arith.addi %scan3A_111, %scan3A_112 : i32
      %scan3A_114 = arith.constant 1 : i32
      scf.for %scan3A_123 = %scan3A_111 to %scan3A_113 step %scan3A_114  : i32 {
        %mul3A_124 = arith.constant 4 : i32
        %mul3A_125 = arith.muli %add3A_102, %mul3A_124 : i32
        %add3A_126 = arith.addi %mul3A_125, %scan3A_123 : i32
        %get3A = arith.index_cast %add3A_126 : i32 to index
        %get3A_127 = arith.constant 0 : index
        %get3A_128 = tpu.vector_load %arg8[%get3A, %get3A_127] {strides = array<i32>} : memref<128x32xf32, #tpu.memory_space<vmem>>, vector<16xf32>,
        %get3A_129 = arith.index_cast %add3A_126 : i32 to index
        %get3A_130 = arith.constant 16 : index
        %get3A_131 = tpu.vector_load %arg8[%get3A_129, %get3A_130] {strides = array<i32>} : memref<128x32xf32, #tpu.memory_space<vmem>>, vector<16xf32>,
        %get3A_132 = arith.index_cast %add3A_126 : i32 to index
        %get3A_133 = arith.constant 0 : index
        %get3A_134 = tpu.vector_load %arg9[%get3A_132, %get3A_133] {strides = array<i32>} : memref<128x32xi32, #tpu.memory_space<vmem>>, vector<16xi32>,
        %get3A_135 = arith.index_cast %add3A_126 : i32 to index
        %get3A_136 = arith.constant 16 : index
        %get3A_137 = tpu.vector_load %arg9[%get3A_135, %get3A_136] {strides = array<i32>} : memref<128x32xi32, #tpu.memory_space<vmem>>, vector<16xi32>,
        %broadcast_in_dim3A = arith.constant 0.000000e+00 : f32
        %broadcast_in_dim3A_138 = vector.broadcast %broadcast_in_dim3A : f32 to vector<16xf32>
        %broadcast_in_dim3A_139 = arith.constant 0.000000e+00 : f32
        %broadcast_in_dim3A_140 = vector.broadcast %broadcast_in_dim3A_139 : f32 to vector<16xf32>
        %mul3A_141 = arith.constant 26 : i32
        %mul3A_142 = arith.muli %scan3A_123, %mul3A_141 : i32
        %add3A_143 = arith.constant 0 : i32
        %add3A_144 = arith.addi %mul3A_142, %add3A_143 : i32
        %broadcast_in_dim3A_145 = arith.constant 0 : i32
        %broadcast_in_dim3A_146 = vector.broadcast %broadcast_in_dim3A_145 : i32 to vector<16x1xi32>
        %gather3A = vector.shape_cast %broadcast_in_dim3A_146 : vector<16x1xi32> to vector<16xi32>
        %gather3A_147 = tpu.dynamic_gather %get3A_134[%gather3A] in [0] : vector<16xi32>, vector<16xi32> -> vector<16xi32>
        %add3A_148 = arith.addi %gather3A_147, %iota3A : vector<16xi32>
        %broadcast_in_dim3A_149 = vector.broadcast %add3A_144 : i32 to vector<16xi32>
        %gather3A_150 = tpu.vector_load_idx %arg14[%broadcast_in_dim3A_149, %add3A_148] : memref<104x128xf32, #tpu.memory_space<vmem>>[vector<16xi32>, vector<16xi32>], vector<16xf32>,
        %broadcast_in_dim3A_151 = arith.constant 0 : i32
        %broadcast_in_dim3A_152 = vector.broadcast %broadcast_in_dim3A_151 : i32 to vector<16x1xi32>
        %gather3A_153 = vector.shape_cast %broadcast_in_dim3A_152 : vector<16x1xi32> to vector<16xi32>
        %gather3A_154 = tpu.dynamic_gather %get3A_128[%gather3A_153] in [0] : vector<16xf32>, vector<16xi32> -> vector<16xf32>
        %mul3A_155 = arith.mulf %gather3A_154, %gather3A_150 : vector<16xf32>
        %add3A_156 = arith.addf %broadcast_in_dim3A_138, %mul3A_155 : vector<16xf32>
        %mul3A_157 = arith.mulf %mul3A_155, %mul3A_155 : vector<16xf32>
        %add3A_158 = arith.addf %broadcast_in_dim3A_140, %mul3A_157 : vector<16xf32>
        %mul3A_159 = arith.constant 26 : i32
        %mul3A_160 = arith.muli %scan3A_123, %mul3A_159 : i32
        %add3A_161 = arith.constant 1 : i32
        %add3A_162 = arith.addi %mul3A_160, %add3A_161 : i32
        %broadcast_in_dim3A_163 = arith.constant 1 : i32
        %broadcast_in_dim3A_164 = vector.broadcast %broadcast_in_dim3A_163 : i32 to vector<16x1xi32>
        %gather3A_165 = vector.shape_cast %broadcast_in_dim3A_164 : vector<16x1xi32> to vector<16xi32>
        %gather3A_166 = tpu.dynamic_gather %get3A_134[%gather3A_165] in [0] : vector<16xi32>, vector<16xi32> -> vector<16xi32>
        %add3A_167 = arith.addi %gather3A_166, %iota3A : vector<16xi32>
        %broadcast_in_dim3A_168 = vector.broadcast %add3A_162 : i32 to vector<16xi32>
        %gather3A_169 = tpu.vector_load_idx %arg14[%broadcast_in_dim3A_168, %add3A_167] : memref<104x128xf32, #tpu.memory_space<vmem>>[vector<16xi32>, vector<16xi32>], vector<16xf32>,
        %broadcast_in_dim3A_170 = arith.constant 1 : i32
        %broadcast_in_dim3A_171 = vector.broadcast %broadcast_in_dim3A_170 : i32 to vector<16x1xi32>
        %gather3A_172 = vector.shape_cast %broadcast_in_dim3A_171 : vector<16x1xi32> to vector<16xi32>
        %gather3A_173 = tpu.dynamic_gather %get3A_128[%gather3A_172] in [0] : vector<16xf32>, vector<16xi32> -> vector<16xf32>
        %mul3A_174 = arith.mulf %gather3A_173, %gather3A_169 : vector<16xf32>
        %add3A_175 = arith.addf %add3A_156, %mul3A_174 : vector<16xf32>
        %mul3A_176 = arith.mulf %mul3A_174, %mul3A_174 : vector<16xf32>
        %add3A_177 = arith.addf %add3A_158, %mul3A_176 : vector<16xf32>
        %mul3A_178 = arith.constant 26 : i32
        %mul3A_179 = arith.muli %scan3A_123, %mul3A_178 : i32
        %add3A_180 = arith.constant 2 : i32
        %add3A_181 = arith.addi %mul3A_179, %add3A_180 : i32
        %broadcast_in_dim3A_182 = arith.constant 2 : i32
        %broadcast_in_dim3A_183 = vector.broadcast %broadcast_in_dim3A_182 : i32 to vector<16x1xi32>
        %gather3A_184 = vector.shape_cast %broadcast_in_dim3A_183 : vector<16x1xi32> to vector<16xi32>
        %gather3A_185 = tpu.dynamic_gather %get3A_134[%gather3A_184] in [0] : vector<16xi32>, vector<16xi32> -> vector<16xi32>
        %add3A_186 = arith.addi %gather3A_185, %iota3A : vector<16xi32>
        %broadcast_in_dim3A_187 = vector.broadcast %add3A_181 : i32 to vector<16xi32>
        %gather3A_188 = tpu.vector_load_idx %arg14[%broadcast_in_dim3A_187, %add3A_186] : memref<104x128xf32, #tpu.memory_space<vmem>>[vector<16xi32>, vector<16xi32>], vector<16xf32>,
        %broadcast_in_dim3A_189 = arith.constant 2 : i32
        %broadcast_in_dim3A_190 = vector.broadcast %broadcast_in_dim3A_189 : i32 to vector<16x1xi32>
        %gather3A_191 = vector.shape_cast %broadcast_in_dim3A_190 : vector<16x1xi32> to vector<16xi32>
        %gather3A_192 = tpu.dynamic_gather %get3A_128[%gather3A_191] in [0] : vector<16xf32>, vector<16xi32> -> vector<16xf32>
        %mul3A_193 = arith.mulf %gather3A_192, %gather3A_188 : vector<16xf32>
        %add3A_194 = arith.addf %add3A_175, %mul3A_193 : vector<16xf32>
        %mul3A_195 = arith.mulf %mul3A_193, %mul3A_193 : vector<16xf32>
        %add3A_196 = arith.addf %add3A_177, %mul3A_195 : vector<16xf32>
        %mul3A_197 = arith.constant 26 : i32
        %mul3A_198 = arith.muli %scan3A_123, %mul3A_197 : i32
        %add3A_199 = arith.constant 3 : i32
        %add3A_200 = arith.addi %mul3A_198, %add3A_199 : i32
        %broadcast_in_dim3A_201 = arith.constant 3 : i32
        %broadcast_in_dim3A_202 = vector.broadcast %broadcast_in_dim3A_201 : i32 to vector<16x1xi32>
        %gather3A_203 = vector.shape_cast %broadcast_in_dim3A_202 : vector<16x1xi32> to vector<16xi32>
        %gather3A_204 = tpu.dynamic_gather %get3A_134[%gather3A_203] in [0] : vector<16xi32>, vector<16xi32> -> vector<16xi32>
        %add3A_205 = arith.addi %gather3A_204, %iota3A : vector<16xi32>
        %broadcast_in_dim3A_206 = vector.broadcast %add3A_200 : i32 to vector<16xi32>
        %gather3A_207 = tpu.vector_load_idx %arg14[%broadcast_in_dim3A_206, %add3A_205] : memref<104x128xf32, #tpu.memory_space<vmem>>[vector<16xi32>, vector<16xi32>], vector<16xf32>,
        %broadcast_in_dim3A_208 = arith.constant 3 : i32
        %broadcast_in_dim3A_209 = vector.broadcast %broadcast_in_dim3A_208 : i32 to vector<16x1xi32>
        %gather3A_210 = vector.shape_cast %broadcast_in_dim3A_209 : vector<16x1xi32> to vector<16xi32>
        %gather3A_211 = tpu.dynamic_gather %get3A_128[%gather3A_210] in [0] : vector<16xf32>, vector<16xi32> -> vector<16xf32>
        %mul3A_212 = arith.mulf %gather3A_211, %gather3A_207 : vector<16xf32>
        %add3A_213 = arith.addf %add3A_194, %mul3A_212 : vector<16xf32>
        %mul3A_214 = arith.mulf %mul3A_212, %mul3A_212 : vector<16xf32>
        %add3A_215 = arith.addf %add3A_196, %mul3A_214 : vector<16xf32>
        %mul3A_216 = arith.constant 26 : i32
        %mul3A_217 = arith.muli %scan3A_123, %mul3A_216 : i32
        %add3A_218 = arith.constant 4 : i32
        %add3A_219 = arith.addi %mul3A_217, %add3A_218 : i32
        %broadcast_in_dim3A_220 = arith.constant 4 : i32
        %broadcast_in_dim3A_221 = vector.broadcast %broadcast_in_dim3A_220 : i32 to vector<16x1xi32>
        %gather3A_222 = vector.shape_cast %broadcast_in_dim3A_221 : vector<16x1xi32> to vector<16xi32>
        %gather3A_223 = tpu.dynamic_gather %get3A_134[%gather3A_222] in [0] : vector<16xi32>, vector<16xi32> -> vector<16xi32>
        %add3A_224 = arith.addi %gather3A_223, %iota3A : vector<16xi32>
        %broadcast_in_dim3A_225 = vector.broadcast %add3A_219 : i32 to vector<16xi32>
        %gather3A_226 = tpu.vector_load_idx %arg14[%broadcast_in_dim3A_225, %add3A_224] : memref<104x128xf32, #tpu.memory_space<vmem>>[vector<16xi32>, vector<16xi32>], vector<16xf32>,
        %broadcast_in_dim3A_227 = arith.constant 4 : i32
        %broadcast_in_dim3A_228 = vector.broadcast %broadcast_in_dim3A_227 : i32 to vector<16x1xi32>
        %gather3A_229 = vector.shape_cast %broadcast_in_dim3A_228 : vector<16x1xi32> to vector<16xi32>
        %gather3A_230 = tpu.dynamic_gather %get3A_128[%gather3A_229] in [0] : vector<16xf32>, vector<16xi32> -> vector<16xf32>
        %mul3A_231 = arith.mulf %gather3A_230, %gather3A_226 : vector<16xf32>
        %add3A_232 = arith.addf %add3A_213, %mul3A_231 : vector<16xf32>
        %mul3A_233 = arith.mulf %mul3A_231, %mul3A_231 : vector<16xf32>
        %add3A_234 = arith.addf %add3A_215, %mul3A_233 : vector<16xf32>
        %mul3A_235 = arith.constant 26 : i32
        %mul3A_236 = arith.muli %scan3A_123, %mul3A_235 : i32
        %add3A_237 = arith.constant 5 : i32
        %add3A_238 = arith.addi %mul3A_236, %add3A_237 : i32
        %broadcast_in_dim3A_239 = arith.constant 5 : i32
        %broadcast_in_dim3A_240 = vector.broadcast %broadcast_in_dim3A_239 : i32 to vector<16x1xi32>
        %gather3A_241 = vector.shape_cast %broadcast_in_dim3A_240 : vector<16x1xi32> to vector<16xi32>
        %gather3A_242 = tpu.dynamic_gather %get3A_134[%gather3A_241] in [0] : vector<16xi32>, vector<16xi32> -> vector<16xi32>
        %add3A_243 = arith.addi %gather3A_242, %iota3A : vector<16xi32>
        %broadcast_in_dim3A_244 = vector.broadcast %add3A_238 : i32 to vector<16xi32>
        %gather3A_245 = tpu.vector_load_idx %arg14[%broadcast_in_dim3A_244, %add3A_243] : memref<104x128xf32, #tpu.memory_space<vmem>>[vector<16xi32>, vector<16xi32>], vector<16xf32>,
        %broadcast_in_dim3A_246 = arith.constant 5 : i32
        %broadcast_in_dim3A_247 = vector.broadcast %broadcast_in_dim3A_246 : i32 to vector<16x1xi32>
        %gather3A_248 = vector.shape_cast %broadcast_in_dim3A_247 : vector<16x1xi32> to vector<16xi32>
        %gather3A_249 = tpu.dynamic_gather %get3A_128[%gather3A_248] in [0] : vector<16xf32>, vector<16xi32> -> vector<16xf32>
        %mul3A_250 = arith.mulf %gather3A_249, %gather3A_245 : vector<16xf32>
        %add3A_251 = arith.addf %add3A_232, %mul3A_250 : vector<16xf32>
        %mul3A_252 = arith.mulf %mul3A_250, %mul3A_250 : vector<16xf32>
        %add3A_253 = arith.addf %add3A_234, %mul3A_252 : vector<16xf32>
        %mul3A_254 = arith.constant 26 : i32
        %mul3A_255 = arith.muli %scan3A_123, %mul3A_254 : i32
        %add3A_256 = arith.constant 6 : i32
        %add3A_257 = arith.addi %mul3A_255, %add3A_256 : i32
        %broadcast_in_dim3A_258 = arith.constant 6 : i32
        %broadcast_in_dim3A_259 = vector.broadcast %broadcast_in_dim3A_258 : i32 to vector<16x1xi32>
        %gather3A_260 = vector.shape_cast %broadcast_in_dim3A_259 : vector<16x1xi32> to vector<16xi32>
        %gather3A_261 = tpu.dynamic_gather %get3A_134[%gather3A_260] in [0] : vector<16xi32>, vector<16xi32> -> vector<16xi32>
        %add3A_262 = arith.addi %gather3A_261, %iota3A : vector<16xi32>
        %broadcast_in_dim3A_263 = vector.broadcast %add3A_257 : i32 to vector<16xi32>
        %gather3A_264 = tpu.vector_load_idx %arg14[%broadcast_in_dim3A_263, %add3A_262] : memref<104x128xf32, #tpu.memory_space<vmem>>[vector<16xi32>, vector<16xi32>], vector<16xf32>,
        %broadcast_in_dim3A_265 = arith.constant 6 : i32
        %broadcast_in_dim3A_266 = vector.broadcast %broadcast_in_dim3A_265 : i32 to vector<16x1xi32>
        %gather3A_267 = vector.shape_cast %broadcast_in_dim3A_266 : vector<16x1xi32> to vector<16xi32>
        %gather3A_268 = tpu.dynamic_gather %get3A_128[%gather3A_267] in [0] : vector<16xf32>, vector<16xi32> -> vector<16xf32>
        %mul3A_269 = arith.mulf %gather3A_268, %gather3A_264 : vector<16xf32>
        %add3A_270 = arith.addf %add3A_251, %mul3A_269 : vector<16xf32>
        %mul3A_271 = arith.mulf %mul3A_269, %mul3A_269 : vector<16xf32>
        %add3A_272 = arith.addf %add3A_253, %mul3A_271 : vector<16xf32>
        %mul3A_273 = arith.constant 26 : i32
        %mul3A_274 = arith.muli %scan3A_123, %mul3A_273 : i32
        %add3A_275 = arith.constant 7 : i32
        %add3A_276 = arith.addi %mul3A_274, %add3A_275 : i32
        %broadcast_in_dim3A_277 = arith.constant 7 : i32
        %broadcast_in_dim3A_278 = vector.broadcast %broadcast_in_dim3A_277 : i32 to vector<16x1xi32>
        %gather3A_279 = vector.shape_cast %broadcast_in_dim3A_278 : vector<16x1xi32> to vector<16xi32>
        %gather3A_280 = tpu.dynamic_gather %get3A_134[%gather3A_279] in [0] : vector<16xi32>, vector<16xi32> -> vector<16xi32>
        %add3A_281 = arith.addi %gather3A_280, %iota3A : vector<16xi32>
        %broadcast_in_dim3A_282 = vector.broadcast %add3A_276 : i32 to vector<16xi32>
        %gather3A_283 = tpu.vector_load_idx %arg14[%broadcast_in_dim3A_282, %add3A_281] : memref<104x128xf32, #tpu.memory_space<vmem>>[vector<16xi32>, vector<16xi32>], vector<16xf32>,
        %broadcast_in_dim3A_284 = arith.constant 7 : i32
        %broadcast_in_dim3A_285 = vector.broadcast %broadcast_in_dim3A_284 : i32 to vector<16x1xi32>
        %gather3A_286 = vector.shape_cast %broadcast_in_dim3A_285 : vector<16x1xi32> to vector<16xi32>
        %gather3A_287 = tpu.dynamic_gather %get3A_128[%gather3A_286] in [0] : vector<16xf32>, vector<16xi32> -> vector<16xf32>
        %mul3A_288 = arith.mulf %gather3A_287, %gather3A_283 : vector<16xf32>
        %add3A_289 = arith.addf %add3A_270, %mul3A_288 : vector<16xf32>
        %mul3A_290 = arith.mulf %mul3A_288, %mul3A_288 : vector<16xf32>
        %add3A_291 = arith.addf %add3A_272, %mul3A_290 : vector<16xf32>
        %mul3A_292 = arith.constant 26 : i32
        %mul3A_293 = arith.muli %scan3A_123, %mul3A_292 : i32
        %add3A_294 = arith.constant 8 : i32
        %add3A_295 = arith.addi %mul3A_293, %add3A_294 : i32
        %broadcast_in_dim3A_296 = arith.constant 8 : i32
        %broadcast_in_dim3A_297 = vector.broadcast %broadcast_in_dim3A_296 : i32 to vector<16x1xi32>
        %gather3A_298 = vector.shape_cast %broadcast_in_dim3A_297 : vector<16x1xi32> to vector<16xi32>
        %gather3A_299 = tpu.dynamic_gather %get3A_134[%gather3A_298] in [0] : vector<16xi32>, vector<16xi32> -> vector<16xi32>
        %add3A_300 = arith.addi %gather3A_299, %iota3A : vector<16xi32>
        %broadcast_in_dim3A_301 = vector.broadcast %add3A_295 : i32 to vector<16xi32>
        %gather3A_302 = tpu.vector_load_idx %arg14[%broadcast_in_dim3A_301, %add3A_300] : memref<104x128xf32, #tpu.memory_space<vmem>>[vector<16xi32>, vector<16xi32>], vector<16xf32>,
        %broadcast_in_dim3A_303 = arith.constant 8 : i32
        %broadcast_in_dim3A_304 = vector.broadcast %broadcast_in_dim3A_303 : i32 to vector<16x1xi32>
        %gather3A_305 = vector.shape_cast %broadcast_in_dim3A_304 : vector<16x1xi32> to vector<16xi32>
        %gather3A_306 = tpu.dynamic_gather %get3A_128[%gather3A_305] in [0] : vector<16xf32>, vector<16xi32> -> vector<16xf32>
        %mul3A_307 = arith.mulf %gather3A_306, %gather3A_302 : vector<16xf32>
        %add3A_308 = arith.addf %add3A_289, %mul3A_307 : vector<16xf32>
        %mul3A_309 = arith.mulf %mul3A_307, %mul3A_307 : vector<16xf32>
        %add3A_310 = arith.addf %add3A_291, %mul3A_309 : vector<16xf32>
        %mul3A_311 = arith.constant 26 : i32
        %mul3A_312 = arith.muli %scan3A_123, %mul3A_311 : i32
        %add3A_313 = arith.constant 9 : i32
        %add3A_314 = arith.addi %mul3A_312, %add3A_313 : i32
        %broadcast_in_dim3A_315 = arith.constant 9 : i32
        %broadcast_in_dim3A_316 = vector.broadcast %broadcast_in_dim3A_315 : i32 to vector<16x1xi32>
        %gather3A_317 = vector.shape_cast %broadcast_in_dim3A_316 : vector<16x1xi32> to vector<16xi32>
        %gather3A_318 = tpu.dynamic_gather %get3A_134[%gather3A_317] in [0] : vector<16xi32>, vector<16xi32> -> vector<16xi32>
        %add3A_319 = arith.addi %gather3A_318, %iota3A : vector<16xi32>
        %broadcast_in_dim3A_320 = vector.broadcast %add3A_314 : i32 to vector<16xi32>
        %gather3A_321 = tpu.vector_load_idx %arg14[%broadcast_in_dim3A_320, %add3A_319] : memref<104x128xf32, #tpu.memory_space<vmem>>[vector<16xi32>, vector<16xi32>], vector<16xf32>,
        %broadcast_in_dim3A_322 = arith.constant 9 : i32
        %broadcast_in_dim3A_323 = vector.broadcast %broadcast_in_dim3A_322 : i32 to vector<16x1xi32>
        %gather3A_324 = vector.shape_cast %broadcast_in_dim3A_323 : vector<16x1xi32> to vector<16xi32>
        %gather3A_325 = tpu.dynamic_gather %get3A_128[%gather3A_324] in [0] : vector<16xf32>, vector<16xi32> -> vector<16xf32>
        %mul3A_326 = arith.mulf %gather3A_325, %gather3A_321 : vector<16xf32>
        %add3A_327 = arith.addf %add3A_308, %mul3A_326 : vector<16xf32>
        %mul3A_328 = arith.mulf %mul3A_326, %mul3A_326 : vector<16xf32>
        %add3A_329 = arith.addf %add3A_310, %mul3A_328 : vector<16xf32>
        %mul3A_330 = arith.constant 26 : i32
        %mul3A_331 = arith.muli %scan3A_123, %mul3A_330 : i32
        %add3A_332 = arith.constant 10 : i32
        %add3A_333 = arith.addi %mul3A_331, %add3A_332 : i32
        %broadcast_in_dim3A_334 = arith.constant 10 : i32
        %broadcast_in_dim3A_335 = vector.broadcast %broadcast_in_dim3A_334 : i32 to vector<16x1xi32>
        %gather3A_336 = vector.shape_cast %broadcast_in_dim3A_335 : vector<16x1xi32> to vector<16xi32>
        %gather3A_337 = tpu.dynamic_gather %get3A_134[%gather3A_336] in [0] : vector<16xi32>, vector<16xi32> -> vector<16xi32>
        %add3A_338 = arith.addi %gather3A_337, %iota3A : vector<16xi32>
        %broadcast_in_dim3A_339 = vector.broadcast %add3A_333 : i32 to vector<16xi32>
        %gather3A_340 = tpu.vector_load_idx %arg14[%broadcast_in_dim3A_339, %add3A_338] : memref<104x128xf32, #tpu.memory_space<vmem>>[vector<16xi32>, vector<16xi32>], vector<16xf32>,
        %broadcast_in_dim3A_341 = arith.constant 10 : i32
        %broadcast_in_dim3A_342 = vector.broadcast %broadcast_in_dim3A_341 : i32 to vector<16x1xi32>
        %gather3A_343 = vector.shape_cast %broadcast_in_dim3A_342 : vector<16x1xi32> to vector<16xi32>
        %gather3A_344 = tpu.dynamic_gather %get3A_128[%gather3A_343] in [0] : vector<16xf32>, vector<16xi32> -> vector<16xf32>
        %mul3A_345 = arith.mulf %gather3A_344, %gather3A_340 : vector<16xf32>
        %add3A_346 = arith.addf %add3A_327, %mul3A_345 : vector<16xf32>
        %mul3A_347 = arith.mulf %mul3A_345, %mul3A_345 : vector<16xf32>
        %add3A_348 = arith.addf %add3A_329, %mul3A_347 : vector<16xf32>
        %mul3A_349 = arith.constant 26 : i32
        %mul3A_350 = arith.muli %scan3A_123, %mul3A_349 : i32
        %add3A_351 = arith.constant 11 : i32
        %add3A_352 = arith.addi %mul3A_350, %add3A_351 : i32
        %broadcast_in_dim3A_353 = arith.constant 11 : i32
        %broadcast_in_dim3A_354 = vector.broadcast %broadcast_in_dim3A_353 : i32 to vector<16x1xi32>
        %gather3A_355 = vector.shape_cast %broadcast_in_dim3A_354 : vector<16x1xi32> to vector<16xi32>
        %gather3A_356 = tpu.dynamic_gather %get3A_134[%gather3A_355] in [0] : vector<16xi32>, vector<16xi32> -> vector<16xi32>
        %add3A_357 = arith.addi %gather3A_356, %iota3A : vector<16xi32>
        %broadcast_in_dim3A_358 = vector.broadcast %add3A_352 : i32 to vector<16xi32>
        %gather3A_359 = tpu.vector_load_idx %arg14[%broadcast_in_dim3A_358, %add3A_357] : memref<104x128xf32, #tpu.memory_space<vmem>>[vector<16xi32>, vector<16xi32>], vector<16xf32>,
        %broadcast_in_dim3A_360 = arith.constant 11 : i32
        %broadcast_in_dim3A_361 = vector.broadcast %broadcast_in_dim3A_360 : i32 to vector<16x1xi32>
        %gather3A_362 = vector.shape_cast %broadcast_in_dim3A_361 : vector<16x1xi32> to vector<16xi32>
        %gather3A_363 = tpu.dynamic_gather %get3A_128[%gather3A_362] in [0] : vector<16xf32>, vector<16xi32> -> vector<16xf32>
        %mul3A_364 = arith.mulf %gather3A_363, %gather3A_359 : vector<16xf32>
        %add3A_365 = arith.addf %add3A_346, %mul3A_364 : vector<16xf32>
        %mul3A_366 = arith.mulf %mul3A_364, %mul3A_364 : vector<16xf32>
        %add3A_367 = arith.addf %add3A_348, %mul3A_366 : vector<16xf32>
        %mul3A_368 = arith.constant 26 : i32
        %mul3A_369 = arith.muli %scan3A_123, %mul3A_368 : i32
        %add3A_370 = arith.constant 12 : i32
        %add3A_371 = arith.addi %mul3A_369, %add3A_370 : i32
        %broadcast_in_dim3A_372 = arith.constant 12 : i32
        %broadcast_in_dim3A_373 = vector.broadcast %broadcast_in_dim3A_372 : i32 to vector<16x1xi32>
        %gather3A_374 = vector.shape_cast %broadcast_in_dim3A_373 : vector<16x1xi32> to vector<16xi32>
        %gather3A_375 = tpu.dynamic_gather %get3A_134[%gather3A_374] in [0] : vector<16xi32>, vector<16xi32> -> vector<16xi32>
        %add3A_376 = arith.addi %gather3A_375, %iota3A : vector<16xi32>
        %broadcast_in_dim3A_377 = vector.broadcast %add3A_371 : i32 to vector<16xi32>
        %gather3A_378 = tpu.vector_load_idx %arg14[%broadcast_in_dim3A_377, %add3A_376] : memref<104x128xf32, #tpu.memory_space<vmem>>[vector<16xi32>, vector<16xi32>], vector<16xf32>,
        %broadcast_in_dim3A_379 = arith.constant 12 : i32
        %broadcast_in_dim3A_380 = vector.broadcast %broadcast_in_dim3A_379 : i32 to vector<16x1xi32>
        %gather3A_381 = vector.shape_cast %broadcast_in_dim3A_380 : vector<16x1xi32> to vector<16xi32>
        %gather3A_382 = tpu.dynamic_gather %get3A_128[%gather3A_381] in [0] : vector<16xf32>, vector<16xi32> -> vector<16xf32>
        %mul3A_383 = arith.mulf %gather3A_382, %gather3A_378 : vector<16xf32>
        %add3A_384 = arith.addf %add3A_365, %mul3A_383 : vector<16xf32>
        %mul3A_385 = arith.mulf %mul3A_383, %mul3A_383 : vector<16xf32>
        %add3A_386 = arith.addf %add3A_367, %mul3A_385 : vector<16xf32>
        %mul3A_387 = arith.constant 26 : i32
        %mul3A_388 = arith.muli %scan3A_123, %mul3A_387 : i32
        %add3A_389 = arith.constant 13 : i32
        %add3A_390 = arith.addi %mul3A_388, %add3A_389 : i32
        %broadcast_in_dim3A_391 = arith.constant 13 : i32
        %broadcast_in_dim3A_392 = vector.broadcast %broadcast_in_dim3A_391 : i32 to vector<16x1xi32>
        %gather3A_393 = vector.shape_cast %broadcast_in_dim3A_392 : vector<16x1xi32> to vector<16xi32>
        %gather3A_394 = tpu.dynamic_gather %get3A_134[%gather3A_393] in [0] : vector<16xi32>, vector<16xi32> -> vector<16xi32>
        %add3A_395 = arith.addi %gather3A_394, %iota3A : vector<16xi32>
        %broadcast_in_dim3A_396 = vector.broadcast %add3A_390 : i32 to vector<16xi32>
        %gather3A_397 = tpu.vector_load_idx %arg14[%broadcast_in_dim3A_396, %add3A_395] : memref<104x128xf32, #tpu.memory_space<vmem>>[vector<16xi32>, vector<16xi32>], vector<16xf32>,
        %broadcast_in_dim3A_398 = arith.constant 13 : i32
        %broadcast_in_dim3A_399 = vector.broadcast %broadcast_in_dim3A_398 : i32 to vector<16x1xi32>
        %gather3A_400 = vector.shape_cast %broadcast_in_dim3A_399 : vector<16x1xi32> to vector<16xi32>
        %gather3A_401 = tpu.dynamic_gather %get3A_128[%gather3A_400] in [0] : vector<16xf32>, vector<16xi32> -> vector<16xf32>
        %mul3A_402 = arith.mulf %gather3A_401, %gather3A_397 : vector<16xf32>
        %add3A_403 = arith.addf %add3A_384, %mul3A_402 : vector<16xf32>
        %mul3A_404 = arith.mulf %mul3A_402, %mul3A_402 : vector<16xf32>
        %add3A_405 = arith.addf %add3A_386, %mul3A_404 : vector<16xf32>
        %mul3A_406 = arith.constant 26 : i32
        %mul3A_407 = arith.muli %scan3A_123, %mul3A_406 : i32
        %add3A_408 = arith.constant 14 : i32
        %add3A_409 = arith.addi %mul3A_407, %add3A_408 : i32
        %broadcast_in_dim3A_410 = arith.constant 14 : i32
        %broadcast_in_dim3A_411 = vector.broadcast %broadcast_in_dim3A_410 : i32 to vector<16x1xi32>
        %gather3A_412 = vector.shape_cast %broadcast_in_dim3A_411 : vector<16x1xi32> to vector<16xi32>
        %gather3A_413 = tpu.dynamic_gather %get3A_134[%gather3A_412] in [0] : vector<16xi32>, vector<16xi32> -> vector<16xi32>
        %add3A_414 = arith.addi %gather3A_413, %iota3A : vector<16xi32>
        %broadcast_in_dim3A_415 = vector.broadcast %add3A_409 : i32 to vector<16xi32>
        %gather3A_416 = tpu.vector_load_idx %arg14[%broadcast_in_dim3A_415, %add3A_414] : memref<104x128xf32, #tpu.memory_space<vmem>>[vector<16xi32>, vector<16xi32>], vector<16xf32>,
        %broadcast_in_dim3A_417 = arith.constant 14 : i32
        %broadcast_in_dim3A_418 = vector.broadcast %broadcast_in_dim3A_417 : i32 to vector<16x1xi32>
        %gather3A_419 = vector.shape_cast %broadcast_in_dim3A_418 : vector<16x1xi32> to vector<16xi32>
        %gather3A_420 = tpu.dynamic_gather %get3A_128[%gather3A_419] in [0] : vector<16xf32>, vector<16xi32> -> vector<16xf32>
        %mul3A_421 = arith.mulf %gather3A_420, %gather3A_416 : vector<16xf32>
        %add3A_422 = arith.addf %add3A_403, %mul3A_421 : vector<16xf32>
        %mul3A_423 = arith.mulf %mul3A_421, %mul3A_421 : vector<16xf32>
        %add3A_424 = arith.addf %add3A_405, %mul3A_423 : vector<16xf32>
        %mul3A_425 = arith.constant 26 : i32
        %mul3A_426 = arith.muli %scan3A_123, %mul3A_425 : i32
        %add3A_427 = arith.constant 15 : i32
        %add3A_428 = arith.addi %mul3A_426, %add3A_427 : i32
        %broadcast_in_dim3A_429 = arith.constant 15 : i32
        %broadcast_in_dim3A_430 = vector.broadcast %broadcast_in_dim3A_429 : i32 to vector<16x1xi32>
        %gather3A_431 = vector.shape_cast %broadcast_in_dim3A_430 : vector<16x1xi32> to vector<16xi32>
        %gather3A_432 = tpu.dynamic_gather %get3A_134[%gather3A_431] in [0] : vector<16xi32>, vector<16xi32> -> vector<16xi32>
        %add3A_433 = arith.addi %gather3A_432, %iota3A : vector<16xi32>
        %broadcast_in_dim3A_434 = vector.broadcast %add3A_428 : i32 to vector<16xi32>
        %gather3A_435 = tpu.vector_load_idx %arg14[%broadcast_in_dim3A_434, %add3A_433] : memref<104x128xf32, #tpu.memory_space<vmem>>[vector<16xi32>, vector<16xi32>], vector<16xf32>,
        %broadcast_in_dim3A_436 = arith.constant 15 : i32
        %broadcast_in_dim3A_437 = vector.broadcast %broadcast_in_dim3A_436 : i32 to vector<16x1xi32>
        %gather3A_438 = vector.shape_cast %broadcast_in_dim3A_437 : vector<16x1xi32> to vector<16xi32>
        %gather3A_439 = tpu.dynamic_gather %get3A_128[%gather3A_438] in [0] : vector<16xf32>, vector<16xi32> -> vector<16xf32>
        %mul3A_440 = arith.mulf %gather3A_439, %gather3A_435 : vector<16xf32>
        %add3A_441 = arith.addf %add3A_422, %mul3A_440 : vector<16xf32>
        %mul3A_442 = arith.mulf %mul3A_440, %mul3A_440 : vector<16xf32>
        %add3A_443 = arith.addf %add3A_424, %mul3A_442 : vector<16xf32>
        %mul3A_444 = arith.constant 26 : i32
        %mul3A_445 = arith.muli %scan3A_123, %mul3A_444 : i32
        %add3A_446 = arith.constant 16 : i32
        %add3A_447 = arith.addi %mul3A_445, %add3A_446 : i32
        %broadcast_in_dim3A_448 = arith.constant 0 : i32
        %broadcast_in_dim3A_449 = vector.broadcast %broadcast_in_dim3A_448 : i32 to vector<16x1xi32>
        %gather3A_450 = vector.shape_cast %broadcast_in_dim3A_449 : vector<16x1xi32> to vector<16xi32>
        %gather3A_451 = tpu.dynamic_gather %get3A_137[%gather3A_450] in [0] : vector<16xi32>, vector<16xi32> -> vector<16xi32>
        %add3A_452 = arith.addi %gather3A_451, %iota3A : vector<16xi32>
        %broadcast_in_dim3A_453 = vector.broadcast %add3A_447 : i32 to vector<16xi32>
        %gather3A_454 = tpu.vector_load_idx %arg14[%broadcast_in_dim3A_453, %add3A_452] : memref<104x128xf32, #tpu.memory_space<vmem>>[vector<16xi32>, vector<16xi32>], vector<16xf32>,
        %broadcast_in_dim3A_455 = arith.constant 0 : i32
        %broadcast_in_dim3A_456 = vector.broadcast %broadcast_in_dim3A_455 : i32 to vector<16x1xi32>
        %gather3A_457 = vector.shape_cast %broadcast_in_dim3A_456 : vector<16x1xi32> to vector<16xi32>
        %gather3A_458 = tpu.dynamic_gather %get3A_131[%gather3A_457] in [0] : vector<16xf32>, vector<16xi32> -> vector<16xf32>
        %mul3A_459 = arith.mulf %gather3A_458, %gather3A_454 : vector<16xf32>
        %add3A_460 = arith.addf %add3A_441, %mul3A_459 : vector<16xf32>
        %mul3A_461 = arith.mulf %mul3A_459, %mul3A_459 : vector<16xf32>
        %add3A_462 = arith.addf %add3A_443, %mul3A_461 : vector<16xf32>
        %mul3A_463 = arith.constant 26 : i32
        %mul3A_464 = arith.muli %scan3A_123, %mul3A_463 : i32
        %add3A_465 = arith.constant 17 : i32
        %add3A_466 = arith.addi %mul3A_464, %add3A_465 : i32
        %broadcast_in_dim3A_467 = arith.constant 1 : i32
        %broadcast_in_dim3A_468 = vector.broadcast %broadcast_in_dim3A_467 : i32 to vector<16x1xi32>
        %gather3A_469 = vector.shape_cast %broadcast_in_dim3A_468 : vector<16x1xi32> to vector<16xi32>
        %gather3A_470 = tpu.dynamic_gather %get3A_137[%gather3A_469] in [0] : vector<16xi32>, vector<16xi32> -> vector<16xi32>
        %add3A_471 = arith.addi %gather3A_470, %iota3A : vector<16xi32>
        %broadcast_in_dim3A_472 = vector.broadcast %add3A_466 : i32 to vector<16xi32>
        %gather3A_473 = tpu.vector_load_idx %arg14[%broadcast_in_dim3A_472, %add3A_471] : memref<104x128xf32, #tpu.memory_space<vmem>>[vector<16xi32>, vector<16xi32>], vector<16xf32>,
        %broadcast_in_dim3A_474 = arith.constant 1 : i32
        %broadcast_in_dim3A_475 = vector.broadcast %broadcast_in_dim3A_474 : i32 to vector<16x1xi32>
        %gather3A_476 = vector.shape_cast %broadcast_in_dim3A_475 : vector<16x1xi32> to vector<16xi32>
        %gather3A_477 = tpu.dynamic_gather %get3A_131[%gather3A_476] in [0] : vector<16xf32>, vector<16xi32> -> vector<16xf32>
        %mul3A_478 = arith.mulf %gather3A_477, %gather3A_473 : vector<16xf32>
        %add3A_479 = arith.addf %add3A_460, %mul3A_478 : vector<16xf32>
        %mul3A_480 = arith.mulf %mul3A_478, %mul3A_478 : vector<16xf32>
        %add3A_481 = arith.addf %add3A_462, %mul3A_480 : vector<16xf32>
        %mul3A_482 = arith.constant 26 : i32
        %mul3A_483 = arith.muli %scan3A_123, %mul3A_482 : i32
        %add3A_484 = arith.constant 18 : i32
        %add3A_485 = arith.addi %mul3A_483, %add3A_484 : i32
        %broadcast_in_dim3A_486 = arith.constant 2 : i32
        %broadcast_in_dim3A_487 = vector.broadcast %broadcast_in_dim3A_486 : i32 to vector<16x1xi32>
        %gather3A_488 = vector.shape_cast %broadcast_in_dim3A_487 : vector<16x1xi32> to vector<16xi32>
        %gather3A_489 = tpu.dynamic_gather %get3A_137[%gather3A_488] in [0] : vector<16xi32>, vector<16xi32> -> vector<16xi32>
        %add3A_490 = arith.addi %gather3A_489, %iota3A : vector<16xi32>
        %broadcast_in_dim3A_491 = vector.broadcast %add3A_485 : i32 to vector<16xi32>
        %gather3A_492 = tpu.vector_load_idx %arg14[%broadcast_in_dim3A_491, %add3A_490] : memref<104x128xf32, #tpu.memory_space<vmem>>[vector<16xi32>, vector<16xi32>], vector<16xf32>,
        %broadcast_in_dim3A_493 = arith.constant 2 : i32
        %broadcast_in_dim3A_494 = vector.broadcast %broadcast_in_dim3A_493 : i32 to vector<16x1xi32>
        %gather3A_495 = vector.shape_cast %broadcast_in_dim3A_494 : vector<16x1xi32> to vector<16xi32>
        %gather3A_496 = tpu.dynamic_gather %get3A_131[%gather3A_495] in [0] : vector<16xf32>, vector<16xi32> -> vector<16xf32>
        %mul3A_497 = arith.mulf %gather3A_496, %gather3A_492 : vector<16xf32>
        %add3A_498 = arith.addf %add3A_479, %mul3A_497 : vector<16xf32>
        %mul3A_499 = arith.mulf %mul3A_497, %mul3A_497 : vector<16xf32>
        %add3A_500 = arith.addf %add3A_481, %mul3A_499 : vector<16xf32>
        %mul3A_501 = arith.constant 26 : i32
        %mul3A_502 = arith.muli %scan3A_123, %mul3A_501 : i32
        %add3A_503 = arith.constant 19 : i32
        %add3A_504 = arith.addi %mul3A_502, %add3A_503 : i32
        %broadcast_in_dim3A_505 = arith.constant 3 : i32
        %broadcast_in_dim3A_506 = vector.broadcast %broadcast_in_dim3A_505 : i32 to vector<16x1xi32>
        %gather3A_507 = vector.shape_cast %broadcast_in_dim3A_506 : vector<16x1xi32> to vector<16xi32>
        %gather3A_508 = tpu.dynamic_gather %get3A_137[%gather3A_507] in [0] : vector<16xi32>, vector<16xi32> -> vector<16xi32>
        %add3A_509 = arith.addi %gather3A_508, %iota3A : vector<16xi32>
        %broadcast_in_dim3A_510 = vector.broadcast %add3A_504 : i32 to vector<16xi32>
        %gather3A_511 = tpu.vector_load_idx %arg14[%broadcast_in_dim3A_510, %add3A_509] : memref<104x128xf32, #tpu.memory_space<vmem>>[vector<16xi32>, vector<16xi32>], vector<16xf32>,
        %broadcast_in_dim3A_512 = arith.constant 3 : i32
        %broadcast_in_dim3A_513 = vector.broadcast %broadcast_in_dim3A_512 : i32 to vector<16x1xi32>
        %gather3A_514 = vector.shape_cast %broadcast_in_dim3A_513 : vector<16x1xi32> to vector<16xi32>
        %gather3A_515 = tpu.dynamic_gather %get3A_131[%gather3A_514] in [0] : vector<16xf32>, vector<16xi32> -> vector<16xf32>
        %mul3A_516 = arith.mulf %gather3A_515, %gather3A_511 : vector<16xf32>
        %add3A_517 = arith.addf %add3A_498, %mul3A_516 : vector<16xf32>
        %mul3A_518 = arith.mulf %mul3A_516, %mul3A_516 : vector<16xf32>
        %add3A_519 = arith.addf %add3A_500, %mul3A_518 : vector<16xf32>
        %mul3A_520 = arith.constant 26 : i32
        %mul3A_521 = arith.muli %scan3A_123, %mul3A_520 : i32
        %add3A_522 = arith.constant 20 : i32
        %add3A_523 = arith.addi %mul3A_521, %add3A_522 : i32
        %broadcast_in_dim3A_524 = arith.constant 4 : i32
        %broadcast_in_dim3A_525 = vector.broadcast %broadcast_in_dim3A_524 : i32 to vector<16x1xi32>
        %gather3A_526 = vector.shape_cast %broadcast_in_dim3A_525 : vector<16x1xi32> to vector<16xi32>
        %gather3A_527 = tpu.dynamic_gather %get3A_137[%gather3A_526] in [0] : vector<16xi32>, vector<16xi32> -> vector<16xi32>
        %add3A_528 = arith.addi %gather3A_527, %iota3A : vector<16xi32>
        %broadcast_in_dim3A_529 = vector.broadcast %add3A_523 : i32 to vector<16xi32>
        %gather3A_530 = tpu.vector_load_idx %arg14[%broadcast_in_dim3A_529, %add3A_528] : memref<104x128xf32, #tpu.memory_space<vmem>>[vector<16xi32>, vector<16xi32>], vector<16xf32>,
        %broadcast_in_dim3A_531 = arith.constant 4 : i32
        %broadcast_in_dim3A_532 = vector.broadcast %broadcast_in_dim3A_531 : i32 to vector<16x1xi32>
        %gather3A_533 = vector.shape_cast %broadcast_in_dim3A_532 : vector<16x1xi32> to vector<16xi32>
        %gather3A_534 = tpu.dynamic_gather %get3A_131[%gather3A_533] in [0] : vector<16xf32>, vector<16xi32> -> vector<16xf32>
        %mul3A_535 = arith.mulf %gather3A_534, %gather3A_530 : vector<16xf32>
        %add3A_536 = arith.addf %add3A_517, %mul3A_535 : vector<16xf32>
        %mul3A_537 = arith.mulf %mul3A_535, %mul3A_535 : vector<16xf32>
        %add3A_538 = arith.addf %add3A_519, %mul3A_537 : vector<16xf32>
        %mul3A_539 = arith.constant 26 : i32
        %mul3A_540 = arith.muli %scan3A_123, %mul3A_539 : i32
        %add3A_541 = arith.constant 21 : i32
        %add3A_542 = arith.addi %mul3A_540, %add3A_541 : i32
        %broadcast_in_dim3A_543 = arith.constant 5 : i32
        %broadcast_in_dim3A_544 = vector.broadcast %broadcast_in_dim3A_543 : i32 to vector<16x1xi32>
        %gather3A_545 = vector.shape_cast %broadcast_in_dim3A_544 : vector<16x1xi32> to vector<16xi32>
        %gather3A_546 = tpu.dynamic_gather %get3A_137[%gather3A_545] in [0] : vector<16xi32>, vector<16xi32> -> vector<16xi32>
        %add3A_547 = arith.addi %gather3A_546, %iota3A : vector<16xi32>
        %broadcast_in_dim3A_548 = vector.broadcast %add3A_542 : i32 to vector<16xi32>
        %gather3A_549 = tpu.vector_load_idx %arg14[%broadcast_in_dim3A_548, %add3A_547] : memref<104x128xf32, #tpu.memory_space<vmem>>[vector<16xi32>, vector<16xi32>], vector<16xf32>,
        %broadcast_in_dim3A_550 = arith.constant 5 : i32
        %broadcast_in_dim3A_551 = vector.broadcast %broadcast_in_dim3A_550 : i32 to vector<16x1xi32>
        %gather3A_552 = vector.shape_cast %broadcast_in_dim3A_551 : vector<16x1xi32> to vector<16xi32>
        %gather3A_553 = tpu.dynamic_gather %get3A_131[%gather3A_552] in [0] : vector<16xf32>, vector<16xi32> -> vector<16xf32>
        %mul3A_554 = arith.mulf %gather3A_553, %gather3A_549 : vector<16xf32>
        %add3A_555 = arith.addf %add3A_536, %mul3A_554 : vector<16xf32>
        %mul3A_556 = arith.mulf %mul3A_554, %mul3A_554 : vector<16xf32>
        %add3A_557 = arith.addf %add3A_538, %mul3A_556 : vector<16xf32>
        %mul3A_558 = arith.constant 26 : i32
        %mul3A_559 = arith.muli %scan3A_123, %mul3A_558 : i32
        %add3A_560 = arith.constant 22 : i32
        %add3A_561 = arith.addi %mul3A_559, %add3A_560 : i32
        %broadcast_in_dim3A_562 = arith.constant 6 : i32
        %broadcast_in_dim3A_563 = vector.broadcast %broadcast_in_dim3A_562 : i32 to vector<16x1xi32>
        %gather3A_564 = vector.shape_cast %broadcast_in_dim3A_563 : vector<16x1xi32> to vector<16xi32>
        %gather3A_565 = tpu.dynamic_gather %get3A_137[%gather3A_564] in [0] : vector<16xi32>, vector<16xi32> -> vector<16xi32>
        %add3A_566 = arith.addi %gather3A_565, %iota3A : vector<16xi32>
        %broadcast_in_dim3A_567 = vector.broadcast %add3A_561 : i32 to vector<16xi32>
        %gather3A_568 = tpu.vector_load_idx %arg14[%broadcast_in_dim3A_567, %add3A_566] : memref<104x128xf32, #tpu.memory_space<vmem>>[vector<16xi32>, vector<16xi32>], vector<16xf32>,
        %broadcast_in_dim3A_569 = arith.constant 6 : i32
        %broadcast_in_dim3A_570 = vector.broadcast %broadcast_in_dim3A_569 : i32 to vector<16x1xi32>
        %gather3A_571 = vector.shape_cast %broadcast_in_dim3A_570 : vector<16x1xi32> to vector<16xi32>
        %gather3A_572 = tpu.dynamic_gather %get3A_131[%gather3A_571] in [0] : vector<16xf32>, vector<16xi32> -> vector<16xf32>
        %mul3A_573 = arith.mulf %gather3A_572, %gather3A_568 : vector<16xf32>
        %add3A_574 = arith.addf %add3A_555, %mul3A_573 : vector<16xf32>
        %mul3A_575 = arith.mulf %mul3A_573, %mul3A_573 : vector<16xf32>
        %add3A_576 = arith.addf %add3A_557, %mul3A_575 : vector<16xf32>
        %mul3A_577 = arith.constant 26 : i32
        %mul3A_578 = arith.muli %scan3A_123, %mul3A_577 : i32
        %add3A_579 = arith.constant 23 : i32
        %add3A_580 = arith.addi %mul3A_578, %add3A_579 : i32
        %broadcast_in_dim3A_581 = arith.constant 7 : i32
        %broadcast_in_dim3A_582 = vector.broadcast %broadcast_in_dim3A_581 : i32 to vector<16x1xi32>
        %gather3A_583 = vector.shape_cast %broadcast_in_dim3A_582 : vector<16x1xi32> to vector<16xi32>
        %gather3A_584 = tpu.dynamic_gather %get3A_137[%gather3A_583] in [0] : vector<16xi32>, vector<16xi32> -> vector<16xi32>
        %add3A_585 = arith.addi %gather3A_584, %iota3A : vector<16xi32>
        %broadcast_in_dim3A_586 = vector.broadcast %add3A_580 : i32 to vector<16xi32>
        %gather3A_587 = tpu.vector_load_idx %arg14[%broadcast_in_dim3A_586, %add3A_585] : memref<104x128xf32, #tpu.memory_space<vmem>>[vector<16xi32>, vector<16xi32>], vector<16xf32>,
        %broadcast_in_dim3A_588 = arith.constant 7 : i32
        %broadcast_in_dim3A_589 = vector.broadcast %broadcast_in_dim3A_588 : i32 to vector<16x1xi32>
        %gather3A_590 = vector.shape_cast %broadcast_in_dim3A_589 : vector<16x1xi32> to vector<16xi32>
        %gather3A_591 = tpu.dynamic_gather %get3A_131[%gather3A_590] in [0] : vector<16xf32>, vector<16xi32> -> vector<16xf32>
        %mul3A_592 = arith.mulf %gather3A_591, %gather3A_587 : vector<16xf32>
        %add3A_593 = arith.addf %add3A_574, %mul3A_592 : vector<16xf32>
        %mul3A_594 = arith.mulf %mul3A_592, %mul3A_592 : vector<16xf32>
        %add3A_595 = arith.addf %add3A_576, %mul3A_594 : vector<16xf32>
        %mul3A_596 = arith.constant 26 : i32
        %mul3A_597 = arith.muli %scan3A_123, %mul3A_596 : i32
        %add3A_598 = arith.constant 24 : i32
        %add3A_599 = arith.addi %mul3A_597, %add3A_598 : i32
        %broadcast_in_dim3A_600 = arith.constant 8 : i32
        %broadcast_in_dim3A_601 = vector.broadcast %broadcast_in_dim3A_600 : i32 to vector<16x1xi32>
        %gather3A_602 = vector.shape_cast %broadcast_in_dim3A_601 : vector<16x1xi32> to vector<16xi32>
        %gather3A_603 = tpu.dynamic_gather %get3A_137[%gather3A_602] in [0] : vector<16xi32>, vector<16xi32> -> vector<16xi32>
        %add3A_604 = arith.addi %gather3A_603, %iota3A : vector<16xi32>
        %broadcast_in_dim3A_605 = vector.broadcast %add3A_599 : i32 to vector<16xi32>
        %gather3A_606 = tpu.vector_load_idx %arg14[%broadcast_in_dim3A_605, %add3A_604] : memref<104x128xf32, #tpu.memory_space<vmem>>[vector<16xi32>, vector<16xi32>], vector<16xf32>,
        %broadcast_in_dim3A_607 = arith.constant 8 : i32
        %broadcast_in_dim3A_608 = vector.broadcast %broadcast_in_dim3A_607 : i32 to vector<16x1xi32>
        %gather3A_609 = vector.shape_cast %broadcast_in_dim3A_608 : vector<16x1xi32> to vector<16xi32>
        %gather3A_610 = tpu.dynamic_gather %get3A_131[%gather3A_609] in [0] : vector<16xf32>, vector<16xi32> -> vector<16xf32>
        %mul3A_611 = arith.mulf %gather3A_610, %gather3A_606 : vector<16xf32>
        %add3A_612 = arith.addf %add3A_593, %mul3A_611 : vector<16xf32>
        %mul3A_613 = arith.mulf %mul3A_611, %mul3A_611 : vector<16xf32>
        %add3A_614 = arith.addf %add3A_595, %mul3A_613 : vector<16xf32>
        %mul3A_615 = arith.constant 26 : i32
        %mul3A_616 = arith.muli %scan3A_123, %mul3A_615 : i32
        %add3A_617 = arith.constant 25 : i32
        %add3A_618 = arith.addi %mul3A_616, %add3A_617 : i32
        %broadcast_in_dim3A_619 = arith.constant 9 : i32
        %broadcast_in_dim3A_620 = vector.broadcast %broadcast_in_dim3A_619 : i32 to vector<16x1xi32>
        %gather3A_621 = vector.shape_cast %broadcast_in_dim3A_620 : vector<16x1xi32> to vector<16xi32>
        %gather3A_622 = tpu.dynamic_gather %get3A_137[%gather3A_621] in [0] : vector<16xi32>, vector<16xi32> -> vector<16xi32>
        %add3A_623 = arith.addi %gather3A_622, %iota3A : vector<16xi32>
        %broadcast_in_dim3A_624 = vector.broadcast %add3A_618 : i32 to vector<16xi32>
        %gather3A_625 = tpu.vector_load_idx %arg14[%broadcast_in_dim3A_624, %add3A_623] : memref<104x128xf32, #tpu.memory_space<vmem>>[vector<16xi32>, vector<16xi32>], vector<16xf32>,
        %broadcast_in_dim3A_626 = arith.constant 9 : i32
        %broadcast_in_dim3A_627 = vector.broadcast %broadcast_in_dim3A_626 : i32 to vector<16x1xi32>
        %gather3A_628 = vector.shape_cast %broadcast_in_dim3A_627 : vector<16x1xi32> to vector<16xi32>
        %gather3A_629 = tpu.dynamic_gather %get3A_131[%gather3A_628] in [0] : vector<16xf32>, vector<16xi32> -> vector<16xf32>
        %mul3A_630 = arith.mulf %gather3A_629, %gather3A_625 : vector<16xf32>
        %add3A_631 = arith.addf %add3A_612, %mul3A_630 : vector<16xf32>
        %mul3A_632 = arith.mulf %mul3A_630, %mul3A_630 : vector<16xf32>
        %add3A_633 = arith.addf %add3A_614, %mul3A_632 : vector<16xf32>
        %mul3A_634 = arith.mulf %add3A_631, %add3A_631 : vector<16xf32>
        %sub3A = arith.subf %mul3A_634, %add3A_633 : vector<16xf32>
        %mul3A_635 = arith.constant 5.000000e-01 : f32
        %mul3A_636 = vector.broadcast %mul3A_635 : f32 to vector<16xf32>
        %mul3A_637 = arith.mulf %mul3A_636, %sub3A : vector<16xf32>
        %swap3A = arith.index_cast %add3A_126 : i32 to index
        %swap3A_638 = arith.constant 0 : index
        %swap3A_639 = tpu.vector_load %arg10[%swap3A, %swap3A_638] {strides = array<i32>} : memref<128x16xf32, #tpu.memory_space<vmem>>, vector<16xf32>,
        tpu.vector_store %arg10[%swap3A, %swap3A_638], %mul3A_637 {strides = array<i32>} : memref<128x16xf32, #tpu.memory_space<vmem>>, vector<16xf32>,
      }
      %scan3A_115 = arith.constant 4 : i32
      %add3A_116 = arith.constant 4 : i32
      %add3A_117 = arith.addi %add3A_102, %add3A_116 : i32
      %lt3A_118 = arith.constant 32 : i32
      %lt3A_119 = arith.cmpi slt, %add3A_117, %lt3A_118 : i32
      %convert_element_type3A_120 = arith.extui %lt3A_119 : i1 to i32
      %cond3A_121 = arith.constant 0 : i32
      %cond3A_122 = arith.cmpi ne, %convert_element_type3A_120, %cond3A_121 : i32
      scf.if %cond3A_122 {
        %add3A_123 = arith.constant 4 : i32
        %add3A_124 = arith.addi %add3A_102, %add3A_123 : i32
        %dma_start3A_125 = arith.constant 0 : i32
        %dma_start3A_126 = tpu.memref_slice %arg7[%add3A_124, %dma_start3A_125] : memref<32x104xi32, #tpu.memory_space<vmem>> -> memref<1x104xi32, #tpu.memory_space<vmem>>
        %dma_start3A_127 = tpu.memref_squeeze %dma_start3A_126 : memref<1x104xi32, #tpu.memory_space<vmem>> -> memref<104xi32, #tpu.memory_space<vmem>>
        %dma_start3A_128 = arith.constant 0 : i32
        %dma_start3A_129 = arith.constant 0 : i32
        %dma_start3A_130 = tpu.memref_slice %arg2[%dma_start3A_128, %dma_start3A_129] : memref<125440x128xf32, #tpu.memory_space<hbm>> -> memref<125440x128xf32, #tpu.memory_space<hbm>>
        tpu.enqueue_indirect_dma source(%dma_start3A_130 : memref<125440x128xf32, #tpu.memory_space<hbm>>) target(%arg14 : memref<104x128xf32, #tpu.memory_space<vmem>>) offsets(%dma_start3A_127 : memref<104xi32, #tpu.memory_space<vmem>>) semaphore(%arg18 : memref<!tpu.dma_semaphore, #tpu.memory_space<semaphore_mem>>)
      } else {
      }
    }
    %scan3A_31 = arith.constant 8 : i32
    %mul3A_32 = arith.constant 128 : i32
    %mul3A_33 = arith.muli %add3A, %mul3A_32 : i32
    "tpu.region"() ({
      %run_scoped3A = tpu.sem_alloc : memref<!tpu.dma_semaphore, #tpu.memory_space<semaphore_mem>>
      %dma_start3A_34 = arith.constant 0 : i32
      %dma_start3A_35 = tpu.memref_slice %arg6[%mul3A_33, %dma_start3A_34] : memref<4096x16xf32, #tpu.memory_space<hbm>> -> memref<128x16xf32, #tpu.memory_space<hbm>>
      %dma_start3A_36 = arith.constant 0 : i32
      %dma_start3A_37 = tpu.memref_slice %arg6[%mul3A_33, %dma_start3A_36] : memref<4096x16xf32, #tpu.memory_space<hbm>> -> memref<128x16xf32, #tpu.memory_space<hbm>>
      tpu.enqueue_dma source(%arg10 : memref<128x16xf32, #tpu.memory_space<vmem>>) target(%dma_start3A_37 : memref<128x16xf32, #tpu.memory_space<hbm>>) target_semaphore(%run_scoped3A : memref<!tpu.dma_semaphore, #tpu.memory_space<semaphore_mem>>)
      %dma_wait3A = arith.constant 0 : i32
      %dma_wait3A_38 = tpu.memref_slice %arg6[%mul3A_33, %dma_wait3A] : memref<4096x16xf32, #tpu.memory_space<hbm>> -> memref<128x16xf32, #tpu.memory_space<hbm>>
      %dma_wait3A_39 = arith.constant 0 : i32
      %dma_wait3A_40 = tpu.memref_slice %arg6[%mul3A_33, %dma_wait3A_39] : memref<4096x16xf32, #tpu.memory_space<hbm>> -> memref<128x16xf32, #tpu.memory_space<hbm>>
      tpu.wait_dma2 semaphore(%run_scoped3A : memref<!tpu.dma_semaphore, #tpu.memory_space<semaphore_mem>>) src(%arg10 : memref<128x16xf32, #tpu.memory_space<vmem>>) dst(%dma_wait3A_40 : memref<128x16xf32, #tpu.memory_space<hbm>>)
      tpu.yield
    }) : () -> ()
    return
  }
}

module attributes {stable_mosaic.version = 14 : i64} {
  func.func @_transpose_body(%arg0: i32, %arg1: memref<16x4480xf32, #tpu.memory_space<vmem>>, %arg2: memref<16x4480xf32, #tpu.memory_space<vmem>>, %arg3: memref<16x4480xf32, #tpu.memory_space<vmem>>, %arg4: memref<16x4480xf32, #tpu.memory_space<vmem>>, %arg5: memref<16x4480xf32, #tpu.memory_space<vmem>>, %arg6: memref<16x4480xf32, #tpu.memory_space<vmem>>, %arg7: memref<16x4480xf32, #tpu.memory_space<vmem>>, %arg8: memref<16x4480xf32, #tpu.memory_space<vmem>>, %arg9: memref<4480x128xf32, #tpu.memory_space<vmem>>) attributes {dimension_semantics = [#tpu.dimension_semantics<arbitrary>], iteration_bounds = array<i64: 28>, scalar_prefetch = 0 : i64, scratch_operands = 0 : i64, tpu.core_type = #tpu.core_type<tc>, window_params = [{transform_indices = @transform_0, window_bounds = array<i64: 16, 4480>}, {transform_indices = @transform_1, window_bounds = array<i64: 16, 4480>}, {transform_indices = @transform_2, window_bounds = array<i64: 16, 4480>}, {transform_indices = @transform_3, window_bounds = array<i64: 16, 4480>}, {transform_indices = @transform_4, window_bounds = array<i64: 16, 4480>}, {transform_indices = @transform_5, window_bounds = array<i64: 16, 4480>}, {transform_indices = @transform_6, window_bounds = array<i64: 16, 4480>}, {transform_indices = @transform_7, window_bounds = array<i64: 16, 4480>}, {transform_indices = @transform_8, window_bounds = array<i64: 4480, 128>}]} {
    %get3A = arith.constant 0 : index
    %get3A_0 = arith.constant 0 : index
    %get3A_1 = vector.load %arg1[%get3A, %get3A_0] : memref<16x4480xf32, #tpu.memory_space<vmem>>, vector<16x4480xf32>
    %transpose3A = tpu.transpose %get3A_1, [1, 0] : vector<16x4480xf32> -> vector<4480x16xf32>
    %swap3A = arith.constant 0 : index
    %swap3A_2 = arith.constant 0 : index
    %swap3A_3 = vector.load %arg9[%swap3A, %swap3A_2] : memref<4480x128xf32, #tpu.memory_space<vmem>>, vector<4480x16xf32>
    tpu.vector_store %arg9[%swap3A, %swap3A_2], %transpose3A {strides = array<i32>} : memref<4480x128xf32, #tpu.memory_space<vmem>>, vector<4480x16xf32>,
    %get3A_4 = arith.constant 0 : index
    %get3A_5 = arith.constant 0 : index
    %get3A_6 = vector.load %arg2[%get3A_4, %get3A_5] : memref<16x4480xf32, #tpu.memory_space<vmem>>, vector<16x4480xf32>
    %transpose3A_7 = tpu.transpose %get3A_6, [1, 0] : vector<16x4480xf32> -> vector<4480x16xf32>
    %swap3A_8 = arith.constant 0 : index
    %swap3A_9 = arith.constant 16 : index
    %swap3A_10 = vector.load %arg9[%swap3A_8, %swap3A_9] : memref<4480x128xf32, #tpu.memory_space<vmem>>, vector<4480x16xf32>
    tpu.vector_store %arg9[%swap3A_8, %swap3A_9], %transpose3A_7 {strides = array<i32>} : memref<4480x128xf32, #tpu.memory_space<vmem>>, vector<4480x16xf32>,
    %get3A_11 = arith.constant 0 : index
    %get3A_12 = arith.constant 0 : index
    %get3A_13 = vector.load %arg3[%get3A_11, %get3A_12] : memref<16x4480xf32, #tpu.memory_space<vmem>>, vector<16x4480xf32>
    %transpose3A_14 = tpu.transpose %get3A_13, [1, 0] : vector<16x4480xf32> -> vector<4480x16xf32>
    %swap3A_15 = arith.constant 0 : index
    %swap3A_16 = arith.constant 32 : index
    %swap3A_17 = vector.load %arg9[%swap3A_15, %swap3A_16] : memref<4480x128xf32, #tpu.memory_space<vmem>>, vector<4480x16xf32>
    tpu.vector_store %arg9[%swap3A_15, %swap3A_16], %transpose3A_14 {strides = array<i32>} : memref<4480x128xf32, #tpu.memory_space<vmem>>, vector<4480x16xf32>,
    %get3A_18 = arith.constant 0 : index
    %get3A_19 = arith.constant 0 : index
    %get3A_20 = vector.load %arg4[%get3A_18, %get3A_19] : memref<16x4480xf32, #tpu.memory_space<vmem>>, vector<16x4480xf32>
    %transpose3A_21 = tpu.transpose %get3A_20, [1, 0] : vector<16x4480xf32> -> vector<4480x16xf32>
    %swap3A_22 = arith.constant 0 : index
    %swap3A_23 = arith.constant 48 : index
    %swap3A_24 = vector.load %arg9[%swap3A_22, %swap3A_23] : memref<4480x128xf32, #tpu.memory_space<vmem>>, vector<4480x16xf32>
    tpu.vector_store %arg9[%swap3A_22, %swap3A_23], %transpose3A_21 {strides = array<i32>} : memref<4480x128xf32, #tpu.memory_space<vmem>>, vector<4480x16xf32>,
    %get3A_25 = arith.constant 0 : index
    %get3A_26 = arith.constant 0 : index
    %get3A_27 = vector.load %arg5[%get3A_25, %get3A_26] : memref<16x4480xf32, #tpu.memory_space<vmem>>, vector<16x4480xf32>
    %transpose3A_28 = tpu.transpose %get3A_27, [1, 0] : vector<16x4480xf32> -> vector<4480x16xf32>
    %swap3A_29 = arith.constant 0 : index
    %swap3A_30 = arith.constant 64 : index
    %swap3A_31 = vector.load %arg9[%swap3A_29, %swap3A_30] : memref<4480x128xf32, #tpu.memory_space<vmem>>, vector<4480x16xf32>
    tpu.vector_store %arg9[%swap3A_29, %swap3A_30], %transpose3A_28 {strides = array<i32>} : memref<4480x128xf32, #tpu.memory_space<vmem>>, vector<4480x16xf32>,
    %get3A_32 = arith.constant 0 : index
    %get3A_33 = arith.constant 0 : index
    %get3A_34 = vector.load %arg6[%get3A_32, %get3A_33] : memref<16x4480xf32, #tpu.memory_space<vmem>>, vector<16x4480xf32>
    %transpose3A_35 = tpu.transpose %get3A_34, [1, 0] : vector<16x4480xf32> -> vector<4480x16xf32>
    %swap3A_36 = arith.constant 0 : index
    %swap3A_37 = arith.constant 80 : index
    %swap3A_38 = vector.load %arg9[%swap3A_36, %swap3A_37] : memref<4480x128xf32, #tpu.memory_space<vmem>>, vector<4480x16xf32>
    tpu.vector_store %arg9[%swap3A_36, %swap3A_37], %transpose3A_35 {strides = array<i32>} : memref<4480x128xf32, #tpu.memory_space<vmem>>, vector<4480x16xf32>,
    %get3A_39 = arith.constant 0 : index
    %get3A_40 = arith.constant 0 : index
    %get3A_41 = vector.load %arg7[%get3A_39, %get3A_40] : memref<16x4480xf32, #tpu.memory_space<vmem>>, vector<16x4480xf32>
    %transpose3A_42 = tpu.transpose %get3A_41, [1, 0] : vector<16x4480xf32> -> vector<4480x16xf32>
    %swap3A_43 = arith.constant 0 : index
    %swap3A_44 = arith.constant 96 : index
    %swap3A_45 = vector.load %arg9[%swap3A_43, %swap3A_44] : memref<4480x128xf32, #tpu.memory_space<vmem>>, vector<4480x16xf32>
    tpu.vector_store %arg9[%swap3A_43, %swap3A_44], %transpose3A_42 {strides = array<i32>} : memref<4480x128xf32, #tpu.memory_space<vmem>>, vector<4480x16xf32>,
    %get3A_46 = arith.constant 0 : index
    %get3A_47 = arith.constant 0 : index
    %get3A_48 = vector.load %arg8[%get3A_46, %get3A_47] : memref<16x4480xf32, #tpu.memory_space<vmem>>, vector<16x4480xf32>
    %transpose3A_49 = tpu.transpose %get3A_48, [1, 0] : vector<16x4480xf32> -> vector<4480x16xf32>
    %swap3A_50 = arith.constant 0 : index
    %swap3A_51 = arith.constant 112 : index
    %swap3A_52 = vector.load %arg9[%swap3A_50, %swap3A_51] : memref<4480x128xf32, #tpu.memory_space<vmem>>, vector<4480x16xf32>
    tpu.vector_store %arg9[%swap3A_50, %swap3A_51], %transpose3A_49 {strides = array<i32>} : memref<4480x128xf32, #tpu.memory_space<vmem>>, vector<4480x16xf32>,
    return
  }
  func.func @transform_0(%arg0: i32) -> (i32, i32) {
    %add3A = arith.constant 0 : i32
    %add3A_0 = arith.addi %add3A, %arg0 : i32
    %c0_i32 = arith.constant 0 : i32
    %c0_i32_1 = arith.constant 0 : i32
    return %c0_i32, %add3A_0 : i32, i32
  }
  func.func @transform_1(%arg0: i32) -> (i32, i32) {
    %add3A = arith.constant 28 : i32
    %add3A_0 = arith.addi %add3A, %arg0 : i32
    %c0_i32 = arith.constant 0 : i32
    %c0_i32_1 = arith.constant 0 : i32
    return %c0_i32, %add3A_0 : i32, i32
  }
  func.func @transform_2(%arg0: i32) -> (i32, i32) {
    %add3A = arith.constant 56 : i32
    %add3A_0 = arith.addi %add3A, %arg0 : i32
    %c0_i32 = arith.constant 0 : i32
    %c0_i32_1 = arith.constant 0 : i32
    return %c0_i32, %add3A_0 : i32, i32
  }
  func.func @transform_3(%arg0: i32) -> (i32, i32) {
    %add3A = arith.constant 84 : i32
    %add3A_0 = arith.addi %add3A, %arg0 : i32
    %c0_i32 = arith.constant 0 : i32
    %c0_i32_1 = arith.constant 0 : i32
    return %c0_i32, %add3A_0 : i32, i32
  }
  func.func @transform_4(%arg0: i32) -> (i32, i32) {
    %add3A = arith.constant 112 : i32
    %add3A_0 = arith.addi %add3A, %arg0 : i32
    %c0_i32 = arith.constant 0 : i32
    %c0_i32_1 = arith.constant 0 : i32
    return %c0_i32, %add3A_0 : i32, i32
  }
  func.func @transform_5(%arg0: i32) -> (i32, i32) {
    %add3A = arith.constant 140 : i32
    %add3A_0 = arith.addi %add3A, %arg0 : i32
    %c0_i32 = arith.constant 0 : i32
    %c0_i32_1 = arith.constant 0 : i32
    return %c0_i32, %add3A_0 : i32, i32
  }
  func.func @transform_6(%arg0: i32) -> (i32, i32) {
    %add3A = arith.constant 168 : i32
    %add3A_0 = arith.addi %add3A, %arg0 : i32
    %c0_i32 = arith.constant 0 : i32
    %c0_i32_1 = arith.constant 0 : i32
    return %c0_i32, %add3A_0 : i32, i32
  }
  func.func @transform_7(%arg0: i32) -> (i32, i32) {
    %add3A = arith.constant 196 : i32
    %add3A_0 = arith.addi %add3A, %arg0 : i32
    %c0_i32 = arith.constant 0 : i32
    %c0_i32_1 = arith.constant 0 : i32
    return %c0_i32, %add3A_0 : i32, i32
  }
  func.func @transform_8(%arg0: i32) -> (i32, i32) {
    %c0_i32 = arith.constant 0 : i32
    %c0_i32_0 = arith.constant 0 : i32
    return %arg0, %c0_i32 : i32, i32
  }
}

</mosaic_0001>

<sc_bundles>
// kernel: kernel.4.cloned.1.call-start
scs
__scs_entry_jumppad:
0x0: {  	(pc) =	sbr.rel $0x88, $3  }
0x1: {  	(tag) =	ssettag $0x0;
	lr =	simm.s32 $0x1  }
0x2: {  	[smem:$0x3F9E] =	sst lr;
	_ =	strace $0xD0000000  }
0x3: {  	_ = 	snop  }
0x4: {  	_ = 	snop  }
0x5: {  	_ = 	snop  }
0x6: {  	_ = 	snop  }
0x7: {  	_ = 	snop  }
__scs_overlays_trampoline_lowered:
0x8: {  	[smem:$0x3FAD] =	sst s0  }
0x9: {  	[smem:$0x3FAE] =	sst s1  }
0xa: {  	[smem:$0x3FAF] =	sst s2  }
0xb: {  	[smem:$0x3FB0] =	sst s3  }
0xc: {  	[smem:$0x3FB1] =	sst s4  }
0xd: {  	[smem:$0x3FB2] =	sst s5  }
0xe: {  	[smem:$0x3FB3] =	sst s6  }
0xf: {  	[smem:$0x3FB4] =	sst s7  }
0x10: {  	[smem:$0x3FB5] =	sst s8  }
0x11: {  	[smem:$0x3FB6] =	sst s9;
	s0 =	simm.s32 @!p0 $0x0  }
0x12: {  	s1 =	sld [smem:$0x3F9C];
	s0 =	simm.s32 @p0 $0x1  }
0x13: {  	[smem:$0x3FB7] =	sst s0;
	s0 =	simm.s32 @!p1 $0x0  }
0x14: {  	s2 =	sld [smem:$0x3F9B];
	s0 =	simm.s32 @p1 $0x1  }
0x15: {  	[smem:$0x3FB8] =	sst s0;
	s0 =	simm.s32 @!p2 $0x0  }
0x16: {  	s3 =	sld [smem:$0x3FDB];
	s0 =	simm.s32 @p2 $0x1  }
0x17: {  	s4 =	simm.s32 $0x1BF5;
	[smem:$0x3FBA] =	sst s0  }
0x18: {  	s0 =	sld [smem:$0x3F9D];
	_ =	swait.ge [sflag:s4], $0x0  }
0x19: {  	s7 =	sld [smem:$0x3F9E]  }
0x1a: {  	s8 =	sadd.s32 $0xFFFFE003, lr  }
0x1b: {  	s9 =	sadd.s32 $0xFFFFFEF7, lr;
	s5 =	simm.s32 $0xFFFFFFFF;
	p2 =	slt.u32 s8, $0xFFFFF086  }
0x1c: {  	p1 =	slt.u32 s9, $0xF7A;
	s5 =	simm.s32 @!p2 $0x0  }
0x1d: {  	s5 =	simm.s32 @p1 $0x1;
	p0 =	seq.s32 s7, s2  }
0x1e: {  	s7 =	smul.u32 @!p0 $0xF7A, s2;
	p2 =	seq.s32 @!p0 s5, $0x0  }
0x1f: {  	s9 =	smul.u32 $0xF7A, s1;
	s8 =	simm.s32 @!p0 $0x1BF5;
	p2 =	por !p2, p0  }
0x20: {  	[sflag:s8] =	ssyncset.s32 @!p0 $0xFFFFF086;
	s6 =	sadd.s32 @!p0 s3, s7;
	s7 =	simm.s32 @!p0 $0x108  }
0x21: {  	s3 =	sadd.s32 s3, s9;
	s6 =	sadd.s32 @!p0 $0x88, s6;
	s7 =	simm.s32 @p2 $0x1082  }
0x22: {  	[simem:s7], [sflag:s8] =	dma.local @!p0 [hbm:s6], $0xF7A  }
0x23: {  	s9 =	sor.u32 $0xD0000000, s2;
	s6 =	simm.s32 $0x108;
	_ =	swait.ge @!p0 [sflag:s8], $0x0  }
0x24: {  	s3 =	sadd.s32 $0x88, s3;
	s6 =	simm.s32 @!p1 $0x1082;
	[sflag:s4] =	ssyncset.s32 $0xFFFFF086  }
0x25: {  	[simem:s6], [sflag:s4] =	dma.local [hbm:s3], $0xF7A  }
0x26: {  	[smem:$0x3F9E] =	sst s1;
	(tag) =	ssettag s2;
	_ =	strace s9  }
0x27: {  	s1 =	sld [smem:$0x3FAE]  }
0x28: {  	s2 =	sld [smem:$0x3FAF]  }
0x29: {  	s4 =	sld [smem:$0x3FB1]  }
0x2a: {  	p0 =	seq.s32 s5, $0x0;
	s5 =	sld [smem:$0x3FB2]  }
0x2b: {  	s6 =	sld [smem:$0x3FB3]  }
0x2c: {  	s7 =	sld [smem:$0x3FB4]  }
0x2d: {  	s3 =	simm.s32 $0x108;
	s8 =	sld [smem:$0x3FB5]  }
0x2e: {  	s3 =	simm.s32 @!p0 $0x1082;
	s9 =	sld [smem:$0x3FB6]  }
0x2f: {  	lr =	sadd.s32 s0, s3;
	s0 =	sld [smem:$0x3FAD]  }
0x30: {  	s3 =	sld [smem:$0x3FB0]  }
0x31: {  	[smem:$0x3FB9] =	sst s10  }
0x32: {  	s10 =	sld [smem:$0x3FB7];
	_ =	sdelay $0x3  }
0x33: {  	p0 =	seq.s32 s10, $0x1;
	s10 =	sld [smem:$0x3FB9];
	_ =	sdelay $0x3  }
0x34: {  	[smem:$0x3FB9] =	sst s10  }
0x35: {  	s10 =	sld [smem:$0x3FB8];
	_ =	sdelay $0x3  }
0x36: {  	p1 =	seq.s32 s10, $0x1;
	s10 =	sld [smem:$0x3FB9];
	_ =	sdelay $0x3  }
0x37: {  	[smem:$0x3FB9] =	sst s10  }
0x38: {  	s10 =	sld [smem:$0x3FBA]  }
0x39: {  	_ = 	snop;
	(pc) =	sbr.ind lr, $3  }
0x3a: {  	_ = 	snop  }
0x3b: {  	_ = 	snop  }
0x3c: {  	p2 =	seq.s32 s10, $0x1;
	s10 =	sld [smem:$0x3FB9]  }
0x3d: {  	_ =	shalt  }
0x3e: {  	_ =	shalt  }
0x3f: {  	_ =	shalt  }
0x40: {  	_ =	shalt  }
0x41: {  	_ =	shalt  }
0x42: {  	_ =	shalt  }
0x43: {  	_ =	shalt  }
0x44: {  	_ =	shalt  }
0x45: {  	_ =	shalt  }
0x46: {  	_ =	shalt  }
0x47: {  	_ =	shalt  }
0x48: {  	_ =	shalt  }
0x49: {  	_ =	shalt  }
0x4a: {  	_ =	shalt  }
0x4b: {  	_ =	shalt  }
0x4c: {  	_ =	shalt  }
0x4d: {  	_ =	shalt  }
0x4e: {  	_ =	shalt  }
0x4f: {  	_ =	shalt  }
0x50: {  	_ =	shalt  }
0x51: {  	_ =	shalt  }
0x52: {  	_ =	shalt  }
0x53: {  	_ =	shalt  }
0x54: {  	_ =	shalt  }
0x55: {  	_ =	shalt  }
0x56: {  	_ =	shalt  }
0x57: {  	_ =	shalt  }
0x58: {  	_ =	shalt  }
0x59: {  	_ =	shalt  }
0x5a: {  	_ =	shalt  }
0x5b: {  	_ =	shalt  }
0x5c: {  	_ =	shalt  }
0x5d: {  	_ =	shalt  }
0x5e: {  	_ =	shalt  }
0x5f: {  	_ =	shalt  }
0x60: {  	_ =	shalt  }
0x61: {  	_ =	shalt  }
0x62: {  	_ =	shalt  }
0x63: {  	_ =	shalt  }
0x64: {  	_ =	shalt  }
0x65: {  	_ =	shalt  }
0x66: {  	_ =	shalt  }
0x67: {  	_ =	shalt  }
0x68: {  	_ =	shalt  }
0x69: {  	_ =	shalt  }
0x6a: {  	_ =	shalt  }
0x6b: {  	_ =	shalt  }
0x6c: {  	_ =	shalt  }
0x6d: {  	_ =	shalt  }
0x6e: {  	_ =	shalt  }
0x6f: {  	_ =	shalt  }
0x70: {  	_ =	shalt  }
0x71: {  	_ =	shalt  }
0x72: {  	_ =	shalt  }
0x73: {  	_ =	shalt  }
0x74: {  	_ =	shalt  }
0x75: {  	_ =	shalt  }
0x76: {  	_ =	shalt  }
0x77: {  	_ =	shalt  }
0x78: {  	_ =	shalt  }
0x79: {  	_ =	shalt  }
0x7a: {  	_ =	shalt  }
0x7b: {  	_ =	shalt  }
0x7c: {  	_ =	shalt  }
0x7d: {  	_ =	shalt  }
0x7e: {  	_ =	shalt  }
0x7f: {  	_ =	shalt  }
0x80: {  	_ =	shalt  }
0x81: {  	_ =	shalt  }
0x82: {  	_ =	shalt  }
0x83: {  	_ =	shalt  }
0x84: {  	_ =	shalt  }
0x85: {  	_ =	shalt  }
0x86: {  	_ =	shalt  }
0x87: {  	_ =	shalt  }
.Lfunc_end0:
.L_simem_size_0:
called_computation_lowered:
.L_overlay_start_0:
0x88: {  	s2 =	sld [smem:$0x3FD9]  }
0x89: {  	s3 =	sld [smem:$0x3FFE];
	_ =	sdelay $0x1  }
0x8a: {  	s1 =	srdreg.scid  }
0x8b: {  	s0 =	sand.u32 $0x1, s1  }
0x8c: {  	s16 =	sshll.u32 s0, $0xA;
	s2 =	sadd.s32 s3, s2  }
0x8d: {  	s2 =	sadd.s32 s2, s16  }
0x8e: {  	[smem:$0x3FC5] =	sst s2  }
0x8f: {  	_ = 	snop  }
0x90: {  	(tm) =	ssettm $0x1  }
0x91: {  	s17 =	sld [smem:$0x3FFB];
	_ =	sdelay $0x3  }
0x92: {  	_ =	strace s17  }
0x93: {  	s2 =	sld [smem:$0x3FFC];
	_ =	sdelay $0x3  }
0x94: {  	_ =	strace s2  }
0x95: {  	s2 =	sld [smem:$0x3FFD];
	_ =	sdelay $0x3  }
0x96: {  	_ =	strace s2  }
0x97: {  	_ =	strace $0x8FFFFFFF  }
0x98: {  	s18 =	sld [smem:$0x3FDB];
	_ =	sdelay $0x1  }
0x99: {  	s19 =	simm.s32 $_scs_section_size  }
0x9a: {  	s4 =	simm.s32 $_size__tile_overlayer_lowered;
	s5 =	simm.s32 $_tile_overlayer_lowered  }
0x9b: {  	s22 =	simm.s32 $0x1BFF;
	s21 =	sshll.u32 s5, $0x1;
	s2 =	sadd.s32 s19, s18  }
0x9c: {  	s6 =	simm.s32 $0x0;
	s20 =	sshll.u32 s4, $0x1;
	s4 =	sadd.s32 s21, s2  }
0x9d: {  	[timem:s6], [sflag:s22] =	dma.local [hbm:s4], s20  }
0x9e: {  	_ =	swait.ge [sflag:s22], s20  }
0x9f: {  	s3 =	ssub.s32 $0x0, s20;
	[sflag:s22] =	ssyncset.done $0x0  }
0xa0: {  	[sflag:s22] =	ssyncadd.s32 s3;
	_ =	sdelay $0x1  }
0xa1: {  	s23 =	simm.s32 $0x1B8B  }
0xa2: {  	_ =	swait.ge [sflag:s23], $0x1  }
0xa3: {  	[sflag:s23] =	ssyncset.done $0x0  }
0xa4: {  	s25 =	simm.s32 $0x1B8E;
	s24 =	sld [smem:$0x3FFE];
	[sflag:s23] =	ssyncadd.s32 $0xFFFFFFFF  }
0xa5: {  	s26 =	simm.s32 $execute0_lowered;
	[smem:$0x3FD2] =	sst s25  }
0xa6: {  	s4 =	sshll.u32 s26, $0x1;
	_ =	strace $0x80000046;
	[dreg:$0x1] =	wrdreg $0xFFFFFFFF  }
0xa7: {  	s28 =	simm.s32 $_size_execute0_lowered;
	s2 =	sadd.s32 s2, s4;
	[dreg:$0x0] =	wrdreg $0x0  }
0xa8: {  	s4 =	sshll.u32 s28, $0x1;
	[dreg:$0x2] =	wrdreg s2  }
0xa9: {  	[dreg:$0x3] =	wrdreg s4  }
0xaa: {  	[dreg:$0x4] =	wrdreg $0xC0  }
0xab: {  	_ =	task [dreg:s6], $0x5FFFF  }
0xac: {  	[dreg:$0x1] =	wrdreg $0xFFFFFFFF  }
0xad: {  	[dreg:$0x0] =	wrdreg $0x60  }
0xae: {  	[dreg:$0x2] =	wrdreg s24  }
0xaf: {  	[dreg:$0x3] =	wrdreg $0x9  }
0xb0: {  	_ =	task.clear_ibuf [dreg:s6], $0x4FFFF;
	_ =	strace $0x90000046  }
0xb1: {  	s29 =	simm.s32 $0x9;
	_ =	strace $0x80000048  }
0xb2: {  	_ =	swait.ge [sflag:s29], $0x1  }
0xb3: {  	[sflag:s29] =	ssyncadd.s32 $0xFFFFFFFF  }
0xb4: {  	_ =	strace $0x90000048  }
0xb5: {  	_ =	sfence  }
0xb6: {  	s30 =	sld [smem:$0x0];
	_ =	sdelay $0x2  }
0xb7: {  	s31 =	sshll.u32 s1, $0xD;
	s1 =	sshrl.u32 s1, $0x2  }
0xb8: {  	s3 =	sand.u32 $0x4000, s31;
	s1 =	sadd.s32 s1, s30  }
0xb9: {  	s0 =	sor.u32 s3, s0;
	s1 =	sshll.u32 s1, $0x11  }
0xba: {  	s0 =	sor.u32 s1, s0  }
0xbb: {  	s0 =	sadd.s32 $0x8F2B, s0  }
0xbc: {  	[sflag:s0] =	ssyncadd.remote.s32 $0x1  }
0xbd: {  	_ =	sfence.sel $0xFFFF  }
0xbe: {  	[dreg:$0x0] =	wrdreg $0xFFFFFFFF;
	(pc) =	sbr.abs _section_cstart, $3  }
0xbf: {  	[dreg:$0x1] =	wrdreg $0xFFFFFFFF  }
0xc0: {  	_ =	task.clear_ibuf [dreg:s6], $0x2FFFF;
	_ =	strace $0x9FFFFFFF  }
0xc1: {  	(tm) =	ssettm $0x7FFFFFFF  }
tec
execute0_lowered:
.L_overlay_start_1:
0x0: {  	(tag) =	ssettag $0x1  }
0x1: {  	s0 =	rddreg [dreg:$0x0]  }
0x2: {  	s6 =	simm.s32 $0x0;
	s1 =	srdreg.scid;
	s2 =	stileid.u32  }
0x3: {  	s13 =	simm.s32 $0xD000;
	s15 =	simm.s32 $0x10400;
	s17 =	simm.s32 $0x13800  }
0x4: {  	s19 =	simm.s32 $0x16C00;
	s1 =	sand.u32 $0x1, s1;
	s2 =	sshll.u32 s2, $0x1  }
0x5: {  	s21 =	simm.s32 $0x2;
	s22 =	simm.s32 $0x3;
	s2 =	sor.u32 s1, s2  }
0x6: {  	[smem:$0x7FF] =	sst s6;
	s3 =	sadd.s32 $0x24C00, s0;
	s4 =	sshll.u32 s2, $0x9  }
0x7: {  	_ =	strace $0x80000047;
	s2 =	sshll.u32 s2, $0xB;
	s4 =	sadd.s32 s4, s0  }
0x8: {  	v20 =	vimm.s32 $0x0;
	s1 =	ssub.s32 $0x2, s1;
	s0 =	sadd.s32 s2, s0;
	s28 =	sadd.s32 $0x10C00, s4  }
.Ltmp0:
0x9: {  	v1 =	vlaneseq.u32;
	v2 =	vimm.s32 $0x1;
	v3 =	vimm.s32 $0x2;
	s29 =	sadd.s32 $0x14C00, s0;
	[dreg:$0x2] =	wrdreg s28;
	(pc) =	sbr.rel .LBB2_1-.Ltmp0, $4  }
0xa: {  	v4 =	vimm.s32 $0x3;
	v6 =	vimm.s32 $0x4;
	v7 =	vimm.s32 $0x5;
	s5 =	sshrl.u32 s1, $0x1;
	s30 =	sadd.s32 $0xC00, s0;
	[dreg:$0x3] =	wrdreg s29  }
0xb: {  	v8 =	vimm.s32 $0x6;
	v9 =	vimm.s32 $0x7;
	v10 =	vimm.s32 $0x8;
	s1 =	ssub.s32 s1, s5;
	s0 =	sadd.s32 $0x20EC00, s0;
	[dreg:$0x4] =	wrdreg s30  }
0xc: {  	v11 =	vimm.s32 $0x9;
	v12 =	vimm.s32 $0xA;
	v13 =	vimm.s32 $0xB;
	s23 =	simm.s32 $0x4;
	s31 =	smax.u32 s1, $0x1;
	[dreg:$0x5] =	wrdreg s0  }
0xd: {  	v14 =	vimm.s32 $0xC;
	v15 =	vimm.s32 $0xD;
	v16 =	vimm.s32 $0xE;
	s2 =	simm.s32 $0x0;
	s1 =	simm.s32 $0x5;
	[dreg:$0x6] =	wrdreg s31  }
.LBB2_12:
0xe: {  	s6 =	simm.s32 $0x0;
	s0 =	rddreg [dreg:$0x5];
	s1 =	simm.s32 $0x9000  }
0xf: {  	[hbm4b:s0+s6] =	stream.linear.scatter [tilespmem:s1], [sflag:$0x5], $0x4000, $0x38;
	[tilespmem:$0x1A000] =	vst v63  }
0x10: {  	s1 =	simm.s32 $0x5  }
0x11: {  	_ =	swait.ge [sflag:s1], $0x4000  }
0x12: {  	s2 =	rddreg [dreg:$0x7]  }
0x13: {  	s31 =	rddreg [dreg:$0x6];
	s2 =	sadd.s32 $0x1, s2  }
0x14: {  	p0 =	sne.s32 s2, s31  }
.Ltmp1:
0x15: {  	_ = 	snop;
	(pc) =	sbr.rel @!p0 .LBB2_13-.Ltmp1, $4  }
0x16: {  	_ = 	snop  }
0x17: {  	v2 =	vimm.s32 $0x1;
	v3 =	vimm.s32 $0x2  }
0x18: {  	v4 =	vimm.s32 $0x3;
	v12 =	vimm.s32 $0xA;
	v13 =	vimm.s32 $0xB;
	[sflag:s1] =	ssyncset.done $0x0  }
0x19: {  	v14 =	vimm.s32 $0xC;
	v15 =	vimm.s32 $0xD;
	v16 =	vimm.s32 $0xE;
	[sflag:s1] =	ssyncadd.s32 $0xFFFFC000  }
.LBB2_1:
0x1a: {  	[dreg:$0x7] =	wrdreg s2  }
0x1b: {  	s0 =	rddreg [dreg:$0x2]  }
0x1c: {  	[tilespmem:s6], [sflag:$0x5] =	stream.linear.gather [hbm4b:s0+s6], $0x1000, $0x38;
	[tilespmem:$0x1A000] =	vst v63  }
0x1d: {  	_ =	swait.ge [sflag:s1], $0x1000  }
0x1e: {  	[sflag:s1] =	ssyncset.done $0x0  }
0x1f: {  	s16 =	simm.s32 $0x1000;
	s14 =	rddreg [dreg:$0x3];
	[sflag:s1] =	ssyncadd.s32 $0xFFFFF000  }
0x20: {  	[tilespmem:s16], [sflag:$0x5] =	stream.linear.gather [hbm4b:s14+s6], $0x4000, $0x38;
	[tilespmem:$0x1A000] =	vst v63  }
0x21: {  	_ =	swait.ge [sflag:s1], $0x4000  }
0x22: {  	[sflag:s1] =	ssyncset.done $0x0  }
0x23: {  	s20 =	simm.s32 $0x5000;
	s18 =	rddreg [dreg:$0x4];
	[sflag:s1] =	ssyncadd.s32 $0xFFFFC000  }
0x24: {  	[tilespmem:s20], [sflag:$0x5] =	stream.linear.gather [hbm4b:s18+s6], $0x4000, $0x38;
	[tilespmem:$0x1A000] =	vst v63  }
0x25: {  	s24 =	simm.s32 $0x68;
	_ =	swait.ge [sflag:s1], $0x4000  }
0x26: {  	s25 =	simm.s32 $0x80;
	s26 =	simm.s32 $0x100;
	[sflag:s1] =	ssyncset.done $0x0  }
0x27: {  	s29 =	simm.s32 $0x180;
	s28 =	simm.s32 $0x5010;
	[sflag:s1] =	ssyncadd.s32 $0xFFFFC000  }
0x28: {  	[tilespmem:s13], [sflag:$0x1] =	stream.indirect.gather [hbm4b:s3+s24], $0x80, s6, s24, $0xb8;
	[tilespmem:$0x1A000] =	vst v63  }
0x29: {  	s30 =	simm.s32 $0x5210;
	s31 =	simm.s32 $0x1210;
	s10 =	simm.s32 $0x1410  }
0x2a: {  	[tilespmem:s15], [sflag:$0x2] =	stream.indirect.gather [hbm4b:s3+s24], $0x80, s25, s24, $0xb8;
	[tilespmem:$0x1A000] =	vst v63  }
0x2b: {  	s11 =	simm.s32 $0x9600;
	s0 =	simm.s32 $0x9400;
	s14 =	simm.s32 $0x5610  }
0x2c: {  	[tilespmem:s17], [sflag:$0x3] =	stream.indirect.gather [hbm4b:s3+s24], $0x80, s26, s24, $0xb8;
	[tilespmem:$0x1A000] =	vst v63  }
0x2d: {  	s16 =	simm.s32 $0x1610;
	s18 =	simm.s32 $0x9000;
	s1 =	simm.s32 $0x5410  }
0x2e: {  	[tilespmem:s19], [sflag:$0x4] =	stream.indirect.gather [hbm4b:s3+s24], $0x80, s29, s24, $0xb8;
	[tilespmem:$0x1A000] =	vst v63  }
0x2f: {  	s6 =	simm.s32 $0x9200;
	s26 =	simm.s32 $0x1010;
	s24 =	simm.s32 $0x0  }
.LBB2_2:
0x30: {  	s2 =	simm.s32 $0x1  }
0x31: {  	_ =	swait.ge [sflag:s2], $0x3400  }
0x32: {  	[sflag:s2] =	ssyncset.done $0x0  }
0x33: {  	[sflag:s2] =	ssyncadd.s32 $0xFFFFCC00  }
0x34: {  	v17 =	vld [tilespmem:s26+$0x0];
	_ =	sdelay $0x1  }
0x35: {  	v0 =	vld [tilespmem:s26+$0xFFFFFFF0]  }
0x36: {  	v5 =	vimm.s32 $0x0  }
0x37: {  	v40 =	vimm.s32 $0xF;
	v61 =	vimm.s32 $0x1;
	v58 =	vimm.s32 $0x3  }
0x38: {  	v56 =	vimm.s32 $0x8;
	v19 =	vperm.xlane v17, v3;
	v3 =	vperm.xlane v17, v4  }
0x39: {  	v18 =	vimm.s32 $0x4;
	v21 =	vperm.xlane v17, v20;
	v20 =	vperm.xlane v17, v2  }
0x3a: {  	v46 =	vimm.s32 $0xA;
	v25 =	vperm.xlane v0, v16;
	v30 =	vperm.xlane v0, v14  }
0x3b: {  	v42 =	vimm.s32 $0xB;
	v28 =	vperm.xlane v0, v15;
	v36 =	vperm.xlane v0, v12  }
0x3c: {  	v51 =	vimm.s32 $0xC;
	v33 =	vperm.xlane v0, v13;
	v41 =	vperm.xlane v0, v10  }
0x3d: {  	v54 =	vimm.s32 $0xD;
	v52 =	vld [tilespmem:s28+$0xFFFFFFF0];
	v39 =	vperm.xlane v0, v11;
	v45 =	vperm.xlane v0, v8  }
0x3e: {  	v55 =	vimm.s32 $0xE;
	v43 =	vperm.xlane v0, v9;
	v49 =	vperm.xlane v0, v6  }
0x3f: {  	v2 =	vimm.s32 $0xF;
	v47 =	vperm.xlane v0, v7;
	v50 =	vperm.xlane v0, v4  }
0x40: {  	v6 =	vimm.s32 $0x2;
	v4 =	vperm.xlane v0, v5;
	v22 =	vperm.xlane v0, v2;
	v2 =	vld [tilespmem:s28+$0x0]  }
0x41: {  	v9 =	vimm.s32 $0x7;
	v7 =	vimm.s32 $0x8;
	v8 =	vimm.s32 $0x9  }
0x42: {  	v10 =	vimm.s32 $0x5;
	v56 =	vperm.xlane v52, v56;
	v59 =	vperm.xlane v52, v18  }
0x43: {  	v13 =	vimm.s32 $0x6;
	v57 =	vperm.xlane v52, v10;
	v60 =	vperm.xlane v52, v6  }
0x44: {  	[tilespmem:$0x1FFC0] =	vst v3;
	v3 =	vperm.xlane v0, v6;
	v0 =	vperm.xlane v0, v61;
	v59 =	vadd.s32 v1, v59  }
0x45: {  	v56 =	vadd.s32 v1, v56;
	v57 =	vadd.s32 v1, v57;
	v11 =	vperm.xlane v2, v7  }
0x46: {  	v60 =	vadd.s32 v1, v60;
	v12 =	vperm.xlane v2, v8;
	v13 =	vperm.xlane v2, v13  }
0x47: {  	v63 =	vand.u32 $0xFFFFFF80, v60;
	v14 =	vperm.xlane v2, v9;
	v15 =	vperm.xlane v2, v18  }
0x48: {  	s4 =	simm.s32 $0x100;
	v60 =	vand.u32 $0x7F, v60;
	v16 =	vperm.xlane v2, v10;
	v23 =	vperm.xlane v2, v6  }
0x49: {  	v63 =	vadd.s32 s4, v63;
	v24 =	vperm.xlane v2, v58;
	v26 =	vperm.xlane v2, v5  }
0x4a: {  	v7 =	vimm.s32 $0x6;
	v2 =	vperm.xlane v2, v61;
	v58 =	vperm.xlane v52, v58  }
0x4b: {  	s5 =	simm.s32 $0x200;
	v61 =	vperm.xlane v52, v61;
	v60 =	vor.u32 v60, v63;
	v63 =	vand.u32 $0xFFFFFF80, v59  }
0x4c: {  	v59 =	vand.u32 $0x7F, v59;
	v18 =	vperm.xlane v17, v18;
	v63 =	vadd.s32 s5, v63  }
0x4d: {  	v14 =	vadd.s32 v1, v14;
	v11 =	vadd.s32 v1, v11;
	v12 =	vadd.s32 v1, v12  }
0x4e: {  	v15 =	vadd.s32 v1, v15;
	v16 =	vadd.s32 v1, v16;
	v13 =	vadd.s32 v1, v13  }
0x4f: {  	v2 =	vadd.s32 v1, v2;
	v48 =	vadd.s32 v1, v23;
	v44 =	vadd.s32 v1, v24  }
0x50: {  	v53 =	vadd.s32 v1, v26;
	v58 =	vadd.s32 v1, v58;
	v61 =	vadd.s32 v1, v61  }
0x51: {  	v59 =	vor.u32 v59, v63;
	v63 =	vand.u32 $0xFFFFFF80, v57;
	v57 =	vand.u32 $0x7F, v57  }
0x52: {  	v24 =	vand.u32 $0xFFFFFF80, v12;
	v23 =	vand.u32 $0x7F, v12;
	v26 =	vand.u32 $0x7F, v14  }
0x53: {  	v29 =	vand.u32 $0xFFFFFF80, v11;
	v27 =	vand.u32 $0x7F, v11;
	v34 =	vand.u32 $0xFFFFFF80, v13  }
0x54: {  	v32 =	vand.u32 $0x7F, v13;
	v31 =	vand.u32 $0xFFFFFF80, v14;
	v38 =	vand.u32 $0x7F, v15  }
0x55: {  	v37 =	vand.u32 $0xFFFFFF80, v16;
	v35 =	vand.u32 $0x7F, v16;
	v11 =	vperm.xlane v52, v40  }
0x56: {  	v12 =	vperm.xlane v52, v54;
	v40 =	vand.u32 $0x7F, v44;
	v13 =	vperm.xlane v52, v55  }
0x57: {  	v14 =	vperm.xlane v52, v42;
	v42 =	vand.u32 $0xFFFFFF80, v15;
	v15 =	vperm.xlane v52, v51  }
0x58: {  	v16 =	vperm.xlane v52, v8;
	v44 =	vand.u32 $0xFFFFFF80, v44;
	v51 =	vperm.xlane v52, v5  }
0x59: {  	s7 =	simm.s32 $0x280;
	v54 =	vperm.xlane v52, v46;
	v55 =	vperm.xlane v52, v9;
	v46 =	vand.u32 $0x7F, v48  }
0x5a: {  	v48 =	vand.u32 $0xFFFFFF80, v48;
	v63 =	vadd.s32 s7, v63;
	v51 =	vadd.s32 v1, v51  }
0x5b: {  	s20 =	simm.s32 $0x0;
	v52 =	vperm.xlane v52, v7;
	v7 =	vimm.s32 $0x6;
	v62 =	vand.u32 $0xFFFFFF80, v51  }
0x5c: {  	v57 =	vor.u32 v57, v63;
	v51 =	vand.u32 $0x7F, v51;
	v62 =	vadd.s32 s20, v62  }
0x5d: {  	v63 =	vand.u32 $0x7F, v53;
	v53 =	vand.u32 $0xFFFFFF80, v53;
	v62 =	vor.u32 v51, v62  }
0x5e: {  	s25 =	simm.s32 $0x80;
	v13 =	vadd.s32 v1, v13;
	v11 =	vadd.s32 v1, v11;
	v60 =	vld.idx.msk [tilespmem:v60+s13+$0x0], $0xffff;
	v51 =	vand.u32 $0xFFFFFF80, v61  }
0x5f: {  	v14 =	vadd.s32 v1, v14;
	v59 =	vld.idx.msk [tilespmem:v59+s13+$0x0], $0xffff;
	v61 =	vand.u32 $0x7F, v61;
	v51 =	vadd.s32 s25, v51  }
0x60: {  	s4 =	simm.s32 $0x180;
	v15 =	vadd.s32 v1, v15;
	v61 =	vor.u32 v61, v51;
	v51 =	vand.u32 $0xFFFFFF80, v58  }
0x61: {  	v12 =	vadd.s32 v1, v12;
	v58 =	vand.u32 $0x7F, v58;
	v51 =	vadd.s32 s4, v51  }
0x62: {  	v52 =	vadd.s32 v1, v52;
	v16 =	vadd.s32 v1, v16;
	v58 =	vor.u32 v58, v51;
	v62 =	vld.idx.msk [tilespmem:v62+s13+$0x0], $0xffff  }
0x63: {  	v55 =	vadd.s32 v1, v55;
	v54 =	vadd.s32 v1, v54;
	v3 =	vmul.f32 v3, v60  }
0x64: {  	v57 =	vld.idx.msk [tilespmem:v57+s13+$0x0], $0xffff;
	s25 =	simm.s32 $0x500;
	v49 =	vmul.f32 v49, v59;
	v59 =	vand.u32 $0x7F, v54;
	v54 =	vand.u32 $0xFFFFFF80, v54  }
0x65: {  	v60 =	vand.u32 $0xFFFFFF80, v13;
	v13 =	vand.u32 $0x7F, v13;
	v54 =	vadd.s32 s25, v54;
	v61 =	vld.idx.msk [tilespmem:v61+s13+$0x0], $0xffff  }
0x66: {  	v51 =	vand.u32 $0x7F, v2;
	v2 =	vand.u32 $0xFFFFFF80, v2;
	v54 =	vor.u32 v59, v54  }
0x67: {  	s8 =	simm.s32 $0x300;
	v59 =	vand.u32 $0x7F, v14;
	v58 =	vld.idx.msk [tilespmem:v58+s13+$0x0], $0xffff;
	v4 =	vmul.f32 v4, v62;
	v62 =	vand.u32 $0xFFFFFF80, v52  }
0x68: {  	v14 =	vand.u32 $0xFFFFFF80, v14;
	v52 =	vand.u32 $0x7F, v52;
	v62 =	vadd.s32 s8, v62  }
0x69: {  	s9 =	simm.s32 $0x380;
	v47 =	vmul.f32 v47, v57;
	v52 =	vor.u32 v52, v62;
	v62 =	vand.u32 $0xFFFFFF80, v55  }
0x6a: {  	v55 =	vand.u32 $0x7F, v55;
	v0 =	vmul.f32 v0, v61;
	v62 =	vadd.s32 s9, v62  }
0x6b: {  	s12 =	simm.s32 $0x400;
	v55 =	vor.u32 v55, v62;
	v62 =	vand.u32 $0xFFFFFF80, v56;
	v56 =	vand.u32 $0x7F, v56  }
0x6c: {  	s4 =	simm.s32 $0x580;
	v50 =	vmul.f32 v50, v58;
	v58 =	vadd.f32 $0.0e+00, v4;
	v62 =	vadd.s32 s12, v62  }
0x6d: {  	v14 =	vadd.s32 s4, v14;
	v4 =	vmul.f32 v4, v4;
	v56 =	vor.u32 v56, v62  }
0x6e: {  	s20 =	simm.s32 $0x480;
	v62 =	vand.u32 $0xFFFFFF80, v16;
	v58 =	vadd.f32 v0, v58;
	v0 =	vmul.f32 v0, v0  }
0x6f: {  	v14 =	vor.u32 v59, v14;
	v16 =	vand.u32 $0x7F, v16;
	v62 =	vadd.s32 s20, v62  }
0x70: {  	v52 =	vld.idx.msk [tilespmem:v52+s13+$0x0], $0xffff;
	v0 =	vadd.f32 v0, v4;
	v58 =	vadd.f32 v3, v58;
	v3 =	vmul.f32 v3, v3  }
0x71: {  	v16 =	vor.u32 v16, v62;
	v4 =	vand.u32 $0x7F, v15;
	v15 =	vand.u32 $0xFFFFFF80, v15  }
0x72: {  	s5 =	simm.s32 $0x600;
	s8 =	simm.s32 $0x700;
	v55 =	vld.idx.msk [tilespmem:v55+s13+$0x0], $0xffff;
	v0 =	vadd.f32 v3, v0;
	v3 =	vadd.f32 v50, v58;
	v50 =	vmul.f32 v50, v50  }
0x73: {  	v61 =	vand.u32 $0x7F, v11;
	v59 =	vadd.s32 s8, v60;
	v15 =	vadd.s32 s5, v15  }
0x74: {  	v56 =	vld.idx.msk [tilespmem:v56+s13+$0x0], $0xffff;
	v0 =	vadd.f32 v50, v0;
	v3 =	vadd.f32 v49, v3;
	v49 =	vmul.f32 v49, v49  }
0x75: {  	v62 =	vand.u32 $0xFFFFFF80, v12;
	v4 =	vor.u32 v4, v15;
	v45 =	vmul.f32 v45, v52  }
0x76: {  	s7 =	simm.s32 $0x680;
	v15 =	vld.idx.msk [tilespmem:v16+s13+$0x0], $0xffff;
	v16 =	vmul.f32 v47, v47;
	v0 =	vadd.f32 v49, v0;
	v3 =	vadd.f32 v47, v3  }
0x77: {  	v12 =	vand.u32 $0x7F, v12;
	v58 =	vadd.s32 s7, v62;
	v43 =	vmul.f32 v43, v55  }
0x78: {  	v60 =	vld.idx.msk [tilespmem:v54+s13+$0x0], $0xffff;
	v0 =	vadd.f32 v16, v0;
	v3 =	vadd.f32 v45, v3;
	v16 =	vmul.f32 v45, v45  }
0x79: {  	v11 =	vand.u32 $0xFFFFFF80, v11;
	v12 =	vor.u32 v12, v58;
	v41 =	vmul.f32 v41, v56  }
0x7a: {  	s9 =	simm.s32 $0x780;
	v14 =	vld.idx.msk [tilespmem:v14+s13+$0x0], $0xffff;
	v0 =	vadd.f32 v16, v0;
	v3 =	vadd.f32 v43, v3;
	v16 =	vmul.f32 v43, v43  }
0x7b: {  	v13 =	vor.u32 v13, v59;
	v11 =	vadd.s32 s9, v11;
	v15 =	vmul.f32 v39, v15  }
0x7c: {  	s12 =	simm.s32 $0x800;
	v4 =	vld.idx.msk [tilespmem:v4+s13+$0x0], $0xffff;
	v0 =	vadd.f32 v16, v0;
	v3 =	vadd.f32 v41, v3;
	v16 =	vmul.f32 v41, v41  }
0x7d: {  	v11 =	vor.u32 v61, v11;
	v36 =	vmul.f32 v36, v60;
	v62 =	vadd.s32 s12, v53  }
0x7e: {  	s20 =	simm.s32 $0x880;
	v12 =	vld.idx.msk [tilespmem:v12+s13+$0x0], $0xffff;
	v0 =	vadd.f32 v16, v0;
	v3 =	vadd.f32 v15, v3;
	v15 =	vmul.f32 v15, v15  }
0x7f: {  	v2 =	vadd.s32 s20, v2;
	v14 =	vmul.f32 v33, v14;
	v39 =	vor.u32 v63, v62  }
0x80: {  	s25 =	simm.s32 $0x900;
	v13 =	vld.idx.msk [tilespmem:v13+s13+$0x0], $0xffff;
	v0 =	vadd.f32 v15, v0;
	v3 =	vadd.f32 v36, v3;
	v15 =	vmul.f32 v36, v36  }
0x81: {  	v2 =	vor.u32 v51, v2;
	v4 =	vmul.f32 v30, v4;
	v16 =	vadd.s32 s25, v48  }
0x82: {  	s5 =	simm.s32 $0x980;
	v11 =	vld.idx.msk [tilespmem:v11+s13+$0x0], $0xffff;
	v0 =	vadd.f32 v15, v0;
	v3 =	vadd.f32 v14, v3;
	v14 =	vmul.f32 v14, v14  }
0x83: {  	v12 =	vmul.f32 v28, v12;
	v16 =	vor.u32 v46, v16;
	v15 =	vadd.s32 s5, v44  }
0x84: {  	s7 =	simm.s32 $0xA00;
	v30 =	vld.idx.msk [tilespmem:v39+s13+$0x0], $0xffff;
	v0 =	vadd.f32 v14, v0;
	v3 =	vadd.f32 v4, v3;
	v4 =	vmul.f32 v4, v4  }
0x85: {  	v13 =	vmul.f32 v25, v13;
	v28 =	vadd.s32 s7, v42;
	v14 =	vor.u32 v40, v15  }
0x86: {  	s8 =	simm.s32 $0xA80;
	v2 =	vld.idx.msk [tilespmem:v2+s13+$0x0], $0xffff;
	v0 =	vadd.f32 v4, v0;
	v3 =	vadd.f32 v12, v3;
	v4 =	vmul.f32 v12, v12  }
0x87: {  	v11 =	vmul.f32 v22, v11;
	v15 =	vor.u32 v38, v28;
	v12 =	vadd.s32 s8, v37  }
0x88: {  	s9 =	simm.s32 $0xB00;
	v16 =	vld.idx.msk [tilespmem:v16+s13+$0x0], $0xffff;
	v0 =	vadd.f32 v4, v0;
	v3 =	vadd.f32 v13, v3;
	v4 =	vmul.f32 v13, v13  }
0x89: {  	v5 =	vld [tilespmem:$0x1FFC0];
	v22 =	vadd.s32 s9, v34;
	v12 =	vor.u32 v35, v12;
	v13 =	vmul.f32 v21, v30  }
0x8a: {  	s12 =	simm.s32 $0xB80;
	v14 =	vld.idx.msk [tilespmem:v14+s13+$0x0], $0xffff;
	v0 =	vadd.f32 v4, v0;
	v3 =	vadd.f32 v11, v3;
	v4 =	vmul.f32 v11, v11  }
0x8b: {  	v2 =	vmul.f32 v20, v2;
	v21 =	vor.u32 v32, v22;
	v11 =	vadd.s32 s12, v31  }
0x8c: {  	s20 =	simm.s32 $0xC00;
	v15 =	vld.idx.msk [tilespmem:v15+s13+$0x0], $0xffff;
	v0 =	vadd.f32 v4, v0;
	v3 =	vadd.f32 v13, v3;
	v4 =	vmul.f32 v13, v13  }
0x8d: {  	v20 =	vadd.s32 s20, v29;
	v11 =	vor.u32 v26, v11;
	v13 =	vmul.f32 v19, v16  }
0x8e: {  	s25 =	simm.s32 $0xC80;
	v12 =	vld.idx.msk [tilespmem:v12+s13+$0x0], $0xffff;
	v0 =	vadd.f32 v4, v0;
	v3 =	vadd.f32 v2, v3;
	v2 =	vmul.f32 v2, v2  }
0x8f: {  	v16 =	vor.u32 v27, v20;
	v4 =	vadd.s32 s25, v24;
	v14 =	vmul.f32 v5, v14  }
0x90: {  	v19 =	vld.idx.msk [tilespmem:v21+s13+$0x0], $0xffff;
	v0 =	vadd.f32 v2, v0;
	v2 =	vadd.f32 v13, v3;
	v3 =	vmul.f32 v13, v13  }
0x91: {  	v4 =	vor.u32 v23, v4;
	v13 =	vmul.f32 v18, v15;
	v15 =	vperm.xlane v17, v10  }
0x92: {  	v11 =	vld.idx.msk [tilespmem:v11+s13+$0x0], $0xffff;
	v0 =	vadd.f32 v3, v0;
	v2 =	vadd.f32 v14, v2;
	v3 =	vmul.f32 v14, v14  }
0x93: {  	v12 =	vmul.f32 v15, v12;
	v14 =	vperm.xlane v17, v7  }
0x94: {  	v15 =	vld.idx.msk [tilespmem:v16+s13+$0x0], $0xffff;
	v0 =	vadd.f32 v3, v0;
	v2 =	vadd.f32 v13, v2;
	v3 =	vmul.f32 v13, v13  }
0x95: {  	v5 =	vimm.s32 $0x8;
	v13 =	vmul.f32 v14, v19;
	v14 =	vperm.xlane v17, v9  }
0x96: {  	v4 =	vld.idx.msk [tilespmem:v4+s13+$0x0], $0xffff;
	v0 =	vadd.f32 v3, v0;
	v2 =	vadd.f32 v12, v2;
	v3 =	vmul.f32 v12, v12  }
0x97: {  	v11 =	vmul.f32 v14, v11;
	v12 =	vperm.xlane v17, v5  }
0x98: {  	v0 =	vadd.f32 v3, v0;
	v2 =	vadd.f32 v13, v2;
	v3 =	vmul.f32 v13, v13  }
0x99: {  	v12 =	vmul.f32 v12, v15;
	v13 =	vperm.xlane v17, v8  }
0x9a: {  	v0 =	vadd.f32 v3, v0;
	v2 =	vadd.f32 v11, v2;
	v3 =	vmul.f32 v11, v11  }
0x9b: {  	v4 =	vmul.f32 v13, v4  }
0x9c: {  	v0 =	vadd.f32 v3, v0;
	v2 =	vadd.f32 v12, v2;
	v3 =	vmul.f32 v12, v12;
	_ =	sdelay $0x1  }
0x9d: {  	v0 =	vadd.f32 v3, v0;
	v2 =	vadd.f32 v4, v2;
	v3 =	vmul.f32 v4, v4;
	_ =	sdelay $0x1  }
0x9e: {  	v0 =	vadd.f32 v3, v0;
	v2 =	vmul.f32 v2, v2;
	_ =	sdelay $0x1  }
0x9f: {  	v0 =	vsub.f32 v2, v0;
	_ =	sdelay $0x1  }
0xa0: {  	v0 =	vmul.f32 $5.000000000e-01, v0;
	_ =	sdelay $0x1  }
0xa1: {  	s29 =	sadd.s32 $0x80, s26;
	[tilespmem:s18+$0x0] =	vst v0  }
0xa2: {  	v17 =	vld [tilespmem:s29+$0x0];
	_ =	sdelay $0x1  }
0xa3: {  	v0 =	vld [tilespmem:s29+$0xFFFFFFF0]  }
0xa4: {  	v60 =	vimm.s32 $0xE;
	v49 =	vimm.s32 $0xC  }
0xa5: {  	v41 =	vimm.s32 $0xF;
	v20 =	vimm.s32 $0x0;
	v15 =	vimm.s32 $0x3  }
0xa6: {  	v5 =	vimm.s32 $0x1;
	v22 =	vperm.xlane v17, v6;
	v21 =	vperm.xlane v17, v15  }
0xa7: {  	v48 =	vimm.s32 $0xA;
	v24 =	vperm.xlane v17, v20;
	v23 =	vperm.xlane v17, v5  }
0xa8: {  	v44 =	vimm.s32 $0xD;
	v26 =	vperm.xlane v0, v60;
	v25 =	vperm.xlane v0, v41  }
0xa9: {  	v46 =	vimm.s32 $0xB;
	v2 =	vperm.xlane v0, v49;
	v29 =	vperm.xlane v0, v44  }
0xaa: {  	s7 =	sadd.s32 $0x80, s28;
	v3 =	vimm.s32 $0x8;
	v34 =	vperm.xlane v0, v48;
	v32 =	vperm.xlane v0, v46  }
0xab: {  	v4 =	vimm.s32 $0x6;
	v62 =	vld [tilespmem:s7+$0xFFFFFFF0];
	v40 =	vperm.xlane v0, v3;
	v38 =	vperm.xlane v0, v8  }
0xac: {  	v12 =	vimm.s32 $0x4;
	v45 =	vperm.xlane v0, v4;
	v43 =	vperm.xlane v0, v9  }
0xad: {  	v50 =	vperm.xlane v0, v12;
	v47 =	vperm.xlane v0, v10;
	[tilespmem:$0x1FFD0] =	vst v2;
	v2 =	vld [tilespmem:s7+$0x0]  }
0xae: {  	v55 =	vperm.xlane v0, v6;
	v53 =	vperm.xlane v0, v15  }
0xaf: {  	v57 =	vperm.xlane v0, v20;
	v56 =	vperm.xlane v0, v5  }
0xb0: {  	v59 =	vperm.xlane v62, v41;
	v58 =	vperm.xlane v62, v44  }
0xb1: {  	v63 =	vperm.xlane v62, v46;
	v61 =	vperm.xlane v62, v9  }
0xb2: {  	v0 =	vperm.xlane v2, v3;
	v3 =	vperm.xlane v2, v8  }
0xb3: {  	v52 =	vimm.s32 $0x6;
	v4 =	vperm.xlane v2, v4;
	v11 =	vperm.xlane v2, v9  }
0xb4: {  	v18 =	vimm.s32 $0x3;
	v12 =	vperm.xlane v2, v12;
	v13 =	vperm.xlane v2, v10  }
0xb5: {  	v7 =	vimm.s32 $0x8;
	v14 =	vperm.xlane v2, v6;
	v15 =	vperm.xlane v2, v15  }
0xb6: {  	v19 =	vimm.s32 $0x4;
	v16 =	vperm.xlane v2, v20;
	v2 =	vperm.xlane v2, v5  }
0xb7: {  	v5 =	vimm.s32 $0x1;
	v11 =	vadd.s32 v1, v11;
	v0 =	vadd.s32 v1, v0  }
0xb8: {  	v3 =	vadd.s32 v1, v3;
	v12 =	vadd.s32 v1, v12;
	v13 =	vadd.s32 v1, v13  }
0xb9: {  	v4 =	vadd.s32 v1, v4;
	v51 =	vadd.s32 v1, v2;
	v2 =	vadd.s32 v1, v14  }
0xba: {  	v14 =	vadd.s32 v1, v15;
	v54 =	vadd.s32 v1, v16;
	v15 =	vperm.xlane v62, v52  }
0xbb: {  	v16 =	vperm.xlane v62, v19;
	v28 =	vand.u32 $0xFFFFFF80, v3;
	v27 =	vand.u32 $0x7F, v3  }
0xbc: {  	v3 =	vand.u32 $0x7F, v11;
	v30 =	vand.u32 $0x7F, v0;
	v35 =	vand.u32 $0xFFFFFF80, v4  }
0xbd: {  	v33 =	vand.u32 $0x7F, v4;
	v31 =	vand.u32 $0xFFFFFF80, v11;
	v39 =	vand.u32 $0x7F, v12  }
0xbe: {  	v37 =	vand.u32 $0xFFFFFF80, v13;
	v36 =	vand.u32 $0x7F, v13;
	v41 =	vand.u32 $0x7F, v14  }
0xbf: {  	v42 =	vand.u32 $0xFFFFFF80, v12;
	v12 =	vperm.xlane v62, v60;
	v44 =	vand.u32 $0xFFFFFF80, v14  }
0xc0: {  	v13 =	vperm.xlane v62, v49;
	v46 =	vand.u32 $0x7F, v2;
	v11 =	vperm.xlane v62, v8  }
0xc1: {  	v60 =	vperm.xlane v62, v48;
	v48 =	vand.u32 $0xFFFFFF80, v2;
	v14 =	vperm.xlane v62, v7  }
0xc2: {  	v49 =	vand.u32 $0x7F, v51;
	v2 =	vperm.xlane v62, v10;
	v51 =	vand.u32 $0xFFFFFF80, v51  }
0xc3: {  	s2 =	simm.s32 $0x4D;
	v52 =	vand.u32 $0x7F, v54;
	v4 =	vperm.xlane v62, v6;
	[tilespmem:$0x1FFE0] =	vst v3;
	v3 =	vand.u32 $0xFFFFFF80, v0  }
0xc4: {  	s4 =	sshll.u32 s24, $0xB;
	s5 =	smov.u32 s18;
	s8 =	simm.s32 $0x33;
	v54 =	vand.u32 $0xFFFFFF80, v54;
	v0 =	vperm.xlane v62, v18;
	[tilespmem:$0x1FFF0] =	vst v3;
	v3 =	vperm.xlane v62, v5  }
.LBB2_3:
0xc5: {  	v62 =	vperm.xlane v62, v20;
	v12 =	vadd.s32 v1, v12  }
0xc6: {  	v5 =	vadd.s32 v1, v59;
	v63 =	vadd.s32 v1, v63;
	v13 =	vadd.s32 v1, v13  }
0xc7: {  	v6 =	vadd.s32 v1, v58;
	v14 =	vadd.s32 v1, v14;
	v11 =	vadd.s32 v1, v11  }
0xc8: {  	v7 =	vadd.s32 v1, v60;
	v2 =	vadd.s32 v1, v2;
	v15 =	vadd.s32 v1, v15  }
0xc9: {  	v8 =	vadd.s32 v1, v61;
	v4 =	vadd.s32 v1, v4;
	v0 =	vadd.s32 v1, v0  }
0xca: {  	v16 =	vadd.s32 v1, v16;
	v3 =	vadd.s32 v1, v3;
	v62 =	vadd.s32 v1, v62  }
0xcb: {  	s9 =	sshll.u32 s8, $0x7;
	v58 =	vand.u32 $0x7F, v5;
	v61 =	vand.u32 $0xFFFFFF80, v12;
	v59 =	vand.u32 $0x7F, v12  }
0xcc: {  	s25 =	sadd.s32 $0xFFFFF380, s9;
	v60 =	vand.u32 $0xFFFFFF80, v5;
	v12 =	vand.u32 $0xFFFFFF80, v6;
	v5 =	vand.u32 $0xFFFFFF80, v62  }
0xcd: {  	v6 =	vand.u32 $0x7F, v6;
	v62 =	vand.u32 $0x7F, v62;
	v5 =	vadd.s32 s25, v5  }
0xce: {  	s20 =	sadd.s32 $0xFFFFF400, s9;
	v9 =	vand.u32 $0x7F, v13;
	v5 =	vor.u32 v62, v5;
	v62 =	vand.u32 $0xFFFFFF80, v3  }
0xcf: {  	s12 =	sadd.s32 $0xFFFFF480, s9;
	v10 =	vand.u32 $0xFFFFFF80, v4;
	v3 =	vand.u32 $0x7F, v3;
	v62 =	vadd.s32 s20, v62  }
0xd0: {  	v4 =	vand.u32 $0x7F, v4;
	v10 =	vadd.s32 s12, v10;
	v3 =	vor.u32 v3, v62  }
0xd1: {  	v13 =	vand.u32 $0xFFFFFF80, v13;
	v4 =	vor.u32 v4, v10;
	v10 =	vand.u32 $0xFFFFFF80, v0;
	s20 =	sadd.s32 $0xFFFFF500, s9  }
0xd2: {  	v18 =	vand.u32 $0x7F, v7;
	v0 =	vand.u32 $0x7F, v0;
	v10 =	vadd.s32 s20, v10  }
0xd3: {  	v7 =	vand.u32 $0xFFFFFF80, v7;
	s12 =	sadd.s32 $0xFFFFF580, s9;
	v0 =	vor.u32 v0, v10;
	v10 =	vand.u32 $0xFFFFFF80, v16;
	v5 =	vld.idx.msk [tilespmem:v5+s13+$0x0], $0xffff  }
0xd4: {  	v19 =	vand.u32 $0x7F, v11;
	v16 =	vand.u32 $0x7F, v16;
	v10 =	vadd.s32 s12, v10  }
0xd5: {  	v11 =	vand.u32 $0xFFFFFF80, v11;
	s20 =	sadd.s32 $0xFFFFF600, s9;
	v10 =	vor.u32 v16, v10;
	v16 =	vand.u32 $0xFFFFFF80, v2;
	v3 =	vld.idx.msk [tilespmem:v3+s13+$0x0], $0xffff  }
0xd6: {  	v20 =	vand.u32 $0x7F, v14;
	v4 =	vld.idx.msk [tilespmem:v4+s13+$0x0], $0xffff;
	v2 =	vand.u32 $0x7F, v2;
	v16 =	vadd.s32 s20, v16  }
0xd7: {  	v14 =	vand.u32 $0xFFFFFF80, v14;
	s12 =	sadd.s32 $0xFFFFF680, s9;
	v2 =	vor.u32 v2, v16;
	v16 =	vand.u32 $0xFFFFFF80, v15  }
0xd8: {  	v15 =	vand.u32 $0x7F, v15;
	v0 =	vld.idx.msk [tilespmem:v0+s13+$0x0], $0xffff;
	v16 =	vadd.s32 s12, v16;
	v5 =	vmul.f32 v57, v5  }
0xd9: {  	s20 =	sadd.s32 $0xFFFFF700, s9;
	v15 =	vor.u32 v15, v16;
	v16 =	vand.u32 $0xFFFFFF80, v8;
	v8 =	vand.u32 $0x7F, v8  }
0xda: {  	s12 =	sadd.s32 $0xFFFFF780, s9;
	v10 =	vld.idx.msk [tilespmem:v10+s13+$0x0], $0xffff;
	v16 =	vadd.s32 s20, v16;
	v57 =	vadd.f32 $0.0e+00, v5;
	v3 =	vmul.f32 v56, v3  }
0xdb: {  	v14 =	vadd.s32 s12, v14;
	v4 =	vmul.f32 v55, v4;
	v8 =	vor.u32 v8, v16  }
0xdc: {  	s20 =	sadd.s32 $0xFFFFF800, s9;
	v2 =	vld.idx.msk [tilespmem:v2+s13+$0x0], $0xffff;
	v5 =	vmul.f32 v5, v5;
	v16 =	vadd.f32 v3, v57;
	v3 =	vmul.f32 v3, v3  }
0xdd: {  	v14 =	vor.u32 v20, v14;
	v11 =	vadd.s32 s20, v11;
	v0 =	vmul.f32 v53, v0  }
0xde: {  	s25 =	sadd.s32 $0xFFFFF880, s9;
	v15 =	vld.idx.msk [tilespmem:v15+s13+$0x0], $0xffff;
	v3 =	vadd.f32 v3, v5;
	v5 =	vadd.f32 v4, v16;
	v4 =	vmul.f32 v4, v4  }
0xdf: {  	v7 =	vadd.s32 s25, v7;
	v11 =	vor.u32 v19, v11;
	v10 =	vmul.f32 v50, v10  }
0xe0: {  	s25 =	sadd.s32 $0xFFFFF980, s9;
	v8 =	vld.idx.msk [tilespmem:v8+s13+$0x0], $0xffff;
	v3 =	vadd.f32 v4, v3;
	v4 =	vadd.f32 v0, v5;
	v0 =	vmul.f32 v0, v0  }
0xe1: {  	v7 =	vor.u32 v18, v7;
	v13 =	vadd.s32 s25, v13;
	v2 =	vmul.f32 v47, v2  }
0xe2: {  	v5 =	vld.idx.msk [tilespmem:v14+s13+$0x0], $0xffff;
	v0 =	vadd.f32 v0, v3;
	v3 =	vadd.f32 v10, v4;
	v4 =	vmul.f32 v10, v10  }
0xe3: {  	v62 =	vand.u32 $0x7F, v63;
	v63 =	vand.u32 $0xFFFFFF80, v63;
	v10 =	vmul.f32 v45, v15  }
0xe4: {  	s20 =	sadd.s32 $0xFFFFF900, s9;
	v11 =	vld.idx.msk [tilespmem:v11+s13+$0x0], $0xffff;
	v0 =	vadd.f32 v4, v0;
	v3 =	vadd.f32 v2, v3;
	v2 =	vmul.f32 v2, v2  }
0xe5: {  	v9 =	vor.u32 v9, v13;
	v16 =	vadd.s32 s20, v63;
	v4 =	vmul.f32 v43, v8  }
0xe6: {  	v7 =	vld.idx.msk [tilespmem:v7+s13+$0x0], $0xffff;
	s20 =	sadd.s32 $0xFFFFFA00, s9;
	v0 =	vadd.f32 v2, v0;
	v2 =	vadd.f32 v10, v3;
	v3 =	vmul.f32 v10, v10  }
0xe7: {  	v12 =	vadd.s32 s20, v12;
	v14 =	vor.u32 v62, v16;
	v5 =	vmul.f32 v40, v5  }
0xe8: {  	s25 =	sadd.s32 $0xFFFFFA80, s9;
	v0 =	vadd.f32 v3, v0;
	v2 =	vadd.f32 v4, v2;
	v3 =	vmul.f32 v4, v4  }
0xe9: {  	v6 =	vor.u32 v6, v12;
	v8 =	vadd.s32 s25, v61;
	v4 =	vmul.f32 v38, v11  }
0xea: {  	v0 =	vadd.f32 v3, v0;
	v2 =	vadd.f32 v5, v2;
	v3 =	vmul.f32 v5, v5  }
0xeb: {  	v8 =	vor.u32 v59, v8;
	v5 =	vmul.f32 v34, v7  }
0xec: {  	s20 =	sadd.s32 $0xFFFFFB00, s9;
	v10 =	vld.idx.msk [tilespmem:v14+s13+$0x0], $0xffff;
	v0 =	vadd.f32 v3, v0;
	v2 =	vadd.f32 v4, v2;
	v3 =	vmul.f32 v4, v4  }
0xed: {  	v9 =	vld.idx.msk [tilespmem:v9+s13+$0x0], $0xffff;
	v12 =	vadd.s32 s20, v60  }
0xee: {  	s25 =	sadd.s32 $0xFFFFFB80, s9;
	v0 =	vadd.f32 v3, v0;
	v2 =	vadd.f32 v5, v2;
	v3 =	vmul.f32 v5, v5;
	v5 =	vld [tilespmem:$0x1FFD0]  }
0xef: {  	v6 =	vld.idx.msk [tilespmem:v6+s13+$0x0], $0xffff;
	v11 =	vor.u32 v58, v12;
	v12 =	vadd.s32 s25, v54  }
0xf0: {  	s20 =	sadd.s32 $0xFFFFFC00, s9;
	v7 =	vor.u32 v52, v12  }
0xf1: {  	s25 =	sadd.s32 $0xFFFFFC80, s9;
	v12 =	vadd.s32 s20, v51;
	v8 =	vld.idx.msk [tilespmem:v8+s13+$0x0], $0xffff;
	v4 =	vmul.f32 v32, v10  }
0xf2: {  	v10 =	vor.u32 v49, v12;
	v12 =	vadd.s32 s25, v48;
	v0 =	vadd.f32 v3, v0  }
0xf3: {  	s20 =	sadd.s32 $0xFFFFFD00, s9;
	v2 =	vadd.f32 v4, v2;
	v3 =	vmul.f32 v4, v4;
	v5 =	vmul.f32 v5, v9  }
0xf4: {  	v4 =	vmul.f32 v29, v6;
	v9 =	vld.idx.msk [tilespmem:v11+s13+$0x0], $0xffff;
	v11 =	vor.u32 v46, v12;
	v12 =	vadd.s32 s20, v44  }
0xf5: {  	s25 =	sadd.s32 $0xFFFFFD80, s9;
	v6 =	vld.idx.msk [tilespmem:v7+s13+$0x0], $0xffff;
	v0 =	vadd.f32 v3, v0;
	v7 =	vor.u32 v41, v12;
	v3 =	vmul.f32 v5, v5  }
0xf6: {  	v12 =	vadd.s32 s25, v42;
	v2 =	vadd.f32 v5, v2;
	v5 =	vmul.f32 v26, v8  }
0xf7: {  	v8 =	vld.idx.msk [tilespmem:v10+s13+$0x0], $0xffff;
	v10 =	vor.u32 v39, v12;
	v0 =	vadd.f32 v3, v0;
	v3 =	vmul.f32 v4, v4  }
0xf8: {  	v2 =	vadd.f32 v4, v2  }
0xf9: {  	v0 =	vadd.f32 v3, v0;
	v3 =	vmul.f32 v5, v5  }
0xfa: {  	v4 =	vmul.f32 v25, v9;
	v2 =	vadd.f32 v5, v2  }
0xfb: {  	v0 =	vadd.f32 v3, v0  }
0xfc: {  	v2 =	vadd.f32 v4, v2;
	v3 =	vmul.f32 v4, v4;
	v4 =	vmul.f32 v23, v8;
	v8 =	vld.idx.msk [tilespmem:v10+s13+$0x0], $0xffff  }
0xfd: {  	v10 =	vld [tilespmem:$0x1FFE0]  }
0xfe: {  	s20 =	sadd.s32 $0xFFFFFE00, s9  }
0xff: {  	s25 =	sadd.s32 $0xFFFFFE80, s9;
	v12 =	vadd.s32 s20, v37;
	v9 =	vld.idx.msk [tilespmem:v11+s13+$0x0], $0xffff  }
0x100: {  	s20 =	sadd.s32 $0xFFFFFF00, s9;
	v11 =	vor.u32 v36, v12;
	v12 =	vadd.s32 s25, v35;
	v5 =	vmul.f32 v24, v6;
	v6 =	vld.idx.msk [tilespmem:v7+s13+$0x0], $0xffff  }
0x101: {  	v7 =	vor.u32 v33, v12;
	v12 =	vadd.s32 s20, v31  }
0x102: {  	v0 =	vadd.f32 v3, v0;
	v3 =	vmul.f32 v5, v5;
	v10 =	vor.u32 v10, v12;
	v12 =	vld [tilespmem:$0x1FFF0]  }
0x103: {  	v18 =	vimm.s32 $0x6;
	v52 =	vimm.s32 $0x4;
	v2 =	vadd.f32 v5, v2  }
0x104: {  	v5 =	vmul.f32 v22, v9;
	v0 =	vadd.f32 v3, v0;
	v3 =	vmul.f32 v4, v4  }
0x105: {  	v9 =	vld.idx.msk [tilespmem:v11+s13+$0x0], $0xffff;
	v2 =	vadd.f32 v4, v2;
	v4 =	vmul.f32 v21, v6;
	v6 =	vperm.xlane v17, v52  }
0x106: {  	v19 =	vimm.s32 $0x5;
	s25 =	sadd.s32 $0xFFFFFF80, s9;
	v0 =	vadd.f32 v3, v0;
	v3 =	vmul.f32 v5, v5  }
0x107: {  	v7 =	vld.idx.msk [tilespmem:v7+s13+$0x0], $0xffff;
	v2 =	vadd.f32 v5, v2;
	v5 =	vmul.f32 v6, v8;
	v12 =	vadd.s32 s25, v12  }
0x108: {  	v6 =	vperm.xlane v17, v19;
	v0 =	vadd.f32 v3, v0;
	v11 =	vor.u32 v30, v12  }
0x109: {  	v2 =	vadd.f32 v4, v2;
	v3 =	vmul.f32 v4, v4;
	v12 =	vadd.s32 s9, v28  }
0x10a: {  	v4 =	vmul.f32 v6, v9;
	v6 =	vperm.xlane v17, v18;
	v8 =	vld.idx.msk [tilespmem:v10+s13+$0x0], $0xffff;
	v12 =	vor.u32 v27, v12  }
0x10b: {  	v0 =	vadd.f32 v3, v0;
	v3 =	vmul.f32 v5, v5  }
0x10c: {  	v15 =	vimm.s32 $0x7;
	v2 =	vadd.f32 v5, v2;
	v5 =	vmul.f32 v6, v7  }
0x10d: {  	v6 =	vperm.xlane v17, v15;
	v0 =	vadd.f32 v3, v0;
	v3 =	vmul.f32 v4, v4;
	v9 =	vld.idx.msk [tilespmem:v11+s13+$0x0], $0xffff  }
0x10e: {  	v14 =	vimm.s32 $0x8;
	v2 =	vadd.f32 v4, v2  }
0x10f: {  	v0 =	vadd.f32 v3, v0;
	v3 =	vmul.f32 v5, v5;
	v4 =	vmul.f32 v6, v8;
	v7 =	vld.idx.msk [tilespmem:v12+s13+$0x0], $0xffff  }
0x110: {  	v2 =	vadd.f32 v5, v2;
	v6 =	vperm.xlane v17, v14  }
0x111: {  	v11 =	vimm.s32 $0x9;
	v0 =	vadd.f32 v3, v0;
	v3 =	vmul.f32 v4, v4  }
0x112: {  	v2 =	vadd.f32 v4, v2;
	v5 =	vmul.f32 v6, v9;
	v6 =	vperm.xlane v17, v11  }
0x113: {  	v0 =	vadd.f32 v3, v0  }
0x114: {  	v4 =	vmul.f32 v6, v7;
	v2 =	vadd.f32 v5, v2;
	v3 =	vmul.f32 v5, v5;
	_ =	sdelay $0x1  }
0x115: {  	v0 =	vadd.f32 v3, v0;
	v2 =	vadd.f32 v4, v2;
	v3 =	vmul.f32 v4, v4;
	_ =	sdelay $0x1  }
0x116: {  	v0 =	vadd.f32 v3, v0;
	v2 =	vmul.f32 v2, v2;
	_ =	sdelay $0x1  }
0x117: {  	v0 =	vsub.f32 v2, v0;
	_ =	sdelay $0x1  }
0x118: {  	v0 =	vmul.f32 $5.000000000e-01, v0  }
0x119: {  	s5 =	sadd.s32 $0x80, s5  }
0x11a: {  	s29 =	sadd.s32 $0x80, s29;
	[tilespmem:s5+$0x0] =	vst v0  }
0x11b: {  	v17 =	vld [tilespmem:s29+$0x0];
	_ =	sdelay $0x1  }
0x11c: {  	v0 =	vld [tilespmem:s29+$0xFFFFFFF0]  }
0x11d: {  	v20 =	vimm.s32 $0x0  }
0x11e: {  	v54 =	vimm.s32 $0x1;
	v49 =	vimm.s32 $0xE;
	v21 =	vimm.s32 $0x2  }
0x11f: {  	v48 =	vimm.s32 $0xA;
	v22 =	vimm.s32 $0x3;
	v30 =	vperm.xlane v17, v21  }
0x120: {  	v46 =	vimm.s32 $0xC;
	v27 =	vperm.xlane v17, v22;
	v24 =	vperm.xlane v17, v20  }
0x121: {  	v12 =	vimm.s32 $0xF;
	v23 =	vperm.xlane v17, v54;
	v26 =	vperm.xlane v0, v49  }
0x122: {  	v44 =	vimm.s32 $0xD;
	v25 =	vperm.xlane v0, v12;
	v2 =	vperm.xlane v0, v46  }
0x123: {  	s7 =	sadd.s32 $0x80, s7;
	v13 =	vimm.s32 $0xB;
	v29 =	vperm.xlane v0, v44;
	v34 =	vperm.xlane v0, v48  }
0x124: {  	v62 =	vld [tilespmem:s7+$0xFFFFFFF0];
	v32 =	vperm.xlane v0, v13;
	v40 =	vperm.xlane v0, v14  }
0x125: {  	v38 =	vperm.xlane v0, v11;
	v45 =	vperm.xlane v0, v18  }
0x126: {  	v43 =	vperm.xlane v0, v15;
	v50 =	vperm.xlane v0, v52  }
0x127: {  	v47 =	vperm.xlane v0, v19;
	v55 =	vperm.xlane v0, v21  }
0x128: {  	v53 =	vperm.xlane v0, v22;
	v57 =	vperm.xlane v0, v20;
	[tilespmem:$0x1FFD0] =	vst v2;
	v2 =	vld [tilespmem:s7+$0x0]  }
0x129: {  	v56 =	vperm.xlane v0, v54;
	v59 =	vperm.xlane v62, v12  }
0x12a: {  	v58 =	vperm.xlane v62, v44;
	v12 =	vperm.xlane v62, v49  }
0x12b: {  	v63 =	vperm.xlane v62, v13;
	v13 =	vperm.xlane v62, v46  }
0x12c: {  	v60 =	vperm.xlane v62, v48;
	v61 =	vperm.xlane v62, v15  }
0x12d: {  	v0 =	vperm.xlane v2, v14;
	v3 =	vperm.xlane v2, v11  }
0x12e: {  	v4 =	vperm.xlane v2, v18;
	v5 =	vperm.xlane v2, v15  }
0x12f: {  	v6 =	vperm.xlane v2, v52;
	v7 =	vperm.xlane v2, v19  }
0x130: {  	v8 =	vperm.xlane v2, v21;
	v9 =	vperm.xlane v2, v22  }
0x131: {  	v10 =	vperm.xlane v2, v20;
	v2 =	vperm.xlane v2, v54  }
0x132: {  	v11 =	vperm.xlane v62, v11;
	v14 =	vperm.xlane v62, v14  }
0x133: {  	v15 =	vperm.xlane v62, v18;
	v5 =	vadd.s32 v1, v5;
	v0 =	vadd.s32 v1, v0  }
0x134: {  	v3 =	vadd.s32 v1, v3;
	v6 =	vadd.s32 v1, v6;
	v7 =	vadd.s32 v1, v7  }
0x135: {  	v4 =	vadd.s32 v1, v4;
	v16 =	vadd.s32 v1, v2;
	v2 =	vadd.s32 v1, v8  }
0x136: {  	v8 =	vadd.s32 v1, v9;
	v9 =	vadd.s32 v1, v10;
	v28 =	vand.u32 $0xFFFFFF80, v3  }
0x137: {  	v10 =	vand.u32 $0x7F, v3;
	v3 =	vand.u32 $0x7F, v5;
	v35 =	vand.u32 $0xFFFFFF80, v4  }
0x138: {  	v33 =	vand.u32 $0x7F, v4;
	v31 =	vand.u32 $0xFFFFFF80, v5;
	v39 =	vand.u32 $0x7F, v6  }
0x139: {  	p0 =	sne.s32 s2, $0x67;
	v37 =	vand.u32 $0xFFFFFF80, v7;
	v36 =	vand.u32 $0x7F, v7;
	v41 =	vand.u32 $0x7F, v8  }
.Ltmp2:
0x13a: {  	v42 =	vand.u32 $0xFFFFFF80, v6;
	v44 =	vand.u32 $0xFFFFFF80, v8;
	v46 =	vand.u32 $0x7F, v2;
	(pc) =	sbr.rel @p0 .LBB2_3-.Ltmp2, $4  }
0x13b: {  	v48 =	vand.u32 $0xFFFFFF80, v2;
	v49 =	vand.u32 $0x7F, v16;
	v2 =	vperm.xlane v62, v19  }
0x13c: {  	v51 =	vand.u32 $0xFFFFFF80, v16;
	v16 =	vperm.xlane v62, v52;
	[tilespmem:$0x1FFE0] =	vst v3;
	v3 =	vand.u32 $0xFFFFFF80, v0  }
0x13d: {  	v52 =	vand.u32 $0x7F, v9;
	v4 =	vperm.xlane v62, v21;
	v21 =	vmovc v27;
	v27 =	vmovc v10;
	[tilespmem:$0x1FFF0] =	vst v3;
	v3 =	vand.u32 $0x7F, v0  }
0x13e: {  	s8 =	smov.u32 s2;
	s2 =	sadd.s32 $0x1A, s2;
	v0 =	vperm.xlane v62, v22;
	v22 =	vmovc v30;
	v30 =	vmovc v3;
	v3 =	vperm.xlane v62, v54;
	v54 =	vand.u32 $0xFFFFFF80, v9  }
0x13f: {  	v5 =	vperm.xlane v62, v20;
	v2 =	vadd.s32 v1, v2  }
0x140: {  	v4 =	vadd.s32 v1, v4;
	v8 =	vadd.s32 v1, v16;
	v9 =	vadd.s32 v1, v63  }
0x141: {  	v10 =	vadd.s32 v1, v13;
	v13 =	vadd.s32 v1, v14;
	v14 =	vadd.s32 v1, v15  }
0x142: {  	v11 =	vadd.s32 v1, v11;
	v16 =	vadd.s32 v1, v61;
	v18 =	vadd.s32 v1, v60  }
0x143: {  	v3 =	vadd.s32 v1, v3;
	v0 =	vadd.s32 v1, v0;
	v7 =	vand.u32 $0xFFFFFF80, v4  }
0x144: {  	s2 =	sshll.u32 s8, $0x7;
	v4 =	vand.u32 $0x7F, v4;
	v15 =	vand.u32 $0xFFFFFF80, v14;
	v5 =	vadd.s32 v1, v5  }
0x145: {  	s7 =	sadd.s32 $0xFFFFF380, s2;
	v14 =	vand.u32 $0x7F, v14;
	v63 =	vand.u32 $0x7F, v18;
	v6 =	vand.u32 $0xFFFFFF80, v5  }
0x146: {  	s25 =	sadd.s32 $0xFFFFF480, s2;
	v18 =	vand.u32 $0xFFFFFF80, v18;
	v5 =	vand.u32 $0x7F, v5;
	v6 =	vadd.s32 s7, v6  }
0x147: {  	s20 =	sadd.s32 $0xFFFFF400, s2;
	v7 =	vadd.s32 s25, v7;
	v5 =	vor.u32 v5, v6;
	v6 =	vand.u32 $0xFFFFFF80, v3  }
0x148: {  	v4 =	vor.u32 v4, v7;
	v3 =	vand.u32 $0x7F, v3;
	v6 =	vadd.s32 s20, v6  }
0x149: {  	s8 =	sadd.s32 $0xFFFFF500, s2;
	v7 =	vand.u32 $0x7F, v8;
	s20 =	sadd.s32 $0xFFFFF680, s2;
	v3 =	vor.u32 v3, v6;
	v6 =	vand.u32 $0xFFFFFF80, v0  }
0x14a: {  	v0 =	vand.u32 $0x7F, v0;
	v15 =	vadd.s32 s20, v15;
	v6 =	vadd.s32 s8, v6  }
0x14b: {  	v14 =	vor.u32 v14, v15;
	v15 =	vand.u32 $0xFFFFFF80, v16;
	v0 =	vor.u32 v0, v6  }
0x14c: {  	s9 =	sadd.s32 $0xFFFFF580, s2;
	s25 =	sadd.s32 $0xFFFFF700, s2;
	v16 =	vand.u32 $0x7F, v16;
	v6 =	vand.u32 $0xFFFFFF80, v8;
	v8 =	vand.u32 $0xFFFFFF80, v2;
	v5 =	vld.idx.msk [tilespmem:v5+s13+$0x0], $0xffff  }
0x14d: {  	s12 =	sadd.s32 $0xFFFFF600, s2;
	v2 =	vand.u32 $0x7F, v2;
	v15 =	vadd.s32 s25, v15;
	v6 =	vadd.s32 s9, v6  }
0x14e: {  	v8 =	vadd.s32 s12, v8;
	v15 =	vor.u32 v16, v15;
	v6 =	vor.u32 v7, v6;
	v3 =	vld.idx.msk [tilespmem:v3+s13+$0x0], $0xffff  }
0x14f: {  	v4 =	vld.idx.msk [tilespmem:v4+s13+$0x0], $0xffff;
	v16 =	vand.u32 $0xFFFFFF80, v13;
	v13 =	vand.u32 $0x7F, v13;
	v2 =	vor.u32 v2, v8  }
0x150: {  	s8 =	sadd.s32 $0xFFFFF780, s2;
	s12 =	sadd.s32 $0xFFFFF880, s2;
	v7 =	vadd.s32 v1, v12;
	v8 =	vadd.s32 v1, v59;
	v12 =	vadd.s32 v1, v58;
	v0 =	vld.idx.msk [tilespmem:v0+s13+$0x0], $0xffff  }
0x151: {  	v16 =	vadd.s32 s8, v16;
	v18 =	vadd.s32 s12, v18;
	v5 =	vmul.f32 v57, v5  }
0x152: {  	v19 =	vand.u32 $0x7F, v8;
	v13 =	vor.u32 v13, v16;
	v16 =	vand.u32 $0xFFFFFF80, v11  }
0x153: {  	v11 =	vand.u32 $0x7F, v11;
	v6 =	vld.idx.msk [tilespmem:v6+s13+$0x0], $0xffff;
	v3 =	vmul.f32 v56, v3;
	v62 =	vadd.f32 $0.0e+00, v5  }
0x154: {  	v18 =	vor.u32 v63, v18;
	v4 =	vmul.f32 v55, v4;
	v5 =	vmul.f32 v5, v5  }
0x155: {  	s9 =	sadd.s32 $0xFFFFF800, s2;
	v2 =	vld.idx.msk [tilespmem:v2+s13+$0x0], $0xffff;
	v0 =	vmul.f32 v53, v0;
	v53 =	vadd.f32 v3, v62;
	v3 =	vmul.f32 v3, v3  }
0x156: {  	v16 =	vadd.s32 s9, v16;
	v56 =	vand.u32 $0x7F, v9;
	v9 =	vand.u32 $0xFFFFFF80, v9  }
0x157: {  	s20 =	sadd.s32 $0xFFFFF900, s2;
	v14 =	vld.idx.msk [tilespmem:v14+s13+$0x0], $0xffff;
	v3 =	vadd.f32 v3, v5;
	v53 =	vadd.f32 v4, v53;
	v4 =	vmul.f32 v4, v4  }
0x158: {  	v11 =	vor.u32 v11, v16;
	v9 =	vadd.s32 s20, v9;
	v6 =	vmul.f32 v50, v6  }
0x159: {  	v15 =	vld.idx.msk [tilespmem:v15+s13+$0x0], $0xffff;
	v3 =	vadd.f32 v4, v3;
	v4 =	vadd.f32 v0, v53;
	v0 =	vmul.f32 v0, v0  }
0x15a: {  	v5 =	vand.u32 $0x7F, v10;
	v10 =	vand.u32 $0xFFFFFF80, v10;
	v2 =	vmul.f32 v47, v2  }
0x15b: {  	s25 =	sadd.s32 $0xFFFFF980, s2;
	v0 =	vadd.f32 v0, v3;
	v3 =	vadd.f32 v6, v4;
	v4 =	vmul.f32 v6, v6  }
0x15c: {  	v13 =	vld.idx.msk [tilespmem:v13+s13+$0x0], $0xffff;
	v10 =	vadd.s32 s25, v10;
	v6 =	vor.u32 v56, v9;
	v9 =	vmul.f32 v45, v14  }
0x15d: {  	v0 =	vadd.f32 v4, v0;
	v3 =	vadd.f32 v2, v3;
	v2 =	vmul.f32 v2, v2  }
0x15e: {  	v20 =	vand.u32 $0xFFFFFF80, v7;
	v5 =	vor.u32 v5, v10;
	v10 =	vld.idx.msk [tilespmem:v11+s13+$0x0], $0xffff;
	v11 =	vmul.f32 v43, v15  }
0x15f: {  	v0 =	vadd.f32 v2, v0;
	v2 =	vadd.f32 v9, v3;
	v3 =	vmul.f32 v9, v9  }
0x160: {  	v7 =	vand.u32 $0x7F, v7;
	v8 =	vand.u32 $0xFFFFFF80, v8;
	v16 =	vand.u32 $0xFFFFFF80, v12  }
0x161: {  	s9 =	sadd.s32 $0xFFFFFA00, s2;
	v15 =	vld.idx.msk [tilespmem:v18+s13+$0x0], $0xffff;
	v9 =	vmul.f32 v40, v13;
	v0 =	vadd.f32 v3, v0;
	v3 =	vmul.f32 v11, v11  }
0x162: {  	v12 =	vand.u32 $0x7F, v12;
	v4 =	vadd.s32 s9, v16;
	v2 =	vadd.f32 v11, v2  }
0x163: {  	s20 =	sadd.s32 $0xFFFFFB00, s2;
	v10 =	vmul.f32 v38, v10;
	v0 =	vadd.f32 v3, v0;
	v3 =	vmul.f32 v9, v9  }
0x164: {  	s12 =	sadd.s32 $0xFFFFFA80, s2;
	v8 =	vadd.s32 s20, v8;
	v4 =	vor.u32 v12, v4;
	v2 =	vadd.f32 v9, v2  }
0x165: {  	v14 =	vadd.s32 s12, v20;
	v6 =	vld.idx.msk [tilespmem:v6+s13+$0x0], $0xffff;
	v0 =	vadd.f32 v3, v0;
	v3 =	vmul.f32 v10, v10  }
0x166: {  	v7 =	vor.u32 v7, v14;
	s9 =	sadd.s32 $0xFFFFFC00, s2;
	v9 =	vmul.f32 v34, v15;
	v2 =	vadd.f32 v10, v2  }
0x167: {  	v8 =	vor.u32 v19, v8;
	v5 =	vld.idx.msk [tilespmem:v5+s13+$0x0], $0xffff;
	v10 =	vadd.s32 s9, v51;
	v0 =	vadd.f32 v3, v0  }
0x168: {  	s25 =	sadd.s32 $0xFFFFFB80, s2;
	v2 =	vadd.f32 v9, v2;
	v3 =	vmul.f32 v9, v9;
	v9 =	vor.u32 v49, v10;
	v10 =	vld [tilespmem:$0x1FFD0]  }
0x169: {  	v11 =	vadd.s32 s25, v54;
	v4 =	vld.idx.msk [tilespmem:v4+s13+$0x0], $0xffff  }
0x16a: {  	v11 =	vor.u32 v52, v11;
	v6 =	vmul.f32 v32, v6  }
0x16b: {  	v7 =	vld.idx.msk [tilespmem:v7+s13+$0x0], $0xffff  }
0x16c: {  	s12 =	sadd.s32 $0xFFFFFC80, s2;
	v0 =	vadd.f32 v3, v0;
	v3 =	vmul.f32 v6, v6  }
0x16d: {  	s20 =	sadd.s32 $0xFFFFFD00, s2;
	v8 =	vld.idx.msk [tilespmem:v8+s13+$0x0], $0xffff;
	v12 =	vadd.s32 s12, v48;
	v2 =	vadd.f32 v6, v2;
	v5 =	vmul.f32 v10, v5  }
0x16e: {  	v4 =	vmul.f32 v29, v4;
	v6 =	vadd.s32 s20, v44;
	v0 =	vadd.f32 v3, v0  }
0x16f: {  	s25 =	sadd.s32 $0xFFFFFD80, s2;
	v11 =	vld.idx.msk [tilespmem:v11+s13+$0x0], $0xffff;
	v10 =	vor.u32 v46, v12;
	v2 =	vadd.f32 v5, v2;
	v3 =	vmul.f32 v5, v5  }
0x170: {  	v12 =	vadd.s32 s25, v42;
	v5 =	vor.u32 v41, v6;
	v6 =	vmul.f32 v26, v7  }
0x171: {  	s12 =	sadd.s32 $0xFFFFFE80, s2;
	v0 =	vadd.f32 v3, v0;
	v2 =	vadd.f32 v4, v2;
	v3 =	vmul.f32 v4, v4  }
0x172: {  	v8 =	vmul.f32 v25, v8;
	v7 =	vor.u32 v39, v12;
	v12 =	vadd.s32 s12, v35  }
0x173: {  	v0 =	vadd.f32 v3, v0;
	v2 =	vadd.f32 v6, v2;
	v3 =	vmul.f32 v6, v6  }
0x174: {  	v9 =	vld.idx.msk [tilespmem:v9+s13+$0x0], $0xffff;
	v6 =	vmul.f32 v24, v11;
	v11 =	vor.u32 v33, v12  }
0x175: {  	s9 =	sadd.s32 $0xFFFFFE00, s2;
	v12 =	vld [tilespmem:$0x1FFF0];
	v0 =	vadd.f32 v3, v0;
	v2 =	vadd.f32 v8, v2;
	v3 =	vmul.f32 v8, v8  }
0x176: {  	v4 =	vadd.s32 s9, v37;
	v10 =	vld.idx.msk [tilespmem:v10+s13+$0x0], $0xffff  }
0x177: {  	v0 =	vadd.f32 v3, v0;
	v2 =	vadd.f32 v6, v2;
	v3 =	vmul.f32 v6, v6;
	v6 =	vld [tilespmem:$0x1FFE0]  }
0x178: {  	v4 =	vor.u32 v36, v4;
	v5 =	vld.idx.msk [tilespmem:v5+s13+$0x0], $0xffff  }
0x179: {  	s20 =	sadd.s32 $0xFFFFFF00, s2;
	s25 =	sadd.s32 $0xFFFFFF80, s2;
	v9 =	vmul.f32 v23, v9  }
0x17a: {  	v8 =	vadd.s32 s20, v31;
	v12 =	vadd.s32 s25, v12  }
0x17b: {  	v0 =	vadd.f32 v3, v0;
	v2 =	vadd.f32 v9, v2;
	v3 =	vmul.f32 v9, v9  }
0x17c: {  	v7 =	vld.idx.msk [tilespmem:v7+s13+$0x0], $0xffff;
	v9 =	vadd.s32 s2, v28;
	v6 =	vor.u32 v6, v8;
	v8 =	vmul.f32 v22, v10  }
0x17d: {  	v4 =	vld.idx.msk [tilespmem:v4+s13+$0x0], $0xffff;
	v5 =	vmul.f32 v21, v5;
	v10 =	vor.u32 v30, v12;
	v12 =	vimm.s32 $0x4  }
0x17e: {  	v0 =	vadd.f32 v3, v0;
	v12 =	vperm.xlane v17, v12;
	v2 =	vadd.f32 v8, v2  }
0x17f: {  	v3 =	vmul.f32 v8, v8;
	v8 =	vor.u32 v27, v9;
	v9 =	vimm.s32 $0x5  }
0x180: {  	v61 =	vimm.s32 $0x7;
	v11 =	vld.idx.msk [tilespmem:v11+s13+$0x0], $0xffff;
	v9 =	vperm.xlane v17, v9  }
0x181: {  	v7 =	vmul.f32 v12, v7;
	v0 =	vadd.f32 v3, v0;
	v3 =	vmul.f32 v5, v5;
	v6 =	vld.idx.msk [tilespmem:v6+s13+$0x0], $0xffff  }
0x182: {  	v2 =	vadd.f32 v5, v2;
	v5 =	vimm.s32 $0x6;
	v4 =	vmul.f32 v9, v4  }
0x183: {  	v5 =	vperm.xlane v17, v5;
	v0 =	vadd.f32 v3, v0;
	v3 =	vmul.f32 v7, v7  }
0x184: {  	v2 =	vadd.f32 v7, v2;
	v7 =	vperm.xlane v17, v61  }
0x185: {  	v9 =	vld.idx.msk [tilespmem:v10+s13+$0x0], $0xffff;
	v5 =	vmul.f32 v5, v11;
	v0 =	vadd.f32 v3, v0;
	v3 =	vmul.f32 v4, v4  }
0x186: {  	v2 =	vadd.f32 v4, v2;
	v4 =	vmul.f32 v7, v6  }
0x187: {  	v8 =	vld.idx.msk [tilespmem:v8+s13+$0x0], $0xffff;
	v6 =	vimm.s32 $0x8;
	v0 =	vadd.f32 v3, v0;
	v3 =	vmul.f32 v5, v5  }
0x188: {  	v2 =	vadd.f32 v5, v2;
	v6 =	vperm.xlane v17, v6  }
0x189: {  	v60 =	vimm.s32 $0x9;
	v0 =	vadd.f32 v3, v0;
	v3 =	vmul.f32 v4, v4  }
0x18a: {  	v2 =	vadd.f32 v4, v2;
	v5 =	vmul.f32 v6, v9;
	v6 =	vperm.xlane v17, v60  }
0x18b: {  	v0 =	vadd.f32 v3, v0  }
0x18c: {  	v4 =	vmul.f32 v6, v8;
	v2 =	vadd.f32 v5, v2;
	v3 =	vmul.f32 v5, v5;
	_ =	sdelay $0x1  }
0x18d: {  	v0 =	vadd.f32 v3, v0;
	v2 =	vadd.f32 v4, v2;
	v3 =	vmul.f32 v4, v4;
	_ =	sdelay $0x1  }
0x18e: {  	v0 =	vadd.f32 v3, v0;
	v2 =	vmul.f32 v2, v2;
	_ =	sdelay $0x1  }
0x18f: {  	v0 =	vsub.f32 v2, v0;
	_ =	sdelay $0x1  }
0x190: {  	p0 =	seq.s32 s24, $0x7;
	v0 =	vmul.f32 $5.000000000e-01, v0  }
0x191: {  	s9 =	sadd.s32 $0x80, s5;
	s5 =	sshrl.u32 @!p0 s4, $0x2  }
0x192: {  	s7 =	simm.s32 @!p0 $0x68;
	s8 =	simm.s32 @!p0 $0xD000;
	s2 =	sadd.s32 @!p0 $0x200, s5;
	[tilespmem:s9+$0x0] =	vst v0  }
0x193: {  	[tilespmem:s8], [sflag:$0x1] =	stream.indirect.gather @!p0 [hbm4b:s3+s7], $0x80, s2, s7, $0xb8;
	[tilespmem:$0x1A000] =	vst v63  }
0x194: {  	_ =	swait.ge [sflag:s21], $0x3400  }
0x195: {  	[sflag:s21] =	ssyncset.done $0x0  }
0x196: {  	[sflag:s21] =	ssyncadd.s32 $0xFFFFCC00  }
0x197: {  	v17 =	vld [tilespmem:s31+$0x0];
	_ =	sdelay $0x2  }
0x198: {  	v0 =	vld [tilespmem:s31+$0xFFFFFFF0]  }
0x199: {  	v59 =	vimm.s32 $0x5;
	v55 =	vimm.s32 $0x0;
	v21 =	vimm.s32 $0x3  }
0x19a: {  	v57 =	vimm.s32 $0x8;
	v19 =	vimm.s32 $0x2;
	v2 =	vperm.xlane v17, v21  }
0x19b: {  	v18 =	vimm.s32 $0x1;
	v20 =	vimm.s32 $0x6;
	v7 =	vimm.s32 $0x6  }
0x19c: {  	v9 =	vimm.s32 $0x4;
	v5 =	vimm.s32 $0x8;
	[tilespmem:$0x1FF70] =	vst v2;
	v2 =	vimm.s32 $0xE  }
0x19d: {  	v62 =	vperm.xlane v17, v55;
	v25 =	vperm.xlane v0, v2;
	v2 =	vimm.s32 $0xF  }
0x19e: {  	v41 =	vperm.xlane v0, v5;
	v22 =	vperm.xlane v0, v2;
	v2 =	vimm.s32 $0xC  }
0x19f: {  	v39 =	vperm.xlane v0, v60;
	v30 =	vperm.xlane v0, v2;
	v2 =	vimm.s32 $0xD  }
0x1a0: {  	v14 =	vld [tilespmem:s30+$0xFFFFFFF0];
	v45 =	vperm.xlane v0, v7;
	v28 =	vperm.xlane v0, v2;
	v2 =	vimm.s32 $0xA  }
0x1a1: {  	v43 =	vperm.xlane v0, v61;
	v36 =	vperm.xlane v0, v2;
	v2 =	vimm.s32 $0xB  }
0x1a2: {  	v56 =	vimm.s32 $0x4;
	v49 =	vperm.xlane v0, v9;
	v33 =	vperm.xlane v0, v2;
	v2 =	vld [tilespmem:s30+$0x0]  }
0x1a3: {  	v16 =	vimm.s32 $0xC;
	v47 =	vperm.xlane v0, v59;
	v3 =	vperm.xlane v0, v19  }
0x1a4: {  	v40 =	vimm.s32 $0xD;
	v50 =	vperm.xlane v0, v21;
	v4 =	vperm.xlane v0, v55  }
0x1a5: {  	v15 =	vimm.s32 $0xA;
	v52 =	vperm.xlane v14, v21;
	v53 =	vperm.xlane v14, v56  }
0x1a6: {  	v44 =	vimm.s32 $0xB;
	v54 =	vperm.xlane v14, v19;
	v0 =	vperm.xlane v0, v18  }
0x1a7: {  	v42 =	vimm.s32 $0xE;
	v5 =	vperm.xlane v2, v5;
	v6 =	vperm.xlane v2, v60  }
0x1a8: {  	v46 =	vimm.s32 $0xF;
	v7 =	vperm.xlane v2, v7;
	v8 =	vperm.xlane v2, v61  }
0x1a9: {  	v54 =	vadd.s32 v1, v54;
	v9 =	vperm.xlane v2, v9;
	v10 =	vperm.xlane v2, v59  }
0x1aa: {  	v52 =	vadd.s32 v1, v52;
	v11 =	vperm.xlane v2, v19;
	v12 =	vperm.xlane v2, v21  }
0x1ab: {  	v53 =	vadd.s32 v1, v53;
	v13 =	vperm.xlane v2, v55;
	v2 =	vperm.xlane v2, v18  }
0x1ac: {  	v8 =	vadd.s32 v1, v8;
	v5 =	vadd.s32 v1, v5;
	v6 =	vadd.s32 v1, v6  }
0x1ad: {  	v9 =	vadd.s32 v1, v9;
	v10 =	vadd.s32 v1, v10;
	v7 =	vadd.s32 v1, v7  }
0x1ae: {  	v2 =	vadd.s32 v1, v2;
	v11 =	vadd.s32 v1, v11;
	v12 =	vadd.s32 v1, v12  }
0x1af: {  	v24 =	vand.u32 $0xFFFFFF80, v6;
	v23 =	vand.u32 $0x7F, v6;
	v26 =	vand.u32 $0x7F, v8  }
0x1b0: {  	v29 =	vand.u32 $0xFFFFFF80, v5;
	v27 =	vand.u32 $0x7F, v5;
	v34 =	vand.u32 $0xFFFFFF80, v7  }
0x1b1: {  	v32 =	vand.u32 $0x7F, v7;
	v31 =	vand.u32 $0xFFFFFF80, v8;
	v38 =	vand.u32 $0x7F, v9  }
0x1b2: {  	v37 =	vand.u32 $0xFFFFFF80, v10;
	v35 =	vand.u32 $0x7F, v10;
	v5 =	vperm.xlane v14, v46  }
0x1b3: {  	v6 =	vperm.xlane v14, v40;
	v40 =	vand.u32 $0x7F, v12;
	v7 =	vperm.xlane v14, v42  }
0x1b4: {  	v8 =	vperm.xlane v14, v44;
	v42 =	vand.u32 $0xFFFFFF80, v9;
	v9 =	vperm.xlane v14, v16  }
0x1b5: {  	v10 =	vperm.xlane v14, v60;
	v44 =	vand.u32 $0xFFFFFF80, v12;
	v12 =	vperm.xlane v14, v15  }
0x1b6: {  	v46 =	vand.u32 $0x7F, v11;
	v16 =	vperm.xlane v14, v57;
	v57 =	vperm.xlane v14, v55  }
0x1b7: {  	v48 =	vand.u32 $0xFFFFFF80, v11;
	v11 =	vperm.xlane v14, v59;
	v55 =	vperm.xlane v14, v18  }
0x1b8: {  	v13 =	vadd.s32 v1, v13;
	v15 =	vperm.xlane v14, v61;
	v14 =	vperm.xlane v14, v20  }
0x1b9: {  	v51 =	vadd.s32 v1, v57;
	v11 =	vadd.s32 v1, v11;
	v55 =	vadd.s32 v1, v55  }
0x1ba: {  	s25 =	simm.s32 $0x100;
	v57 =	vand.u32 $0xFFFFFF80, v54;
	v54 =	vand.u32 $0x7F, v54;
	v7 =	vadd.s32 v1, v7  }
0x1bb: {  	s12 =	simm.s32 $0x0;
	v56 =	vand.u32 $0xFFFFFF80, v51;
	v51 =	vand.u32 $0x7F, v51;
	v57 =	vadd.s32 s25, v57  }
0x1bc: {  	s8 =	simm.s32 $0x200;
	v56 =	vadd.s32 s12, v56;
	v54 =	vor.u32 v54, v57;
	v57 =	vand.u32 $0xFFFFFF80, v53  }
0x1bd: {  	v53 =	vand.u32 $0x7F, v53;
	v56 =	vor.u32 v51, v56;
	v57 =	vadd.s32 s8, v57  }
0x1be: {  	s20 =	simm.s32 $0x80;
	v5 =	vadd.s32 v1, v5;
	v51 =	vand.u32 $0xFFFFFF80, v55;
	v53 =	vor.u32 v53, v57  }
0x1bf: {  	v8 =	vadd.s32 v1, v8;
	v55 =	vand.u32 $0x7F, v55;
	v51 =	vadd.s32 s20, v51  }
0x1c0: {  	v9 =	vadd.s32 v1, v9;
	v6 =	vadd.s32 v1, v6;
	v55 =	vor.u32 v55, v51  }
0x1c1: {  	v16 =	vadd.s32 v1, v16;
	v14 =	vadd.s32 v1, v14;
	v10 =	vadd.s32 v1, v10;
	v54 =	vld.idx.msk [tilespmem:v54+s15+$0x0], $0xffff  }
0x1c2: {  	s7 =	simm.s32 $0x180;
	v15 =	vadd.s32 v1, v15;
	v12 =	vadd.s32 v1, v12;
	v51 =	vand.u32 $0xFFFFFF80, v52;
	v56 =	vld.idx.msk [tilespmem:v56+s15+$0x0], $0xffff  }
0x1c3: {  	s9 =	simm.s32 $0x280;
	v57 =	vand.u32 $0xFFFFFF80, v11;
	v52 =	vand.u32 $0x7F, v52;
	v51 =	vadd.s32 s7, v51;
	v53 =	vld.idx.msk [tilespmem:v53+s15+$0x0], $0xffff  }
0x1c4: {  	v11 =	vand.u32 $0x7F, v11;
	v57 =	vadd.s32 s9, v57;
	v52 =	vor.u32 v52, v51  }
0x1c5: {  	v11 =	vor.u32 v11, v57;
	v57 =	vand.u32 $0x7F, v13;
	v13 =	vand.u32 $0xFFFFFF80, v13;
	v55 =	vld.idx.msk [tilespmem:v55+s15+$0x0], $0xffff  }
0x1c6: {  	v51 =	vand.u32 $0x7F, v2;
	v3 =	vmul.f32 v3, v54;
	v54 =	vand.u32 $0xFFFFFF80, v7  }
0x1c7: {  	s12 =	simm.s32 $0x300;
	v7 =	vand.u32 $0x7F, v7;
	v4 =	vmul.f32 v4, v56;
	v56 =	vand.u32 $0xFFFFFF80, v14  }
0x1c8: {  	v14 =	vand.u32 $0x7F, v14;
	v56 =	vadd.s32 s12, v56;
	v49 =	vmul.f32 v49, v53  }
0x1c9: {  	v52 =	vld.idx.msk [tilespmem:v52+s15+$0x0], $0xffff;
	v53 =	vand.u32 $0x7F, v12;
	v12 =	vand.u32 $0xFFFFFF80, v12;
	v14 =	vor.u32 v14, v56  }
0x1ca: {  	s8 =	simm.s32 $0x500;
	v56 =	vand.u32 $0xFFFFFF80, v15;
	v15 =	vand.u32 $0x7F, v15;
	v0 =	vmul.f32 v0, v55  }
0x1cb: {  	s20 =	simm.s32 $0x380;
	v55 =	vand.u32 $0x7F, v5;
	v5 =	vand.u32 $0xFFFFFF80, v5;
	v12 =	vadd.s32 s8, v12  }
0x1cc: {  	v56 =	vadd.s32 s20, v56;
	v12 =	vor.u32 v53, v12;
	v53 =	vand.u32 $0x7F, v8  }
0x1cd: {  	s25 =	simm.s32 $0x400;
	v15 =	vor.u32 v15, v56;
	v56 =	vand.u32 $0xFFFFFF80, v16;
	v16 =	vand.u32 $0x7F, v16  }
0x1ce: {  	v50 =	vmul.f32 v50, v52;
	v52 =	vadd.f32 $0.0e+00, v4;
	v56 =	vadd.s32 s25, v56  }
0x1cf: {  	v8 =	vand.u32 $0xFFFFFF80, v8;
	v4 =	vmul.f32 v4, v4;
	v16 =	vor.u32 v16, v56  }
0x1d0: {  	s9 =	simm.s32 $0x580;
	s7 =	simm.s32 $0x480;
	v11 =	vld.idx.msk [tilespmem:v11+s15+$0x0], $0xffff;
	v56 =	vand.u32 $0xFFFFFF80, v10;
	v52 =	vadd.f32 v0, v52;
	v0 =	vmul.f32 v0, v0  }
0x1d1: {  	v8 =	vadd.s32 s9, v8;
	v10 =	vand.u32 $0x7F, v10;
	v56 =	vadd.s32 s7, v56  }
0x1d2: {  	v14 =	vld.idx.msk [tilespmem:v14+s15+$0x0], $0xffff;
	v0 =	vadd.f32 v0, v4;
	v52 =	vadd.f32 v3, v52;
	v3 =	vmul.f32 v3, v3  }
0x1d3: {  	v10 =	vor.u32 v10, v56;
	v4 =	vand.u32 $0x7F, v9;
	v9 =	vand.u32 $0xFFFFFF80, v9  }
0x1d4: {  	s12 =	simm.s32 $0x600;
	v15 =	vld.idx.msk [tilespmem:v15+s15+$0x0], $0xffff;
	v0 =	vadd.f32 v3, v0;
	v3 =	vadd.f32 v50, v52;
	v50 =	vmul.f32 v50, v50  }
0x1d5: {  	v11 =	vmul.f32 v47, v11;
	v8 =	vor.u32 v53, v8;
	v9 =	vadd.s32 s12, v9  }
0x1d6: {  	v52 =	vmul.f32 v49, v49;
	v16 =	vld.idx.msk [tilespmem:v16+s15+$0x0], $0xffff;
	v0 =	vadd.f32 v50, v0;
	v3 =	vadd.f32 v49, v3  }
0x1d7: {  	v56 =	vand.u32 $0xFFFFFF80, v6;
	v4 =	vor.u32 v4, v9;
	v14 =	vmul.f32 v45, v14  }
0x1d8: {  	s20 =	simm.s32 $0x680;
	v9 =	vld.idx.msk [tilespmem:v10+s15+$0x0], $0xffff;
	v10 =	vmul.f32 v11, v11;
	v0 =	vadd.f32 v52, v0;
	v3 =	vadd.f32 v11, v3  }
0x1d9: {  	v6 =	vand.u32 $0x7F, v6;
	v11 =	vadd.s32 s20, v56;
	v15 =	vmul.f32 v43, v15  }
0x1da: {  	s25 =	simm.s32 $0x700;
	v12 =	vld.idx.msk [tilespmem:v12+s15+$0x0], $0xffff;
	v0 =	vadd.f32 v10, v0;
	v3 =	vadd.f32 v14, v3;
	v10 =	vmul.f32 v14, v14  }
0x1db: {  	v56 =	vadd.s32 s25, v54;
	v6 =	vor.u32 v6, v11;
	v11 =	vmul.f32 v41, v16  }
0x1dc: {  	s7 =	simm.s32 $0x780;
	v8 =	vld.idx.msk [tilespmem:v8+s15+$0x0], $0xffff;
	v0 =	vadd.f32 v10, v0;
	v3 =	vadd.f32 v15, v3;
	v10 =	vmul.f32 v15, v15  }
0x1dd: {  	v5 =	vadd.s32 s7, v5;
	v7 =	vor.u32 v7, v56;
	v9 =	vmul.f32 v39, v9  }
0x1de: {  	s8 =	simm.s32 $0x800;
	v4 =	vld.idx.msk [tilespmem:v4+s15+$0x0], $0xffff;
	v0 =	vadd.f32 v10, v0;
	v3 =	vadd.f32 v11, v3;
	v10 =	vmul.f32 v11, v11  }
0x1df: {  	v13 =	vadd.s32 s8, v13;
	v5 =	vor.u32 v55, v5;
	v11 =	vmul.f32 v36, v12  }
0x1e0: {  	v6 =	vld.idx.msk [tilespmem:v6+s15+$0x0], $0xffff;
	v0 =	vadd.f32 v10, v0;
	v3 =	vadd.f32 v9, v3;
	v9 =	vmul.f32 v9, v9  }
0x1e1: {  	v2 =	vand.u32 $0xFFFFFF80, v2;
	v8 =	vmul.f32 v33, v8;
	v12 =	vor.u32 v57, v13  }
0x1e2: {  	s9 =	simm.s32 $0x880;
	s12 =	simm.s32 $0x900;
	v7 =	vld.idx.msk [tilespmem:v7+s15+$0x0], $0xffff;
	v0 =	vadd.f32 v9, v0;
	v3 =	vadd.f32 v11, v3;
	v9 =	vmul.f32 v11, v11  }
0x1e3: {  	v2 =	vadd.s32 s9, v2;
	v4 =	vmul.f32 v30, v4;
	v10 =	vadd.s32 s12, v48  }
0x1e4: {  	v5 =	vld.idx.msk [tilespmem:v5+s15+$0x0], $0xffff;
	v0 =	vadd.f32 v9, v0;
	v3 =	vadd.f32 v8, v3;
	v8 =	vmul.f32 v8, v8  }
0x1e5: {  	v2 =	vor.u32 v51, v2;
	v10 =	vor.u32 v46, v10;
	v6 =	vmul.f32 v28, v6  }
0x1e6: {  	s20 =	simm.s32 $0x980;
	v12 =	vld.idx.msk [tilespmem:v12+s15+$0x0], $0xffff;
	v0 =	vadd.f32 v8, v0;
	v3 =	vadd.f32 v4, v3;
	v4 =	vmul.f32 v4, v4  }
0x1e7: {  	v7 =	vmul.f32 v25, v7;
	v9 =	vadd.s32 s20, v44  }
0x1e8: {  	v0 =	vadd.f32 v4, v0;
	v3 =	vadd.f32 v6, v3;
	v4 =	vmul.f32 v6, v6  }
0x1e9: {  	v5 =	vmul.f32 v22, v5;
	v8 =	vor.u32 v40, v9  }
0x1ea: {  	s25 =	simm.s32 $0xA00;
	v10 =	vld.idx.msk [tilespmem:v10+s15+$0x0], $0xffff;
	v0 =	vadd.f32 v4, v0;
	v3 =	vadd.f32 v7, v3;
	v4 =	vmul.f32 v7, v7  }
0x1eb: {  	v63 =	vperm.xlane v17, v19;
	v2 =	vld.idx.msk [tilespmem:v2+s15+$0x0], $0xffff;
	v11 =	vadd.s32 s25, v42;
	v7 =	vmul.f32 v62, v12  }
0x1ec: {  	s8 =	simm.s32 $0xA80;
	v0 =	vadd.f32 v4, v0;
	v3 =	vadd.f32 v5, v3;
	v4 =	vmul.f32 v5, v5  }
0x1ed: {  	v58 =	vperm.xlane v17, v18;
	s20 =	simm.s32 $0xC00;
	v9 =	vor.u32 v38, v11;
	v6 =	vadd.s32 s8, v37  }
0x1ee: {  	v12 =	vadd.s32 s20, v29;
	v8 =	vld.idx.msk [tilespmem:v8+s15+$0x0], $0xffff;
	v0 =	vadd.f32 v4, v0;
	v3 =	vadd.f32 v7, v3  }
0x1ef: {  	s9 =	simm.s32 $0xB00;
	v4 =	vmul.f32 v7, v7;
	v7 =	vmul.f32 v63, v10;
	v10 =	vor.u32 v27, v12;
	v12 =	vld [tilespmem:$0x1FF70]  }
0x1f0: {  	v2 =	vmul.f32 v58, v2;
	s12 =	simm.s32 $0xB80;
	v11 =	vadd.s32 s9, v34;
	v6 =	vor.u32 v35, v6  }
0x1f1: {  	v11 =	vor.u32 v32, v11;
	v5 =	vadd.s32 s12, v31  }
0x1f2: {  	s25 =	simm.s32 $0xC80;
	v9 =	vld.idx.msk [tilespmem:v9+s15+$0x0], $0xffff;
	v0 =	vadd.f32 v4, v0;
	v3 =	vadd.f32 v2, v3;
	v2 =	vmul.f32 v2, v2  }
0x1f3: {  	v5 =	vor.u32 v26, v5;
	v4 =	vadd.s32 s25, v24  }
0x1f4: {  	v0 =	vadd.f32 v2, v0;
	v8 =	vmul.f32 v12, v8;
	v12 =	vimm.s32 $0x4  }
0x1f5: {  	v6 =	vld.idx.msk [tilespmem:v6+s15+$0x0], $0xffff;
	v2 =	vadd.f32 v7, v3;
	v3 =	vmul.f32 v7, v7;
	v12 =	vperm.xlane v17, v12  }
0x1f6: {  	v11 =	vld.idx.msk [tilespmem:v11+s15+$0x0], $0xffff;
	v4 =	vor.u32 v23, v4  }
0x1f7: {  	v0 =	vadd.f32 v3, v0;
	v3 =	vmul.f32 v8, v8;
	v7 =	vmul.f32 v12, v9  }
0x1f8: {  	v5 =	vld.idx.msk [tilespmem:v5+s15+$0x0], $0xffff;
	v2 =	vadd.f32 v8, v2;
	v8 =	vimm.s32 $0x6;
	v9 =	vperm.xlane v17, v59  }
0x1f9: {  	v8 =	vperm.xlane v17, v8;
	v0 =	vadd.f32 v3, v0;
	v3 =	vmul.f32 v7, v7  }
0x1fa: {  	v6 =	vmul.f32 v9, v6;
	v9 =	vld.idx.msk [tilespmem:v10+s15+$0x0], $0xffff;
	v2 =	vadd.f32 v7, v2  }
0x1fb: {  	v7 =	vmul.f32 v8, v11;
	v8 =	vperm.xlane v17, v61;
	v0 =	vadd.f32 v3, v0  }
0x1fc: {  	v4 =	vld.idx.msk [tilespmem:v4+s15+$0x0], $0xffff;
	v2 =	vadd.f32 v6, v2;
	v3 =	vmul.f32 v6, v6;
	v6 =	vimm.s32 $0x8  }
0x1fd: {  	v5 =	vmul.f32 v8, v5;
	v6 =	vperm.xlane v17, v6  }
0x1fe: {  	v0 =	vadd.f32 v3, v0;
	v2 =	vadd.f32 v7, v2;
	v3 =	vmul.f32 v7, v7  }
0x1ff: {  	v7 =	vperm.xlane v17, v60;
	v6 =	vmul.f32 v6, v9  }
0x200: {  	v0 =	vadd.f32 v3, v0;
	v2 =	vadd.f32 v5, v2;
	v3 =	vmul.f32 v5, v5  }
0x201: {  	v4 =	vmul.f32 v7, v4  }
0x202: {  	v0 =	vadd.f32 v3, v0;
	v2 =	vadd.f32 v6, v2;
	v3 =	vmul.f32 v6, v6;
	_ =	sdelay $0x1  }
0x203: {  	v0 =	vadd.f32 v3, v0;
	v2 =	vadd.f32 v4, v2;
	v3 =	vmul.f32 v4, v4;
	_ =	sdelay $0x1  }
0x204: {  	v0 =	vadd.f32 v3, v0;
	v2 =	vmul.f32 v2, v2;
	_ =	sdelay $0x1  }
0x205: {  	v0 =	vsub.f32 v2, v0;
	_ =	sdelay $0x1  }
0x206: {  	v0 =	vmul.f32 $5.000000000e-01, v0;
	_ =	sdelay $0x1  }
0x207: {  	s7 =	sadd.s32 $0x80, s31;
	[tilespmem:s6+$0x0] =	vst v0  }
0x208: {  	v17 =	vld [tilespmem:s7+$0x0];
	_ =	sdelay $0x1  }
0x209: {  	v0 =	vld [tilespmem:s7+$0xFFFFFFF0];
	_ =	sdelay $0x1  }
0x20a: {  	v20 =	vimm.s32 $0x0;
	v41 =	vimm.s32 $0xF  }
0x20b: {  	v13 =	vimm.s32 $0xE;
	v48 =	vimm.s32 $0xA;
	v23 =	vperm.xlane v17, v19  }
0x20c: {  	v46 =	vimm.s32 $0xC;
	v22 =	vperm.xlane v17, v21;
	v25 =	vperm.xlane v17, v20  }
0x20d: {  	v12 =	vimm.s32 $0xD;
	v24 =	vperm.xlane v17, v18;
	v27 =	vperm.xlane v0, v13  }
0x20e: {  	v11 =	vimm.s32 $0xB;
	v26 =	vperm.xlane v0, v41;
	v29 =	vperm.xlane v0, v46  }
0x20f: {  	s8 =	sadd.s32 $0x80, s30;
	v3 =	vimm.s32 $0x8;
	v2 =	vperm.xlane v0, v12;
	v34 =	vperm.xlane v0, v48  }
0x210: {  	v4 =	vimm.s32 $0x6;
	v62 =	vld [tilespmem:s8+$0xFFFFFFF0];
	v32 =	vperm.xlane v0, v11;
	v40 =	vperm.xlane v0, v3  }
0x211: {  	v6 =	vimm.s32 $0x4;
	v38 =	vperm.xlane v0, v60;
	v45 =	vperm.xlane v0, v4  }
0x212: {  	v7 =	vimm.s32 $0x5;
	v43 =	vperm.xlane v0, v61;
	v50 =	vperm.xlane v0, v6  }
0x213: {  	v47 =	vperm.xlane v0, v7;
	v55 =	vperm.xlane v0, v19  }
0x214: {  	v53 =	vperm.xlane v0, v21;
	v57 =	vperm.xlane v0, v20;
	[tilespmem:$0x1FF80] =	vst v2;
	v2 =	vld [tilespmem:s8+$0x0]  }
0x215: {  	v56 =	vperm.xlane v0, v18;
	v59 =	vperm.xlane v62, v41  }
0x216: {  	v58 =	vperm.xlane v62, v12;
	v12 =	vperm.xlane v62, v13  }
0x217: {  	v14 =	vimm.s32 $0x8;
	v13 =	vperm.xlane v62, v11;
	v63 =	vperm.xlane v62, v46  }
0x218: {  	v11 =	vperm.xlane v62, v60;
	v14 =	vperm.xlane v62, v14  }
0x219: {  	v0 =	vperm.xlane v2, v3;
	v3 =	vperm.xlane v2, v60  }
0x21a: {  	v4 =	vperm.xlane v2, v4;
	v5 =	vperm.xlane v2, v61  }
0x21b: {  	v6 =	vperm.xlane v2, v6;
	v7 =	vperm.xlane v2, v7  }
0x21c: {  	v51 =	vimm.s32 $0x6;
	v8 =	vperm.xlane v2, v19;
	v9 =	vperm.xlane v2, v21  }
0x21d: {  	v52 =	vimm.s32 $0x4;
	v10 =	vperm.xlane v2, v20;
	v2 =	vperm.xlane v2, v18  }
0x21e: {  	v15 =	vimm.s32 $0x5;
	v60 =	vperm.xlane v62, v48;
	v61 =	vperm.xlane v62, v61  }
0x21f: {  	v5 =	vadd.s32 v1, v5;
	v0 =	vadd.s32 v1, v0;
	v3 =	vadd.s32 v1, v3  }
0x220: {  	v6 =	vadd.s32 v1, v6;
	v7 =	vadd.s32 v1, v7;
	v4 =	vadd.s32 v1, v4  }
0x221: {  	v16 =	vadd.s32 v1, v2;
	v2 =	vadd.s32 v1, v8;
	v8 =	vadd.s32 v1, v9  }
0x222: {  	v9 =	vadd.s32 v1, v10;
	v10 =	vand.u32 $0xFFFFFF80, v3;
	v28 =	vand.u32 $0x7F, v3  }
0x223: {  	v3 =	vand.u32 $0x7F, v5;
	v30 =	vand.u32 $0xFFFFFF80, v0;
	v0 =	vand.u32 $0x7F, v0  }
0x224: {  	v35 =	vand.u32 $0xFFFFFF80, v4;
	v33 =	vand.u32 $0x7F, v4;
	v31 =	vand.u32 $0xFFFFFF80, v5  }
0x225: {  	v39 =	vand.u32 $0x7F, v6;
	v37 =	vand.u32 $0xFFFFFF80, v7;
	v36 =	vand.u32 $0x7F, v7  }
0x226: {  	v41 =	vand.u32 $0x7F, v8;
	v42 =	vand.u32 $0xFFFFFF80, v6;
	v44 =	vand.u32 $0xFFFFFF80, v8  }
0x227: {  	v46 =	vand.u32 $0x7F, v2;
	v48 =	vand.u32 $0xFFFFFF80, v2;
	v49 =	vand.u32 $0x7F, v16  }
0x228: {  	v2 =	vperm.xlane v62, v15;
	v15 =	vperm.xlane v62, v51;
	v51 =	vand.u32 $0xFFFFFF80, v16;
	[tilespmem:$0x1FF90] =	vst v10  }
0x229: {  	v16 =	vperm.xlane v62, v52;
	v52 =	vand.u32 $0x7F, v9;
	v4 =	vperm.xlane v62, v19;
	[tilespmem:$0x1FFA0] =	vst v3  }
0x22a: {  	s29 =	smov.u32 s6;
	s2 =	simm.s32 $0x33;
	s9 =	simm.s32 $0x4D;
	v54 =	vand.u32 $0xFFFFFF80, v9;
	[tilespmem:$0x1FFB0] =	vst v0;
	v0 =	vperm.xlane v62, v21;
	v3 =	vperm.xlane v62, v18  }
.LBB2_5:
0x22b: {  	v5 =	vperm.xlane v62, v20;
	v6 =	vadd.s32 v1, v12  }
0x22c: {  	v7 =	vadd.s32 v1, v59;
	v8 =	vadd.s32 v1, v13;
	v9 =	vadd.s32 v1, v63  }
0x22d: {  	v10 =	vadd.s32 v1, v58;
	v12 =	vadd.s32 v1, v14;
	v11 =	vadd.s32 v1, v11  }
0x22e: {  	v13 =	vadd.s32 v1, v60;
	v2 =	vadd.s32 v1, v2;
	v14 =	vadd.s32 v1, v15  }
0x22f: {  	v15 =	vadd.s32 v1, v61;
	v4 =	vadd.s32 v1, v4;
	v0 =	vadd.s32 v1, v0  }
0x230: {  	v16 =	vadd.s32 v1, v16;
	v3 =	vadd.s32 v1, v3;
	v5 =	vadd.s32 v1, v5  }
0x231: {  	s25 =	sshll.u32 s2, $0x7;
	v58 =	vand.u32 $0x7F, v7;
	v61 =	vand.u32 $0xFFFFFF80, v6;
	v59 =	vand.u32 $0x7F, v6  }
0x232: {  	s12 =	sadd.s32 $0xFFFFF380, s25;
	v60 =	vand.u32 $0xFFFFFF80, v7;
	v7 =	vand.u32 $0xFFFFFF80, v10;
	v6 =	vand.u32 $0xFFFFFF80, v5  }
0x233: {  	v62 =	vand.u32 $0x7F, v9;
	v5 =	vand.u32 $0x7F, v5;
	v6 =	vadd.s32 s12, v6  }
0x234: {  	s20 =	sadd.s32 $0xFFFFF400, s25;
	v63 =	vand.u32 $0xFFFFFF80, v4;
	v5 =	vor.u32 v5, v6;
	v6 =	vand.u32 $0xFFFFFF80, v3  }
0x235: {  	v4 =	vand.u32 $0x7F, v4;
	v3 =	vand.u32 $0x7F, v3;
	v6 =	vadd.s32 s20, v6;
	s20 =	sadd.s32 $0xFFFFF480, s25  }
0x236: {  	v18 =	vand.u32 $0x7F, v13;
	v3 =	vor.u32 v3, v6;
	v6 =	vadd.s32 s20, v63  }
0x237: {  	v13 =	vand.u32 $0xFFFFFF80, v13;
	s20 =	sadd.s32 $0xFFFFF500, s25;
	v4 =	vor.u32 v4, v6;
	v6 =	vand.u32 $0xFFFFFF80, v0  }
0x238: {  	v19 =	vand.u32 $0x7F, v11;
	v0 =	vand.u32 $0x7F, v0;
	v6 =	vadd.s32 s20, v6  }
0x239: {  	v11 =	vand.u32 $0xFFFFFF80, v11;
	s20 =	sadd.s32 $0xFFFFF580, s25;
	v5 =	vld.idx.msk [tilespmem:v5+s15+$0x0], $0xffff;
	v0 =	vor.u32 v0, v6;
	v6 =	vand.u32 $0xFFFFFF80, v16  }
0x23a: {  	v20 =	vand.u32 $0x7F, v12;
	v16 =	vand.u32 $0x7F, v16;
	v6 =	vadd.s32 s20, v6  }
0x23b: {  	v12 =	vand.u32 $0xFFFFFF80, v12;
	s20 =	sadd.s32 $0xFFFFF600, s25;
	v3 =	vld.idx.msk [tilespmem:v3+s15+$0x0], $0xffff;
	v6 =	vor.u32 v16, v6;
	v16 =	vand.u32 $0xFFFFFF80, v2  }
0x23c: {  	v63 =	vand.u32 $0x7F, v8;
	v2 =	vand.u32 $0x7F, v2;
	v16 =	vadd.s32 s20, v16  }
0x23d: {  	v8 =	vand.u32 $0xFFFFFF80, v8;
	v4 =	vld.idx.msk [tilespmem:v4+s15+$0x0], $0xffff;
	s20 =	sadd.s32 $0xFFFFF680, s25;
	v2 =	vor.u32 v2, v16;
	v16 =	vand.u32 $0xFFFFFF80, v14  }
0x23e: {  	v14 =	vand.u32 $0x7F, v14;
	v0 =	vld.idx.msk [tilespmem:v0+s15+$0x0], $0xffff;
	v16 =	vadd.s32 s20, v16;
	v5 =	vmul.f32 v57, v5  }
0x23f: {  	s12 =	sadd.s32 $0xFFFFF700, s25;
	v14 =	vor.u32 v14, v16;
	v16 =	vand.u32 $0xFFFFFF80, v15;
	v15 =	vand.u32 $0x7F, v15  }
0x240: {  	s20 =	sadd.s32 $0xFFFFF780, s25;
	v6 =	vld.idx.msk [tilespmem:v6+s15+$0x0], $0xffff;
	v16 =	vadd.s32 s12, v16;
	v57 =	vadd.f32 $0.0e+00, v5;
	v3 =	vmul.f32 v56, v3  }
0x241: {  	v12 =	vadd.s32 s20, v12;
	v5 =	vmul.f32 v5, v5;
	v15 =	vor.u32 v15, v16  }
0x242: {  	s20 =	sadd.s32 $0xFFFFF800, s25;
	v4 =	vmul.f32 v55, v4;
	v2 =	vld.idx.msk [tilespmem:v2+s15+$0x0], $0xffff;
	v16 =	vadd.f32 v3, v57;
	v3 =	vmul.f32 v3, v3  }
0x243: {  	v12 =	vor.u32 v20, v12;
	v11 =	vadd.s32 s20, v11;
	v0 =	vmul.f32 v53, v0  }
0x244: {  	s20 =	sadd.s32 $0xFFFFF880, s25;
	v14 =	vld.idx.msk [tilespmem:v14+s15+$0x0], $0xffff;
	v3 =	vadd.f32 v3, v5;
	v5 =	vadd.f32 v4, v16;
	v4 =	vmul.f32 v4, v4  }
0x245: {  	v11 =	vor.u32 v19, v11;
	v13 =	vadd.s32 s20, v13;
	v6 =	vmul.f32 v50, v6  }
0x246: {  	s20 =	sadd.s32 $0xFFFFF900, s25;
	v15 =	vld.idx.msk [tilespmem:v15+s15+$0x0], $0xffff;
	v3 =	vadd.f32 v4, v3;
	v4 =	vadd.f32 v0, v5;
	v0 =	vmul.f32 v0, v0  }
0x247: {  	v13 =	vor.u32 v18, v13;
	v8 =	vadd.s32 s20, v8;
	v2 =	vmul.f32 v47, v2  }
0x248: {  	v5 =	vld.idx.msk [tilespmem:v12+s15+$0x0], $0xffff;
	v0 =	vadd.f32 v0, v3;
	v3 =	vadd.f32 v6, v4;
	v4 =	vmul.f32 v6, v6  }
0x249: {  	v9 =	vand.u32 $0xFFFFFF80, v9;
	v8 =	vor.u32 v63, v8;
	v6 =	vmul.f32 v45, v14  }
0x24a: {  	s20 =	sadd.s32 $0xFFFFF980, s25;
	v11 =	vld.idx.msk [tilespmem:v11+s15+$0x0], $0xffff;
	v0 =	vadd.f32 v4, v0;
	v3 =	vadd.f32 v2, v3;
	v2 =	vmul.f32 v2, v2  }
0x24b: {  	v10 =	vand.u32 $0x7F, v10;
	v9 =	vadd.s32 s20, v9;
	v4 =	vmul.f32 v43, v15  }
0x24c: {  	s20 =	sadd.s32 $0xFFFFFA00, s25;
	v12 =	vld.idx.msk [tilespmem:v13+s15+$0x0], $0xffff;
	v0 =	vadd.f32 v2, v0;
	v2 =	vadd.f32 v6, v3;
	v3 =	vmul.f32 v6, v6  }
0x24d: {  	v9 =	vor.u32 v62, v9;
	v7 =	vadd.s32 s20, v7;
	v5 =	vmul.f32 v40, v5  }
0x24e: {  	s20 =	sadd.s32 $0xFFFFFA80, s25;
	v6 =	vld.idx.msk [tilespmem:v8+s15+$0x0], $0xffff;
	v0 =	vadd.f32 v3, v0;
	v2 =	vadd.f32 v4, v2;
	v3 =	vmul.f32 v4, v4  }
0x24f: {  	v7 =	vor.u32 v10, v7;
	v10 =	vadd.s32 s20, v61;
	v4 =	vmul.f32 v38, v11  }
0x250: {  	s20 =	sadd.s32 $0xFFFFFB00, s25;
	v0 =	vadd.f32 v3, v0;
	v2 =	vadd.f32 v5, v2;
	v3 =	vmul.f32 v5, v5  }
0x251: {  	v8 =	vor.u32 v59, v10;
	v10 =	vadd.s32 s20, v60;
	v5 =	vmul.f32 v34, v12  }
0x252: {  	v0 =	vadd.f32 v3, v0;
	v2 =	vadd.f32 v4, v2;
	v3 =	vmul.f32 v4, v4  }
0x253: {  	v10 =	vor.u32 v58, v10;
	v4 =	vmul.f32 v32, v6  }
0x254: {  	v9 =	vld.idx.msk [tilespmem:v9+s15+$0x0], $0xffff;
	s20 =	sadd.s32 $0xFFFFFB80, s25;
	v0 =	vadd.f32 v3, v0;
	v2 =	vadd.f32 v5, v2;
	v3 =	vmul.f32 v5, v5  }
0x255: {  	v7 =	vld.idx.msk [tilespmem:v7+s15+$0x0], $0xffff;
	v11 =	vadd.s32 s20, v54  }
0x256: {  	s20 =	sadd.s32 $0xFFFFFC00, s25;
	v0 =	vadd.f32 v3, v0;
	v2 =	vadd.f32 v4, v2;
	v3 =	vmul.f32 v4, v4;
	v4 =	vld [tilespmem:$0x1FF80]  }
0x257: {  	v11 =	vor.u32 v52, v11;
	v12 =	vadd.s32 s20, v51;
	v6 =	vld.idx.msk [tilespmem:v8+s15+$0x0], $0xffff  }
0x258: {  	s20 =	sadd.s32 $0xFFFFFC80, s25;
	v8 =	vor.u32 v49, v12  }
0x259: {  	v12 =	vadd.s32 s20, v48;
	s20 =	sadd.s32 $0xFFFFFD00, s25;
	v5 =	vmul.f32 v29, v9;
	v9 =	vld.idx.msk [tilespmem:v10+s15+$0x0], $0xffff  }
0x25a: {  	v10 =	vor.u32 v46, v12;
	v12 =	vadd.s32 s20, v44;
	v0 =	vadd.f32 v3, v0  }
0x25b: {  	s20 =	sadd.s32 $0xFFFFFD80, s25;
	v2 =	vadd.f32 v5, v2;
	v3 =	vmul.f32 v5, v5;
	v4 =	vmul.f32 v4, v7  }
0x25c: {  	v5 =	vmul.f32 v27, v6;
	v7 =	vld.idx.msk [tilespmem:v11+s15+$0x0], $0xffff;
	v11 =	vor.u32 v41, v12;
	v12 =	vadd.s32 s20, v42  }
0x25d: {  	v6 =	vld.idx.msk [tilespmem:v8+s15+$0x0], $0xffff;
	v0 =	vadd.f32 v3, v0;
	s20 =	sadd.s32 $0xFFFFFE00, s25;
	v8 =	vor.u32 v39, v12;
	v3 =	vmul.f32 v4, v4  }
0x25e: {  	v12 =	vadd.s32 s20, v37;
	v2 =	vadd.f32 v4, v2;
	v4 =	vmul.f32 v26, v9  }
0x25f: {  	v9 =	vld.idx.msk [tilespmem:v10+s15+$0x0], $0xffff;
	v10 =	vor.u32 v36, v12;
	v0 =	vadd.f32 v3, v0;
	v3 =	vmul.f32 v5, v5  }
0x260: {  	v2 =	vadd.f32 v5, v2  }
0x261: {  	v0 =	vadd.f32 v3, v0;
	v3 =	vmul.f32 v4, v4  }
0x262: {  	v5 =	vmul.f32 v25, v7;
	v2 =	vadd.f32 v4, v2;
	v4 =	vmul.f32 v24, v6;
	v6 =	vld.idx.msk [tilespmem:v8+s15+$0x0], $0xffff  }
0x263: {  	v8 =	vld [tilespmem:$0x1FFA0];
	v0 =	vadd.f32 v3, v0  }
0x264: {  	v2 =	vadd.f32 v5, v2;
	v3 =	vmul.f32 v5, v5;
	v5 =	vmul.f32 v23, v9;
	v9 =	vld.idx.msk [tilespmem:v10+s15+$0x0], $0xffff  }
0x265: {  	v10 =	vld [tilespmem:$0x1FFB0]  }
0x266: {  	s20 =	sadd.s32 $0xFFFFFE80, s25;
	v7 =	vld.idx.msk [tilespmem:v11+s15+$0x0], $0xffff  }
0x267: {  	v12 =	vadd.s32 s20, v35;
	s20 =	sadd.s32 $0xFFFFFF00, s25  }
0x268: {  	v11 =	vor.u32 v33, v12;
	v12 =	vadd.s32 s20, v31;
	s20 =	sadd.s32 $0xFFFFFF80, s25  }
0x269: {  	v8 =	vor.u32 v8, v12;
	v12 =	vadd.s32 s20, v30  }
0x26a: {  	v0 =	vadd.f32 v3, v0;
	v3 =	vmul.f32 v4, v4;
	v10 =	vor.u32 v10, v12;
	v12 =	vld [tilespmem:$0x1FF90]  }
0x26b: {  	v52 =	vimm.s32 $0x4;
	v2 =	vadd.f32 v4, v2;
	v4 =	vmul.f32 v22, v7  }
0x26c: {  	v7 =	vperm.xlane v17, v52;
	v0 =	vadd.f32 v3, v0;
	v3 =	vmul.f32 v5, v5  }
0x26d: {  	v19 =	vimm.s32 $0x5;
	v18 =	vimm.s32 $0x6;
	v11 =	vld.idx.msk [tilespmem:v11+s15+$0x0], $0xffff;
	v2 =	vadd.f32 v5, v2  }
0x26e: {  	v5 =	vmul.f32 v7, v6;
	v6 =	vperm.xlane v17, v19;
	v0 =	vadd.f32 v3, v0  }
0x26f: {  	v2 =	vadd.f32 v4, v2;
	v3 =	vmul.f32 v4, v4;
	v12 =	vadd.s32 s25, v12  }
0x270: {  	v4 =	vmul.f32 v6, v9;
	v6 =	vperm.xlane v17, v18;
	v7 =	vld.idx.msk [tilespmem:v8+s15+$0x0], $0xffff;
	v12 =	vor.u32 v28, v12  }
0x271: {  	v0 =	vadd.f32 v3, v0;
	v3 =	vmul.f32 v5, v5  }
0x272: {  	v15 =	vimm.s32 $0x7;
	v2 =	vadd.f32 v5, v2;
	v5 =	vmul.f32 v6, v11  }
0x273: {  	v6 =	vperm.xlane v17, v15;
	v8 =	vld.idx.msk [tilespmem:v10+s15+$0x0], $0xffff;
	v0 =	vadd.f32 v3, v0;
	v3 =	vmul.f32 v4, v4  }
0x274: {  	v14 =	vimm.s32 $0x8;
	v2 =	vadd.f32 v4, v2  }
0x275: {  	v0 =	vadd.f32 v3, v0;
	v3 =	vmul.f32 v5, v5;
	v4 =	vmul.f32 v6, v7;
	v9 =	vld.idx.msk [tilespmem:v12+s15+$0x0], $0xffff  }
0x276: {  	v2 =	vadd.f32 v5, v2;
	v6 =	vperm.xlane v17, v14  }
0x277: {  	v11 =	vimm.s32 $0x9;
	v0 =	vadd.f32 v3, v0;
	v3 =	vmul.f32 v4, v4  }
0x278: {  	v5 =	vmul.f32 v6, v8;
	v6 =	vperm.xlane v17, v11;
	v2 =	vadd.f32 v4, v2  }
0x279: {  	v0 =	vadd.f32 v3, v0  }
0x27a: {  	v2 =	vadd.f32 v5, v2;
	v3 =	vmul.f32 v5, v5;
	v4 =	vmul.f32 v6, v9;
	_ =	sdelay $0x1  }
0x27b: {  	v0 =	vadd.f32 v3, v0;
	v2 =	vadd.f32 v4, v2;
	v3 =	vmul.f32 v4, v4;
	_ =	sdelay $0x1  }
0x27c: {  	v0 =	vadd.f32 v3, v0;
	v2 =	vmul.f32 v2, v2;
	_ =	sdelay $0x1  }
0x27d: {  	v0 =	vsub.f32 v2, v0;
	_ =	sdelay $0x1  }
0x27e: {  	v0 =	vmul.f32 $5.000000000e-01, v0  }
0x27f: {  	s29 =	sadd.s32 $0x80, s29  }
0x280: {  	s7 =	sadd.s32 $0x80, s7;
	[tilespmem:s29+$0x0] =	vst v0  }
0x281: {  	v17 =	vld [tilespmem:s7+$0x0];
	_ =	sdelay $0x1  }
0x282: {  	v0 =	vld [tilespmem:s7+$0xFFFFFFF0]  }
0x283: {  	v21 =	vimm.s32 $0x2;
	v20 =	vimm.s32 $0x0;
	v13 =	vimm.s32 $0xB  }
0x284: {  	v54 =	vimm.s32 $0x1;
	v49 =	vimm.s32 $0xE;
	v22 =	vimm.s32 $0x3  }
0x285: {  	v46 =	vimm.s32 $0xC;
	v28 =	vperm.xlane v17, v21;
	v23 =	vperm.xlane v17, v22  }
0x286: {  	v12 =	vimm.s32 $0xF;
	v25 =	vperm.xlane v17, v20;
	v24 =	vperm.xlane v17, v54  }
0x287: {  	v44 =	vimm.s32 $0xD;
	v27 =	vperm.xlane v0, v49;
	v26 =	vperm.xlane v0, v12  }
0x288: {  	v48 =	vimm.s32 $0xA;
	v29 =	vperm.xlane v0, v46;
	v2 =	vperm.xlane v0, v44  }
0x289: {  	s8 =	sadd.s32 $0x80, s8;
	v34 =	vperm.xlane v0, v48;
	v32 =	vperm.xlane v0, v13  }
0x28a: {  	v62 =	vld [tilespmem:s8+$0xFFFFFFF0];
	v40 =	vperm.xlane v0, v14;
	v38 =	vperm.xlane v0, v11  }
0x28b: {  	v45 =	vperm.xlane v0, v18;
	v43 =	vperm.xlane v0, v15  }
0x28c: {  	v50 =	vperm.xlane v0, v52;
	v47 =	vperm.xlane v0, v19  }
0x28d: {  	v55 =	vperm.xlane v0, v21;
	v53 =	vperm.xlane v0, v22;
	[tilespmem:$0x1FF80] =	vst v2;
	v2 =	vld [tilespmem:s8+$0x0]  }
0x28e: {  	v57 =	vperm.xlane v0, v20;
	v56 =	vperm.xlane v0, v54  }
0x28f: {  	v59 =	vperm.xlane v62, v12;
	v58 =	vperm.xlane v62, v44  }
0x290: {  	v12 =	vperm.xlane v62, v49;
	v13 =	vperm.xlane v62, v13  }
0x291: {  	v63 =	vperm.xlane v62, v46;
	v60 =	vperm.xlane v62, v48  }
0x292: {  	v61 =	vperm.xlane v62, v15;
	v0 =	vperm.xlane v2, v14  }
0x293: {  	v3 =	vperm.xlane v2, v11;
	v4 =	vperm.xlane v2, v18  }
0x294: {  	v5 =	vperm.xlane v2, v15;
	v6 =	vperm.xlane v2, v52  }
0x295: {  	v7 =	vperm.xlane v2, v19;
	v8 =	vperm.xlane v2, v21  }
0x296: {  	v9 =	vperm.xlane v2, v22;
	v10 =	vperm.xlane v2, v20  }
0x297: {  	v2 =	vperm.xlane v2, v54;
	v11 =	vperm.xlane v62, v11  }
0x298: {  	v14 =	vperm.xlane v62, v14;
	v15 =	vperm.xlane v62, v18  }
0x299: {  	v5 =	vadd.s32 v1, v5;
	v0 =	vadd.s32 v1, v0;
	v3 =	vadd.s32 v1, v3  }
0x29a: {  	v6 =	vadd.s32 v1, v6;
	v7 =	vadd.s32 v1, v7;
	v4 =	vadd.s32 v1, v4  }
0x29b: {  	v16 =	vadd.s32 v1, v2;
	v2 =	vadd.s32 v1, v8;
	v8 =	vadd.s32 v1, v9  }
0x29c: {  	v9 =	vadd.s32 v1, v10;
	v10 =	vand.u32 $0xFFFFFF80, v3;
	v3 =	vand.u32 $0x7F, v3  }
0x29d: {  	v30 =	vand.u32 $0xFFFFFF80, v0;
	v0 =	vand.u32 $0x7F, v0;
	v35 =	vand.u32 $0xFFFFFF80, v4  }
0x29e: {  	v33 =	vand.u32 $0x7F, v4;
	v31 =	vand.u32 $0xFFFFFF80, v5;
	v39 =	vand.u32 $0x7F, v6  }
0x29f: {  	p1 =	sne.s32 s9, $0x67;
	v37 =	vand.u32 $0xFFFFFF80, v7;
	v36 =	vand.u32 $0x7F, v7;
	v41 =	vand.u32 $0x7F, v8  }
.Ltmp3:
0x2a0: {  	v42 =	vand.u32 $0xFFFFFF80, v6;
	v44 =	vand.u32 $0xFFFFFF80, v8;
	v46 =	vand.u32 $0x7F, v2;
	(pc) =	sbr.rel @p1 .LBB2_5-.Ltmp3, $4  }
0x2a1: {  	v48 =	vand.u32 $0xFFFFFF80, v2;
	v49 =	vand.u32 $0x7F, v16;
	v2 =	vperm.xlane v62, v19  }
0x2a2: {  	v51 =	vand.u32 $0xFFFFFF80, v16;
	v16 =	vperm.xlane v62, v52;
	v52 =	vand.u32 $0x7F, v9;
	[tilespmem:$0x1FF90] =	vst v10  }
0x2a3: {  	v4 =	vperm.xlane v62, v21;
	v10 =	vand.u32 $0x7F, v5;
	[tilespmem:$0x1FFB0] =	vst v0;
	v0 =	vperm.xlane v62, v22  }
0x2a4: {  	s2 =	smov.u32 s9;
	s9 =	sadd.s32 $0x1A, s9;
	v22 =	vmovc v23;
	v23 =	vmovc v28;
	v28 =	vmov v3;
	v3 =	vperm.xlane v62, v54;
	v54 =	vand.u32 $0xFFFFFF80, v9;
	[tilespmem:$0x1FFA0] =	vst v10  }
0x2a5: {  	v5 =	vperm.xlane v62, v20  }
0x2a6: {  	v2 =	vadd.s32 v1, v2;
	v4 =	vadd.s32 v1, v4;
	v0 =	vadd.s32 v1, v0  }
0x2a7: {  	v8 =	vadd.s32 v1, v16;
	v9 =	vadd.s32 v1, v13;
	v10 =	vadd.s32 v1, v63  }
0x2a8: {  	v13 =	vadd.s32 v1, v14;
	v14 =	vadd.s32 v1, v15;
	v11 =	vadd.s32 v1, v11  }
0x2a9: {  	v16 =	vadd.s32 v1, v61;
	v18 =	vadd.s32 v1, v60;
	v3 =	vadd.s32 v1, v3  }
0x2aa: {  	s2 =	sshll.u32 s2, $0x7;
	v7 =	vand.u32 $0xFFFFFF80, v4;
	v4 =	vand.u32 $0x7F, v4;
	v5 =	vadd.s32 v1, v5  }
0x2ab: {  	s7 =	sadd.s32 $0xFFFFF380, s2;
	v15 =	vand.u32 $0xFFFFFF80, v14;
	v14 =	vand.u32 $0x7F, v14;
	v6 =	vand.u32 $0xFFFFFF80, v5  }
0x2ac: {  	v63 =	vand.u32 $0x7F, v18;
	v5 =	vand.u32 $0x7F, v5;
	v6 =	vadd.s32 s7, v6  }
0x2ad: {  	s20 =	sadd.s32 $0xFFFFF400, s2;
	s25 =	sadd.s32 $0xFFFFF480, s2;
	v18 =	vand.u32 $0xFFFFFF80, v18;
	v5 =	vor.u32 v5, v6;
	v6 =	vand.u32 $0xFFFFFF80, v3  }
0x2ae: {  	v7 =	vadd.s32 s25, v7;
	v3 =	vand.u32 $0x7F, v3;
	v6 =	vadd.s32 s20, v6  }
0x2af: {  	v4 =	vor.u32 v4, v7;
	v7 =	vand.u32 $0x7F, v8;
	s20 =	sadd.s32 $0xFFFFF680, s2;
	v3 =	vor.u32 v3, v6  }
0x2b0: {  	s8 =	sadd.s32 $0xFFFFF500, s2;
	v6 =	vand.u32 $0xFFFFFF80, v0;
	v0 =	vand.u32 $0x7F, v0;
	v15 =	vadd.s32 s20, v15  }
0x2b1: {  	v6 =	vadd.s32 s8, v6;
	v14 =	vor.u32 v14, v15;
	v15 =	vand.u32 $0xFFFFFF80, v16  }
0x2b2: {  	s25 =	sadd.s32 $0xFFFFF700, s2;
	v16 =	vand.u32 $0x7F, v16;
	v0 =	vor.u32 v0, v6;
	v6 =	vand.u32 $0xFFFFFF80, v8  }
0x2b3: {  	s9 =	sadd.s32 $0xFFFFF580, s2;
	s12 =	sadd.s32 $0xFFFFF600, s2;
	v8 =	vand.u32 $0xFFFFFF80, v2;
	v2 =	vand.u32 $0x7F, v2;
	v15 =	vadd.s32 s25, v15  }
0x2b4: {  	v5 =	vld.idx.msk [tilespmem:v5+s15+$0x0], $0xffff;
	v6 =	vadd.s32 s9, v6;
	v8 =	vadd.s32 s12, v8;
	v15 =	vor.u32 v16, v15  }
0x2b5: {  	v16 =	vand.u32 $0xFFFFFF80, v13;
	v13 =	vand.u32 $0x7F, v13;
	v6 =	vor.u32 v7, v6  }
0x2b6: {  	s8 =	sadd.s32 $0xFFFFF780, s2;
	s12 =	sadd.s32 $0xFFFFF880, s2;
	v2 =	vor.u32 v2, v8;
	v7 =	vadd.s32 v1, v12;
	v8 =	vadd.s32 v1, v59;
	v3 =	vld.idx.msk [tilespmem:v3+s15+$0x0], $0xffff  }
0x2b7: {  	v4 =	vld.idx.msk [tilespmem:v4+s15+$0x0], $0xffff;
	v12 =	vadd.s32 v1, v58;
	v16 =	vadd.s32 s8, v16;
	v18 =	vadd.s32 s12, v18  }
0x2b8: {  	v19 =	vand.u32 $0x7F, v8;
	v20 =	vand.u32 $0xFFFFFF80, v7;
	v7 =	vand.u32 $0x7F, v7;
	v0 =	vld.idx.msk [tilespmem:v0+s15+$0x0], $0xffff  }
0x2b9: {  	v13 =	vor.u32 v13, v16;
	v16 =	vand.u32 $0xFFFFFF80, v11;
	v5 =	vmul.f32 v57, v5  }
0x2ba: {  	s9 =	sadd.s32 $0xFFFFF800, s2;
	v8 =	vand.u32 $0xFFFFFF80, v8;
	v11 =	vand.u32 $0x7F, v11;
	v18 =	vor.u32 v63, v18  }
0x2bb: {  	v16 =	vadd.s32 s9, v16;
	v6 =	vld.idx.msk [tilespmem:v6+s15+$0x0], $0xffff;
	v3 =	vmul.f32 v56, v3;
	v62 =	vadd.f32 $0.0e+00, v5  }
0x2bc: {  	v4 =	vmul.f32 v55, v4;
	v11 =	vor.u32 v11, v16;
	v5 =	vmul.f32 v5, v5  }
0x2bd: {  	v2 =	vld.idx.msk [tilespmem:v2+s15+$0x0], $0xffff;
	v0 =	vmul.f32 v53, v0;
	v53 =	vadd.f32 v3, v62;
	v3 =	vmul.f32 v3, v3  }
0x2be: {  	v16 =	vand.u32 $0xFFFFFF80, v12;
	v56 =	vand.u32 $0x7F, v9;
	v9 =	vand.u32 $0xFFFFFF80, v9  }
0x2bf: {  	v14 =	vld.idx.msk [tilespmem:v14+s15+$0x0], $0xffff;
	v3 =	vadd.f32 v3, v5;
	v53 =	vadd.f32 v4, v53;
	v4 =	vmul.f32 v4, v4  }
0x2c0: {  	v5 =	vand.u32 $0x7F, v10;
	v10 =	vand.u32 $0xFFFFFF80, v10;
	v6 =	vmul.f32 v50, v6  }
0x2c1: {  	s20 =	sadd.s32 $0xFFFFF900, s2;
	s25 =	sadd.s32 $0xFFFFF980, s2;
	v15 =	vld.idx.msk [tilespmem:v15+s15+$0x0], $0xffff;
	v3 =	vadd.f32 v4, v3;
	v4 =	vadd.f32 v0, v53;
	v0 =	vmul.f32 v0, v0  }
0x2c2: {  	v9 =	vadd.s32 s20, v9;
	v2 =	vmul.f32 v47, v2;
	v10 =	vadd.s32 s25, v10  }
0x2c3: {  	v13 =	vld.idx.msk [tilespmem:v13+s15+$0x0], $0xffff;
	v0 =	vadd.f32 v0, v3;
	v3 =	vadd.f32 v6, v4;
	v4 =	vmul.f32 v6, v6  }
0x2c4: {  	v5 =	vor.u32 v5, v10;
	v6 =	vor.u32 v56, v9;
	v9 =	vmul.f32 v45, v14  }
0x2c5: {  	s20 =	sadd.s32 $0xFFFFFB00, s2;
	v10 =	vld.idx.msk [tilespmem:v11+s15+$0x0], $0xffff;
	v0 =	vadd.f32 v4, v0;
	v3 =	vadd.f32 v2, v3;
	v2 =	vmul.f32 v2, v2  }
0x2c6: {  	v12 =	vand.u32 $0x7F, v12;
	v8 =	vadd.s32 s20, v8;
	v11 =	vmul.f32 v43, v15  }
0x2c7: {  	s9 =	sadd.s32 $0xFFFFFA00, s2;
	v15 =	vld.idx.msk [tilespmem:v18+s15+$0x0], $0xffff;
	v0 =	vadd.f32 v2, v0;
	v2 =	vadd.f32 v9, v3;
	v3 =	vmul.f32 v9, v9  }
0x2c8: {  	v8 =	vor.u32 v19, v8;
	v4 =	vadd.s32 s9, v16;
	v9 =	vmul.f32 v40, v13  }
0x2c9: {  	s12 =	sadd.s32 $0xFFFFFA80, s2;
	v0 =	vadd.f32 v3, v0;
	v2 =	vadd.f32 v11, v2;
	v3 =	vmul.f32 v11, v11  }
0x2ca: {  	v14 =	vadd.s32 s12, v20;
	v4 =	vor.u32 v12, v4;
	v10 =	vmul.f32 v38, v10;
	v6 =	vld.idx.msk [tilespmem:v6+s15+$0x0], $0xffff  }
0x2cb: {  	s25 =	sadd.s32 $0xFFFFFB80, s2;
	v0 =	vadd.f32 v3, v0;
	v2 =	vadd.f32 v9, v2;
	v3 =	vmul.f32 v9, v9  }
0x2cc: {  	v7 =	vor.u32 v7, v14;
	v11 =	vadd.s32 s25, v54;
	v9 =	vmul.f32 v34, v15  }
0x2cd: {  	s12 =	sadd.s32 $0xFFFFFC80, s2;
	s9 =	sadd.s32 $0xFFFFFC00, s2;
	v0 =	vadd.f32 v3, v0;
	v2 =	vadd.f32 v10, v2;
	v3 =	vmul.f32 v10, v10  }
0x2ce: {  	v5 =	vld.idx.msk [tilespmem:v5+s15+$0x0], $0xffff;
	v12 =	vadd.s32 s12, v48;
	v11 =	vor.u32 v52, v11;
	v10 =	vadd.s32 s9, v51  }
0x2cf: {  	v4 =	vld.idx.msk [tilespmem:v4+s15+$0x0], $0xffff;
	v6 =	vmul.f32 v32, v6;
	v0 =	vadd.f32 v3, v0;
	v2 =	vadd.f32 v9, v2  }
0x2d0: {  	v3 =	vmul.f32 v9, v9;
	v9 =	vor.u32 v49, v10;
	v10 =	vor.u32 v46, v12;
	v12 =	vld [tilespmem:$0x1FF80]  }
0x2d1: {  	v7 =	vld.idx.msk [tilespmem:v7+s15+$0x0], $0xffff  }
0x2d2: {  	v0 =	vadd.f32 v3, v0;
	v3 =	vmul.f32 v6, v6  }
0x2d3: {  	s20 =	sadd.s32 $0xFFFFFD00, s2;
	v8 =	vld.idx.msk [tilespmem:v8+s15+$0x0], $0xffff;
	v5 =	vmul.f32 v29, v5;
	v2 =	vadd.f32 v6, v2  }
0x2d4: {  	v6 =	vadd.s32 s20, v44;
	v0 =	vadd.f32 v3, v0  }
0x2d5: {  	v11 =	vld.idx.msk [tilespmem:v11+s15+$0x0], $0xffff;
	v2 =	vadd.f32 v5, v2;
	v3 =	vmul.f32 v5, v5;
	v4 =	vmul.f32 v12, v4  }
0x2d6: {  	v5 =	vor.u32 v41, v6;
	v6 =	vmul.f32 v27, v7  }
0x2d7: {  	v0 =	vadd.f32 v3, v0;
	v2 =	vadd.f32 v4, v2;
	v3 =	vmul.f32 v4, v4  }
0x2d8: {  	v8 =	vmul.f32 v26, v8  }
0x2d9: {  	v0 =	vadd.f32 v3, v0;
	v2 =	vadd.f32 v6, v2;
	v3 =	vmul.f32 v6, v6  }
0x2da: {  	v9 =	vld.idx.msk [tilespmem:v9+s15+$0x0], $0xffff;
	v6 =	vmul.f32 v25, v11  }
0x2db: {  	v0 =	vadd.f32 v3, v0;
	v2 =	vadd.f32 v8, v2;
	v3 =	vmul.f32 v8, v8  }
0x2dc: {  	v10 =	vld.idx.msk [tilespmem:v10+s15+$0x0], $0xffff  }
0x2dd: {  	v0 =	vadd.f32 v3, v0;
	v2 =	vadd.f32 v6, v2;
	v3 =	vmul.f32 v6, v6;
	v6 =	vld [tilespmem:$0x1FFA0]  }
0x2de: {  	s25 =	sadd.s32 $0xFFFFFD80, s2;
	s9 =	sadd.s32 $0xFFFFFE00, s2  }
0x2df: {  	s20 =	sadd.s32 $0xFFFFFF00, s2;
	v12 =	vadd.s32 s25, v42;
	v4 =	vadd.s32 s9, v37;
	v9 =	vmul.f32 v24, v9  }
0x2e0: {  	v7 =	vor.u32 v39, v12;
	v4 =	vor.u32 v36, v4;
	v5 =	vld.idx.msk [tilespmem:v5+s15+$0x0], $0xffff;
	v8 =	vadd.s32 s20, v31  }
0x2e1: {  	v0 =	vadd.f32 v3, v0;
	v2 =	vadd.f32 v9, v2;
	v3 =	vmul.f32 v9, v9;
	v9 =	vld [tilespmem:$0x1FF90]  }
0x2e2: {  	s12 =	sadd.s32 $0xFFFFFE80, s2;
	v6 =	vor.u32 v6, v8;
	v8 =	vmul.f32 v23, v10;
	v10 =	vld [tilespmem:$0x1FFB0]  }
0x2e3: {  	v12 =	vadd.s32 s12, v35  }
0x2e4: {  	s25 =	sadd.s32 $0xFFFFFF80, s2;
	v11 =	vor.u32 v33, v12  }
0x2e5: {  	v12 =	vadd.s32 s25, v30;
	v7 =	vld.idx.msk [tilespmem:v7+s15+$0x0], $0xffff;
	v5 =	vmul.f32 v22, v5  }
0x2e6: {  	v4 =	vld.idx.msk [tilespmem:v4+s15+$0x0], $0xffff;
	v0 =	vadd.f32 v3, v0;
	v9 =	vadd.s32 s2, v9;
	v2 =	vadd.f32 v8, v2  }
0x2e7: {  	v3 =	vmul.f32 v8, v8;
	v10 =	vor.u32 v10, v12;
	v12 =	vimm.s32 $0x4  }
0x2e8: {  	v8 =	vor.u32 v28, v9;
	v9 =	vimm.s32 $0x5;
	v12 =	vperm.xlane v17, v12  }
0x2e9: {  	v11 =	vld.idx.msk [tilespmem:v11+s15+$0x0], $0xffff;
	v9 =	vperm.xlane v17, v9;
	v0 =	vadd.f32 v3, v0;
	v2 =	vadd.f32 v5, v2  }
0x2ea: {  	v3 =	vmul.f32 v5, v5;
	v5 =	vimm.s32 $0x6;
	v6 =	vld.idx.msk [tilespmem:v6+s15+$0x0], $0xffff;
	v7 =	vmul.f32 v12, v7  }
0x2eb: {  	v61 =	vimm.s32 $0x7;
	v5 =	vperm.xlane v17, v5;
	v4 =	vmul.f32 v9, v4  }
0x2ec: {  	v0 =	vadd.f32 v3, v0;
	v2 =	vadd.f32 v7, v2;
	v3 =	vmul.f32 v7, v7  }
0x2ed: {  	v9 =	vld.idx.msk [tilespmem:v10+s15+$0x0], $0xffff;
	v7 =	vperm.xlane v17, v61  }
0x2ee: {  	v5 =	vmul.f32 v5, v11;
	v0 =	vadd.f32 v3, v0;
	v2 =	vadd.f32 v4, v2  }
0x2ef: {  	v8 =	vld.idx.msk [tilespmem:v8+s15+$0x0], $0xffff;
	v3 =	vmul.f32 v4, v4;
	v4 =	vmul.f32 v7, v6;
	v6 =	vimm.s32 $0x8  }
0x2f0: {  	v60 =	vimm.s32 $0x9;
	v6 =	vperm.xlane v17, v6  }
0x2f1: {  	v0 =	vadd.f32 v3, v0;
	v2 =	vadd.f32 v5, v2;
	v3 =	vmul.f32 v5, v5  }
0x2f2: {  	v5 =	vmul.f32 v6, v9;
	v6 =	vperm.xlane v17, v60  }
0x2f3: {  	v0 =	vadd.f32 v3, v0;
	v2 =	vadd.f32 v4, v2;
	v3 =	vmul.f32 v4, v4  }
0x2f4: {  	v4 =	vmul.f32 v6, v8  }
0x2f5: {  	v0 =	vadd.f32 v3, v0;
	v2 =	vadd.f32 v5, v2;
	v3 =	vmul.f32 v5, v5;
	_ =	sdelay $0x1  }
0x2f6: {  	v0 =	vadd.f32 v3, v0;
	v2 =	vadd.f32 v4, v2;
	v3 =	vmul.f32 v4, v4;
	_ =	sdelay $0x1  }
0x2f7: {  	v0 =	vadd.f32 v3, v0;
	v2 =	vmul.f32 v2, v2;
	_ =	sdelay $0x1  }
0x2f8: {  	v0 =	vsub.f32 v2, v0;
	_ =	sdelay $0x1  }
0x2f9: {  	v0 =	vmul.f32 $5.000000000e-01, v0  }
0x2fa: {  	s9 =	sadd.s32 $0x80, s29  }
0x2fb: {  	s7 =	simm.s32 @!p0 $0x68;
	s8 =	simm.s32 @!p0 $0x10400;
	s2 =	sadd.s32 @!p0 $0x280, s5;
	[tilespmem:s9+$0x0] =	vst v0  }
0x2fc: {  	[tilespmem:s8], [sflag:$0x2] =	stream.indirect.gather @!p0 [hbm4b:s3+s7], $0x80, s2, s7, $0xb8;
	[tilespmem:$0x1A000] =	vst v63  }
0x2fd: {  	_ =	swait.ge [sflag:s22], $0x3400  }
0x2fe: {  	[sflag:s22] =	ssyncset.done $0x0  }
0x2ff: {  	[sflag:s22] =	ssyncadd.s32 $0xFFFFCC00  }
0x300: {  	v17 =	vld [tilespmem:s10+$0x0];
	_ =	sdelay $0x3  }
0x301: {  	v19 =	vimm.s32 $0x2  }
0x302: {  	v0 =	vld [tilespmem:s10+$0xFFFFFFF0];
	v2 =	vperm.xlane v17, v19  }
0x303: {  	v21 =	vimm.s32 $0x3  }
0x304: {  	[tilespmem:$0x1FF10] =	vst v2;
	v2 =	vperm.xlane v17, v21;
	_ =	sdelay $0x1  }
0x305: {  	[tilespmem:$0x1FF20] =	vst v2;
	v2 =	vimm.s32 $0xE  }
0x306: {  	v25 =	vperm.xlane v0, v2;
	v2 =	vimm.s32 $0xF  }
0x307: {  	v58 =	vimm.s32 $0x4;
	v22 =	vperm.xlane v0, v2;
	v2 =	vimm.s32 $0xC  }
0x308: {  	v55 =	vimm.s32 $0x0;
	v30 =	vperm.xlane v0, v2;
	v2 =	vimm.s32 $0xD  }
0x309: {  	v5 =	vimm.s32 $0x8;
	v28 =	vperm.xlane v0, v2;
	v2 =	vimm.s32 $0xA  }
0x30a: {  	v62 =	vperm.xlane v17, v55;
	v36 =	vperm.xlane v0, v2;
	v2 =	vimm.s32 $0xB  }
0x30b: {  	v7 =	vimm.s32 $0x6;
	v41 =	vperm.xlane v0, v5;
	v33 =	vperm.xlane v0, v2;
	v2 =	vld [tilespmem:s1+$0x0]  }
0x30c: {  	v59 =	vimm.s32 $0x5;
	v39 =	vperm.xlane v0, v60;
	v45 =	vperm.xlane v0, v7  }
0x30d: {  	v57 =	vimm.s32 $0xE;
	v43 =	vperm.xlane v0, v61;
	v49 =	vperm.xlane v0, v58  }
0x30e: {  	v18 =	vimm.s32 $0x1;
	v47 =	vperm.xlane v0, v59;
	v3 =	vperm.xlane v0, v19  }
0x30f: {  	v53 =	vimm.s32 $0xD;
	v50 =	vperm.xlane v0, v21;
	v4 =	vperm.xlane v0, v55  }
0x310: {  	v56 =	vimm.s32 $0x8;
	v0 =	vperm.xlane v0, v18;
	v5 =	vperm.xlane v2, v5  }
0x311: {  	v16 =	vimm.s32 $0xC;
	v6 =	vperm.xlane v2, v60;
	v7 =	vperm.xlane v2, v7  }
0x312: {  	v54 =	vimm.s32 $0xB;
	v8 =	vperm.xlane v2, v61;
	v9 =	vperm.xlane v2, v58  }
0x313: {  	v52 =	vimm.s32 $0xF;
	v10 =	vperm.xlane v2, v59;
	v11 =	vperm.xlane v2, v19  }
0x314: {  	v15 =	vimm.s32 $0xA;
	v12 =	vperm.xlane v2, v21;
	v13 =	vperm.xlane v2, v55  }
0x315: {  	v2 =	vperm.xlane v2, v18;
	v8 =	vadd.s32 v1, v8;
	v5 =	vadd.s32 v1, v5  }
0x316: {  	v14 =	vld [tilespmem:s1+$0xFFFFFFF0];
	v6 =	vadd.s32 v1, v6;
	v9 =	vadd.s32 v1, v9;
	v10 =	vadd.s32 v1, v10  }
0x317: {  	v7 =	vadd.s32 v1, v7;
	v11 =	vadd.s32 v1, v11;
	v12 =	vadd.s32 v1, v12  }
0x318: {  	v24 =	vand.u32 $0xFFFFFF80, v6;
	v23 =	vand.u32 $0x7F, v6;
	v26 =	vand.u32 $0x7F, v8  }
0x319: {  	v29 =	vand.u32 $0xFFFFFF80, v5;
	v27 =	vand.u32 $0x7F, v5;
	v34 =	vand.u32 $0xFFFFFF80, v7  }
0x31a: {  	v32 =	vand.u32 $0x7F, v7;
	v31 =	vand.u32 $0xFFFFFF80, v8;
	v38 =	vand.u32 $0x7F, v9  }
0x31b: {  	v37 =	vand.u32 $0xFFFFFF80, v10;
	v35 =	vand.u32 $0x7F, v10;
	v5 =	vperm.xlane v14, v52  }
0x31c: {  	v6 =	vperm.xlane v14, v53;
	v40 =	vand.u32 $0x7F, v12;
	v7 =	vperm.xlane v14, v57  }
0x31d: {  	v8 =	vperm.xlane v14, v54;
	v42 =	vand.u32 $0xFFFFFF80, v9;
	v9 =	vperm.xlane v14, v16  }
0x31e: {  	v10 =	vperm.xlane v14, v60;
	v44 =	vand.u32 $0xFFFFFF80, v12;
	v12 =	vperm.xlane v14, v15  }
0x31f: {  	v15 =	vperm.xlane v14, v61;
	v46 =	vand.u32 $0x7F, v11;
	v16 =	vperm.xlane v14, v56  }
0x320: {  	v57 =	vperm.xlane v14, v55;
	v48 =	vand.u32 $0xFFFFFF80, v11;
	v11 =	vperm.xlane v14, v59  }
0x321: {  	v20 =	vimm.s32 $0x6;
	v52 =	vperm.xlane v14, v21;
	v53 =	vperm.xlane v14, v58  }
0x322: {  	v13 =	vadd.s32 v1, v13;
	v54 =	vperm.xlane v14, v19;
	v55 =	vperm.xlane v14, v18  }
0x323: {  	v14 =	vperm.xlane v14, v20;
	v51 =	vadd.s32 v1, v57;
	v11 =	vadd.s32 v1, v11  }
0x324: {  	v54 =	vadd.s32 v1, v54;
	v52 =	vadd.s32 v1, v52;
	v55 =	vadd.s32 v1, v55  }
0x325: {  	s12 =	simm.s32 $0x0;
	v53 =	vadd.s32 v1, v53;
	v7 =	vadd.s32 v1, v7;
	v56 =	vand.u32 $0xFFFFFF80, v51  }
0x326: {  	s25 =	simm.s32 $0x100;
	v51 =	vand.u32 $0x7F, v51;
	v57 =	vand.u32 $0xFFFFFF80, v54;
	v56 =	vadd.s32 s12, v56  }
0x327: {  	v54 =	vand.u32 $0x7F, v54;
	v57 =	vadd.s32 s25, v57;
	v56 =	vor.u32 v51, v56  }
0x328: {  	s20 =	simm.s32 $0x80;
	v5 =	vadd.s32 v1, v5;
	v51 =	vand.u32 $0xFFFFFF80, v55;
	v54 =	vor.u32 v54, v57  }
0x329: {  	s8 =	simm.s32 $0x200;
	v55 =	vand.u32 $0x7F, v55;
	v57 =	vand.u32 $0xFFFFFF80, v53;
	v51 =	vadd.s32 s20, v51  }
0x32a: {  	v53 =	vand.u32 $0x7F, v53;
	v57 =	vadd.s32 s8, v57;
	v55 =	vor.u32 v55, v51  }
0x32b: {  	v8 =	vadd.s32 v1, v8;
	v9 =	vadd.s32 v1, v9;
	v53 =	vor.u32 v53, v57  }
0x32c: {  	s7 =	simm.s32 $0x180;
	v6 =	vadd.s32 v1, v6;
	v16 =	vadd.s32 v1, v16;
	v51 =	vand.u32 $0xFFFFFF80, v52;
	v56 =	vld.idx.msk [tilespmem:v56+s17+$0x0], $0xffff  }
0x32d: {  	v14 =	vadd.s32 v1, v14;
	v52 =	vand.u32 $0x7F, v52;
	v51 =	vadd.s32 s7, v51;
	v54 =	vld.idx.msk [tilespmem:v54+s17+$0x0], $0xffff  }
0x32e: {  	s9 =	simm.s32 $0x280;
	v10 =	vadd.s32 v1, v10;
	v57 =	vand.u32 $0xFFFFFF80, v11;
	v52 =	vor.u32 v52, v51  }
0x32f: {  	v15 =	vadd.s32 v1, v15;
	v11 =	vand.u32 $0x7F, v11;
	v57 =	vadd.s32 s9, v57;
	v55 =	vld.idx.msk [tilespmem:v55+s17+$0x0], $0xffff  }
0x330: {  	v12 =	vadd.s32 v1, v12;
	v11 =	vor.u32 v11, v57;
	v57 =	vand.u32 $0x7F, v13;
	v53 =	vld.idx.msk [tilespmem:v53+s17+$0x0], $0xffff  }
0x331: {  	s12 =	simm.s32 $0x300;
	v13 =	vand.u32 $0xFFFFFF80, v13;
	v4 =	vmul.f32 v4, v56;
	v56 =	vand.u32 $0xFFFFFF80, v14  }
0x332: {  	v14 =	vand.u32 $0x7F, v14;
	v3 =	vmul.f32 v3, v54;
	v56 =	vadd.s32 s12, v56  }
0x333: {  	v52 =	vld.idx.msk [tilespmem:v52+s17+$0x0], $0xffff;
	v54 =	vand.u32 $0xFFFFFF80, v7;
	v7 =	vand.u32 $0x7F, v7;
	v14 =	vor.u32 v14, v56  }
0x334: {  	v56 =	vand.u32 $0xFFFFFF80, v15;
	v15 =	vand.u32 $0x7F, v15;
	v0 =	vmul.f32 v0, v55  }
0x335: {  	s20 =	simm.s32 $0x380;
	v55 =	vand.u32 $0x7F, v5;
	v5 =	vand.u32 $0xFFFFFF80, v5;
	v49 =	vmul.f32 v49, v53  }
0x336: {  	s8 =	simm.s32 $0x500;
	v53 =	vand.u32 $0x7F, v12;
	v12 =	vand.u32 $0xFFFFFF80, v12;
	v56 =	vadd.s32 s20, v56  }
0x337: {  	v12 =	vadd.s32 s8, v12;
	v15 =	vor.u32 v15, v56;
	v56 =	vand.u32 $0xFFFFFF80, v16  }
0x338: {  	s25 =	simm.s32 $0x400;
	v16 =	vand.u32 $0x7F, v16;
	v50 =	vmul.f32 v50, v52;
	v52 =	vadd.f32 $0.0e+00, v4  }
0x339: {  	v4 =	vmul.f32 v4, v4;
	v12 =	vor.u32 v53, v12;
	v56 =	vadd.s32 s25, v56  }
0x33a: {  	v53 =	vand.u32 $0x7F, v8;
	v8 =	vand.u32 $0xFFFFFF80, v8;
	v16 =	vor.u32 v16, v56  }
0x33b: {  	s7 =	simm.s32 $0x480;
	s9 =	simm.s32 $0x580;
	v11 =	vld.idx.msk [tilespmem:v11+s17+$0x0], $0xffff;
	v56 =	vand.u32 $0xFFFFFF80, v10;
	v52 =	vadd.f32 v0, v52;
	v0 =	vmul.f32 v0, v0  }
0x33c: {  	v8 =	vadd.s32 s9, v8;
	v10 =	vand.u32 $0x7F, v10;
	v56 =	vadd.s32 s7, v56  }
0x33d: {  	v14 =	vld.idx.msk [tilespmem:v14+s17+$0x0], $0xffff;
	v0 =	vadd.f32 v0, v4;
	v52 =	vadd.f32 v3, v52;
	v3 =	vmul.f32 v3, v3  }
0x33e: {  	v10 =	vor.u32 v10, v56;
	v4 =	vand.u32 $0x7F, v9;
	v9 =	vand.u32 $0xFFFFFF80, v9  }
0x33f: {  	s12 =	simm.s32 $0x600;
	v15 =	vld.idx.msk [tilespmem:v15+s17+$0x0], $0xffff;
	v0 =	vadd.f32 v3, v0;
	v3 =	vadd.f32 v50, v52;
	v50 =	vmul.f32 v50, v50  }
0x340: {  	v11 =	vmul.f32 v47, v11;
	v8 =	vor.u32 v53, v8;
	v9 =	vadd.s32 s12, v9  }
0x341: {  	v52 =	vmul.f32 v49, v49;
	v16 =	vld.idx.msk [tilespmem:v16+s17+$0x0], $0xffff;
	v0 =	vadd.f32 v50, v0;
	v3 =	vadd.f32 v49, v3  }
0x342: {  	v56 =	vand.u32 $0xFFFFFF80, v6;
	v4 =	vor.u32 v4, v9;
	v14 =	vmul.f32 v45, v14  }
0x343: {  	s20 =	simm.s32 $0x680;
	v9 =	vld.idx.msk [tilespmem:v10+s17+$0x0], $0xffff;
	v10 =	vmul.f32 v11, v11;
	v0 =	vadd.f32 v52, v0;
	v3 =	vadd.f32 v11, v3  }
0x344: {  	v6 =	vand.u32 $0x7F, v6;
	v11 =	vadd.s32 s20, v56;
	v15 =	vmul.f32 v43, v15  }
0x345: {  	s25 =	simm.s32 $0x700;
	v12 =	vld.idx.msk [tilespmem:v12+s17+$0x0], $0xffff;
	v0 =	vadd.f32 v10, v0;
	v3 =	vadd.f32 v14, v3;
	v10 =	vmul.f32 v14, v14  }
0x346: {  	v56 =	vadd.s32 s25, v54;
	v6 =	vor.u32 v6, v11;
	v11 =	vmul.f32 v41, v16  }
0x347: {  	s7 =	simm.s32 $0x780;
	v8 =	vld.idx.msk [tilespmem:v8+s17+$0x0], $0xffff;
	v0 =	vadd.f32 v10, v0;
	v3 =	vadd.f32 v15, v3;
	v10 =	vmul.f32 v15, v15  }
0x348: {  	v5 =	vadd.s32 s7, v5;
	v7 =	vor.u32 v7, v56;
	v9 =	vmul.f32 v39, v9  }
0x349: {  	s8 =	simm.s32 $0x800;
	v4 =	vld.idx.msk [tilespmem:v4+s17+$0x0], $0xffff;
	v0 =	vadd.f32 v10, v0;
	v3 =	vadd.f32 v11, v3;
	v10 =	vmul.f32 v11, v11  }
0x34a: {  	v13 =	vadd.s32 s8, v13;
	v5 =	vor.u32 v55, v5;
	v11 =	vmul.f32 v36, v12  }
0x34b: {  	v6 =	vld.idx.msk [tilespmem:v6+s17+$0x0], $0xffff;
	v0 =	vadd.f32 v10, v0;
	v3 =	vadd.f32 v9, v3;
	v9 =	vmul.f32 v9, v9  }
0x34c: {  	v2 =	vadd.s32 v1, v2;
	v8 =	vmul.f32 v33, v8;
	v12 =	vor.u32 v57, v13  }
0x34d: {  	v7 =	vld.idx.msk [tilespmem:v7+s17+$0x0], $0xffff;
	v0 =	vadd.f32 v9, v0;
	v3 =	vadd.f32 v11, v3;
	v9 =	vmul.f32 v11, v11  }
0x34e: {  	v51 =	vand.u32 $0x7F, v2;
	v2 =	vand.u32 $0xFFFFFF80, v2;
	v4 =	vmul.f32 v30, v4  }
0x34f: {  	s9 =	simm.s32 $0x880;
	s12 =	simm.s32 $0x900;
	v5 =	vld.idx.msk [tilespmem:v5+s17+$0x0], $0xffff;
	v0 =	vadd.f32 v9, v0;
	v3 =	vadd.f32 v8, v3;
	v8 =	vmul.f32 v8, v8  }
0x350: {  	v2 =	vadd.s32 s9, v2;
	v10 =	vadd.s32 s12, v48;
	v6 =	vmul.f32 v28, v6  }
0x351: {  	v12 =	vld.idx.msk [tilespmem:v12+s17+$0x0], $0xffff;
	v0 =	vadd.f32 v8, v0;
	v3 =	vadd.f32 v4, v3;
	v4 =	vmul.f32 v4, v4  }
0x352: {  	v2 =	vor.u32 v51, v2;
	v10 =	vor.u32 v46, v10;
	v7 =	vmul.f32 v25, v7  }
0x353: {  	v0 =	vadd.f32 v4, v0;
	v3 =	vadd.f32 v6, v3;
	v4 =	vmul.f32 v6, v6  }
0x354: {  	v5 =	vmul.f32 v22, v5  }
0x355: {  	s20 =	simm.s32 $0x980;
	v0 =	vadd.f32 v4, v0;
	v3 =	vadd.f32 v7, v3;
	v4 =	vmul.f32 v7, v7  }
0x356: {  	v9 =	vadd.s32 s20, v44;
	v7 =	vmul.f32 v62, v12  }
0x357: {  	v2 =	vld.idx.msk [tilespmem:v2+s17+$0x0], $0xffff;
	v0 =	vadd.f32 v4, v0;
	v3 =	vadd.f32 v5, v3;
	v4 =	vmul.f32 v5, v5  }
0x358: {  	v8 =	vor.u32 v40, v9;
	v10 =	vld.idx.msk [tilespmem:v10+s17+$0x0], $0xffff  }
0x359: {  	s25 =	simm.s32 $0xA00;
	v0 =	vadd.f32 v4, v0;
	v3 =	vadd.f32 v7, v3;
	v4 =	vmul.f32 v7, v7;
	v7 =	vld [tilespmem:$0x1FF10]  }
0x35a: {  	v63 =	vperm.xlane v17, v18;
	v11 =	vadd.s32 s25, v42  }
0x35b: {  	v9 =	vor.u32 v38, v11  }
0x35c: {  	s8 =	simm.s32 $0xA80;
	s9 =	simm.s32 $0xB00;
	v2 =	vmul.f32 v63, v2;
	s20 =	simm.s32 $0xC00  }
0x35d: {  	v11 =	vadd.s32 s9, v34;
	v6 =	vadd.s32 s8, v37;
	v12 =	vadd.s32 s20, v29;
	v8 =	vld.idx.msk [tilespmem:v8+s17+$0x0], $0xffff  }
0x35e: {  	s12 =	simm.s32 $0xB80;
	v6 =	vor.u32 v35, v6;
	v7 =	vmul.f32 v7, v10;
	v10 =	vor.u32 v27, v12;
	v12 =	vld [tilespmem:$0x1FF20]  }
0x35f: {  	v11 =	vor.u32 v32, v11;
	v5 =	vadd.s32 s12, v31  }
0x360: {  	v9 =	vld.idx.msk [tilespmem:v9+s17+$0x0], $0xffff;
	v0 =	vadd.f32 v4, v0;
	v3 =	vadd.f32 v2, v3;
	v2 =	vmul.f32 v2, v2  }
0x361: {  	v5 =	vor.u32 v26, v5  }
0x362: {  	s25 =	simm.s32 $0xC80;
	v0 =	vadd.f32 v2, v0;
	v2 =	vadd.f32 v7, v3;
	v3 =	vmul.f32 v7, v7  }
0x363: {  	v6 =	vld.idx.msk [tilespmem:v6+s17+$0x0], $0xffff;
	v4 =	vadd.s32 s25, v24;
	v8 =	vmul.f32 v12, v8;
	v12 =	vperm.xlane v17, v58  }
0x364: {  	v11 =	vld.idx.msk [tilespmem:v11+s17+$0x0], $0xffff;
	v4 =	vor.u32 v23, v4  }
0x365: {  	v0 =	vadd.f32 v3, v0;
	v7 =	vmul.f32 v12, v9;
	v3 =	vmul.f32 v8, v8  }
0x366: {  	v5 =	vld.idx.msk [tilespmem:v5+s17+$0x0], $0xffff;
	v9 =	vperm.xlane v17, v59;
	v2 =	vadd.f32 v8, v2;
	v8 =	vimm.s32 $0x6  }
0x367: {  	v8 =	vperm.xlane v17, v8;
	v0 =	vadd.f32 v3, v0;
	v3 =	vmul.f32 v7, v7  }
0x368: {  	v6 =	vmul.f32 v9, v6;
	v9 =	vld.idx.msk [tilespmem:v10+s17+$0x0], $0xffff;
	v2 =	vadd.f32 v7, v2  }
0x369: {  	v7 =	vmul.f32 v8, v11;
	v8 =	vperm.xlane v17, v61;
	v0 =	vadd.f32 v3, v0  }
0x36a: {  	v4 =	vld.idx.msk [tilespmem:v4+s17+$0x0], $0xffff;
	v2 =	vadd.f32 v6, v2;
	v3 =	vmul.f32 v6, v6;
	v6 =	vimm.s32 $0x8  }
0x36b: {  	v5 =	vmul.f32 v8, v5;
	v6 =	vperm.xlane v17, v6  }
0x36c: {  	v0 =	vadd.f32 v3, v0;
	v2 =	vadd.f32 v7, v2;
	v3 =	vmul.f32 v7, v7  }
0x36d: {  	v7 =	vperm.xlane v17, v60;
	v6 =	vmul.f32 v6, v9  }
0x36e: {  	v0 =	vadd.f32 v3, v0;
	v2 =	vadd.f32 v5, v2;
	v3 =	vmul.f32 v5, v5  }
0x36f: {  	v4 =	vmul.f32 v7, v4  }
0x370: {  	v0 =	vadd.f32 v3, v0;
	v2 =	vadd.f32 v6, v2;
	v3 =	vmul.f32 v6, v6;
	_ =	sdelay $0x1  }
0x371: {  	v0 =	vadd.f32 v3, v0;
	v2 =	vadd.f32 v4, v2;
	v3 =	vmul.f32 v4, v4;
	_ =	sdelay $0x1  }
0x372: {  	v0 =	vadd.f32 v3, v0;
	v2 =	vmul.f32 v2, v2;
	_ =	sdelay $0x1  }
0x373: {  	v0 =	vsub.f32 v2, v0;
	_ =	sdelay $0x1  }
0x374: {  	v0 =	vmul.f32 $5.000000000e-01, v0;
	_ =	sdelay $0x1  }
0x375: {  	s7 =	sadd.s32 $0x80, s10;
	[tilespmem:s0+$0x0] =	vst v0  }
0x376: {  	v17 =	vld [tilespmem:s7+$0x0];
	_ =	sdelay $0x1  }
0x377: {  	v0 =	vld [tilespmem:s7+$0xFFFFFFF0];
	_ =	sdelay $0x1  }
0x378: {  	v20 =	vimm.s32 $0x0;
	v41 =	vimm.s32 $0xF  }
0x379: {  	v13 =	vimm.s32 $0xE;
	v48 =	vimm.s32 $0xA;
	v23 =	vperm.xlane v17, v19  }
0x37a: {  	v46 =	vimm.s32 $0xC;
	v22 =	vperm.xlane v17, v21;
	v25 =	vperm.xlane v17, v20  }
0x37b: {  	v12 =	vimm.s32 $0xD;
	v24 =	vperm.xlane v17, v18;
	v27 =	vperm.xlane v0, v13  }
0x37c: {  	v11 =	vimm.s32 $0xB;
	v26 =	vperm.xlane v0, v41;
	v29 =	vperm.xlane v0, v46  }
0x37d: {  	s8 =	sadd.s32 $0x80, s1;
	v3 =	vimm.s32 $0x8;
	v2 =	vperm.xlane v0, v12;
	v34 =	vperm.xlane v0, v48  }
0x37e: {  	v4 =	vimm.s32 $0x6;
	v62 =	vld [tilespmem:s8+$0xFFFFFFF0];
	v32 =	vperm.xlane v0, v11;
	v40 =	vperm.xlane v0, v3  }
0x37f: {  	v6 =	vimm.s32 $0x4;
	v38 =	vperm.xlane v0, v60;
	v45 =	vperm.xlane v0, v4  }
0x380: {  	v7 =	vimm.s32 $0x5;
	v43 =	vperm.xlane v0, v61;
	v50 =	vperm.xlane v0, v6  }
0x381: {  	v47 =	vperm.xlane v0, v7;
	v55 =	vperm.xlane v0, v19  }
0x382: {  	v53 =	vperm.xlane v0, v21;
	v57 =	vperm.xlane v0, v20;
	[tilespmem:$0x1FF30] =	vst v2;
	v2 =	vld [tilespmem:s8+$0x0]  }
0x383: {  	v56 =	vperm.xlane v0, v18;
	v59 =	vperm.xlane v62, v41  }
0x384: {  	v58 =	vperm.xlane v62, v12;
	v12 =	vperm.xlane v62, v13  }
0x385: {  	v14 =	vimm.s32 $0x8;
	v13 =	vperm.xlane v62, v11;
	v63 =	vperm.xlane v62, v46  }
0x386: {  	v11 =	vperm.xlane v62, v60;
	v14 =	vperm.xlane v62, v14  }
0x387: {  	v0 =	vperm.xlane v2, v3;
	v3 =	vperm.xlane v2, v60  }
0x388: {  	v4 =	vperm.xlane v2, v4;
	v5 =	vperm.xlane v2, v61  }
0x389: {  	v6 =	vperm.xlane v2, v6;
	v7 =	vperm.xlane v2, v7  }
0x38a: {  	v51 =	vimm.s32 $0x6;
	v8 =	vperm.xlane v2, v19;
	v9 =	vperm.xlane v2, v21  }
0x38b: {  	v52 =	vimm.s32 $0x4;
	v10 =	vperm.xlane v2, v20;
	v2 =	vperm.xlane v2, v18  }
0x38c: {  	v15 =	vimm.s32 $0x5;
	v60 =	vperm.xlane v62, v48;
	v61 =	vperm.xlane v62, v61  }
0x38d: {  	v5 =	vadd.s32 v1, v5;
	v0 =	vadd.s32 v1, v0;
	v3 =	vadd.s32 v1, v3  }
0x38e: {  	v6 =	vadd.s32 v1, v6;
	v7 =	vadd.s32 v1, v7;
	v4 =	vadd.s32 v1, v4  }
0x38f: {  	v16 =	vadd.s32 v1, v2;
	v2 =	vadd.s32 v1, v8;
	v8 =	vadd.s32 v1, v9  }
0x390: {  	v9 =	vadd.s32 v1, v10;
	v10 =	vand.u32 $0xFFFFFF80, v3;
	v28 =	vand.u32 $0x7F, v3  }
0x391: {  	v3 =	vand.u32 $0x7F, v5;
	v30 =	vand.u32 $0xFFFFFF80, v0;
	v0 =	vand.u32 $0x7F, v0  }
0x392: {  	v35 =	vand.u32 $0xFFFFFF80, v4;
	v33 =	vand.u32 $0x7F, v4;
	v31 =	vand.u32 $0xFFFFFF80, v5  }
0x393: {  	v39 =	vand.u32 $0x7F, v6;
	v37 =	vand.u32 $0xFFFFFF80, v7;
	v36 =	vand.u32 $0x7F, v7  }
0x394: {  	v41 =	vand.u32 $0x7F, v8;
	v42 =	vand.u32 $0xFFFFFF80, v6;
	v44 =	vand.u32 $0xFFFFFF80, v8  }
0x395: {  	v46 =	vand.u32 $0x7F, v2;
	v48 =	vand.u32 $0xFFFFFF80, v2;
	v49 =	vand.u32 $0x7F, v16  }
0x396: {  	v2 =	vperm.xlane v62, v15;
	v15 =	vperm.xlane v62, v51;
	v51 =	vand.u32 $0xFFFFFF80, v16;
	[tilespmem:$0x1FF40] =	vst v10  }
0x397: {  	v16 =	vperm.xlane v62, v52;
	v52 =	vand.u32 $0x7F, v9;
	v4 =	vperm.xlane v62, v19;
	[tilespmem:$0x1FF50] =	vst v3  }
0x398: {  	s29 =	smov.u32 s0;
	s2 =	simm.s32 $0x33;
	s9 =	simm.s32 $0x4D;
	v54 =	vand.u32 $0xFFFFFF80, v9;
	[tilespmem:$0x1FF60] =	vst v0;
	v0 =	vperm.xlane v62, v21;
	v3 =	vperm.xlane v62, v18  }
.LBB2_7:
0x399: {  	v5 =	vperm.xlane v62, v20;
	v6 =	vadd.s32 v1, v12  }
0x39a: {  	v7 =	vadd.s32 v1, v59;
	v8 =	vadd.s32 v1, v13;
	v9 =	vadd.s32 v1, v63  }
0x39b: {  	v10 =	vadd.s32 v1, v58;
	v12 =	vadd.s32 v1, v14;
	v11 =	vadd.s32 v1, v11  }
0x39c: {  	v13 =	vadd.s32 v1, v60;
	v2 =	vadd.s32 v1, v2;
	v14 =	vadd.s32 v1, v15  }
0x39d: {  	v15 =	vadd.s32 v1, v61;
	v4 =	vadd.s32 v1, v4;
	v0 =	vadd.s32 v1, v0  }
0x39e: {  	v16 =	vadd.s32 v1, v16;
	v3 =	vadd.s32 v1, v3;
	v5 =	vadd.s32 v1, v5  }
0x39f: {  	s25 =	sshll.u32 s2, $0x7;
	v58 =	vand.u32 $0x7F, v7;
	v61 =	vand.u32 $0xFFFFFF80, v6;
	v59 =	vand.u32 $0x7F, v6  }
0x3a0: {  	s12 =	sadd.s32 $0xFFFFF380, s25;
	v60 =	vand.u32 $0xFFFFFF80, v7;
	v7 =	vand.u32 $0xFFFFFF80, v10;
	v6 =	vand.u32 $0xFFFFFF80, v5  }
0x3a1: {  	v62 =	vand.u32 $0x7F, v9;
	v5 =	vand.u32 $0x7F, v5;
	v6 =	vadd.s32 s12, v6  }
0x3a2: {  	s20 =	sadd.s32 $0xFFFFF400, s25;
	v63 =	vand.u32 $0xFFFFFF80, v4;
	v5 =	vor.u32 v5, v6;
	v6 =	vand.u32 $0xFFFFFF80, v3  }
0x3a3: {  	v4 =	vand.u32 $0x7F, v4;
	v3 =	vand.u32 $0x7F, v3;
	v6 =	vadd.s32 s20, v6;
	s20 =	sadd.s32 $0xFFFFF480, s25  }
0x3a4: {  	v18 =	vand.u32 $0x7F, v13;
	v3 =	vor.u32 v3, v6;
	v6 =	vadd.s32 s20, v63  }
0x3a5: {  	v13 =	vand.u32 $0xFFFFFF80, v13;
	s20 =	sadd.s32 $0xFFFFF500, s25;
	v4 =	vor.u32 v4, v6;
	v6 =	vand.u32 $0xFFFFFF80, v0  }
0x3a6: {  	v19 =	vand.u32 $0x7F, v11;
	v0 =	vand.u32 $0x7F, v0;
	v6 =	vadd.s32 s20, v6  }
0x3a7: {  	v11 =	vand.u32 $0xFFFFFF80, v11;
	s20 =	sadd.s32 $0xFFFFF580, s25;
	v5 =	vld.idx.msk [tilespmem:v5+s17+$0x0], $0xffff;
	v0 =	vor.u32 v0, v6;
	v6 =	vand.u32 $0xFFFFFF80, v16  }
0x3a8: {  	v20 =	vand.u32 $0x7F, v12;
	v16 =	vand.u32 $0x7F, v16;
	v6 =	vadd.s32 s20, v6  }
0x3a9: {  	v12 =	vand.u32 $0xFFFFFF80, v12;
	s20 =	sadd.s32 $0xFFFFF600, s25;
	v3 =	vld.idx.msk [tilespmem:v3+s17+$0x0], $0xffff;
	v6 =	vor.u32 v16, v6;
	v16 =	vand.u32 $0xFFFFFF80, v2  }
0x3aa: {  	v63 =	vand.u32 $0x7F, v8;
	v2 =	vand.u32 $0x7F, v2;
	v16 =	vadd.s32 s20, v16  }
0x3ab: {  	v8 =	vand.u32 $0xFFFFFF80, v8;
	v4 =	vld.idx.msk [tilespmem:v4+s17+$0x0], $0xffff;
	s20 =	sadd.s32 $0xFFFFF680, s25;
	v2 =	vor.u32 v2, v16;
	v16 =	vand.u32 $0xFFFFFF80, v14  }
0x3ac: {  	v14 =	vand.u32 $0x7F, v14;
	v0 =	vld.idx.msk [tilespmem:v0+s17+$0x0], $0xffff;
	v16 =	vadd.s32 s20, v16;
	v5 =	vmul.f32 v57, v5  }
0x3ad: {  	s12 =	sadd.s32 $0xFFFFF700, s25;
	v14 =	vor.u32 v14, v16;
	v16 =	vand.u32 $0xFFFFFF80, v15;
	v15 =	vand.u32 $0x7F, v15  }
0x3ae: {  	s20 =	sadd.s32 $0xFFFFF780, s25;
	v6 =	vld.idx.msk [tilespmem:v6+s17+$0x0], $0xffff;
	v16 =	vadd.s32 s12, v16;
	v57 =	vadd.f32 $0.0e+00, v5;
	v3 =	vmul.f32 v56, v3  }
0x3af: {  	v12 =	vadd.s32 s20, v12;
	v5 =	vmul.f32 v5, v5;
	v15 =	vor.u32 v15, v16  }
0x3b0: {  	s20 =	sadd.s32 $0xFFFFF800, s25;
	v4 =	vmul.f32 v55, v4;
	v2 =	vld.idx.msk [tilespmem:v2+s17+$0x0], $0xffff;
	v16 =	vadd.f32 v3, v57;
	v3 =	vmul.f32 v3, v3  }
0x3b1: {  	v12 =	vor.u32 v20, v12;
	v11 =	vadd.s32 s20, v11;
	v0 =	vmul.f32 v53, v0  }
0x3b2: {  	s20 =	sadd.s32 $0xFFFFF880, s25;
	v14 =	vld.idx.msk [tilespmem:v14+s17+$0x0], $0xffff;
	v3 =	vadd.f32 v3, v5;
	v5 =	vadd.f32 v4, v16;
	v4 =	vmul.f32 v4, v4  }
0x3b3: {  	v11 =	vor.u32 v19, v11;
	v13 =	vadd.s32 s20, v13;
	v6 =	vmul.f32 v50, v6  }
0x3b4: {  	s20 =	sadd.s32 $0xFFFFF900, s25;
	v15 =	vld.idx.msk [tilespmem:v15+s17+$0x0], $0xffff;
	v3 =	vadd.f32 v4, v3;
	v4 =	vadd.f32 v0, v5;
	v0 =	vmul.f32 v0, v0  }
0x3b5: {  	v13 =	vor.u32 v18, v13;
	v8 =	vadd.s32 s20, v8;
	v2 =	vmul.f32 v47, v2  }
0x3b6: {  	v5 =	vld.idx.msk [tilespmem:v12+s17+$0x0], $0xffff;
	v0 =	vadd.f32 v0, v3;
	v3 =	vadd.f32 v6, v4;
	v4 =	vmul.f32 v6, v6  }
0x3b7: {  	v9 =	vand.u32 $0xFFFFFF80, v9;
	v8 =	vor.u32 v63, v8;
	v6 =	vmul.f32 v45, v14  }
0x3b8: {  	s20 =	sadd.s32 $0xFFFFF980, s25;
	v11 =	vld.idx.msk [tilespmem:v11+s17+$0x0], $0xffff;
	v0 =	vadd.f32 v4, v0;
	v3 =	vadd.f32 v2, v3;
	v2 =	vmul.f32 v2, v2  }
0x3b9: {  	v10 =	vand.u32 $0x7F, v10;
	v9 =	vadd.s32 s20, v9;
	v4 =	vmul.f32 v43, v15  }
0x3ba: {  	s20 =	sadd.s32 $0xFFFFFA00, s25;
	v12 =	vld.idx.msk [tilespmem:v13+s17+$0x0], $0xffff;
	v0 =	vadd.f32 v2, v0;
	v2 =	vadd.f32 v6, v3;
	v3 =	vmul.f32 v6, v6  }
0x3bb: {  	v9 =	vor.u32 v62, v9;
	v7 =	vadd.s32 s20, v7;
	v5 =	vmul.f32 v40, v5  }
0x3bc: {  	s20 =	sadd.s32 $0xFFFFFA80, s25;
	v6 =	vld.idx.msk [tilespmem:v8+s17+$0x0], $0xffff;
	v0 =	vadd.f32 v3, v0;
	v2 =	vadd.f32 v4, v2;
	v3 =	vmul.f32 v4, v4  }
0x3bd: {  	v7 =	vor.u32 v10, v7;
	v10 =	vadd.s32 s20, v61;
	v4 =	vmul.f32 v38, v11  }
0x3be: {  	s20 =	sadd.s32 $0xFFFFFB00, s25;
	v0 =	vadd.f32 v3, v0;
	v2 =	vadd.f32 v5, v2;
	v3 =	vmul.f32 v5, v5  }
0x3bf: {  	v8 =	vor.u32 v59, v10;
	v10 =	vadd.s32 s20, v60;
	v5 =	vmul.f32 v34, v12  }
0x3c0: {  	v0 =	vadd.f32 v3, v0;
	v2 =	vadd.f32 v4, v2;
	v3 =	vmul.f32 v4, v4  }
0x3c1: {  	v10 =	vor.u32 v58, v10;
	v4 =	vmul.f32 v32, v6  }
0x3c2: {  	v9 =	vld.idx.msk [tilespmem:v9+s17+$0x0], $0xffff;
	s20 =	sadd.s32 $0xFFFFFB80, s25;
	v0 =	vadd.f32 v3, v0;
	v2 =	vadd.f32 v5, v2;
	v3 =	vmul.f32 v5, v5  }
0x3c3: {  	v7 =	vld.idx.msk [tilespmem:v7+s17+$0x0], $0xffff;
	v11 =	vadd.s32 s20, v54  }
0x3c4: {  	s20 =	sadd.s32 $0xFFFFFC00, s25;
	v0 =	vadd.f32 v3, v0;
	v2 =	vadd.f32 v4, v2;
	v3 =	vmul.f32 v4, v4;
	v4 =	vld [tilespmem:$0x1FF30]  }
0x3c5: {  	v11 =	vor.u32 v52, v11;
	v12 =	vadd.s32 s20, v51;
	v6 =	vld.idx.msk [tilespmem:v8+s17+$0x0], $0xffff  }
0x3c6: {  	s20 =	sadd.s32 $0xFFFFFC80, s25;
	v8 =	vor.u32 v49, v12  }
0x3c7: {  	v12 =	vadd.s32 s20, v48;
	s20 =	sadd.s32 $0xFFFFFD00, s25;
	v5 =	vmul.f32 v29, v9;
	v9 =	vld.idx.msk [tilespmem:v10+s17+$0x0], $0xffff  }
0x3c8: {  	v10 =	vor.u32 v46, v12;
	v12 =	vadd.s32 s20, v44;
	v0 =	vadd.f32 v3, v0  }
0x3c9: {  	s20 =	sadd.s32 $0xFFFFFD80, s25;
	v2 =	vadd.f32 v5, v2;
	v3 =	vmul.f32 v5, v5;
	v4 =	vmul.f32 v4, v7  }
0x3ca: {  	v5 =	vmul.f32 v27, v6;
	v7 =	vld.idx.msk [tilespmem:v11+s17+$0x0], $0xffff;
	v11 =	vor.u32 v41, v12;
	v12 =	vadd.s32 s20, v42  }
0x3cb: {  	v6 =	vld.idx.msk [tilespmem:v8+s17+$0x0], $0xffff;
	v0 =	vadd.f32 v3, v0;
	s20 =	sadd.s32 $0xFFFFFE00, s25;
	v8 =	vor.u32 v39, v12;
	v3 =	vmul.f32 v4, v4  }
0x3cc: {  	v12 =	vadd.s32 s20, v37;
	v2 =	vadd.f32 v4, v2;
	v4 =	vmul.f32 v26, v9  }
0x3cd: {  	v9 =	vld.idx.msk [tilespmem:v10+s17+$0x0], $0xffff;
	v10 =	vor.u32 v36, v12;
	v0 =	vadd.f32 v3, v0;
	v3 =	vmul.f32 v5, v5  }
0x3ce: {  	v2 =	vadd.f32 v5, v2  }
0x3cf: {  	v0 =	vadd.f32 v3, v0;
	v3 =	vmul.f32 v4, v4  }
0x3d0: {  	v5 =	vmul.f32 v25, v7;
	v2 =	vadd.f32 v4, v2;
	v4 =	vmul.f32 v24, v6;
	v6 =	vld.idx.msk [tilespmem:v8+s17+$0x0], $0xffff  }
0x3d1: {  	v8 =	vld [tilespmem:$0x1FF50];
	v0 =	vadd.f32 v3, v0  }
0x3d2: {  	v2 =	vadd.f32 v5, v2;
	v3 =	vmul.f32 v5, v5;
	v5 =	vmul.f32 v23, v9;
	v9 =	vld.idx.msk [tilespmem:v10+s17+$0x0], $0xffff  }
0x3d3: {  	v10 =	vld [tilespmem:$0x1FF60]  }
0x3d4: {  	s20 =	sadd.s32 $0xFFFFFE80, s25;
	v7 =	vld.idx.msk [tilespmem:v11+s17+$0x0], $0xffff  }
0x3d5: {  	v12 =	vadd.s32 s20, v35;
	s20 =	sadd.s32 $0xFFFFFF00, s25  }
0x3d6: {  	v11 =	vor.u32 v33, v12;
	v12 =	vadd.s32 s20, v31;
	s20 =	sadd.s32 $0xFFFFFF80, s25  }
0x3d7: {  	v8 =	vor.u32 v8, v12;
	v12 =	vadd.s32 s20, v30  }
0x3d8: {  	v0 =	vadd.f32 v3, v0;
	v3 =	vmul.f32 v4, v4;
	v10 =	vor.u32 v10, v12;
	v12 =	vld [tilespmem:$0x1FF40]  }
0x3d9: {  	v52 =	vimm.s32 $0x4;
	v2 =	vadd.f32 v4, v2;
	v4 =	vmul.f32 v22, v7  }
0x3da: {  	v7 =	vperm.xlane v17, v52;
	v0 =	vadd.f32 v3, v0;
	v3 =	vmul.f32 v5, v5  }
0x3db: {  	v19 =	vimm.s32 $0x5;
	v18 =	vimm.s32 $0x6;
	v11 =	vld.idx.msk [tilespmem:v11+s17+$0x0], $0xffff;
	v2 =	vadd.f32 v5, v2  }
0x3dc: {  	v5 =	vmul.f32 v7, v6;
	v6 =	vperm.xlane v17, v19;
	v0 =	vadd.f32 v3, v0  }
0x3dd: {  	v2 =	vadd.f32 v4, v2;
	v3 =	vmul.f32 v4, v4;
	v12 =	vadd.s32 s25, v12  }
0x3de: {  	v4 =	vmul.f32 v6, v9;
	v6 =	vperm.xlane v17, v18;
	v7 =	vld.idx.msk [tilespmem:v8+s17+$0x0], $0xffff;
	v12 =	vor.u32 v28, v12  }
0x3df: {  	v0 =	vadd.f32 v3, v0;
	v3 =	vmul.f32 v5, v5  }
0x3e0: {  	v15 =	vimm.s32 $0x7;
	v2 =	vadd.f32 v5, v2;
	v5 =	vmul.f32 v6, v11  }
0x3e1: {  	v6 =	vperm.xlane v17, v15;
	v8 =	vld.idx.msk [tilespmem:v10+s17+$0x0], $0xffff;
	v0 =	vadd.f32 v3, v0;
	v3 =	vmul.f32 v4, v4  }
0x3e2: {  	v14 =	vimm.s32 $0x8;
	v2 =	vadd.f32 v4, v2  }
0x3e3: {  	v0 =	vadd.f32 v3, v0;
	v3 =	vmul.f32 v5, v5;
	v4 =	vmul.f32 v6, v7;
	v9 =	vld.idx.msk [tilespmem:v12+s17+$0x0], $0xffff  }
0x3e4: {  	v2 =	vadd.f32 v5, v2;
	v6 =	vperm.xlane v17, v14  }
0x3e5: {  	v11 =	vimm.s32 $0x9;
	v0 =	vadd.f32 v3, v0;
	v3 =	vmul.f32 v4, v4  }
0x3e6: {  	v5 =	vmul.f32 v6, v8;
	v6 =	vperm.xlane v17, v11;
	v2 =	vadd.f32 v4, v2  }
0x3e7: {  	v0 =	vadd.f32 v3, v0  }
0x3e8: {  	v2 =	vadd.f32 v5, v2;
	v3 =	vmul.f32 v5, v5;
	v4 =	vmul.f32 v6, v9;
	_ =	sdelay $0x1  }
0x3e9: {  	v0 =	vadd.f32 v3, v0;
	v2 =	vadd.f32 v4, v2;
	v3 =	vmul.f32 v4, v4;
	_ =	sdelay $0x1  }
0x3ea: {  	v0 =	vadd.f32 v3, v0;
	v2 =	vmul.f32 v2, v2;
	_ =	sdelay $0x1  }
0x3eb: {  	v0 =	vsub.f32 v2, v0;
	_ =	sdelay $0x1  }
0x3ec: {  	v0 =	vmul.f32 $5.000000000e-01, v0  }
0x3ed: {  	s29 =	sadd.s32 $0x80, s29  }
0x3ee: {  	s7 =	sadd.s32 $0x80, s7;
	[tilespmem:s29+$0x0] =	vst v0  }
0x3ef: {  	v17 =	vld [tilespmem:s7+$0x0];
	_ =	sdelay $0x1  }
0x3f0: {  	v0 =	vld [tilespmem:s7+$0xFFFFFFF0]  }
0x3f1: {  	v21 =	vimm.s32 $0x2;
	v20 =	vimm.s32 $0x0;
	v13 =	vimm.s32 $0xB  }
0x3f2: {  	v54 =	vimm.s32 $0x1;
	v49 =	vimm.s32 $0xE;
	v22 =	vimm.s32 $0x3  }
0x3f3: {  	v46 =	vimm.s32 $0xC;
	v28 =	vperm.xlane v17, v21;
	v23 =	vperm.xlane v17, v22  }
0x3f4: {  	v12 =	vimm.s32 $0xF;
	v25 =	vperm.xlane v17, v20;
	v24 =	vperm.xlane v17, v54  }
0x3f5: {  	v44 =	vimm.s32 $0xD;
	v27 =	vperm.xlane v0, v49;
	v26 =	vperm.xlane v0, v12  }
0x3f6: {  	v48 =	vimm.s32 $0xA;
	v29 =	vperm.xlane v0, v46;
	v2 =	vperm.xlane v0, v44  }
0x3f7: {  	s8 =	sadd.s32 $0x80, s8;
	v34 =	vperm.xlane v0, v48;
	v32 =	vperm.xlane v0, v13  }
0x3f8: {  	v62 =	vld [tilespmem:s8+$0xFFFFFFF0];
	v40 =	vperm.xlane v0, v14;
	v38 =	vperm.xlane v0, v11  }
0x3f9: {  	v45 =	vperm.xlane v0, v18;
	v43 =	vperm.xlane v0, v15  }
0x3fa: {  	v50 =	vperm.xlane v0, v52;
	v47 =	vperm.xlane v0, v19  }
0x3fb: {  	v55 =	vperm.xlane v0, v21;
	v53 =	vperm.xlane v0, v22;
	[tilespmem:$0x1FF30] =	vst v2;
	v2 =	vld [tilespmem:s8+$0x0]  }
0x3fc: {  	v57 =	vperm.xlane v0, v20;
	v56 =	vperm.xlane v0, v54  }
0x3fd: {  	v59 =	vperm.xlane v62, v12;
	v58 =	vperm.xlane v62, v44  }
0x3fe: {  	v12 =	vperm.xlane v62, v49;
	v13 =	vperm.xlane v62, v13  }
0x3ff: {  	v63 =	vperm.xlane v62, v46;
	v60 =	vperm.xlane v62, v48  }
0x400: {  	v61 =	vperm.xlane v62, v15;
	v0 =	vperm.xlane v2, v14  }
0x401: {  	v3 =	vperm.xlane v2, v11;
	v4 =	vperm.xlane v2, v18  }
0x402: {  	v5 =	vperm.xlane v2, v15;
	v6 =	vperm.xlane v2, v52  }
0x403: {  	v7 =	vperm.xlane v2, v19;
	v8 =	vperm.xlane v2, v21  }
0x404: {  	v9 =	vperm.xlane v2, v22;
	v10 =	vperm.xlane v2, v20  }
0x405: {  	v2 =	vperm.xlane v2, v54;
	v11 =	vperm.xlane v62, v11  }
0x406: {  	v14 =	vperm.xlane v62, v14;
	v15 =	vperm.xlane v62, v18  }
0x407: {  	v5 =	vadd.s32 v1, v5;
	v0 =	vadd.s32 v1, v0;
	v3 =	vadd.s32 v1, v3  }
0x408: {  	v6 =	vadd.s32 v1, v6;
	v7 =	vadd.s32 v1, v7;
	v4 =	vadd.s32 v1, v4  }
0x409: {  	v16 =	vadd.s32 v1, v2;
	v2 =	vadd.s32 v1, v8;
	v8 =	vadd.s32 v1, v9  }
0x40a: {  	v9 =	vadd.s32 v1, v10;
	v10 =	vand.u32 $0xFFFFFF80, v3;
	v3 =	vand.u32 $0x7F, v3  }
0x40b: {  	v30 =	vand.u32 $0xFFFFFF80, v0;
	v0 =	vand.u32 $0x7F, v0;
	v35 =	vand.u32 $0xFFFFFF80, v4  }
0x40c: {  	v33 =	vand.u32 $0x7F, v4;
	v31 =	vand.u32 $0xFFFFFF80, v5;
	v39 =	vand.u32 $0x7F, v6  }
0x40d: {  	p1 =	sne.s32 s9, $0x67;
	v37 =	vand.u32 $0xFFFFFF80, v7;
	v36 =	vand.u32 $0x7F, v7;
	v41 =	vand.u32 $0x7F, v8  }
.Ltmp4:
0x40e: {  	v42 =	vand.u32 $0xFFFFFF80, v6;
	v44 =	vand.u32 $0xFFFFFF80, v8;
	v46 =	vand.u32 $0x7F, v2;
	(pc) =	sbr.rel @p1 .LBB2_7-.Ltmp4, $4  }
0x40f: {  	v48 =	vand.u32 $0xFFFFFF80, v2;
	v49 =	vand.u32 $0x7F, v16;
	v2 =	vperm.xlane v62, v19  }
0x410: {  	v51 =	vand.u32 $0xFFFFFF80, v16;
	v16 =	vperm.xlane v62, v52;
	v52 =	vand.u32 $0x7F, v9;
	[tilespmem:$0x1FF40] =	vst v10  }
0x411: {  	v4 =	vperm.xlane v62, v21;
	v10 =	vand.u32 $0x7F, v5;
	[tilespmem:$0x1FF60] =	vst v0;
	v0 =	vperm.xlane v62, v22  }
0x412: {  	s2 =	smov.u32 s9;
	s9 =	sadd.s32 $0x1A, s9;
	v22 =	vmovc v23;
	v23 =	vmovc v28;
	v28 =	vmov v3;
	v3 =	vperm.xlane v62, v54;
	v54 =	vand.u32 $0xFFFFFF80, v9;
	[tilespmem:$0x1FF50] =	vst v10  }
0x413: {  	v5 =	vperm.xlane v62, v20  }
0x414: {  	v2 =	vadd.s32 v1, v2;
	v4 =	vadd.s32 v1, v4;
	v0 =	vadd.s32 v1, v0  }
0x415: {  	v8 =	vadd.s32 v1, v16;
	v9 =	vadd.s32 v1, v13;
	v10 =	vadd.s32 v1, v63  }
0x416: {  	v13 =	vadd.s32 v1, v14;
	v14 =	vadd.s32 v1, v15;
	v11 =	vadd.s32 v1, v11  }
0x417: {  	v16 =	vadd.s32 v1, v61;
	v18 =	vadd.s32 v1, v60;
	v3 =	vadd.s32 v1, v3  }
0x418: {  	s2 =	sshll.u32 s2, $0x7;
	v7 =	vand.u32 $0xFFFFFF80, v4;
	v4 =	vand.u32 $0x7F, v4;
	v5 =	vadd.s32 v1, v5  }
0x419: {  	s7 =	sadd.s32 $0xFFFFF380, s2;
	v15 =	vand.u32 $0xFFFFFF80, v14;
	v14 =	vand.u32 $0x7F, v14;
	v6 =	vand.u32 $0xFFFFFF80, v5  }
0x41a: {  	v63 =	vand.u32 $0x7F, v18;
	v5 =	vand.u32 $0x7F, v5;
	v6 =	vadd.s32 s7, v6  }
0x41b: {  	s9 =	sadd.s32 $0xFFFFF400, s2;
	s12 =	sadd.s32 $0xFFFFF480, s2;
	v18 =	vand.u32 $0xFFFFFF80, v18;
	v5 =	vor.u32 v5, v6;
	v6 =	vand.u32 $0xFFFFFF80, v3  }
0x41c: {  	v7 =	vadd.s32 s12, v7;
	v3 =	vand.u32 $0x7F, v3;
	v6 =	vadd.s32 s9, v6  }
0x41d: {  	v4 =	vor.u32 v4, v7;
	v7 =	vand.u32 $0x7F, v8;
	s9 =	sadd.s32 $0xFFFFF680, s2;
	v3 =	vor.u32 v3, v6  }
0x41e: {  	s8 =	sadd.s32 $0xFFFFF500, s2;
	v6 =	vand.u32 $0xFFFFFF80, v0;
	v0 =	vand.u32 $0x7F, v0;
	v15 =	vadd.s32 s9, v15  }
0x41f: {  	v6 =	vadd.s32 s8, v6;
	v14 =	vor.u32 v14, v15;
	v15 =	vand.u32 $0xFFFFFF80, v16  }
0x420: {  	s12 =	sadd.s32 $0xFFFFF700, s2;
	v16 =	vand.u32 $0x7F, v16;
	v0 =	vor.u32 v0, v6;
	v6 =	vand.u32 $0xFFFFFF80, v8  }
0x421: {  	s20 =	sadd.s32 $0xFFFFF580, s2;
	s25 =	sadd.s32 $0xFFFFF600, s2;
	s8 =	sadd.s32 $0xFFFFF880, s2;
	v8 =	vand.u32 $0xFFFFFF80, v2;
	v2 =	vand.u32 $0x7F, v2;
	v15 =	vadd.s32 s12, v15  }
0x422: {  	v18 =	vadd.s32 s8, v18;
	v5 =	vld.idx.msk [tilespmem:v5+s17+$0x0], $0xffff;
	v6 =	vadd.s32 s20, v6;
	v8 =	vadd.s32 s25, v8  }
0x423: {  	v15 =	vor.u32 v16, v15;
	v16 =	vand.u32 $0xFFFFFF80, v13;
	v13 =	vand.u32 $0x7F, v13  }
0x424: {  	v18 =	vor.u32 v63, v18;
	v6 =	vor.u32 v7, v6;
	v2 =	vor.u32 v2, v8;
	v3 =	vld.idx.msk [tilespmem:v3+s17+$0x0], $0xffff  }
0x425: {  	v4 =	vld.idx.msk [tilespmem:v4+s17+$0x0], $0xffff;
	s20 =	sadd.s32 $0xFFFFF780, s2;
	v7 =	vadd.s32 v1, v12;
	v8 =	vadd.s32 v1, v59;
	v12 =	vadd.s32 v1, v58  }
0x426: {  	v16 =	vadd.s32 s20, v16;
	v19 =	vand.u32 $0x7F, v8;
	v20 =	vand.u32 $0xFFFFFF80, v7;
	v0 =	vld.idx.msk [tilespmem:v0+s17+$0x0], $0xffff  }
0x427: {  	v7 =	vand.u32 $0x7F, v7;
	v13 =	vor.u32 v13, v16;
	v5 =	vmul.f32 v57, v5  }
0x428: {  	s25 =	sadd.s32 $0xFFFFF800, s2;
	v16 =	vand.u32 $0xFFFFFF80, v11;
	v8 =	vand.u32 $0xFFFFFF80, v8;
	v11 =	vand.u32 $0x7F, v11  }
0x429: {  	v16 =	vadd.s32 s25, v16;
	v6 =	vld.idx.msk [tilespmem:v6+s17+$0x0], $0xffff;
	v3 =	vmul.f32 v56, v3;
	v62 =	vadd.f32 $0.0e+00, v5  }
0x42a: {  	v4 =	vmul.f32 v55, v4;
	v11 =	vor.u32 v11, v16;
	v5 =	vmul.f32 v5, v5  }
0x42b: {  	v2 =	vld.idx.msk [tilespmem:v2+s17+$0x0], $0xffff;
	v0 =	vmul.f32 v53, v0;
	v53 =	vadd.f32 v3, v62;
	v3 =	vmul.f32 v3, v3  }
0x42c: {  	v16 =	vand.u32 $0xFFFFFF80, v12;
	v56 =	vand.u32 $0x7F, v9;
	v9 =	vand.u32 $0xFFFFFF80, v9  }
0x42d: {  	v14 =	vld.idx.msk [tilespmem:v14+s17+$0x0], $0xffff;
	v3 =	vadd.f32 v3, v5;
	v53 =	vadd.f32 v4, v53;
	v4 =	vmul.f32 v4, v4  }
0x42e: {  	v5 =	vand.u32 $0x7F, v10;
	v10 =	vand.u32 $0xFFFFFF80, v10;
	v6 =	vmul.f32 v50, v6  }
0x42f: {  	s9 =	sadd.s32 $0xFFFFF900, s2;
	s12 =	sadd.s32 $0xFFFFF980, s2;
	v15 =	vld.idx.msk [tilespmem:v15+s17+$0x0], $0xffff;
	v3 =	vadd.f32 v4, v3;
	v4 =	vadd.f32 v0, v53;
	v0 =	vmul.f32 v0, v0  }
0x430: {  	v9 =	vadd.s32 s9, v9;
	v2 =	vmul.f32 v47, v2;
	v10 =	vadd.s32 s12, v10  }
0x431: {  	v13 =	vld.idx.msk [tilespmem:v13+s17+$0x0], $0xffff;
	v0 =	vadd.f32 v0, v3;
	v3 =	vadd.f32 v6, v4;
	v4 =	vmul.f32 v6, v6  }
0x432: {  	v5 =	vor.u32 v5, v10;
	v6 =	vor.u32 v56, v9;
	v9 =	vmul.f32 v45, v14  }
0x433: {  	s9 =	sadd.s32 $0xFFFFFB00, s2;
	v10 =	vld.idx.msk [tilespmem:v11+s17+$0x0], $0xffff;
	v0 =	vadd.f32 v4, v0;
	v3 =	vadd.f32 v2, v3;
	v2 =	vmul.f32 v2, v2  }
0x434: {  	v12 =	vand.u32 $0x7F, v12;
	v8 =	vadd.s32 s9, v8;
	v11 =	vmul.f32 v43, v15  }
0x435: {  	s20 =	sadd.s32 $0xFFFFFA00, s2;
	v15 =	vld.idx.msk [tilespmem:v18+s17+$0x0], $0xffff;
	v0 =	vadd.f32 v2, v0;
	v2 =	vadd.f32 v9, v3;
	v3 =	vmul.f32 v9, v9  }
0x436: {  	v8 =	vor.u32 v19, v8;
	v4 =	vadd.s32 s20, v16;
	v9 =	vmul.f32 v40, v13  }
0x437: {  	s25 =	sadd.s32 $0xFFFFFA80, s2;
	v0 =	vadd.f32 v3, v0;
	v2 =	vadd.f32 v11, v2;
	v3 =	vmul.f32 v11, v11  }
0x438: {  	v14 =	vadd.s32 s25, v20;
	v4 =	vor.u32 v12, v4;
	v10 =	vmul.f32 v38, v10;
	v6 =	vld.idx.msk [tilespmem:v6+s17+$0x0], $0xffff  }
0x439: {  	s12 =	sadd.s32 $0xFFFFFB80, s2;
	v0 =	vadd.f32 v3, v0;
	v2 =	vadd.f32 v9, v2;
	v3 =	vmul.f32 v9, v9  }
0x43a: {  	v7 =	vor.u32 v7, v14;
	v11 =	vadd.s32 s12, v54;
	v9 =	vmul.f32 v34, v15  }
0x43b: {  	s25 =	sadd.s32 $0xFFFFFC80, s2;
	s20 =	sadd.s32 $0xFFFFFC00, s2;
	v0 =	vadd.f32 v3, v0;
	v2 =	vadd.f32 v10, v2;
	v3 =	vmul.f32 v10, v10  }
0x43c: {  	v5 =	vld.idx.msk [tilespmem:v5+s17+$0x0], $0xffff;
	v12 =	vadd.s32 s25, v48;
	v11 =	vor.u32 v52, v11;
	v10 =	vadd.s32 s20, v51  }
0x43d: {  	v4 =	vld.idx.msk [tilespmem:v4+s17+$0x0], $0xffff;
	v6 =	vmul.f32 v32, v6;
	v0 =	vadd.f32 v3, v0;
	v2 =	vadd.f32 v9, v2  }
0x43e: {  	v3 =	vmul.f32 v9, v9;
	v9 =	vor.u32 v49, v10;
	v10 =	vor.u32 v46, v12;
	v12 =	vld [tilespmem:$0x1FF30]  }
0x43f: {  	v7 =	vld.idx.msk [tilespmem:v7+s17+$0x0], $0xffff  }
0x440: {  	v0 =	vadd.f32 v3, v0;
	v3 =	vmul.f32 v6, v6  }
0x441: {  	s9 =	sadd.s32 $0xFFFFFD00, s2;
	v8 =	vld.idx.msk [tilespmem:v8+s17+$0x0], $0xffff;
	v5 =	vmul.f32 v29, v5;
	v2 =	vadd.f32 v6, v2  }
0x442: {  	v6 =	vadd.s32 s9, v44;
	v0 =	vadd.f32 v3, v0  }
0x443: {  	v11 =	vld.idx.msk [tilespmem:v11+s17+$0x0], $0xffff;
	v2 =	vadd.f32 v5, v2;
	v3 =	vmul.f32 v5, v5;
	v4 =	vmul.f32 v12, v4  }
0x444: {  	v5 =	vor.u32 v41, v6;
	v6 =	vmul.f32 v27, v7  }
0x445: {  	v0 =	vadd.f32 v3, v0;
	v2 =	vadd.f32 v4, v2;
	v3 =	vmul.f32 v4, v4  }
0x446: {  	v8 =	vmul.f32 v26, v8  }
0x447: {  	v0 =	vadd.f32 v3, v0;
	v2 =	vadd.f32 v6, v2;
	v3 =	vmul.f32 v6, v6  }
0x448: {  	v9 =	vld.idx.msk [tilespmem:v9+s17+$0x0], $0xffff;
	v6 =	vmul.f32 v25, v11  }
0x449: {  	v0 =	vadd.f32 v3, v0;
	v2 =	vadd.f32 v8, v2;
	v3 =	vmul.f32 v8, v8  }
0x44a: {  	v10 =	vld.idx.msk [tilespmem:v10+s17+$0x0], $0xffff  }
0x44b: {  	v0 =	vadd.f32 v3, v0;
	v2 =	vadd.f32 v6, v2;
	v3 =	vmul.f32 v6, v6;
	v6 =	vld [tilespmem:$0x1FF50]  }
0x44c: {  	s12 =	sadd.s32 $0xFFFFFD80, s2;
	s20 =	sadd.s32 $0xFFFFFE00, s2  }
0x44d: {  	s8 =	sadd.s32 $0xFFFFFF00, s2;
	v12 =	vadd.s32 s12, v42;
	v4 =	vadd.s32 s20, v37;
	v9 =	vmul.f32 v24, v9  }
0x44e: {  	v7 =	vor.u32 v39, v12;
	v4 =	vor.u32 v36, v4;
	v5 =	vld.idx.msk [tilespmem:v5+s17+$0x0], $0xffff;
	v8 =	vadd.s32 s8, v31  }
0x44f: {  	v0 =	vadd.f32 v3, v0;
	v2 =	vadd.f32 v9, v2;
	v3 =	vmul.f32 v9, v9;
	v9 =	vld [tilespmem:$0x1FF40]  }
0x450: {  	s25 =	sadd.s32 $0xFFFFFE80, s2;
	v6 =	vor.u32 v6, v8;
	v8 =	vmul.f32 v23, v10;
	v10 =	vld [tilespmem:$0x1FF60]  }
0x451: {  	v12 =	vadd.s32 s25, v35  }
0x452: {  	s9 =	sadd.s32 $0xFFFFFF80, s2;
	v11 =	vor.u32 v33, v12  }
0x453: {  	v12 =	vadd.s32 s9, v30;
	v7 =	vld.idx.msk [tilespmem:v7+s17+$0x0], $0xffff;
	v5 =	vmul.f32 v22, v5  }
0x454: {  	v4 =	vld.idx.msk [tilespmem:v4+s17+$0x0], $0xffff;
	v0 =	vadd.f32 v3, v0;
	v9 =	vadd.s32 s2, v9;
	v2 =	vadd.f32 v8, v2  }
0x455: {  	v3 =	vmul.f32 v8, v8;
	v10 =	vor.u32 v10, v12;
	v12 =	vimm.s32 $0x4  }
0x456: {  	v8 =	vor.u32 v28, v9;
	v9 =	vimm.s32 $0x5;
	v12 =	vperm.xlane v17, v12  }
0x457: {  	v11 =	vld.idx.msk [tilespmem:v11+s17+$0x0], $0xffff;
	v9 =	vperm.xlane v17, v9;
	v0 =	vadd.f32 v3, v0;
	v3 =	vmul.f32 v5, v5  }
0x458: {  	v2 =	vadd.f32 v5, v2;
	v5 =	vimm.s32 $0x6;
	v6 =	vld.idx.msk [tilespmem:v6+s17+$0x0], $0xffff;
	v7 =	vmul.f32 v12, v7  }
0x459: {  	v5 =	vperm.xlane v17, v5;
	v4 =	vmul.f32 v9, v4;
	v0 =	vadd.f32 v3, v0  }
0x45a: {  	v2 =	vadd.f32 v7, v2;
	v3 =	vmul.f32 v7, v7;
	v7 =	vimm.s32 $0x7  }
0x45b: {  	v9 =	vld.idx.msk [tilespmem:v10+s17+$0x0], $0xffff;
	v7 =	vperm.xlane v17, v7  }
0x45c: {  	v5 =	vmul.f32 v5, v11;
	v0 =	vadd.f32 v3, v0;
	v2 =	vadd.f32 v4, v2  }
0x45d: {  	v8 =	vld.idx.msk [tilespmem:v8+s17+$0x0], $0xffff;
	v3 =	vmul.f32 v4, v4;
	v4 =	vmul.f32 v7, v6;
	v6 =	vimm.s32 $0x8  }
0x45e: {  	v63 =	vimm.s32 $0x9;
	v6 =	vperm.xlane v17, v6  }
0x45f: {  	v0 =	vadd.f32 v3, v0;
	v2 =	vadd.f32 v5, v2;
	v3 =	vmul.f32 v5, v5  }
0x460: {  	v5 =	vmul.f32 v6, v9;
	v6 =	vperm.xlane v17, v63  }
0x461: {  	v0 =	vadd.f32 v3, v0;
	v2 =	vadd.f32 v4, v2;
	v3 =	vmul.f32 v4, v4  }
0x462: {  	v4 =	vmul.f32 v6, v8  }
0x463: {  	v0 =	vadd.f32 v3, v0;
	v2 =	vadd.f32 v5, v2;
	v3 =	vmul.f32 v5, v5;
	_ =	sdelay $0x1  }
0x464: {  	v0 =	vadd.f32 v3, v0;
	v2 =	vadd.f32 v4, v2;
	v3 =	vmul.f32 v4, v4;
	_ =	sdelay $0x1  }
0x465: {  	v0 =	vadd.f32 v3, v0;
	v2 =	vmul.f32 v2, v2;
	_ =	sdelay $0x1  }
0x466: {  	v0 =	vsub.f32 v2, v0;
	_ =	sdelay $0x1  }
0x467: {  	v0 =	vmul.f32 $5.000000000e-01, v0  }
0x468: {  	s12 =	sadd.s32 $0x80, s29  }
0x469: {  	s7 =	simm.s32 @!p0 $0x13800;
	s2 =	sadd.s32 @!p0 $0x300, s5;
	s5 =	simm.s32 @!p0 $0x68;
	[tilespmem:s12+$0x0] =	vst v0  }
0x46a: {  	[tilespmem:s7], [sflag:$0x3] =	stream.indirect.gather @!p0 [hbm4b:s3+s5], $0x80, s2, s5, $0xb8;
	[tilespmem:$0x1A000] =	vst v63  }
0x46b: {  	_ =	swait.ge [sflag:s23], $0x3400  }
0x46c: {  	[sflag:s23] =	ssyncset.done $0x0  }
0x46d: {  	[sflag:s23] =	ssyncadd.s32 $0xFFFFCC00  }
0x46e: {  	v17 =	vld [tilespmem:s16+$0x0]  }
0x46f: {  	v0 =	vld [tilespmem:s16+$0xFFFFFFF0];
	_ =	sdelay $0x1  }
0x470: {  	v58 =	vimm.s32 $0x4;
	v59 =	vimm.s32 $0x5  }
0x471: {  	v55 =	vimm.s32 $0x0;
	v57 =	vimm.s32 $0xD;
	v2 =	vimm.s32 $0x2  }
0x472: {  	v19 =	vimm.s32 $0x1;
	v61 =	vperm.xlane v17, v2;
	v2 =	vimm.s32 $0xE  }
0x473: {  	v18 =	vimm.s32 $0x3;
	v25 =	vperm.xlane v0, v2;
	v2 =	vimm.s32 $0xF  }
0x474: {  	v7 =	vimm.s32 $0x6;
	v22 =	vperm.xlane v0, v2;
	v2 =	vimm.s32 $0xC  }
0x475: {  	v5 =	vimm.s32 $0x8;
	v30 =	vperm.xlane v0, v2;
	v2 =	vimm.s32 $0xD  }
0x476: {  	v21 =	vperm.xlane v17, v55;
	v28 =	vperm.xlane v0, v2;
	v2 =	vimm.s32 $0xA  }
0x477: {  	v41 =	vperm.xlane v0, v5;
	v36 =	vperm.xlane v0, v2;
	v2 =	vimm.s32 $0xB  }
0x478: {  	v8 =	vimm.s32 $0x7;
	v39 =	vperm.xlane v0, v63;
	v33 =	vperm.xlane v0, v2;
	v2 =	vld [tilespmem:s14+$0x0]  }
0x479: {  	v53 =	vimm.s32 $0x8;
	v45 =	vperm.xlane v0, v7;
	v43 =	vperm.xlane v0, v8  }
0x47a: {  	v54 =	vimm.s32 $0x2;
	v49 =	vperm.xlane v0, v58;
	v47 =	vperm.xlane v0, v59  }
0x47b: {  	v20 =	vimm.s32 $0x6;
	v3 =	vperm.xlane v0, v54;
	v50 =	vperm.xlane v0, v18  }
0x47c: {  	v56 =	vimm.s32 $0x7;
	v4 =	vperm.xlane v0, v55;
	v0 =	vperm.xlane v0, v19  }
0x47d: {  	v16 =	vimm.s32 $0xC;
	v14 =	vld [tilespmem:s14+$0xFFFFFFF0];
	v5 =	vperm.xlane v2, v5;
	v6 =	vperm.xlane v2, v63  }
0x47e: {  	v52 =	vimm.s32 $0xB;
	v7 =	vperm.xlane v2, v7;
	v8 =	vperm.xlane v2, v8  }
0x47f: {  	v15 =	vimm.s32 $0xA;
	v9 =	vperm.xlane v2, v58;
	v10 =	vperm.xlane v2, v59  }
0x480: {  	v51 =	vimm.s32 $0xF;
	v11 =	vperm.xlane v2, v54;
	v12 =	vperm.xlane v2, v18  }
0x481: {  	v42 =	vimm.s32 $0xE;
	v13 =	vperm.xlane v2, v55;
	v2 =	vperm.xlane v2, v19  }
0x482: {  	v54 =	vperm.xlane v14, v54;
	v8 =	vadd.s32 v1, v8;
	v5 =	vadd.s32 v1, v5  }
0x483: {  	v6 =	vadd.s32 v1, v6;
	v9 =	vadd.s32 v1, v9;
	v10 =	vadd.s32 v1, v10  }
0x484: {  	v7 =	vadd.s32 v1, v7;
	v2 =	vadd.s32 v1, v2;
	v11 =	vadd.s32 v1, v11  }
0x485: {  	v12 =	vadd.s32 v1, v12;
	v13 =	vadd.s32 v1, v13;
	v24 =	vand.u32 $0xFFFFFF80, v6  }
0x486: {  	v23 =	vand.u32 $0x7F, v6;
	v26 =	vand.u32 $0x7F, v8;
	v29 =	vand.u32 $0xFFFFFF80, v5  }
0x487: {  	v27 =	vand.u32 $0x7F, v5;
	v34 =	vand.u32 $0xFFFFFF80, v7;
	v32 =	vand.u32 $0x7F, v7  }
0x488: {  	v31 =	vand.u32 $0xFFFFFF80, v8;
	v38 =	vand.u32 $0x7F, v9;
	v37 =	vand.u32 $0xFFFFFF80, v10  }
0x489: {  	v35 =	vand.u32 $0x7F, v10;
	v5 =	vperm.xlane v14, v51;
	v6 =	vperm.xlane v14, v57  }
0x48a: {  	v40 =	vand.u32 $0x7F, v12;
	v7 =	vperm.xlane v14, v42;
	v8 =	vperm.xlane v14, v52  }
0x48b: {  	v42 =	vand.u32 $0xFFFFFF80, v9;
	v9 =	vperm.xlane v14, v16;
	v10 =	vperm.xlane v14, v63  }
0x48c: {  	v44 =	vand.u32 $0xFFFFFF80, v12;
	v12 =	vperm.xlane v14, v15;
	v15 =	vperm.xlane v14, v56  }
0x48d: {  	v46 =	vand.u32 $0x7F, v11;
	v16 =	vperm.xlane v14, v53;
	v57 =	vperm.xlane v14, v55  }
0x48e: {  	v48 =	vand.u32 $0xFFFFFF80, v11;
	v11 =	vperm.xlane v14, v59;
	v52 =	vperm.xlane v14, v18  }
0x48f: {  	v54 =	vadd.s32 v1, v54;
	v53 =	vperm.xlane v14, v58;
	v55 =	vperm.xlane v14, v19  }
0x490: {  	v14 =	vperm.xlane v14, v20;
	v51 =	vadd.s32 v1, v57;
	v11 =	vadd.s32 v1, v11  }
0x491: {  	v52 =	vadd.s32 v1, v52;
	v55 =	vadd.s32 v1, v55;
	v57 =	vand.u32 $0xFFFFFF80, v54  }
0x492: {  	s29 =	simm.s32 $0x100;
	v54 =	vand.u32 $0x7F, v54;
	v53 =	vadd.s32 v1, v53;
	v7 =	vadd.s32 v1, v7  }
0x493: {  	s20 =	simm.s32 $0x0;
	v5 =	vadd.s32 v1, v5;
	v56 =	vand.u32 $0xFFFFFF80, v51;
	v57 =	vadd.s32 s29, v57  }
0x494: {  	v51 =	vand.u32 $0x7F, v51;
	v56 =	vadd.s32 s20, v56;
	v54 =	vor.u32 v54, v57  }
0x495: {  	s7 =	simm.s32 $0x200;
	v8 =	vadd.s32 v1, v8;
	v57 =	vand.u32 $0xFFFFFF80, v53;
	v56 =	vor.u32 v51, v56  }
0x496: {  	v9 =	vadd.s32 v1, v9;
	v53 =	vand.u32 $0x7F, v53;
	v57 =	vadd.s32 s7, v57  }
0x497: {  	s25 =	simm.s32 $0x80;
	v6 =	vadd.s32 v1, v6;
	v51 =	vand.u32 $0xFFFFFF80, v55;
	v53 =	vor.u32 v53, v57  }
0x498: {  	v16 =	vadd.s32 v1, v16;
	v55 =	vand.u32 $0x7F, v55;
	v51 =	vadd.s32 s25, v51  }
0x499: {  	s8 =	simm.s32 $0x280;
	v14 =	vadd.s32 v1, v14;
	v57 =	vand.u32 $0xFFFFFF80, v11;
	v55 =	vor.u32 v55, v51;
	v54 =	vld.idx.msk [tilespmem:v54+s19+$0x0], $0xffff  }
0x49a: {  	v10 =	vadd.s32 v1, v10;
	v11 =	vand.u32 $0x7F, v11;
	v57 =	vadd.s32 s8, v57;
	v56 =	vld.idx.msk [tilespmem:v56+s19+$0x0], $0xffff  }
0x49b: {  	s5 =	simm.s32 $0x180;
	v15 =	vadd.s32 v1, v15;
	v51 =	vand.u32 $0xFFFFFF80, v52;
	v11 =	vor.u32 v11, v57  }
0x49c: {  	v12 =	vadd.s32 v1, v12;
	v52 =	vand.u32 $0x7F, v52;
	v51 =	vadd.s32 s5, v51;
	v53 =	vld.idx.msk [tilespmem:v53+s19+$0x0], $0xffff  }
0x49d: {  	v57 =	vand.u32 $0x7F, v13;
	v13 =	vand.u32 $0xFFFFFF80, v13;
	v52 =	vor.u32 v52, v51  }
0x49e: {  	v51 =	vand.u32 $0x7F, v2;
	v2 =	vand.u32 $0xFFFFFF80, v2;
	v55 =	vld.idx.msk [tilespmem:v55+s19+$0x0], $0xffff;
	v3 =	vmul.f32 v3, v54  }
0x49f: {  	s9 =	simm.s32 $0x300;
	v54 =	vand.u32 $0xFFFFFF80, v7;
	v4 =	vmul.f32 v4, v56;
	v56 =	vand.u32 $0xFFFFFF80, v14  }
0x4a0: {  	v11 =	vld.idx.msk [tilespmem:v11+s19+$0x0], $0xffff;
	v7 =	vand.u32 $0x7F, v7;
	v14 =	vand.u32 $0x7F, v14;
	v56 =	vadd.s32 s9, v56  }
0x4a1: {  	v49 =	vmul.f32 v49, v53;
	v53 =	vand.u32 $0x7F, v12;
	v12 =	vand.u32 $0xFFFFFF80, v12  }
0x4a2: {  	s29 =	simm.s32 $0x500;
	v52 =	vld.idx.msk [tilespmem:v52+s19+$0x0], $0xffff;
	v14 =	vor.u32 v14, v56;
	v56 =	vand.u32 $0xFFFFFF80, v15;
	v15 =	vand.u32 $0x7F, v15  }
0x4a3: {  	s12 =	simm.s32 $0x380;
	v0 =	vmul.f32 v0, v55;
	v55 =	vand.u32 $0x7F, v5;
	v12 =	vadd.s32 s29, v12  }
0x4a4: {  	v5 =	vand.u32 $0xFFFFFF80, v5;
	v56 =	vadd.s32 s12, v56;
	v12 =	vor.u32 v53, v12  }
0x4a5: {  	v53 =	vand.u32 $0x7F, v8;
	v8 =	vand.u32 $0xFFFFFF80, v8;
	v11 =	vmul.f32 v47, v11  }
0x4a6: {  	s20 =	simm.s32 $0x400;
	v15 =	vor.u32 v15, v56;
	v56 =	vand.u32 $0xFFFFFF80, v16;
	v16 =	vand.u32 $0x7F, v16  }
0x4a7: {  	s5 =	simm.s32 $0x580;
	v50 =	vmul.f32 v50, v52;
	v52 =	vadd.f32 $0.0e+00, v4;
	v56 =	vadd.s32 s20, v56  }
0x4a8: {  	v4 =	vmul.f32 v4, v4;
	v8 =	vadd.s32 s5, v8;
	v16 =	vor.u32 v16, v56  }
0x4a9: {  	s25 =	simm.s32 $0x480;
	s12 =	simm.s32 $0x780;
	v56 =	vand.u32 $0xFFFFFF80, v10;
	v52 =	vadd.f32 v0, v52;
	v0 =	vmul.f32 v0, v0  }
0x4aa: {  	v5 =	vadd.s32 s12, v5;
	v10 =	vand.u32 $0x7F, v10;
	v56 =	vadd.s32 s25, v56  }
0x4ab: {  	v14 =	vld.idx.msk [tilespmem:v14+s19+$0x0], $0xffff;
	v0 =	vadd.f32 v0, v4;
	v52 =	vadd.f32 v3, v52;
	v3 =	vmul.f32 v3, v3  }
0x4ac: {  	v10 =	vor.u32 v10, v56;
	v4 =	vand.u32 $0x7F, v9;
	v9 =	vand.u32 $0xFFFFFF80, v9  }
0x4ad: {  	s7 =	simm.s32 $0x600;
	v15 =	vld.idx.msk [tilespmem:v15+s19+$0x0], $0xffff;
	v0 =	vadd.f32 v3, v0;
	v3 =	vadd.f32 v50, v52;
	v50 =	vmul.f32 v50, v50  }
0x4ae: {  	v8 =	vor.u32 v53, v8;
	v5 =	vor.u32 v55, v5;
	v9 =	vadd.s32 s7, v9  }
0x4af: {  	v52 =	vmul.f32 v49, v49;
	v16 =	vld.idx.msk [tilespmem:v16+s19+$0x0], $0xffff;
	v0 =	vadd.f32 v50, v0;
	v3 =	vadd.f32 v49, v3  }
0x4b0: {  	v56 =	vand.u32 $0xFFFFFF80, v6;
	v4 =	vor.u32 v4, v9;
	v14 =	vmul.f32 v45, v14  }
0x4b1: {  	s8 =	simm.s32 $0x680;
	v9 =	vld.idx.msk [tilespmem:v10+s19+$0x0], $0xffff;
	v10 =	vmul.f32 v11, v11;
	v0 =	vadd.f32 v52, v0;
	v3 =	vadd.f32 v11, v3  }
0x4b2: {  	v6 =	vand.u32 $0x7F, v6;
	v11 =	vadd.s32 s8, v56;
	v15 =	vmul.f32 v43, v15  }
0x4b3: {  	s9 =	simm.s32 $0x700;
	v12 =	vld.idx.msk [tilespmem:v12+s19+$0x0], $0xffff;
	v0 =	vadd.f32 v10, v0;
	v3 =	vadd.f32 v14, v3;
	v10 =	vmul.f32 v14, v14  }
0x4b4: {  	v56 =	vadd.s32 s9, v54;
	v6 =	vor.u32 v6, v11;
	v11 =	vmul.f32 v41, v16  }
0x4b5: {  	s25 =	simm.s32 $0x880;
	v8 =	vld.idx.msk [tilespmem:v8+s19+$0x0], $0xffff;
	v0 =	vadd.f32 v10, v0;
	v3 =	vadd.f32 v15, v3;
	v10 =	vmul.f32 v15, v15  }
0x4b6: {  	v2 =	vadd.s32 s25, v2;
	v7 =	vor.u32 v7, v56;
	v9 =	vmul.f32 v39, v9  }
0x4b7: {  	s20 =	simm.s32 $0x800;
	v4 =	vld.idx.msk [tilespmem:v4+s19+$0x0], $0xffff;
	v0 =	vadd.f32 v10, v0;
	v3 =	vadd.f32 v11, v3;
	v10 =	vmul.f32 v11, v11  }
0x4b8: {  	v13 =	vadd.s32 s20, v13;
	v2 =	vor.u32 v51, v2;
	v5 =	vld.idx.msk [tilespmem:v5+s19+$0x0], $0xffff;
	v11 =	vmul.f32 v36, v12  }
0x4b9: {  	v6 =	vld.idx.msk [tilespmem:v6+s19+$0x0], $0xffff;
	v0 =	vadd.f32 v10, v0;
	v3 =	vadd.f32 v9, v3;
	v9 =	vmul.f32 v9, v9  }
0x4ba: {  	v62 =	vperm.xlane v17, v18;
	v8 =	vmul.f32 v33, v8;
	v12 =	vor.u32 v57, v13  }
0x4bb: {  	s29 =	simm.s32 $0x900;
	v7 =	vld.idx.msk [tilespmem:v7+s19+$0x0], $0xffff;
	v0 =	vadd.f32 v9, v0;
	v3 =	vadd.f32 v11, v3;
	v9 =	vmul.f32 v11, v11  }
0x4bc: {  	v60 =	vperm.xlane v17, v19;
	v4 =	vmul.f32 v30, v4;
	v10 =	vadd.s32 s29, v48  }
0x4bd: {  	v2 =	vld.idx.msk [tilespmem:v2+s19+$0x0], $0xffff;
	v0 =	vadd.f32 v9, v0;
	v3 =	vadd.f32 v8, v3;
	v8 =	vmul.f32 v8, v8  }
0x4be: {  	v5 =	vmul.f32 v22, v5;
	v10 =	vor.u32 v46, v10;
	v6 =	vmul.f32 v28, v6  }
0x4bf: {  	s7 =	simm.s32 $0x980;
	s8 =	simm.s32 $0xA00;
	v12 =	vld.idx.msk [tilespmem:v12+s19+$0x0], $0xffff;
	v0 =	vadd.f32 v8, v0;
	v3 =	vadd.f32 v4, v3;
	v4 =	vmul.f32 v4, v4  }
0x4c0: {  	v11 =	vadd.s32 s8, v42;
	v7 =	vmul.f32 v25, v7;
	v9 =	vadd.s32 s7, v44  }
0x4c1: {  	v0 =	vadd.f32 v4, v0;
	v3 =	vadd.f32 v6, v3;
	v4 =	vmul.f32 v6, v6  }
0x4c2: {  	v2 =	vmul.f32 v60, v2;
	v8 =	vor.u32 v40, v9;
	v9 =	vor.u32 v38, v11  }
0x4c3: {  	s12 =	simm.s32 $0xB00;
	s9 =	simm.s32 $0xA80;
	v10 =	vld.idx.msk [tilespmem:v10+s19+$0x0], $0xffff;
	v0 =	vadd.f32 v4, v0;
	v3 =	vadd.f32 v7, v3;
	v4 =	vmul.f32 v7, v7  }
0x4c4: {  	v11 =	vadd.s32 s12, v34;
	v6 =	vadd.s32 s9, v37;
	v7 =	vmul.f32 v21, v12  }
0x4c5: {  	s20 =	simm.s32 $0xB80;
	v0 =	vadd.f32 v4, v0;
	v3 =	vadd.f32 v5, v3;
	v4 =	vmul.f32 v5, v5  }
0x4c6: {  	v11 =	vor.u32 v32, v11;
	v6 =	vor.u32 v35, v6;
	v5 =	vadd.s32 s20, v31  }
0x4c7: {  	s25 =	simm.s32 $0xC00;
	v8 =	vld.idx.msk [tilespmem:v8+s19+$0x0], $0xffff;
	v0 =	vadd.f32 v4, v0;
	v3 =	vadd.f32 v7, v3;
	v4 =	vmul.f32 v7, v7  }
0x4c8: {  	v12 =	vadd.s32 s25, v29;
	v9 =	vld.idx.msk [tilespmem:v9+s19+$0x0], $0xffff;
	v5 =	vor.u32 v26, v5;
	v7 =	vmul.f32 v61, v10  }
0x4c9: {  	s29 =	simm.s32 $0xC80;
	v0 =	vadd.f32 v4, v0;
	v3 =	vadd.f32 v2, v3;
	v2 =	vmul.f32 v2, v2  }
0x4ca: {  	v10 =	vor.u32 v27, v12;
	v12 =	vperm.xlane v17, v58;
	v4 =	vadd.s32 s29, v24  }
0x4cb: {  	v6 =	vld.idx.msk [tilespmem:v6+s19+$0x0], $0xffff;
	v0 =	vadd.f32 v2, v0;
	v2 =	vadd.f32 v7, v3;
	v3 =	vmul.f32 v7, v7  }
0x4cc: {  	v11 =	vld.idx.msk [tilespmem:v11+s19+$0x0], $0xffff;
	v8 =	vmul.f32 v62, v8;
	v4 =	vor.u32 v23, v4  }
0x4cd: {  	v7 =	vmul.f32 v12, v9;
	v9 =	vperm.xlane v17, v59;
	v0 =	vadd.f32 v3, v0  }
0x4ce: {  	v2 =	vadd.f32 v8, v2;
	v3 =	vmul.f32 v8, v8;
	v8 =	vimm.s32 $0x6  }
0x4cf: {  	v5 =	vld.idx.msk [tilespmem:v5+s19+$0x0], $0xffff;
	v8 =	vperm.xlane v17, v8  }
0x4d0: {  	v6 =	vmul.f32 v9, v6;
	v0 =	vadd.f32 v3, v0;
	v3 =	vmul.f32 v7, v7  }
0x4d1: {  	v9 =	vld.idx.msk [tilespmem:v10+s19+$0x0], $0xffff;
	v2 =	vadd.f32 v7, v2;
	v7 =	vmul.f32 v8, v11;
	v8 =	vimm.s32 $0x7  }
0x4d2: {  	v8 =	vperm.xlane v17, v8;
	v0 =	vadd.f32 v3, v0  }
0x4d3: {  	v4 =	vld.idx.msk [tilespmem:v4+s19+$0x0], $0xffff;
	v2 =	vadd.f32 v6, v2;
	v3 =	vmul.f32 v6, v6;
	v6 =	vimm.s32 $0x8  }
0x4d4: {  	v6 =	vperm.xlane v17, v6;
	v5 =	vmul.f32 v8, v5  }
0x4d5: {  	v0 =	vadd.f32 v3, v0;
	v2 =	vadd.f32 v7, v2;
	v3 =	vmul.f32 v7, v7  }
0x4d6: {  	v7 =	vperm.xlane v17, v63;
	v6 =	vmul.f32 v6, v9  }
0x4d7: {  	v0 =	vadd.f32 v3, v0;
	v2 =	vadd.f32 v5, v2;
	v3 =	vmul.f32 v5, v5  }
0x4d8: {  	v4 =	vmul.f32 v7, v4  }
0x4d9: {  	v0 =	vadd.f32 v3, v0;
	v2 =	vadd.f32 v6, v2;
	v3 =	vmul.f32 v6, v6;
	_ =	sdelay $0x1  }
0x4da: {  	v0 =	vadd.f32 v3, v0;
	v2 =	vadd.f32 v4, v2;
	v3 =	vmul.f32 v4, v4;
	_ =	sdelay $0x1  }
0x4db: {  	v0 =	vadd.f32 v3, v0;
	v2 =	vmul.f32 v2, v2;
	_ =	sdelay $0x1  }
0x4dc: {  	v0 =	vsub.f32 v2, v0;
	_ =	sdelay $0x1  }
0x4dd: {  	v0 =	vmul.f32 $5.000000000e-01, v0;
	_ =	sdelay $0x1  }
0x4de: {  	s7 =	sadd.s32 $0x80, s16;
	[tilespmem:s11+$0x0] =	vst v0  }
0x4df: {  	v17 =	vld [tilespmem:s7+$0x0]  }
0x4e0: {  	v0 =	vld [tilespmem:s7+$0xFFFFFFF0];
	_ =	sdelay $0x1  }
0x4e1: {  	v20 =	vimm.s32 $0x0;
	v47 =	vimm.s32 $0xA  }
0x4e2: {  	v45 =	vimm.s32 $0xC;
	v43 =	vimm.s32 $0xE;
	v8 =	vimm.s32 $0x2  }
0x4e3: {  	v16 =	vimm.s32 $0xD;
	v13 =	vimm.s32 $0xB;
	v2 =	vperm.xlane v17, v8  }
0x4e4: {  	v62 =	vimm.s32 $0xF;
	v21 =	vperm.xlane v17, v20;
	v24 =	vperm.xlane v0, v43  }
0x4e5: {  	v5 =	vimm.s32 $0x7;
	v22 =	vperm.xlane v0, v62;
	v30 =	vperm.xlane v0, v45  }
0x4e6: {  	v3 =	vimm.s32 $0x8;
	v26 =	vperm.xlane v0, v16;
	v35 =	vperm.xlane v0, v47  }
0x4e7: {  	s8 =	sadd.s32 $0x80, s14;
	v4 =	vimm.s32 $0x6;
	v33 =	vperm.xlane v0, v13;
	v40 =	vperm.xlane v0, v3  }
0x4e8: {  	v7 =	vimm.s32 $0x5;
	v11 =	vld [tilespmem:s8+$0xFFFFFFF0];
	v39 =	vperm.xlane v0, v63;
	v46 =	vperm.xlane v0, v4  }
0x4e9: {  	v6 =	vimm.s32 $0x4;
	v44 =	vperm.xlane v0, v5;
	[tilespmem:$0x1FEE0] =	vst v2;
	v2 =	vperm.xlane v17, v18  }
0x4ea: {  	v51 =	vperm.xlane v0, v6;
	v49 =	vperm.xlane v0, v7  }
0x4eb: {  	v55 =	vperm.xlane v0, v8;
	[tilespmem:$0x1FEF0] =	vst v2;
	v2 =	vperm.xlane v17, v19  }
0x4ec: {  	v53 =	vperm.xlane v0, v18;
	v57 =	vperm.xlane v0, v20  }
0x4ed: {  	v56 =	vperm.xlane v0, v19;
	v58 =	vperm.xlane v11, v62;
	[tilespmem:$0x1FF00] =	vst v2;
	v2 =	vld [tilespmem:s8+$0x0]  }
0x4ee: {  	v14 =	vimm.s32 $0x8;
	v60 =	vperm.xlane v11, v16;
	v59 =	vperm.xlane v11, v43  }
0x4ef: {  	v12 =	vimm.s32 $0x7;
	v62 =	vperm.xlane v11, v13;
	v61 =	vperm.xlane v11, v45  }
0x4f0: {  	v15 =	vimm.s32 $0x5;
	v13 =	vperm.xlane v11, v63;
	v12 =	vperm.xlane v11, v12  }
0x4f1: {  	v50 =	vimm.s32 $0x6;
	v14 =	vperm.xlane v11, v14;
	v16 =	vperm.xlane v11, v15  }
0x4f2: {  	v15 =	vperm.xlane v11, v50;
	v0 =	vperm.xlane v2, v3  }
0x4f3: {  	v3 =	vperm.xlane v2, v63;
	v4 =	vperm.xlane v2, v4  }
0x4f4: {  	v5 =	vperm.xlane v2, v5;
	v6 =	vperm.xlane v2, v6  }
0x4f5: {  	v52 =	vimm.s32 $0x4;
	v7 =	vperm.xlane v2, v7;
	v8 =	vperm.xlane v2, v8  }
0x4f6: {  	v54 =	vimm.s32 $0x2;
	v9 =	vperm.xlane v2, v18;
	v10 =	vperm.xlane v2, v20  }
0x4f7: {  	v2 =	vperm.xlane v2, v19;
	v63 =	vperm.xlane v11, v47;
	v5 =	vadd.s32 v1, v5  }
0x4f8: {  	v0 =	vadd.s32 v1, v0;
	v3 =	vadd.s32 v1, v3;
	v6 =	vadd.s32 v1, v6  }
0x4f9: {  	v7 =	vadd.s32 v1, v7;
	v4 =	vadd.s32 v1, v4;
	v2 =	vadd.s32 v1, v2  }
0x4fa: {  	v8 =	vadd.s32 v1, v8;
	v9 =	vadd.s32 v1, v9;
	v10 =	vadd.s32 v1, v10  }
0x4fb: {  	v25 =	vand.u32 $0xFFFFFF80, v3;
	v23 =	vand.u32 $0x7F, v3;
	v29 =	vand.u32 $0x7F, v5  }
0x4fc: {  	v28 =	vand.u32 $0xFFFFFF80, v0;
	v27 =	vand.u32 $0x7F, v0;
	v34 =	vand.u32 $0xFFFFFF80, v4  }
0x4fd: {  	v32 =	vand.u32 $0x7F, v4;
	v31 =	vand.u32 $0xFFFFFF80, v5;
	v38 =	vand.u32 $0x7F, v6  }
0x4fe: {  	v37 =	vand.u32 $0xFFFFFF80, v7;
	v36 =	vand.u32 $0x7F, v7;
	v42 =	vand.u32 $0x7F, v9  }
0x4ff: {  	v41 =	vand.u32 $0xFFFFFF80, v6;
	v43 =	vand.u32 $0xFFFFFF80, v9;
	v45 =	vand.u32 $0x7F, v8  }
0x500: {  	v47 =	vand.u32 $0xFFFFFF80, v8;
	v48 =	vand.u32 $0x7F, v2;
	v50 =	vand.u32 $0xFFFFFF80, v2  }
0x501: {  	v0 =	vperm.xlane v11, v18;
	v2 =	vperm.xlane v11, v52;
	v52 =	vand.u32 $0x7F, v10  }
0x502: {  	s2 =	simm.s32 $0x33;
	s5 =	smov.u32 s11;
	s9 =	simm.s32 $0x4D;
	v4 =	vperm.xlane v11, v19;
	v3 =	vperm.xlane v11, v54;
	v54 =	vand.u32 $0xFFFFFF80, v10  }
.LBB2_9:
0x503: {  	v5 =	vperm.xlane v11, v20  }
0x504: {  	v6 =	vadd.s32 v1, v59;
	v7 =	vadd.s32 v1, v58;
	v8 =	vadd.s32 v1, v62  }
0x505: {  	v9 =	vadd.s32 v1, v61;
	v10 =	vadd.s32 v1, v60;
	v11 =	vadd.s32 v1, v14  }
0x506: {  	v13 =	vadd.s32 v1, v13;
	v14 =	vadd.s32 v1, v63;
	v16 =	vadd.s32 v1, v16  }
0x507: {  	v15 =	vadd.s32 v1, v15;
	v12 =	vadd.s32 v1, v12;
	v3 =	vadd.s32 v1, v3  }
0x508: {  	v0 =	vadd.s32 v1, v0;
	v2 =	vadd.s32 v1, v2;
	v4 =	vadd.s32 v1, v4  }
0x509: {  	v5 =	vadd.s32 v1, v5;
	v58 =	vand.u32 $0x7F, v7;
	v61 =	vand.u32 $0xFFFFFF80, v6  }
0x50a: {  	s25 =	sshll.u32 s2, $0x7;
	v59 =	vand.u32 $0x7F, v6;
	v60 =	vand.u32 $0xFFFFFF80, v7;
	v7 =	vand.u32 $0xFFFFFF80, v10  }
0x50b: {  	s12 =	sadd.s32 $0xFFFFF380, s25;
	v10 =	vand.u32 $0x7F, v10;
	v62 =	vand.u32 $0x7F, v9;
	v6 =	vand.u32 $0xFFFFFF80, v5  }
0x50c: {  	v9 =	vand.u32 $0xFFFFFF80, v9;
	v5 =	vand.u32 $0x7F, v5;
	v6 =	vadd.s32 s12, v6  }
0x50d: {  	s29 =	sadd.s32 $0xFFFFF400, s25;
	v63 =	vand.u32 $0xFFFFFF80, v3;
	v5 =	vor.u32 v5, v6;
	v6 =	vand.u32 $0xFFFFFF80, v4  }
0x50e: {  	s20 =	sadd.s32 $0xFFFFF480, s25;
	v3 =	vand.u32 $0x7F, v3;
	v4 =	vand.u32 $0x7F, v4;
	v6 =	vadd.s32 s29, v6  }
0x50f: {  	v18 =	vand.u32 $0x7F, v14;
	v4 =	vor.u32 v4, v6;
	v6 =	vadd.s32 s20, v63  }
0x510: {  	v14 =	vand.u32 $0xFFFFFF80, v14;
	s29 =	sadd.s32 $0xFFFFF500, s25;
	v3 =	vor.u32 v3, v6;
	v6 =	vand.u32 $0xFFFFFF80, v0  }
0x511: {  	v19 =	vand.u32 $0x7F, v13;
	v0 =	vand.u32 $0x7F, v0;
	v6 =	vadd.s32 s29, v6  }
0x512: {  	v13 =	vand.u32 $0xFFFFFF80, v13;
	s20 =	sadd.s32 $0xFFFFF580, s25;
	v5 =	vld.idx.msk [tilespmem:v5+s19+$0x0], $0xffff;
	v0 =	vor.u32 v0, v6;
	v6 =	vand.u32 $0xFFFFFF80, v2  }
0x513: {  	v20 =	vand.u32 $0x7F, v11;
	v2 =	vand.u32 $0x7F, v2;
	v6 =	vadd.s32 s20, v6  }
0x514: {  	v11 =	vand.u32 $0xFFFFFF80, v11;
	s29 =	sadd.s32 $0xFFFFF600, s25;
	v4 =	vld.idx.msk [tilespmem:v4+s19+$0x0], $0xffff;
	v2 =	vor.u32 v2, v6;
	v6 =	vand.u32 $0xFFFFFF80, v16  }
0x515: {  	v63 =	vand.u32 $0x7F, v8;
	v16 =	vand.u32 $0x7F, v16;
	v6 =	vadd.s32 s29, v6  }
0x516: {  	v8 =	vand.u32 $0xFFFFFF80, v8;
	s20 =	sadd.s32 $0xFFFFF680, s25;
	v3 =	vld.idx.msk [tilespmem:v3+s19+$0x0], $0xffff;
	v6 =	vor.u32 v16, v6;
	v16 =	vand.u32 $0xFFFFFF80, v15  }
0x517: {  	v15 =	vand.u32 $0x7F, v15;
	v0 =	vld.idx.msk [tilespmem:v0+s19+$0x0], $0xffff;
	v16 =	vadd.s32 s20, v16;
	v5 =	vmul.f32 v57, v5  }
0x518: {  	s29 =	sadd.s32 $0xFFFFF700, s25;
	v15 =	vor.u32 v15, v16;
	v16 =	vand.u32 $0xFFFFFF80, v12;
	v12 =	vand.u32 $0x7F, v12  }
0x519: {  	s20 =	sadd.s32 $0xFFFFF780, s25;
	v2 =	vld.idx.msk [tilespmem:v2+s19+$0x0], $0xffff;
	v16 =	vadd.s32 s29, v16;
	v57 =	vadd.f32 $0.0e+00, v5;
	v4 =	vmul.f32 v56, v4  }
0x51a: {  	v11 =	vadd.s32 s20, v11;
	v5 =	vmul.f32 v5, v5;
	v12 =	vor.u32 v12, v16  }
0x51b: {  	s20 =	sadd.s32 $0xFFFFF800, s25;
	v3 =	vmul.f32 v55, v3;
	v6 =	vld.idx.msk [tilespmem:v6+s19+$0x0], $0xffff;
	v16 =	vadd.f32 v4, v57;
	v4 =	vmul.f32 v4, v4  }
0x51c: {  	v11 =	vor.u32 v20, v11;
	v13 =	vadd.s32 s20, v13;
	v0 =	vmul.f32 v53, v0  }
0x51d: {  	s29 =	sadd.s32 $0xFFFFF880, s25;
	v15 =	vld.idx.msk [tilespmem:v15+s19+$0x0], $0xffff;
	v4 =	vadd.f32 v4, v5;
	v5 =	vadd.f32 v3, v16;
	v3 =	vmul.f32 v3, v3  }
0x51e: {  	v13 =	vor.u32 v19, v13;
	v14 =	vadd.s32 s29, v14;
	v2 =	vmul.f32 v51, v2  }
0x51f: {  	s20 =	sadd.s32 $0xFFFFF900, s25;
	v12 =	vld.idx.msk [tilespmem:v12+s19+$0x0], $0xffff;
	v3 =	vadd.f32 v3, v4;
	v4 =	vadd.f32 v0, v5;
	v0 =	vmul.f32 v0, v0  }
0x520: {  	v8 =	vadd.s32 s20, v8;
	v14 =	vor.u32 v18, v14;
	v5 =	vmul.f32 v49, v6  }
0x521: {  	s29 =	sadd.s32 $0xFFFFF980, s25;
	v6 =	vld.idx.msk [tilespmem:v11+s19+$0x0], $0xffff;
	v0 =	vadd.f32 v0, v3;
	v3 =	vadd.f32 v2, v4;
	v2 =	vmul.f32 v2, v2  }
0x522: {  	v8 =	vor.u32 v63, v8;
	v9 =	vadd.s32 s29, v9;
	v4 =	vmul.f32 v46, v15  }
0x523: {  	s20 =	sadd.s32 $0xFFFFFA00, s25;
	v11 =	vld.idx.msk [tilespmem:v13+s19+$0x0], $0xffff;
	v0 =	vadd.f32 v2, v0;
	v2 =	vadd.f32 v5, v3;
	v3 =	vmul.f32 v5, v5  }
0x524: {  	v7 =	vadd.s32 s20, v7;
	v9 =	vor.u32 v62, v9;
	v5 =	vmul.f32 v44, v12  }
0x525: {  	s29 =	sadd.s32 $0xFFFFFA80, s25;
	v12 =	vld.idx.msk [tilespmem:v14+s19+$0x0], $0xffff;
	v0 =	vadd.f32 v3, v0;
	v2 =	vadd.f32 v4, v2;
	v3 =	vmul.f32 v4, v4  }
0x526: {  	v7 =	vor.u32 v10, v7;
	v10 =	vadd.s32 s29, v61;
	v4 =	vmul.f32 v40, v6  }
0x527: {  	s20 =	sadd.s32 $0xFFFFFB00, s25;
	v6 =	vld.idx.msk [tilespmem:v8+s19+$0x0], $0xffff;
	v0 =	vadd.f32 v3, v0;
	v2 =	vadd.f32 v5, v2;
	v3 =	vmul.f32 v5, v5  }
0x528: {  	v8 =	vor.u32 v59, v10;
	v10 =	vadd.s32 s20, v60;
	v5 =	vmul.f32 v39, v11  }
0x529: {  	v9 =	vld.idx.msk [tilespmem:v9+s19+$0x0], $0xffff;
	v0 =	vadd.f32 v3, v0;
	v2 =	vadd.f32 v4, v2;
	v3 =	vmul.f32 v4, v4  }
0x52a: {  	v10 =	vor.u32 v58, v10;
	v4 =	vmul.f32 v35, v12  }
0x52b: {  	v7 =	vld.idx.msk [tilespmem:v7+s19+$0x0], $0xffff;
	v0 =	vadd.f32 v3, v0;
	v2 =	vadd.f32 v5, v2;
	v3 =	vmul.f32 v5, v5  }
0x52c: {  	v5 =	vmul.f32 v33, v6  }
0x52d: {  	s29 =	sadd.s32 $0xFFFFFB80, s25;
	s20 =	sadd.s32 $0xFFFFFC00, s25;
	v6 =	vld.idx.msk [tilespmem:v8+s19+$0x0], $0xffff;
	v0 =	vadd.f32 v3, v0;
	v2 =	vadd.f32 v4, v2;
	v3 =	vmul.f32 v4, v4  }
0x52e: {  	v11 =	vadd.s32 s29, v54;
	v12 =	vadd.s32 s20, v50;
	v4 =	vmul.f32 v30, v9  }
0x52f: {  	v9 =	vld.idx.msk [tilespmem:v10+s19+$0x0], $0xffff;
	v0 =	vadd.f32 v3, v0;
	v2 =	vadd.f32 v5, v2;
	v3 =	vmul.f32 v5, v5  }
0x530: {  	v11 =	vor.u32 v52, v11;
	v8 =	vor.u32 v48, v12;
	v5 =	vmul.f32 v26, v7  }
0x531: {  	s29 =	sadd.s32 $0xFFFFFC80, s25;
	v0 =	vadd.f32 v3, v0;
	v2 =	vadd.f32 v4, v2;
	v3 =	vmul.f32 v4, v4  }
0x532: {  	v12 =	vadd.s32 s29, v47;
	v4 =	vmul.f32 v24, v6  }
0x533: {  	s20 =	sadd.s32 $0xFFFFFD00, s25;
	v0 =	vadd.f32 v3, v0;
	v2 =	vadd.f32 v5, v2;
	v3 =	vmul.f32 v5, v5  }
0x534: {  	v10 =	vor.u32 v45, v12;
	v12 =	vadd.s32 s20, v43;
	v5 =	vmul.f32 v22, v9  }
0x535: {  	v7 =	vld.idx.msk [tilespmem:v11+s19+$0x0], $0xffff;
	v0 =	vadd.f32 v3, v0;
	v2 =	vadd.f32 v4, v2;
	v3 =	vmul.f32 v4, v4  }
0x536: {  	v11 =	vor.u32 v42, v12;
	v6 =	vld.idx.msk [tilespmem:v8+s19+$0x0], $0xffff  }
0x537: {  	v0 =	vadd.f32 v3, v0;
	v2 =	vadd.f32 v5, v2;
	v3 =	vmul.f32 v5, v5;
	v5 =	vld [tilespmem:$0x1FF00];
	_ =	sdelay $0x1  }
0x538: {  	s29 =	sadd.s32 $0xFFFFFD80, s25  }
0x539: {  	s20 =	sadd.s32 $0xFFFFFE00, s25;
	v12 =	vadd.s32 s29, v41;
	v4 =	vmul.f32 v21, v7  }
0x53a: {  	v8 =	vor.u32 v38, v12;
	v12 =	vadd.s32 s20, v37;
	v9 =	vld.idx.msk [tilespmem:v10+s19+$0x0], $0xffff;
	v0 =	vadd.f32 v3, v0  }
0x53b: {  	s29 =	sadd.s32 $0xFFFFFE80, s25;
	v7 =	vld.idx.msk [tilespmem:v11+s19+$0x0], $0xffff;
	v2 =	vadd.f32 v4, v2;
	v3 =	vmul.f32 v4, v4;
	v5 =	vmul.f32 v5, v6  }
0x53c: {  	v10 =	vor.u32 v36, v12;
	v12 =	vadd.s32 s29, v34;
	v4 =	vld [tilespmem:$0x1FEE0]  }
0x53d: {  	v0 =	vadd.f32 v3, v0;
	v2 =	vadd.f32 v5, v2;
	v3 =	vmul.f32 v5, v5;
	v5 =	vld [tilespmem:$0x1FEF0]  }
0x53e: {  	s20 =	sadd.s32 $0xFFFFFF00, s25;
	v11 =	vor.u32 v32, v12  }
0x53f: {  	v16 =	vimm.s32 $0x5;
	s29 =	sadd.s32 $0xFFFFFF80, s25;
	v12 =	vadd.s32 s20, v31;
	v6 =	vld.idx.msk [tilespmem:v8+s19+$0x0], $0xffff  }
0x540: {  	v52 =	vimm.s32 $0x4;
	v8 =	vor.u32 v29, v12;
	v12 =	vadd.s32 s29, v28  }
0x541: {  	v50 =	vimm.s32 $0x6;
	v4 =	vmul.f32 v4, v9;
	v9 =	vld.idx.msk [tilespmem:v10+s19+$0x0], $0xffff;
	v10 =	vor.u32 v27, v12  }
0x542: {  	v12 =	vadd.s32 s25, v25;
	v5 =	vmul.f32 v5, v7;
	v7 =	vperm.xlane v17, v52  }
0x543: {  	v11 =	vld.idx.msk [tilespmem:v11+s19+$0x0], $0xffff;
	v0 =	vadd.f32 v3, v0;
	v2 =	vadd.f32 v4, v2;
	v3 =	vmul.f32 v4, v4  }
0x544: {  	v12 =	vor.u32 v23, v12;
	v4 =	vmul.f32 v7, v6;
	v6 =	vperm.xlane v17, v16  }
0x545: {  	v0 =	vadd.f32 v3, v0;
	v7 =	vld.idx.msk [tilespmem:v8+s19+$0x0], $0xffff;
	v2 =	vadd.f32 v5, v2;
	v3 =	vmul.f32 v5, v5  }
0x546: {  	v15 =	vimm.s32 $0x7;
	v5 =	vmul.f32 v6, v9;
	v6 =	vperm.xlane v17, v50  }
0x547: {  	v8 =	vld.idx.msk [tilespmem:v10+s19+$0x0], $0xffff;
	v0 =	vadd.f32 v3, v0;
	v2 =	vadd.f32 v4, v2;
	v3 =	vmul.f32 v4, v4  }
0x548: {  	v14 =	vimm.s32 $0x8;
	v4 =	vmul.f32 v6, v11;
	v6 =	vperm.xlane v17, v15  }
0x549: {  	v9 =	vld.idx.msk [tilespmem:v12+s19+$0x0], $0xffff;
	v0 =	vadd.f32 v3, v0;
	v2 =	vadd.f32 v5, v2;
	v3 =	vmul.f32 v5, v5  }
0x54a: {  	v12 =	vimm.s32 $0x9;
	v5 =	vmul.f32 v6, v7;
	v6 =	vperm.xlane v17, v14  }
0x54b: {  	v0 =	vadd.f32 v3, v0;
	v2 =	vadd.f32 v4, v2;
	v3 =	vmul.f32 v4, v4  }
0x54c: {  	v4 =	vmul.f32 v6, v8;
	v6 =	vperm.xlane v17, v12  }
0x54d: {  	v0 =	vadd.f32 v3, v0;
	v2 =	vadd.f32 v5, v2;
	v3 =	vmul.f32 v5, v5  }
0x54e: {  	v5 =	vmul.f32 v6, v9  }
0x54f: {  	v0 =	vadd.f32 v3, v0;
	v2 =	vadd.f32 v4, v2;
	v3 =	vmul.f32 v4, v4;
	_ =	sdelay $0x1  }
0x550: {  	v0 =	vadd.f32 v3, v0;
	v2 =	vadd.f32 v5, v2;
	v3 =	vmul.f32 v5, v5;
	_ =	sdelay $0x1  }
0x551: {  	v0 =	vadd.f32 v3, v0;
	v2 =	vmul.f32 v2, v2;
	_ =	sdelay $0x1  }
0x552: {  	v0 =	vsub.f32 v2, v0;
	_ =	sdelay $0x1  }
0x553: {  	v0 =	vmul.f32 $5.000000000e-01, v0  }
0x554: {  	s5 =	sadd.s32 $0x80, s5  }
0x555: {  	s7 =	sadd.s32 $0x80, s7;
	[tilespmem:s5+$0x0] =	vst v0  }
0x556: {  	v17 =	vld [tilespmem:s7+$0x0]  }
0x557: {  	v0 =	vld [tilespmem:s7+$0xFFFFFFF0];
	_ =	sdelay $0x1  }
0x558: {  	v20 =	vimm.s32 $0x0;
	v18 =	vimm.s32 $0x2  }
0x559: {  	v63 =	vimm.s32 $0xD;
	v13 =	vimm.s32 $0xF;
	v59 =	vimm.s32 $0xE  }
0x55a: {  	v48 =	vimm.s32 $0xC;
	v2 =	vperm.xlane v17, v18;
	v21 =	vperm.xlane v17, v20  }
0x55b: {  	v47 =	vimm.s32 $0xA;
	v24 =	vperm.xlane v0, v59;
	v22 =	vperm.xlane v0, v13  }
0x55c: {  	v45 =	vimm.s32 $0xB;
	v30 =	vperm.xlane v0, v48;
	v26 =	vperm.xlane v0, v63  }
0x55d: {  	v19 =	vimm.s32 $0x3;
	v35 =	vperm.xlane v0, v47;
	v33 =	vperm.xlane v0, v45  }
0x55e: {  	s8 =	sadd.s32 $0x80, s8;
	v40 =	vperm.xlane v0, v14;
	[tilespmem:$0x1FEE0] =	vst v2;
	v2 =	vperm.xlane v17, v19  }
0x55f: {  	v54 =	vimm.s32 $0x1;
	v11 =	vld [tilespmem:s8+$0xFFFFFFF0];
	v39 =	vperm.xlane v0, v12;
	v46 =	vperm.xlane v0, v50  }
0x560: {  	v44 =	vperm.xlane v0, v15;
	[tilespmem:$0x1FEF0] =	vst v2;
	v2 =	vperm.xlane v17, v54  }
0x561: {  	v51 =	vperm.xlane v0, v52;
	v49 =	vperm.xlane v0, v16  }
0x562: {  	v55 =	vperm.xlane v0, v18;
	v53 =	vperm.xlane v0, v19;
	[tilespmem:$0x1FF00] =	vst v2;
	v2 =	vld [tilespmem:s8+$0x0]  }
0x563: {  	v57 =	vperm.xlane v0, v20;
	v56 =	vperm.xlane v0, v54  }
0x564: {  	v58 =	vperm.xlane v11, v13;
	v60 =	vperm.xlane v11, v63  }
0x565: {  	v59 =	vperm.xlane v11, v59;
	v62 =	vperm.xlane v11, v45  }
0x566: {  	v61 =	vperm.xlane v11, v48;
	v13 =	vperm.xlane v11, v12  }
0x567: {  	v63 =	vperm.xlane v11, v47;
	v0 =	vperm.xlane v2, v14  }
0x568: {  	v3 =	vperm.xlane v2, v12;
	v4 =	vperm.xlane v2, v50  }
0x569: {  	v5 =	vperm.xlane v2, v15;
	v6 =	vperm.xlane v2, v52  }
0x56a: {  	v7 =	vperm.xlane v2, v16;
	v8 =	vperm.xlane v2, v18  }
0x56b: {  	v9 =	vperm.xlane v2, v19;
	v10 =	vperm.xlane v2, v20  }
0x56c: {  	v2 =	vperm.xlane v2, v54;
	v12 =	vperm.xlane v11, v15  }
0x56d: {  	v14 =	vperm.xlane v11, v14;
	v16 =	vperm.xlane v11, v16  }
0x56e: {  	v15 =	vperm.xlane v11, v50;
	v5 =	vadd.s32 v1, v5;
	v0 =	vadd.s32 v1, v0  }
0x56f: {  	v3 =	vadd.s32 v1, v3;
	v6 =	vadd.s32 v1, v6;
	v7 =	vadd.s32 v1, v7  }
0x570: {  	v4 =	vadd.s32 v1, v4;
	v2 =	vadd.s32 v1, v2;
	v8 =	vadd.s32 v1, v8  }
0x571: {  	v9 =	vadd.s32 v1, v9;
	v10 =	vadd.s32 v1, v10;
	v25 =	vand.u32 $0xFFFFFF80, v3  }
0x572: {  	v23 =	vand.u32 $0x7F, v3;
	v29 =	vand.u32 $0x7F, v5;
	v28 =	vand.u32 $0xFFFFFF80, v0  }
0x573: {  	v27 =	vand.u32 $0x7F, v0;
	v34 =	vand.u32 $0xFFFFFF80, v4;
	v32 =	vand.u32 $0x7F, v4  }
0x574: {  	p1 =	sne.s32 s9, $0x67;
	v31 =	vand.u32 $0xFFFFFF80, v5;
	v38 =	vand.u32 $0x7F, v6;
	v37 =	vand.u32 $0xFFFFFF80, v7  }
.Ltmp5:
0x575: {  	v36 =	vand.u32 $0x7F, v7;
	v42 =	vand.u32 $0x7F, v9;
	v41 =	vand.u32 $0xFFFFFF80, v6;
	(pc) =	sbr.rel @p1 .LBB2_9-.Ltmp5, $4  }
0x576: {  	v43 =	vand.u32 $0xFFFFFF80, v9;
	v45 =	vand.u32 $0x7F, v8;
	v47 =	vand.u32 $0xFFFFFF80, v8  }
0x577: {  	v48 =	vand.u32 $0x7F, v2;
	v50 =	vand.u32 $0xFFFFFF80, v2;
	v0 =	vperm.xlane v11, v19  }
0x578: {  	v19 =	vimm.s32 $0x4;
	v2 =	vperm.xlane v11, v52;
	v52 =	vand.u32 $0x7F, v10  }
0x579: {  	s2 =	smov.u32 s9;
	s9 =	sadd.s32 $0x1A, s9;
	v4 =	vperm.xlane v11, v54;
	v3 =	vperm.xlane v11, v18;
	v54 =	vand.u32 $0xFFFFFF80, v10  }
0x57a: {  	v5 =	vperm.xlane v11, v20;
	_ =	sdelay $0x1  }
0x57b: {  	s2 =	sshll.u32 s2, $0x7;
	v5 =	vadd.s32 v1, v5  }
0x57c: {  	s7 =	sadd.s32 $0xFFFFF380, s2;
	v6 =	vand.u32 $0xFFFFFF80, v5  }
0x57d: {  	v4 =	vadd.s32 v1, v4;
	v5 =	vand.u32 $0x7F, v5;
	v6 =	vadd.s32 s7, v6  }
0x57e: {  	v0 =	vadd.s32 v1, v0;
	s29 =	sadd.s32 $0xFFFFF400, s2;
	v5 =	vor.u32 v5, v6;
	v6 =	vand.u32 $0xFFFFFF80, v4  }
0x57f: {  	v3 =	vadd.s32 v1, v3;
	v4 =	vand.u32 $0x7F, v4;
	v6 =	vadd.s32 s29, v6  }
0x580: {  	v2 =	vadd.s32 v1, v2;
	s8 =	sadd.s32 $0xFFFFF480, s2;
	v4 =	vor.u32 v4, v6;
	v6 =	vand.u32 $0xFFFFFF80, v3  }
0x581: {  	v7 =	vand.u32 $0xFFFFFF80, v0;
	s9 =	sadd.s32 $0xFFFFF500, s2;
	v3 =	vand.u32 $0x7F, v3;
	v6 =	vadd.s32 s8, v6  }
0x582: {  	v0 =	vand.u32 $0x7F, v0;
	v3 =	vor.u32 v3, v6;
	v6 =	vadd.s32 s9, v7  }
0x583: {  	v9 =	vadd.s32 v1, v13;
	s12 =	sadd.s32 $0xFFFFF580, s2;
	v0 =	vor.u32 v0, v6;
	v6 =	vand.u32 $0xFFFFFF80, v2  }
0x584: {  	v7 =	vadd.s32 v1, v16;
	v2 =	vand.u32 $0x7F, v2;
	v6 =	vadd.s32 s12, v6  }
0x585: {  	v11 =	vadd.s32 v1, v12;
	s20 =	sadd.s32 $0xFFFFF600, s2;
	v5 =	vld.idx.msk [tilespmem:v5+s19+$0x0], $0xffff;
	v8 =	vand.u32 $0xFFFFFF80, v7;
	v2 =	vor.u32 v2, v6  }
0x586: {  	v6 =	vand.u32 $0x7F, v7;
	v7 =	vadd.s32 s20, v8;
	v8 =	vadd.s32 v1, v15  }
0x587: {  	s25 =	sadd.s32 $0xFFFFF680, s2;
	v16 =	vand.u32 $0xFFFFFF80, v9;
	v9 =	vand.u32 $0x7F, v9;
	v4 =	vld.idx.msk [tilespmem:v4+s19+$0x0], $0xffff;
	v10 =	vand.u32 $0xFFFFFF80, v8  }
0x588: {  	v6 =	vor.u32 v6, v7;
	v8 =	vand.u32 $0x7F, v8;
	v3 =	vld.idx.msk [tilespmem:v3+s19+$0x0], $0xffff;
	v10 =	vadd.s32 s25, v10  }
0x589: {  	s29 =	sadd.s32 $0xFFFFF700, s2;
	v7 =	vadd.s32 v1, v14;
	v8 =	vor.u32 v8, v10;
	v10 =	vand.u32 $0xFFFFFF80, v11  }
0x58a: {  	v5 =	vmul.f32 v57, v5;
	v0 =	vld.idx.msk [tilespmem:v0+s19+$0x0], $0xffff;
	v11 =	vand.u32 $0x7F, v11;
	v10 =	vadd.s32 s29, v10  }
0x58b: {  	s8 =	sadd.s32 $0xFFFFF780, s2;
	v10 =	vor.u32 v11, v10;
	v11 =	vand.u32 $0x7F, v7;
	v7 =	vand.u32 $0xFFFFFF80, v7  }
0x58c: {  	v4 =	vmul.f32 v56, v4;
	v56 =	vadd.f32 $0.0e+00, v5;
	v7 =	vadd.s32 s8, v7  }
0x58d: {  	s9 =	sadd.s32 $0xFFFFF800, s2;
	v2 =	vld.idx.msk [tilespmem:v2+s19+$0x0], $0xffff;
	v5 =	vmul.f32 v5, v5;
	v3 =	vmul.f32 v55, v3;
	v7 =	vor.u32 v11, v7  }
0x58e: {  	v11 =	vadd.s32 s9, v16;
	v57 =	vadd.f32 v4, v56;
	v4 =	vmul.f32 v4, v4  }
0x58f: {  	v6 =	vld.idx.msk [tilespmem:v6+s19+$0x0], $0xffff;
	v0 =	vmul.f32 v53, v0;
	v9 =	vor.u32 v9, v11;
	v11 =	vadd.s32 v1, v63  }
0x590: {  	s12 =	sadd.s32 $0xFFFFF880, s2;
	v4 =	vadd.f32 v4, v5;
	v5 =	vand.u32 $0x7F, v11;
	v11 =	vand.u32 $0xFFFFFF80, v11  }
0x591: {  	v12 =	vadd.f32 v3, v57;
	v3 =	vmul.f32 v3, v3;
	v11 =	vadd.s32 s12, v11  }
0x592: {  	v8 =	vld.idx.msk [tilespmem:v8+s19+$0x0], $0xffff;
	v2 =	vmul.f32 v51, v2;
	v5 =	vor.u32 v5, v11;
	v11 =	vadd.s32 v1, v62  }
0x593: {  	v3 =	vadd.f32 v3, v4;
	v12 =	vadd.f32 v0, v12;
	v0 =	vmul.f32 v0, v0  }
0x594: {  	s20 =	sadd.s32 $0xFFFFF900, s2;
	v10 =	vld.idx.msk [tilespmem:v10+s19+$0x0], $0xffff;
	v6 =	vmul.f32 v49, v6;
	v4 =	vand.u32 $0x7F, v11;
	v11 =	vand.u32 $0xFFFFFF80, v11  }
0x595: {  	v11 =	vadd.s32 s20, v11;
	v0 =	vadd.f32 v0, v3;
	v12 =	vadd.f32 v2, v12  }
0x596: {  	v2 =	vmul.f32 v2, v2;
	v4 =	vor.u32 v4, v11;
	v11 =	vadd.s32 v1, v61  }
0x597: {  	v7 =	vld.idx.msk [tilespmem:v7+s19+$0x0], $0xffff;
	v8 =	vmul.f32 v46, v8;
	v3 =	vand.u32 $0x7F, v11  }
0x598: {  	s25 =	sadd.s32 $0xFFFFF980, s2;
	v9 =	vld.idx.msk [tilespmem:v9+s19+$0x0], $0xffff;
	v11 =	vand.u32 $0xFFFFFF80, v11;
	v0 =	vadd.f32 v2, v0;
	v12 =	vadd.f32 v6, v12  }
0x599: {  	v6 =	vmul.f32 v6, v6;
	v10 =	vmul.f32 v44, v10;
	v11 =	vadd.s32 s25, v11  }
0x59a: {  	v3 =	vor.u32 v3, v11;
	v11 =	vadd.s32 v1, v60;
	v60 =	vadd.s32 v1, v59  }
0x59b: {  	v0 =	vadd.f32 v6, v0;
	v6 =	vmul.f32 v8, v8;
	v8 =	vadd.f32 v8, v12  }
0x59c: {  	s29 =	sadd.s32 $0xFFFFFA00, s2;
	v7 =	vmul.f32 v40, v7;
	v2 =	vand.u32 $0xFFFFFF80, v11;
	v11 =	vand.u32 $0x7F, v11  }
0x59d: {  	v5 =	vld.idx.msk [tilespmem:v5+s19+$0x0], $0xffff;
	v61 =	vand.u32 $0x7F, v60;
	v9 =	vmul.f32 v39, v9;
	v2 =	vadd.s32 s29, v2  }
0x59e: {  	v0 =	vadd.f32 v6, v0;
	v6 =	vadd.s32 v1, v58;
	v8 =	vadd.f32 v10, v8  }
0x59f: {  	s8 =	sadd.s32 $0xFFFFFA80, s2;
	v10 =	vmul.f32 v10, v10;
	v2 =	vor.u32 v11, v2;
	v11 =	vand.u32 $0xFFFFFF80, v60  }
0x5a0: {  	s9 =	sadd.s32 $0xFFFFFB00, s2;
	v4 =	vld.idx.msk [tilespmem:v4+s19+$0x0], $0xffff;
	v62 =	vand.u32 $0x7F, v6;
	v6 =	vand.u32 $0xFFFFFF80, v6;
	v11 =	vadd.s32 s8, v11  }
0x5a1: {  	v6 =	vadd.s32 s9, v6;
	v0 =	vadd.f32 v10, v0;
	v10 =	vmul.f32 v7, v7  }
0x5a2: {  	v7 =	vadd.f32 v7, v8;
	v5 =	vmul.f32 v35, v5;
	v11 =	vor.u32 v61, v11;
	v3 =	vld.idx.msk [tilespmem:v3+s19+$0x0], $0xffff  }
0x5a3: {  	v6 =	vor.u32 v62, v6;
	v0 =	vadd.f32 v10, v0;
	v10 =	vmul.f32 v9, v9  }
0x5a4: {  	v7 =	vadd.f32 v9, v7  }
0x5a5: {  	s12 =	sadd.s32 $0xFFFFFB80, s2;
	v4 =	vmul.f32 v33, v4;
	v2 =	vld.idx.msk [tilespmem:v2+s19+$0x0], $0xffff;
	v0 =	vadd.f32 v10, v0;
	v10 =	vmul.f32 v5, v5  }
0x5a6: {  	v8 =	vadd.s32 s12, v54;
	v5 =	vadd.f32 v5, v7  }
0x5a7: {  	v11 =	vld.idx.msk [tilespmem:v11+s19+$0x0], $0xffff;
	v3 =	vmul.f32 v30, v3;
	v0 =	vadd.f32 v10, v0;
	v10 =	vmul.f32 v4, v4  }
0x5a8: {  	s20 =	sadd.s32 $0xFFFFFC00, s2;
	v8 =	vor.u32 v52, v8;
	v6 =	vld.idx.msk [tilespmem:v6+s19+$0x0], $0xffff;
	v4 =	vadd.f32 v4, v5  }
0x5a9: {  	v9 =	vadd.s32 s20, v50;
	v0 =	vadd.f32 v10, v0;
	v10 =	vmul.f32 v3, v3  }
0x5aa: {  	v9 =	vor.u32 v48, v9;
	v3 =	vadd.f32 v3, v4;
	v2 =	vmul.f32 v26, v2  }
0x5ab: {  	v0 =	vadd.f32 v10, v0  }
0x5ac: {  	s25 =	sadd.s32 $0xFFFFFC80, s2;
	v4 =	vmul.f32 v24, v11;
	v10 =	vmul.f32 v2, v2;
	v2 =	vadd.f32 v2, v3  }
0x5ad: {  	v7 =	vadd.s32 s25, v47;
	v3 =	vmul.f32 v22, v6  }
0x5ae: {  	s29 =	sadd.s32 $0xFFFFFD00, s2;
	v8 =	vld.idx.msk [tilespmem:v8+s19+$0x0], $0xffff;
	v0 =	vadd.f32 v10, v0;
	v10 =	vmul.f32 v4, v4;
	v2 =	vadd.f32 v4, v2  }
0x5af: {  	v7 =	vor.u32 v45, v7;
	v5 =	vadd.s32 s29, v43;
	v9 =	vld.idx.msk [tilespmem:v9+s19+$0x0], $0xffff  }
0x5b0: {  	s9 =	sadd.s32 $0xFFFFFE00, s2;
	v0 =	vadd.f32 v10, v0;
	v10 =	vmul.f32 v3, v3;
	v2 =	vadd.f32 v3, v2;
	v3 =	vld [tilespmem:$0x1FF00]  }
0x5b1: {  	v5 =	vor.u32 v42, v5;
	v6 =	vadd.s32 s9, v37  }
0x5b2: {  	s8 =	sadd.s32 $0xFFFFFD80, s2;
	v6 =	vor.u32 v36, v6  }
0x5b3: {  	v11 =	vadd.s32 s8, v41;
	v4 =	vmul.f32 v21, v8  }
0x5b4: {  	v63 =	vld [tilespmem:$0x1FEE0];
	v11 =	vor.u32 v38, v11;
	v0 =	vadd.f32 v10, v0  }
0x5b5: {  	v7 =	vld.idx.msk [tilespmem:v7+s19+$0x0], $0xffff;
	v10 =	vmul.f32 v4, v4;
	v2 =	vadd.f32 v4, v2;
	v3 =	vmul.f32 v3, v9  }
0x5b6: {  	v5 =	vld.idx.msk [tilespmem:v5+s19+$0x0], $0xffff  }
0x5b7: {  	v0 =	vadd.f32 v10, v0;
	v10 =	vmul.f32 v3, v3;
	v2 =	vadd.f32 v3, v2;
	v3 =	vld.idx.msk [tilespmem:v6+s19+$0x0], $0xffff  }
0x5b8: {  	v6 =	vld [tilespmem:$0x1FEF0];
	_ =	sdelay $0x1  }
0x5b9: {  	s12 =	sadd.s32 $0xFFFFFE80, s2;
	v7 =	vmul.f32 v63, v7;
	v4 =	vld.idx.msk [tilespmem:v11+s19+$0x0], $0xffff  }
0x5ba: {  	v8 =	vadd.s32 s12, v34  }
0x5bb: {  	v8 =	vor.u32 v32, v8;
	v2 =	vadd.f32 v7, v2;
	v7 =	vmul.f32 v7, v7  }
0x5bc: {  	s20 =	sadd.s32 $0xFFFFFF00, s2;
	s25 =	sadd.s32 $0xFFFFFF80, s2;
	v0 =	vadd.f32 v10, v0;
	v5 =	vmul.f32 v6, v5;
	v6 =	vperm.xlane v17, v19  }
0x5bd: {  	v11 =	vadd.s32 s25, v28;
	v9 =	vadd.s32 s20, v31  }
0x5be: {  	v9 =	vor.u32 v29, v9;
	v0 =	vadd.f32 v7, v0;
	v4 =	vmul.f32 v6, v4  }
0x5bf: {  	v6 =	vimm.s32 $0x5;
	v2 =	vadd.f32 v5, v2;
	v5 =	vmul.f32 v5, v5  }
0x5c0: {  	v11 =	vor.u32 v27, v11;
	v8 =	vld.idx.msk [tilespmem:v8+s19+$0x0], $0xffff;
	v10 =	vadd.s32 s2, v25;
	v6 =	vperm.xlane v17, v6  }
0x5c1: {  	v10 =	vor.u32 v23, v10;
	v0 =	vadd.f32 v5, v0;
	v2 =	vadd.f32 v4, v2  }
0x5c2: {  	v4 =	vmul.f32 v4, v4;
	v3 =	vmul.f32 v6, v3;
	v6 =	vimm.s32 $0x6  }
0x5c3: {  	v7 =	vld.idx.msk [tilespmem:v9+s19+$0x0], $0xffff;
	v6 =	vperm.xlane v17, v6  }
0x5c4: {  	v0 =	vadd.f32 v4, v0;
	v2 =	vadd.f32 v3, v2  }
0x5c5: {  	v3 =	vmul.f32 v3, v3;
	v6 =	vmul.f32 v6, v8;
	v8 =	vimm.s32 $0x7  }
0x5c6: {  	v5 =	vld.idx.msk [tilespmem:v11+s19+$0x0], $0xffff;
	v8 =	vperm.xlane v17, v8  }
0x5c7: {  	v4 =	vld.idx.msk [tilespmem:v10+s19+$0x0], $0xffff;
	v0 =	vadd.f32 v3, v0  }
0x5c8: {  	v3 =	vmul.f32 v6, v6;
	v7 =	vmul.f32 v8, v7;
	v8 =	vimm.s32 $0x8  }
0x5c9: {  	v2 =	vadd.f32 v6, v2;
	v6 =	vimm.s32 $0x9;
	v8 =	vperm.xlane v17, v8  }
0x5ca: {  	v6 =	vperm.xlane v17, v6;
	v0 =	vadd.f32 v3, v0  }
0x5cb: {  	v2 =	vadd.f32 v7, v2;
	v3 =	vmul.f32 v7, v7;
	v5 =	vmul.f32 v8, v5  }
0x5cc: {  	v4 =	vmul.f32 v6, v4  }
0x5cd: {  	v0 =	vadd.f32 v3, v0;
	v2 =	vadd.f32 v5, v2;
	v3 =	vmul.f32 v5, v5;
	_ =	sdelay $0x1  }
0x5ce: {  	v0 =	vadd.f32 v3, v0;
	v2 =	vadd.f32 v4, v2;
	v3 =	vmul.f32 v4, v4;
	_ =	sdelay $0x1  }
0x5cf: {  	v0 =	vadd.f32 v3, v0;
	v2 =	vmul.f32 v2, v2;
	_ =	sdelay $0x1  }
.Ltmp6:
0x5d0: {  	v0 =	vsub.f32 v2, v0;
	(pc) =	sbr.rel @p0 .LBB2_12-.Ltmp6, $4  }
0x5d1: {  	_ = 	snop  }
0x5d2: {  	v0 =	vmul.f32 $5.000000000e-01, v0  }
0x5d3: {  	s29 =	sadd.s32 $0x80, s5;
	v9 =	vimm.s32 $0x7;
	v11 =	vimm.s32 $0x9;
	v10 =	vimm.s32 $0x8  }
0x5d4: {  	v6 =	vimm.s32 $0x4;
	v7 =	vimm.s32 $0x5;
	v8 =	vimm.s32 $0x6;
	[tilespmem:s29+$0x0] =	vst v0  }
0x5d5: {  	s2 =	sshrl.u32 s4, $0x2;
	s29 =	simm.s32 $0x68  }
0x5d6: {  	s24 =	sadd.s32 $0x1, s24;
	s26 =	sadd.s32 $0x800, s26;
	s28 =	sadd.s32 $0x800, s28  }
.Ltmp7:
0x5d7: {  	s18 =	sadd.s32 $0x800, s18;
	s6 =	sadd.s32 $0x800, s6;
	(pc) =	sbr.rel .LBB2_2-.Ltmp7, $4  }
0x5d8: {  	s30 =	sadd.s32 $0x800, s30;
	s31 =	sadd.s32 $0x800, s31;
	s0 =	sadd.s32 $0x800, s0  }
0x5d9: {  	s1 =	sadd.s32 $0x800, s1;
	s10 =	sadd.s32 $0x800, s10;
	s11 =	sadd.s32 $0x800, s11;
	v2 =	vimm.s32 $0x1;
	v3 =	vimm.s32 $0x2  }
0x5da: {  	s14 =	sadd.s32 $0x800, s14;
	s16 =	sadd.s32 $0x800, s16;
	v4 =	vimm.s32 $0x3;
	v12 =	vimm.s32 $0xA;
	v13 =	vimm.s32 $0xB;
	s2 =	sadd.s32 $0x380, s2  }
0x5db: {  	v14 =	vimm.s32 $0xC;
	v15 =	vimm.s32 $0xD;
	v16 =	vimm.s32 $0xE;
	[tilespmem:s19], [sflag:$0x4] =	stream.indirect.gather [hbm4b:s3+s29], $0x80, s2, s29, $0xb8;
	[tilespmem:$0x1A000] =	vst v63  }
.LBB2_13:
0x5dc: {  	_ =	sfence.sel $0x180000  }
0x5dd: {  	[bflag:$0x0] =	sbarrier.arrive $0xFFFF  }
0x5de: {  	_ =	strace $0x90000047  }
0x5df: {  	s0 =	stileid.u32;
	[bflag:$0x2] =	sbarrier.arrive $0xFFFF  }
0x5e0: {  	p0 =	sne.s32 s0, $0x0;
	s0 =	rddreg [dreg:$0x1]  }
0x5e1: {  	s0 =	sadd.s32 @!p0 $0x100000, s0  }
0x5e2: {  	[sflag:s0] =	ssyncadd.tile.s32 @!p0 $0x1;
	_ =	shalt  }
.Lfunc_end2:
_tile_overlayer_lowered:
.L_overlay_start_2:
0x5e3: {  	(tag) =	ssettag $0x2  }
0x5e4: {  	s0 =	rddreg [dreg:$0x0];
	s2 =	stileid.u32  }
0x5e5: {  	s1 =	rddreg [dreg:$0x1];
	p0 =	sne.s32 s2, $0x0  }
0x5e6: {  	s3 =	rddreg [dreg:$0x2];
	[bflag:$0x3] =	sbarrier.arrive $0xFFFF;
	s2 =	simm.s32 @!p0 $0x1C05  }
0x5e7: {  	[timem:s3], [sflag:s2] =	dma.local @!p0 [hbm:s0], s1  }
0x5e8: {  	s0 =	simm.s32 @!p0 $0x5  }
0x5e9: {  	_ =	swait.ge @!p0 [sflag:s0], s1  }
0x5ea: {  	s1 =	ssub.s32 @!p0 $0x0, s1;
	[sflag:s0] =	ssyncset.done @!p0 $0x0  }
0x5eb: {  	[sflag:s0] =	ssyncadd.s32 @!p0 s1  }
0x5ec: {  	[bflag:$0x3] =	sbarrier.arrive $0xFFFF  }
0x5ed: {  	_ =	shalt  }

</sc_bundles>
